<compile_context>
chip_gen: v7x
topology: tpu7x:2x2x1
jax: 0.10.2.dev20260603
libtpu: 0.0.44.dev20260713+nightly
codegen_flags: <defaults>
</compile_context>

<pallas_src>
import functools

import jax
import jax.numpy as jnp
from jax import lax
from jax.experimental import pallas as pl
from jax.experimental.pallas import tpu as pltpu
from jax.experimental.pallas import tpu_sc as plsc

VOCAB = 7
NAUX = 5
HID = 768

NC = 2
NS = 16
NW = NC * NS



def _tc_body(ids_ref, aux_ref, out_ref):
    R = out_ref.shape[0]
    ids = ids_ref[:]
    col = jax.lax.broadcasted_iota(jnp.int32, (R, HID), 1)
    acc = (col == ids).astype(jnp.float32)
    for j in range(NAUX):
        acc = jnp.where(col == VOCAB + j, aux_ref[:, j : j + 1], acc)
    out_ref[:] = acc


def _tc_kernel(input_ids, aux_features):
    B, T = input_ids.shape
    N = B * T
    ids2 = input_ids.reshape(N, 1).astype(jnp.int32)
    aux2 = aux_features.reshape(N, NAUX)

    R = 4096
    out = pl.pallas_call(
        _tc_body,
        grid=(N // R,),
        in_specs=[
            pl.BlockSpec((R, 1), lambda i: (i, 0)),
            pl.BlockSpec((R, NAUX), lambda i: (i, 0)),
        ],
        out_specs=pl.BlockSpec((R, HID), lambda i: (i, 0)),
        out_shape=jax.ShapeDtypeStruct((N, HID), jnp.float32),
        compiler_params=pltpu.CompilerParams(
            dimension_semantics=("parallel",),
        ),
    )(ids2, aux2)
    return out.reshape(B, T, HID)



def _sc_make(N):
    RPW = N // NW
    C = 64
    NCH = RPW // C

    mesh = plsc.VectorSubcoreMesh(core_axis_name="c", subcore_axis_name="s")

    @functools.partial(
        pl.kernel,
        out_type=jax.ShapeDtypeStruct((N * HID,), jnp.float32),
        mesh=mesh,
        scratch_types=[
            pltpu.VMEM((RPW,), jnp.int32),
            pltpu.VMEM((RPW * NAUX,), jnp.float32),
            pltpu.VMEM((C * HID,), jnp.float32),
            pltpu.VMEM((C * HID,), jnp.float32),
            pltpu.SemaphoreType.DMA,
            pltpu.SemaphoreType.DMA,
        ],
        compiler_params=pltpu.CompilerParams(needs_layout_passes=False),
    )
    def k(ids_hbm, aux_hbm, out_hbm, ids_v, aux_v, buf0, buf1, sem0, sem1):
        wid = lax.axis_index("s") * NC + lax.axis_index("c")
        base = wid * RPW
        pltpu.sync_copy(ids_hbm.at[pl.ds(base, RPW)], ids_v)
        pltpu.sync_copy(aux_hbm.at[pl.ds(base * NAUX, RPW * NAUX)], aux_v)

        zero16 = jnp.zeros((16,), jnp.float32)

        def zchunk(i, carry):
            buf0[pl.ds(i * 16, 16)] = zero16
            buf1[pl.ds(i * 16, 16)] = zero16
            return carry

        lax.fori_loop(0, C * HID // 16, zchunk, 0)

        iota = lax.iota(jnp.int32, 16)
        ones = jnp.full((16,), 1.0, jnp.float32)
        bufs = [buf0, buf1]
        sems = [sem0, sem1]
        copies = [None, None]
        for g in range(NCH):
            b = g % 2
            if copies[b] is not None:
                copies[b].wait()
            buf = bufs[b]
            r0 = g * C
            for k16 in range(C // 16):
                lr = k16 * 16
                rowbase = (iota + lr) * HID
                ids_new = ids_v[pl.ds(r0 + lr, 16)]
                if g >= 2:
                    ids_old = ids_v[pl.ds((g - 2) * C + lr, 16)]
                    plsc.store_scatter(buf, [rowbase + ids_old], zero16)
                plsc.store_scatter(buf, [rowbase + ids_new], ones)
                abase = (iota + (r0 + lr)) * NAUX
                for j in range(NAUX):
                    aj = plsc.load_gather(aux_v, [abase + j])
                    plsc.store_scatter(buf, [rowbase + (VOCAB + j)], aj)
            cp = pltpu.async_copy(
                buf, out_hbm.at[pl.ds((base + r0) * HID, C * HID)], sems[b]
            )
            copies[b] = cp
        for cp in copies:
            if cp is not None:
                cp.wait()

    return k


def _sc_kernel(input_ids, aux_features):
    B, T = input_ids.shape
    N = B * T
    ids = input_ids.reshape(N).astype(jnp.int32)
    aux = aux_features.reshape(N * NAUX)
    out = _sc_make(N)(ids, aux)
    return out.reshape(B, T, HID)


def kernel(input_ids, aux_features):
    return _sc_kernel(input_ids, aux_features)

# --- scband reference (transcript-rebuilt; emitter-appended) ---
"""Pipeline reference for scband-gpnembedding-6949257085640 (READ-ONLY COPY).

The authoritative reference and input builder live on the scoring server;
editing this copy changes nothing except your own understanding.
"""

import jax, jax.numpy as jnp
import numpy as np

VOCAB_SIZE = 7
N_AUX = 5
HIDDEN = 768


def setup_inputs(seed: int = 0) -> dict:
    key = jax.random.key(seed)
    k1, k2 = jax.random.split(key)
    input_ids = jax.random.randint(k1, (4, 8192), 0, VOCAB_SIZE)
    aux_features = jax.random.uniform(k2, (4, 8192, N_AUX), dtype=jnp.float32)
    return {"input_ids": input_ids, "aux_features": aux_features}


def reference(input_ids, aux_features):
    # F.one_hot(input_ids, num_classes=hidden_size).float()
    res = jax.nn.one_hot(input_ids, HIDDEN, dtype=jnp.float32)
    # res[:, :, vocab_size:vocab_size + n_aux_features] = aux_features
    res = res.at[:, :, VOCAB_SIZE:VOCAB_SIZE + N_AUX].set(aux_features)
    return res

if __name__ == "__main__":
    import jax
    _d = setup_inputs()
    print(jax.jit(kernel)(*tuple(_d.values())))

</pallas_src>

<mosaic_0001>
#map = affine_map<(d0, d1) -> (0)>
module attributes {stable_mosaic.version = 14 : i64} {
  func.func @k(%arg0: i32, %arg1: i32, %arg2: memref<32768xi32, #tpu.memory_space<hbm>>, %arg3: memref<163840xf32, #tpu.memory_space<hbm>>, %arg4: memref<25165824xf32, #tpu.memory_space<hbm>>, %arg5: memref<1024xi32, #tpu.memory_space<vmem>>, %arg6: memref<5120xf32, #tpu.memory_space<vmem>>, %arg7: memref<49152xf32, #tpu.memory_space<vmem>>, %arg8: memref<49152xf32, #tpu.memory_space<vmem>>, %arg9: memref<!tpu.dma_semaphore, #tpu.memory_space<semaphore_mem>>, %arg10: memref<!tpu.dma_semaphore, #tpu.memory_space<semaphore_mem>>) attributes {dimension_semantics = [#tpu.dimension_semantics<core_parallel>, #tpu.dimension_semantics<subcore_parallel>], iteration_bounds = array<i64: 2, 16>, scalar_prefetch = 0 : i64, scratch_operands = 6 : i64, tpu.core_type = #tpu.core_type<sc_vector_subcore>, window_params = [{transform_indices = #map}, {transform_indices = #map}, {transform_indices = #map}]} {
    %mul3A = arith.constant 2 : i32
    %mul3A_0 = arith.muli %arg1, %mul3A : i32
    %add3A = arith.addi %mul3A_0, %arg0 : i32
    %mul3A_1 = arith.constant 1024 : i32
    %mul3A_2 = arith.muli %add3A, %mul3A_1 : i32
    "tpu.region"() ({
      %run_scoped3A = tpu.sem_alloc : memref<!tpu.dma_semaphore, #tpu.memory_space<semaphore_mem>>
      %dma_start3A_3505 = tpu.memref_slice %arg2[%mul3A_2] : memref<32768xi32, #tpu.memory_space<hbm>> -> memref<1024xi32, #tpu.memory_space<hbm>>
      %dma_start3A_3506 = tpu.memref_slice %arg2[%mul3A_2] : memref<32768xi32, #tpu.memory_space<hbm>> -> memref<1024xi32, #tpu.memory_space<hbm>>
      tpu.enqueue_dma source(%dma_start3A_3506 : memref<1024xi32, #tpu.memory_space<hbm>>) target(%arg5 : memref<1024xi32, #tpu.memory_space<vmem>>) target_semaphore(%run_scoped3A : memref<!tpu.dma_semaphore, #tpu.memory_space<semaphore_mem>>)
      %dma_wait3A_3507 = tpu.memref_slice %arg2[%mul3A_2] : memref<32768xi32, #tpu.memory_space<hbm>> -> memref<1024xi32, #tpu.memory_space<hbm>>
      %dma_wait3A_3508 = tpu.memref_slice %arg2[%mul3A_2] : memref<32768xi32, #tpu.memory_space<hbm>> -> memref<1024xi32, #tpu.memory_space<hbm>>
      tpu.wait_dma2 semaphore(%run_scoped3A : memref<!tpu.dma_semaphore, #tpu.memory_space<semaphore_mem>>) src(%dma_wait3A_3508 : memref<1024xi32, #tpu.memory_space<hbm>>) dst(%arg5 : memref<1024xi32, #tpu.memory_space<vmem>>)
      tpu.yield
    }) : () -> ()
    %mul3A_3 = arith.constant 5 : i32
    %mul3A_4 = arith.muli %mul3A_2, %mul3A_3 : i32
    "tpu.region"() ({
      %run_scoped3A = tpu.sem_alloc : memref<!tpu.dma_semaphore, #tpu.memory_space<semaphore_mem>>
      %dma_start3A_3505 = tpu.memref_slice %arg3[%mul3A_4] : memref<163840xf32, #tpu.memory_space<hbm>> -> memref<5120xf32, #tpu.memory_space<hbm>>
      %dma_start3A_3506 = tpu.memref_slice %arg3[%mul3A_4] : memref<163840xf32, #tpu.memory_space<hbm>> -> memref<5120xf32, #tpu.memory_space<hbm>>
      tpu.enqueue_dma source(%dma_start3A_3506 : memref<5120xf32, #tpu.memory_space<hbm>>) target(%arg6 : memref<5120xf32, #tpu.memory_space<vmem>>) target_semaphore(%run_scoped3A : memref<!tpu.dma_semaphore, #tpu.memory_space<semaphore_mem>>)
      %dma_wait3A_3507 = tpu.memref_slice %arg3[%mul3A_4] : memref<163840xf32, #tpu.memory_space<hbm>> -> memref<5120xf32, #tpu.memory_space<hbm>>
      %dma_wait3A_3508 = tpu.memref_slice %arg3[%mul3A_4] : memref<163840xf32, #tpu.memory_space<hbm>> -> memref<5120xf32, #tpu.memory_space<hbm>>
      tpu.wait_dma2 semaphore(%run_scoped3A : memref<!tpu.dma_semaphore, #tpu.memory_space<semaphore_mem>>) src(%dma_wait3A_3508 : memref<5120xf32, #tpu.memory_space<hbm>>) dst(%arg6 : memref<5120xf32, #tpu.memory_space<vmem>>)
      tpu.yield
    }) : () -> ()
    %broadcast_in_dim3A = arith.constant 0.000000e+00 : f32
    %broadcast_in_dim3A_5 = vector.broadcast %broadcast_in_dim3A : f32 to vector<16xf32>
    %scan3A = arith.constant 0 : i32
    %scan3A_6 = arith.constant 0 : i32
    %scan3A_7 = arith.constant 3072 : i32
    %scan3A_8 = arith.addi %scan3A_6, %scan3A_7 : i32
    %scan3A_9 = arith.constant 1 : i32
    scf.for %scan3A_3505 = %scan3A_6 to %scan3A_8 step %scan3A_9  : i32 {
      %mul3A_3506 = arith.constant 16 : i32
      %mul3A_3507 = arith.muli %scan3A_3505, %mul3A_3506 : i32
      %swap3A = arith.index_cast %mul3A_3507 : i32 to index
      %swap3A_3508 = tpu.vector_load %arg7[%swap3A] {strides = array<i32>} : memref<49152xf32, #tpu.memory_space<vmem>>, vector<16xf32>,
      tpu.vector_store %arg7[%swap3A], %broadcast_in_dim3A_5 {strides = array<i32>} : memref<49152xf32, #tpu.memory_space<vmem>>, vector<16xf32>,
      %mul3A_3509 = arith.constant 16 : i32
      %mul3A_3510 = arith.muli %scan3A_3505, %mul3A_3509 : i32
      %swap3A_3511 = arith.index_cast %mul3A_3510 : i32 to index
      %swap3A_3512 = tpu.vector_load %arg8[%swap3A_3511] {strides = array<i32>} : memref<49152xf32, #tpu.memory_space<vmem>>, vector<16xf32>,
      tpu.vector_store %arg8[%swap3A_3511], %broadcast_in_dim3A_5 {strides = array<i32>} : memref<49152xf32, #tpu.memory_space<vmem>>, vector<16xf32>,
    }
    %scan3A_10 = arith.constant 3072 : i32
    %iota3A = tpu.iota {dimensions = array<i32: 0>} : vector<16xi32>
    %broadcast_in_dim3A_11 = arith.constant 1.000000e+00 : f32
    %broadcast_in_dim3A_12 = vector.broadcast %broadcast_in_dim3A_11 : f32 to vector<16xf32>
    %add3A_13 = arith.constant 0 : i32
    %add3A_14 = vector.broadcast %add3A_13 : i32 to vector<16xi32>
    %add3A_15 = arith.addi %iota3A, %add3A_14 : vector<16xi32>
    %mul3A_16 = arith.constant 768 : i32
    %mul3A_17 = vector.broadcast %mul3A_16 : i32 to vector<16xi32>
    %mul3A_18 = arith.muli %add3A_15, %mul3A_17 : vector<16xi32>
    %get3A = arith.constant 0 : index
    %get3A_19 = tpu.vector_load %arg5[%get3A] {strides = array<i32>} : memref<1024xi32, #tpu.memory_space<vmem>>, vector<16xi32>,
    %add3A_20 = arith.addi %mul3A_18, %get3A_19 : vector<16xi32>
    tpu.vector_store_idx %arg7[%add3A_20], %broadcast_in_dim3A_12 : memref<49152xf32, #tpu.memory_space<vmem>>[vector<16xi32>], vector<16xf32>,
    %add3A_21 = arith.constant 0 : i32
    %add3A_22 = vector.broadcast %add3A_21 : i32 to vector<16xi32>
    %add3A_23 = arith.addi %iota3A, %add3A_22 : vector<16xi32>
    %mul3A_24 = arith.constant 5 : i32
    %mul3A_25 = vector.broadcast %mul3A_24 : i32 to vector<16xi32>
    %mul3A_26 = arith.muli %add3A_23, %mul3A_25 : vector<16xi32>
    %add3A_27 = arith.constant 0 : i32
    %add3A_28 = vector.broadcast %add3A_27 : i32 to vector<16xi32>
    %add3A_29 = arith.addi %mul3A_26, %add3A_28 : vector<16xi32>
    %gather3A = tpu.vector_load_idx %arg6[%add3A_29] : memref<5120xf32, #tpu.memory_space<vmem>>[vector<16xi32>], vector<16xf32>,
    %add3A_30 = arith.constant 7 : i32
    %add3A_31 = vector.broadcast %add3A_30 : i32 to vector<16xi32>
    %add3A_32 = arith.addi %mul3A_18, %add3A_31 : vector<16xi32>
    tpu.vector_store_idx %arg7[%add3A_32], %gather3A : memref<49152xf32, #tpu.memory_space<vmem>>[vector<16xi32>], vector<16xf32>,
    %add3A_33 = arith.constant 1 : i32
    %add3A_34 = vector.broadcast %add3A_33 : i32 to vector<16xi32>
    %add3A_35 = arith.addi %mul3A_26, %add3A_34 : vector<16xi32>
    %gather3A_36 = tpu.vector_load_idx %arg6[%add3A_35] : memref<5120xf32, #tpu.memory_space<vmem>>[vector<16xi32>], vector<16xf32>,
    %add3A_37 = arith.constant 8 : i32
    %add3A_38 = vector.broadcast %add3A_37 : i32 to vector<16xi32>
    %add3A_39 = arith.addi %mul3A_18, %add3A_38 : vector<16xi32>
    tpu.vector_store_idx %arg7[%add3A_39], %gather3A_36 : memref<49152xf32, #tpu.memory_space<vmem>>[vector<16xi32>], vector<16xf32>,
    %add3A_40 = arith.constant 2 : i32
    %add3A_41 = vector.broadcast %add3A_40 : i32 to vector<16xi32>
    %add3A_42 = arith.addi %mul3A_26, %add3A_41 : vector<16xi32>
    %gather3A_43 = tpu.vector_load_idx %arg6[%add3A_42] : memref<5120xf32, #tpu.memory_space<vmem>>[vector<16xi32>], vector<16xf32>,
    %add3A_44 = arith.constant 9 : i32
    %add3A_45 = vector.broadcast %add3A_44 : i32 to vector<16xi32>
    %add3A_46 = arith.addi %mul3A_18, %add3A_45 : vector<16xi32>
    tpu.vector_store_idx %arg7[%add3A_46], %gather3A_43 : memref<49152xf32, #tpu.memory_space<vmem>>[vector<16xi32>], vector<16xf32>,
    %add3A_47 = arith.constant 3 : i32
    %add3A_48 = vector.broadcast %add3A_47 : i32 to vector<16xi32>
    %add3A_49 = arith.addi %mul3A_26, %add3A_48 : vector<16xi32>
    %gather3A_50 = tpu.vector_load_idx %arg6[%add3A_49] : memref<5120xf32, #tpu.memory_space<vmem>>[vector<16xi32>], vector<16xf32>,
    %add3A_51 = arith.constant 10 : i32
    %add3A_52 = vector.broadcast %add3A_51 : i32 to vector<16xi32>
    %add3A_53 = arith.addi %mul3A_18, %add3A_52 : vector<16xi32>
    tpu.vector_store_idx %arg7[%add3A_53], %gather3A_50 : memref<49152xf32, #tpu.memory_space<vmem>>[vector<16xi32>], vector<16xf32>,
    %add3A_54 = arith.constant 4 : i32
    %add3A_55 = vector.broadcast %add3A_54 : i32 to vector<16xi32>
    %add3A_56 = arith.addi %mul3A_26, %add3A_55 : vector<16xi32>
    %gather3A_57 = tpu.vector_load_idx %arg6[%add3A_56] : memref<5120xf32, #tpu.memory_space<vmem>>[vector<16xi32>], vector<16xf32>,
    %add3A_58 = arith.constant 11 : i32
    %add3A_59 = vector.broadcast %add3A_58 : i32 to vector<16xi32>
    %add3A_60 = arith.addi %mul3A_18, %add3A_59 : vector<16xi32>
    tpu.vector_store_idx %arg7[%add3A_60], %gather3A_57 : memref<49152xf32, #tpu.memory_space<vmem>>[vector<16xi32>], vector<16xf32>,
    %add3A_61 = arith.constant 16 : i32
    %add3A_62 = vector.broadcast %add3A_61 : i32 to vector<16xi32>
    %add3A_63 = arith.addi %iota3A, %add3A_62 : vector<16xi32>
    %mul3A_64 = arith.constant 768 : i32
    %mul3A_65 = vector.broadcast %mul3A_64 : i32 to vector<16xi32>
    %mul3A_66 = arith.muli %add3A_63, %mul3A_65 : vector<16xi32>
    %get3A_67 = arith.constant 16 : index
    %get3A_68 = tpu.vector_load %arg5[%get3A_67] {strides = array<i32>} : memref<1024xi32, #tpu.memory_space<vmem>>, vector<16xi32>,
    %add3A_69 = arith.addi %mul3A_66, %get3A_68 : vector<16xi32>
    tpu.vector_store_idx %arg7[%add3A_69], %broadcast_in_dim3A_12 : memref<49152xf32, #tpu.memory_space<vmem>>[vector<16xi32>], vector<16xf32>,
    %add3A_70 = arith.constant 16 : i32
    %add3A_71 = vector.broadcast %add3A_70 : i32 to vector<16xi32>
    %add3A_72 = arith.addi %iota3A, %add3A_71 : vector<16xi32>
    %mul3A_73 = arith.constant 5 : i32
    %mul3A_74 = vector.broadcast %mul3A_73 : i32 to vector<16xi32>
    %mul3A_75 = arith.muli %add3A_72, %mul3A_74 : vector<16xi32>
    %add3A_76 = arith.constant 0 : i32
    %add3A_77 = vector.broadcast %add3A_76 : i32 to vector<16xi32>
    %add3A_78 = arith.addi %mul3A_75, %add3A_77 : vector<16xi32>
    %gather3A_79 = tpu.vector_load_idx %arg6[%add3A_78] : memref<5120xf32, #tpu.memory_space<vmem>>[vector<16xi32>], vector<16xf32>,
    %add3A_80 = arith.constant 7 : i32
    %add3A_81 = vector.broadcast %add3A_80 : i32 to vector<16xi32>
    %add3A_82 = arith.addi %mul3A_66, %add3A_81 : vector<16xi32>
    tpu.vector_store_idx %arg7[%add3A_82], %gather3A_79 : memref<49152xf32, #tpu.memory_space<vmem>>[vector<16xi32>], vector<16xf32>,
    %add3A_83 = arith.constant 1 : i32
    %add3A_84 = vector.broadcast %add3A_83 : i32 to vector<16xi32>
    %add3A_85 = arith.addi %mul3A_75, %add3A_84 : vector<16xi32>
    %gather3A_86 = tpu.vector_load_idx %arg6[%add3A_85] : memref<5120xf32, #tpu.memory_space<vmem>>[vector<16xi32>], vector<16xf32>,
    %add3A_87 = arith.constant 8 : i32
    %add3A_88 = vector.broadcast %add3A_87 : i32 to vector<16xi32>
    %add3A_89 = arith.addi %mul3A_66, %add3A_88 : vector<16xi32>
    tpu.vector_store_idx %arg7[%add3A_89], %gather3A_86 : memref<49152xf32, #tpu.memory_space<vmem>>[vector<16xi32>], vector<16xf32>,
    %add3A_90 = arith.constant 2 : i32
    %add3A_91 = vector.broadcast %add3A_90 : i32 to vector<16xi32>
    %add3A_92 = arith.addi %mul3A_75, %add3A_91 : vector<16xi32>
    %gather3A_93 = tpu.vector_load_idx %arg6[%add3A_92] : memref<5120xf32, #tpu.memory_space<vmem>>[vector<16xi32>], vector<16xf32>,
    %add3A_94 = arith.constant 9 : i32
    %add3A_95 = vector.broadcast %add3A_94 : i32 to vector<16xi32>
    %add3A_96 = arith.addi %mul3A_66, %add3A_95 : vector<16xi32>
    tpu.vector_store_idx %arg7[%add3A_96], %gather3A_93 : memref<49152xf32, #tpu.memory_space<vmem>>[vector<16xi32>], vector<16xf32>,
    %add3A_97 = arith.constant 3 : i32
    %add3A_98 = vector.broadcast %add3A_97 : i32 to vector<16xi32>
    %add3A_99 = arith.addi %mul3A_75, %add3A_98 : vector<16xi32>
    %gather3A_100 = tpu.vector_load_idx %arg6[%add3A_99] : memref<5120xf32, #tpu.memory_space<vmem>>[vector<16xi32>], vector<16xf32>,
    %add3A_101 = arith.constant 10 : i32
    %add3A_102 = vector.broadcast %add3A_101 : i32 to vector<16xi32>
    %add3A_103 = arith.addi %mul3A_66, %add3A_102 : vector<16xi32>
    tpu.vector_store_idx %arg7[%add3A_103], %gather3A_100 : memref<49152xf32, #tpu.memory_space<vmem>>[vector<16xi32>], vector<16xf32>,
    %add3A_104 = arith.constant 4 : i32
    %add3A_105 = vector.broadcast %add3A_104 : i32 to vector<16xi32>
    %add3A_106 = arith.addi %mul3A_75, %add3A_105 : vector<16xi32>
    %gather3A_107 = tpu.vector_load_idx %arg6[%add3A_106] : memref<5120xf32, #tpu.memory_space<vmem>>[vector<16xi32>], vector<16xf32>,
    %add3A_108 = arith.constant 11 : i32
    %add3A_109 = vector.broadcast %add3A_108 : i32 to vector<16xi32>
    %add3A_110 = arith.addi %mul3A_66, %add3A_109 : vector<16xi32>
    tpu.vector_store_idx %arg7[%add3A_110], %gather3A_107 : memref<49152xf32, #tpu.memory_space<vmem>>[vector<16xi32>], vector<16xf32>,
    %add3A_111 = arith.constant 32 : i32
    %add3A_112 = vector.broadcast %add3A_111 : i32 to vector<16xi32>
    %add3A_113 = arith.addi %iota3A, %add3A_112 : vector<16xi32>
    %mul3A_114 = arith.constant 768 : i32
    %mul3A_115 = vector.broadcast %mul3A_114 : i32 to vector<16xi32>
    %mul3A_116 = arith.muli %add3A_113, %mul3A_115 : vector<16xi32>
    %get3A_117 = arith.constant 32 : index
    %get3A_118 = tpu.vector_load %arg5[%get3A_117] {strides = array<i32>} : memref<1024xi32, #tpu.memory_space<vmem>>, vector<16xi32>,
    %add3A_119 = arith.addi %mul3A_116, %get3A_118 : vector<16xi32>
    tpu.vector_store_idx %arg7[%add3A_119], %broadcast_in_dim3A_12 : memref<49152xf32, #tpu.memory_space<vmem>>[vector<16xi32>], vector<16xf32>,
    %add3A_120 = arith.constant 32 : i32
    %add3A_121 = vector.broadcast %add3A_120 : i32 to vector<16xi32>
    %add3A_122 = arith.addi %iota3A, %add3A_121 : vector<16xi32>
    %mul3A_123 = arith.constant 5 : i32
    %mul3A_124 = vector.broadcast %mul3A_123 : i32 to vector<16xi32>
    %mul3A_125 = arith.muli %add3A_122, %mul3A_124 : vector<16xi32>
    %add3A_126 = arith.constant 0 : i32
    %add3A_127 = vector.broadcast %add3A_126 : i32 to vector<16xi32>
    %add3A_128 = arith.addi %mul3A_125, %add3A_127 : vector<16xi32>
    %gather3A_129 = tpu.vector_load_idx %arg6[%add3A_128] : memref<5120xf32, #tpu.memory_space<vmem>>[vector<16xi32>], vector<16xf32>,
    %add3A_130 = arith.constant 7 : i32
    %add3A_131 = vector.broadcast %add3A_130 : i32 to vector<16xi32>
    %add3A_132 = arith.addi %mul3A_116, %add3A_131 : vector<16xi32>
    tpu.vector_store_idx %arg7[%add3A_132], %gather3A_129 : memref<49152xf32, #tpu.memory_space<vmem>>[vector<16xi32>], vector<16xf32>,
    %add3A_133 = arith.constant 1 : i32
    %add3A_134 = vector.broadcast %add3A_133 : i32 to vector<16xi32>
    %add3A_135 = arith.addi %mul3A_125, %add3A_134 : vector<16xi32>
    %gather3A_136 = tpu.vector_load_idx %arg6[%add3A_135] : memref<5120xf32, #tpu.memory_space<vmem>>[vector<16xi32>], vector<16xf32>,
    %add3A_137 = arith.constant 8 : i32
    %add3A_138 = vector.broadcast %add3A_137 : i32 to vector<16xi32>
    %add3A_139 = arith.addi %mul3A_116, %add3A_138 : vector<16xi32>
    tpu.vector_store_idx %arg7[%add3A_139], %gather3A_136 : memref<49152xf32, #tpu.memory_space<vmem>>[vector<16xi32>], vector<16xf32>,
    %add3A_140 = arith.constant 2 : i32
    %add3A_141 = vector.broadcast %add3A_140 : i32 to vector<16xi32>
    %add3A_142 = arith.addi %mul3A_125, %add3A_141 : vector<16xi32>
    %gather3A_143 = tpu.vector_load_idx %arg6[%add3A_142] : memref<5120xf32, #tpu.memory_space<vmem>>[vector<16xi32>], vector<16xf32>,
    %add3A_144 = arith.constant 9 : i32
    %add3A_145 = vector.broadcast %add3A_144 : i32 to vector<16xi32>
    %add3A_146 = arith.addi %mul3A_116, %add3A_145 : vector<16xi32>
    tpu.vector_store_idx %arg7[%add3A_146], %gather3A_143 : memref<49152xf32, #tpu.memory_space<vmem>>[vector<16xi32>], vector<16xf32>,
    %add3A_147 = arith.constant 3 : i32
    %add3A_148 = vector.broadcast %add3A_147 : i32 to vector<16xi32>
    %add3A_149 = arith.addi %mul3A_125, %add3A_148 : vector<16xi32>
    %gather3A_150 = tpu.vector_load_idx %arg6[%add3A_149] : memref<5120xf32, #tpu.memory_space<vmem>>[vector<16xi32>], vector<16xf32>,
    %add3A_151 = arith.constant 10 : i32
    %add3A_152 = vector.broadcast %add3A_151 : i32 to vector<16xi32>
    %add3A_153 = arith.addi %mul3A_116, %add3A_152 : vector<16xi32>
    tpu.vector_store_idx %arg7[%add3A_153], %gather3A_150 : memref<49152xf32, #tpu.memory_space<vmem>>[vector<16xi32>], vector<16xf32>,
    %add3A_154 = arith.constant 4 : i32
    %add3A_155 = vector.broadcast %add3A_154 : i32 to vector<16xi32>
    %add3A_156 = arith.addi %mul3A_125, %add3A_155 : vector<16xi32>
    %gather3A_157 = tpu.vector_load_idx %arg6[%add3A_156] : memref<5120xf32, #tpu.memory_space<vmem>>[vector<16xi32>], vector<16xf32>,
    %add3A_158 = arith.constant 11 : i32
    %add3A_159 = vector.broadcast %add3A_158 : i32 to vector<16xi32>
    %add3A_160 = arith.addi %mul3A_116, %add3A_159 : vector<16xi32>
    tpu.vector_store_idx %arg7[%add3A_160], %gather3A_157 : memref<49152xf32, #tpu.memory_space<vmem>>[vector<16xi32>], vector<16xf32>,
    %add3A_161 = arith.constant 48 : i32
    %add3A_162 = vector.broadcast %add3A_161 : i32 to vector<16xi32>
    %add3A_163 = arith.addi %iota3A, %add3A_162 : vector<16xi32>
    %mul3A_164 = arith.constant 768 : i32
    %mul3A_165 = vector.broadcast %mul3A_164 : i32 to vector<16xi32>
    %mul3A_166 = arith.muli %add3A_163, %mul3A_165 : vector<16xi32>
    %get3A_167 = arith.constant 48 : index
    %get3A_168 = tpu.vector_load %arg5[%get3A_167] {strides = array<i32>} : memref<1024xi32, #tpu.memory_space<vmem>>, vector<16xi32>,
    %add3A_169 = arith.addi %mul3A_166, %get3A_168 : vector<16xi32>
    tpu.vector_store_idx %arg7[%add3A_169], %broadcast_in_dim3A_12 : memref<49152xf32, #tpu.memory_space<vmem>>[vector<16xi32>], vector<16xf32>,
    %add3A_170 = arith.constant 48 : i32
    %add3A_171 = vector.broadcast %add3A_170 : i32 to vector<16xi32>
    %add3A_172 = arith.addi %iota3A, %add3A_171 : vector<16xi32>
    %mul3A_173 = arith.constant 5 : i32
    %mul3A_174 = vector.broadcast %mul3A_173 : i32 to vector<16xi32>
    %mul3A_175 = arith.muli %add3A_172, %mul3A_174 : vector<16xi32>
    %add3A_176 = arith.constant 0 : i32
    %add3A_177 = vector.broadcast %add3A_176 : i32 to vector<16xi32>
    %add3A_178 = arith.addi %mul3A_175, %add3A_177 : vector<16xi32>
    %gather3A_179 = tpu.vector_load_idx %arg6[%add3A_178] : memref<5120xf32, #tpu.memory_space<vmem>>[vector<16xi32>], vector<16xf32>,
    %add3A_180 = arith.constant 7 : i32
    %add3A_181 = vector.broadcast %add3A_180 : i32 to vector<16xi32>
    %add3A_182 = arith.addi %mul3A_166, %add3A_181 : vector<16xi32>
    tpu.vector_store_idx %arg7[%add3A_182], %gather3A_179 : memref<49152xf32, #tpu.memory_space<vmem>>[vector<16xi32>], vector<16xf32>,
    %add3A_183 = arith.constant 1 : i32
    %add3A_184 = vector.broadcast %add3A_183 : i32 to vector<16xi32>
    %add3A_185 = arith.addi %mul3A_175, %add3A_184 : vector<16xi32>
    %gather3A_186 = tpu.vector_load_idx %arg6[%add3A_185] : memref<5120xf32, #tpu.memory_space<vmem>>[vector<16xi32>], vector<16xf32>,
    %add3A_187 = arith.constant 8 : i32
    %add3A_188 = vector.broadcast %add3A_187 : i32 to vector<16xi32>
    %add3A_189 = arith.addi %mul3A_166, %add3A_188 : vector<16xi32>
    tpu.vector_store_idx %arg7[%add3A_189], %gather3A_186 : memref<49152xf32, #tpu.memory_space<vmem>>[vector<16xi32>], vector<16xf32>,
    %add3A_190 = arith.constant 2 : i32
    %add3A_191 = vector.broadcast %add3A_190 : i32 to vector<16xi32>
    %add3A_192 = arith.addi %mul3A_175, %add3A_191 : vector<16xi32>
    %gather3A_193 = tpu.vector_load_idx %arg6[%add3A_192] : memref<5120xf32, #tpu.memory_space<vmem>>[vector<16xi32>], vector<16xf32>,
    %add3A_194 = arith.constant 9 : i32
    %add3A_195 = vector.broadcast %add3A_194 : i32 to vector<16xi32>
    %add3A_196 = arith.addi %mul3A_166, %add3A_195 : vector<16xi32>
    tpu.vector_store_idx %arg7[%add3A_196], %gather3A_193 : memref<49152xf32, #tpu.memory_space<vmem>>[vector<16xi32>], vector<16xf32>,
    %add3A_197 = arith.constant 3 : i32
    %add3A_198 = vector.broadcast %add3A_197 : i32 to vector<16xi32>
    %add3A_199 = arith.addi %mul3A_175, %add3A_198 : vector<16xi32>
    %gather3A_200 = tpu.vector_load_idx %arg6[%add3A_199] : memref<5120xf32, #tpu.memory_space<vmem>>[vector<16xi32>], vector<16xf32>,
    %add3A_201 = arith.constant 10 : i32
    %add3A_202 = vector.broadcast %add3A_201 : i32 to vector<16xi32>
    %add3A_203 = arith.addi %mul3A_166, %add3A_202 : vector<16xi32>
    tpu.vector_store_idx %arg7[%add3A_203], %gather3A_200 : memref<49152xf32, #tpu.memory_space<vmem>>[vector<16xi32>], vector<16xf32>,
    %add3A_204 = arith.constant 4 : i32
    %add3A_205 = vector.broadcast %add3A_204 : i32 to vector<16xi32>
    %add3A_206 = arith.addi %mul3A_175, %add3A_205 : vector<16xi32>
    %gather3A_207 = tpu.vector_load_idx %arg6[%add3A_206] : memref<5120xf32, #tpu.memory_space<vmem>>[vector<16xi32>], vector<16xf32>,
    %add3A_208 = arith.constant 11 : i32
    %add3A_209 = vector.broadcast %add3A_208 : i32 to vector<16xi32>
    %add3A_210 = arith.addi %mul3A_166, %add3A_209 : vector<16xi32>
    tpu.vector_store_idx %arg7[%add3A_210], %gather3A_207 : memref<49152xf32, #tpu.memory_space<vmem>>[vector<16xi32>], vector<16xf32>,
    %add3A_211 = arith.constant 0 : i32
    %add3A_212 = arith.addi %mul3A_2, %add3A_211 : i32
    %mul3A_213 = arith.constant 768 : i32
    %mul3A_214 = arith.muli %add3A_212, %mul3A_213 : i32
    %dma_start3A = tpu.memref_slice %arg4[%mul3A_214] : memref<25165824xf32, #tpu.memory_space<hbm>> -> memref<49152xf32, #tpu.memory_space<hbm>>
    %dma_start3A_215 = tpu.memref_slice %arg4[%mul3A_214] : memref<25165824xf32, #tpu.memory_space<hbm>> -> memref<49152xf32, #tpu.memory_space<hbm>>
    tpu.enqueue_dma source(%arg7 : memref<49152xf32, #tpu.memory_space<vmem>>) target(%dma_start3A_215 : memref<49152xf32, #tpu.memory_space<hbm>>) target_semaphore(%arg9 : memref<!tpu.dma_semaphore, #tpu.memory_space<semaphore_mem>>)
    %add3A_216 = arith.constant 0 : i32
    %add3A_217 = vector.broadcast %add3A_216 : i32 to vector<16xi32>
    %add3A_218 = arith.addi %iota3A, %add3A_217 : vector<16xi32>
    %mul3A_219 = arith.constant 768 : i32
    %mul3A_220 = vector.broadcast %mul3A_219 : i32 to vector<16xi32>
    %mul3A_221 = arith.muli %add3A_218, %mul3A_220 : vector<16xi32>
    %get3A_222 = arith.constant 64 : index
    %get3A_223 = tpu.vector_load %arg5[%get3A_222] {strides = array<i32>} : memref<1024xi32, #tpu.memory_space<vmem>>, vector<16xi32>,
    %add3A_224 = arith.addi %mul3A_221, %get3A_223 : vector<16xi32>
    tpu.vector_store_idx %arg8[%add3A_224], %broadcast_in_dim3A_12 : memref<49152xf32, #tpu.memory_space<vmem>>[vector<16xi32>], vector<16xf32>,
    %add3A_225 = arith.constant 64 : i32
    %add3A_226 = vector.broadcast %add3A_225 : i32 to vector<16xi32>
    %add3A_227 = arith.addi %iota3A, %add3A_226 : vector<16xi32>
    %mul3A_228 = arith.constant 5 : i32
    %mul3A_229 = vector.broadcast %mul3A_228 : i32 to vector<16xi32>
    %mul3A_230 = arith.muli %add3A_227, %mul3A_229 : vector<16xi32>
    %add3A_231 = arith.constant 0 : i32
    %add3A_232 = vector.broadcast %add3A_231 : i32 to vector<16xi32>
    %add3A_233 = arith.addi %mul3A_230, %add3A_232 : vector<16xi32>
    %gather3A_234 = tpu.vector_load_idx %arg6[%add3A_233] : memref<5120xf32, #tpu.memory_space<vmem>>[vector<16xi32>], vector<16xf32>,
    %add3A_235 = arith.constant 7 : i32
    %add3A_236 = vector.broadcast %add3A_235 : i32 to vector<16xi32>
    %add3A_237 = arith.addi %mul3A_221, %add3A_236 : vector<16xi32>
    tpu.vector_store_idx %arg8[%add3A_237], %gather3A_234 : memref<49152xf32, #tpu.memory_space<vmem>>[vector<16xi32>], vector<16xf32>,
    %add3A_238 = arith.constant 1 : i32
    %add3A_239 = vector.broadcast %add3A_238 : i32 to vector<16xi32>
    %add3A_240 = arith.addi %mul3A_230, %add3A_239 : vector<16xi32>
    %gather3A_241 = tpu.vector_load_idx %arg6[%add3A_240] : memref<5120xf32, #tpu.memory_space<vmem>>[vector<16xi32>], vector<16xf32>,
    %add3A_242 = arith.constant 8 : i32
    %add3A_243 = vector.broadcast %add3A_242 : i32 to vector<16xi32>
    %add3A_244 = arith.addi %mul3A_221, %add3A_243 : vector<16xi32>
    tpu.vector_store_idx %arg8[%add3A_244], %gather3A_241 : memref<49152xf32, #tpu.memory_space<vmem>>[vector<16xi32>], vector<16xf32>,
    %add3A_245 = arith.constant 2 : i32
    %add3A_246 = vector.broadcast %add3A_245 : i32 to vector<16xi32>
    %add3A_247 = arith.addi %mul3A_230, %add3A_246 : vector<16xi32>
    %gather3A_248 = tpu.vector_load_idx %arg6[%add3A_247] : memref<5120xf32, #tpu.memory_space<vmem>>[vector<16xi32>], vector<16xf32>,
    %add3A_249 = arith.constant 9 : i32
    %add3A_250 = vector.broadcast %add3A_249 : i32 to vector<16xi32>
    %add3A_251 = arith.addi %mul3A_221, %add3A_250 : vector<16xi32>
    tpu.vector_store_idx %arg8[%add3A_251], %gather3A_248 : memref<49152xf32, #tpu.memory_space<vmem>>[vector<16xi32>], vector<16xf32>,
    %add3A_252 = arith.constant 3 : i32
    %add3A_253 = vector.broadcast %add3A_252 : i32 to vector<16xi32>
    %add3A_254 = arith.addi %mul3A_230, %add3A_253 : vector<16xi32>
    %gather3A_255 = tpu.vector_load_idx %arg6[%add3A_254] : memref<5120xf32, #tpu.memory_space<vmem>>[vector<16xi32>], vector<16xf32>,
    %add3A_256 = arith.constant 10 : i32
    %add3A_257 = vector.broadcast %add3A_256 : i32 to vector<16xi32>
    %add3A_258 = arith.addi %mul3A_221, %add3A_257 : vector<16xi32>
    tpu.vector_store_idx %arg8[%add3A_258], %gather3A_255 : memref<49152xf32, #tpu.memory_space<vmem>>[vector<16xi32>], vector<16xf32>,
    %add3A_259 = arith.constant 4 : i32
    %add3A_260 = vector.broadcast %add3A_259 : i32 to vector<16xi32>
    %add3A_261 = arith.addi %mul3A_230, %add3A_260 : vector<16xi32>
    %gather3A_262 = tpu.vector_load_idx %arg6[%add3A_261] : memref<5120xf32, #tpu.memory_space<vmem>>[vector<16xi32>], vector<16xf32>,
    %add3A_263 = arith.constant 11 : i32
    %add3A_264 = vector.broadcast %add3A_263 : i32 to vector<16xi32>
    %add3A_265 = arith.addi %mul3A_221, %add3A_264 : vector<16xi32>
    tpu.vector_store_idx %arg8[%add3A_265], %gather3A_262 : memref<49152xf32, #tpu.memory_space<vmem>>[vector<16xi32>], vector<16xf32>,
    %add3A_266 = arith.constant 16 : i32
    %add3A_267 = vector.broadcast %add3A_266 : i32 to vector<16xi32>
    %add3A_268 = arith.addi %iota3A, %add3A_267 : vector<16xi32>
    %mul3A_269 = arith.constant 768 : i32
    %mul3A_270 = vector.broadcast %mul3A_269 : i32 to vector<16xi32>
    %mul3A_271 = arith.muli %add3A_268, %mul3A_270 : vector<16xi32>
    %get3A_272 = arith.constant 80 : index
    %get3A_273 = tpu.vector_load %arg5[%get3A_272] {strides = array<i32>} : memref<1024xi32, #tpu.memory_space<vmem>>, vector<16xi32>,
    %add3A_274 = arith.addi %mul3A_271, %get3A_273 : vector<16xi32>
    tpu.vector_store_idx %arg8[%add3A_274], %broadcast_in_dim3A_12 : memref<49152xf32, #tpu.memory_space<vmem>>[vector<16xi32>], vector<16xf32>,
    %add3A_275 = arith.constant 80 : i32
    %add3A_276 = vector.broadcast %add3A_275 : i32 to vector<16xi32>
    %add3A_277 = arith.addi %iota3A, %add3A_276 : vector<16xi32>
    %mul3A_278 = arith.constant 5 : i32
    %mul3A_279 = vector.broadcast %mul3A_278 : i32 to vector<16xi32>
    %mul3A_280 = arith.muli %add3A_277, %mul3A_279 : vector<16xi32>
    %add3A_281 = arith.constant 0 : i32
    %add3A_282 = vector.broadcast %add3A_281 : i32 to vector<16xi32>
    %add3A_283 = arith.addi %mul3A_280, %add3A_282 : vector<16xi32>
    %gather3A_284 = tpu.vector_load_idx %arg6[%add3A_283] : memref<5120xf32, #tpu.memory_space<vmem>>[vector<16xi32>], vector<16xf32>,
    %add3A_285 = arith.constant 7 : i32
    %add3A_286 = vector.broadcast %add3A_285 : i32 to vector<16xi32>
    %add3A_287 = arith.addi %mul3A_271, %add3A_286 : vector<16xi32>
    tpu.vector_store_idx %arg8[%add3A_287], %gather3A_284 : memref<49152xf32, #tpu.memory_space<vmem>>[vector<16xi32>], vector<16xf32>,
    %add3A_288 = arith.constant 1 : i32
    %add3A_289 = vector.broadcast %add3A_288 : i32 to vector<16xi32>
    %add3A_290 = arith.addi %mul3A_280, %add3A_289 : vector<16xi32>
    %gather3A_291 = tpu.vector_load_idx %arg6[%add3A_290] : memref<5120xf32, #tpu.memory_space<vmem>>[vector<16xi32>], vector<16xf32>,
    %add3A_292 = arith.constant 8 : i32
    %add3A_293 = vector.broadcast %add3A_292 : i32 to vector<16xi32>
    %add3A_294 = arith.addi %mul3A_271, %add3A_293 : vector<16xi32>
    tpu.vector_store_idx %arg8[%add3A_294], %gather3A_291 : memref<49152xf32, #tpu.memory_space<vmem>>[vector<16xi32>], vector<16xf32>,
    %add3A_295 = arith.constant 2 : i32
    %add3A_296 = vector.broadcast %add3A_295 : i32 to vector<16xi32>
    %add3A_297 = arith.addi %mul3A_280, %add3A_296 : vector<16xi32>
    %gather3A_298 = tpu.vector_load_idx %arg6[%add3A_297] : memref<5120xf32, #tpu.memory_space<vmem>>[vector<16xi32>], vector<16xf32>,
    %add3A_299 = arith.constant 9 : i32
    %add3A_300 = vector.broadcast %add3A_299 : i32 to vector<16xi32>
    %add3A_301 = arith.addi %mul3A_271, %add3A_300 : vector<16xi32>
    tpu.vector_store_idx %arg8[%add3A_301], %gather3A_298 : memref<49152xf32, #tpu.memory_space<vmem>>[vector<16xi32>], vector<16xf32>,
    %add3A_302 = arith.constant 3 : i32
    %add3A_303 = vector.broadcast %add3A_302 : i32 to vector<16xi32>
    %add3A_304 = arith.addi %mul3A_280, %add3A_303 : vector<16xi32>
    %gather3A_305 = tpu.vector_load_idx %arg6[%add3A_304] : memref<5120xf32, #tpu.memory_space<vmem>>[vector<16xi32>], vector<16xf32>,
    %add3A_306 = arith.constant 10 : i32
    %add3A_307 = vector.broadcast %add3A_306 : i32 to vector<16xi32>
    %add3A_308 = arith.addi %mul3A_271, %add3A_307 : vector<16xi32>
    tpu.vector_store_idx %arg8[%add3A_308], %gather3A_305 : memref<49152xf32, #tpu.memory_space<vmem>>[vector<16xi32>], vector<16xf32>,
    %add3A_309 = arith.constant 4 : i32
    %add3A_310 = vector.broadcast %add3A_309 : i32 to vector<16xi32>
    %add3A_311 = arith.addi %mul3A_280, %add3A_310 : vector<16xi32>
    %gather3A_312 = tpu.vector_load_idx %arg6[%add3A_311] : memref<5120xf32, #tpu.memory_space<vmem>>[vector<16xi32>], vector<16xf32>,
    %add3A_313 = arith.constant 11 : i32
    %add3A_314 = vector.broadcast %add3A_313 : i32 to vector<16xi32>
    %add3A_315 = arith.addi %mul3A_271, %add3A_314 : vector<16xi32>
    tpu.vector_store_idx %arg8[%add3A_315], %gather3A_312 : memref<49152xf32, #tpu.memory_space<vmem>>[vector<16xi32>], vector<16xf32>,
    %add3A_316 = arith.constant 32 : i32
    %add3A_317 = vector.broadcast %add3A_316 : i32 to vector<16xi32>
    %add3A_318 = arith.addi %iota3A, %add3A_317 : vector<16xi32>
    %mul3A_319 = arith.constant 768 : i32
    %mul3A_320 = vector.broadcast %mul3A_319 : i32 to vector<16xi32>
    %mul3A_321 = arith.muli %add3A_318, %mul3A_320 : vector<16xi32>
    %get3A_322 = arith.constant 96 : index
    %get3A_323 = tpu.vector_load %arg5[%get3A_322] {strides = array<i32>} : memref<1024xi32, #tpu.memory_space<vmem>>, vector<16xi32>,
    %add3A_324 = arith.addi %mul3A_321, %get3A_323 : vector<16xi32>
    tpu.vector_store_idx %arg8[%add3A_324], %broadcast_in_dim3A_12 : memref<49152xf32, #tpu.memory_space<vmem>>[vector<16xi32>], vector<16xf32>,
    %add3A_325 = arith.constant 96 : i32
    %add3A_326 = vector.broadcast %add3A_325 : i32 to vector<16xi32>
    %add3A_327 = arith.addi %iota3A, %add3A_326 : vector<16xi32>
    %mul3A_328 = arith.constant 5 : i32
    %mul3A_329 = vector.broadcast %mul3A_328 : i32 to vector<16xi32>
    %mul3A_330 = arith.muli %add3A_327, %mul3A_329 : vector<16xi32>
    %add3A_331 = arith.constant 0 : i32
    %add3A_332 = vector.broadcast %add3A_331 : i32 to vector<16xi32>
    %add3A_333 = arith.addi %mul3A_330, %add3A_332 : vector<16xi32>
    %gather3A_334 = tpu.vector_load_idx %arg6[%add3A_333] : memref<5120xf32, #tpu.memory_space<vmem>>[vector<16xi32>], vector<16xf32>,
    %add3A_335 = arith.constant 7 : i32
    %add3A_336 = vector.broadcast %add3A_335 : i32 to vector<16xi32>
    %add3A_337 = arith.addi %mul3A_321, %add3A_336 : vector<16xi32>
    tpu.vector_store_idx %arg8[%add3A_337], %gather3A_334 : memref<49152xf32, #tpu.memory_space<vmem>>[vector<16xi32>], vector<16xf32>,
    %add3A_338 = arith.constant 1 : i32
    %add3A_339 = vector.broadcast %add3A_338 : i32 to vector<16xi32>
    %add3A_340 = arith.addi %mul3A_330, %add3A_339 : vector<16xi32>
    %gather3A_341 = tpu.vector_load_idx %arg6[%add3A_340] : memref<5120xf32, #tpu.memory_space<vmem>>[vector<16xi32>], vector<16xf32>,
    %add3A_342 = arith.constant 8 : i32
    %add3A_343 = vector.broadcast %add3A_342 : i32 to vector<16xi32>
    %add3A_344 = arith.addi %mul3A_321, %add3A_343 : vector<16xi32>
    tpu.vector_store_idx %arg8[%add3A_344], %gather3A_341 : memref<49152xf32, #tpu.memory_space<vmem>>[vector<16xi32>], vector<16xf32>,
    %add3A_345 = arith.constant 2 : i32
    %add3A_346 = vector.broadcast %add3A_345 : i32 to vector<16xi32>
    %add3A_347 = arith.addi %mul3A_330, %add3A_346 : vector<16xi32>
    %gather3A_348 = tpu.vector_load_idx %arg6[%add3A_347] : memref<5120xf32, #tpu.memory_space<vmem>>[vector<16xi32>], vector<16xf32>,
    %add3A_349 = arith.constant 9 : i32
    %add3A_350 = vector.broadcast %add3A_349 : i32 to vector<16xi32>
    %add3A_351 = arith.addi %mul3A_321, %add3A_350 : vector<16xi32>
    tpu.vector_store_idx %arg8[%add3A_351], %gather3A_348 : memref<49152xf32, #tpu.memory_space<vmem>>[vector<16xi32>], vector<16xf32>,
    %add3A_352 = arith.constant 3 : i32
    %add3A_353 = vector.broadcast %add3A_352 : i32 to vector<16xi32>
    %add3A_354 = arith.addi %mul3A_330, %add3A_353 : vector<16xi32>
    %gather3A_355 = tpu.vector_load_idx %arg6[%add3A_354] : memref<5120xf32, #tpu.memory_space<vmem>>[vector<16xi32>], vector<16xf32>,
    %add3A_356 = arith.constant 10 : i32
    %add3A_357 = vector.broadcast %add3A_356 : i32 to vector<16xi32>
    %add3A_358 = arith.addi %mul3A_321, %add3A_357 : vector<16xi32>
    tpu.vector_store_idx %arg8[%add3A_358], %gather3A_355 : memref<49152xf32, #tpu.memory_space<vmem>>[vector<16xi32>], vector<16xf32>,
    %add3A_359 = arith.constant 4 : i32
    %add3A_360 = vector.broadcast %add3A_359 : i32 to vector<16xi32>
    %add3A_361 = arith.addi %mul3A_330, %add3A_360 : vector<16xi32>
    %gather3A_362 = tpu.vector_load_idx %arg6[%add3A_361] : memref<5120xf32, #tpu.memory_space<vmem>>[vector<16xi32>], vector<16xf32>,
    %add3A_363 = arith.constant 11 : i32
    %add3A_364 = vector.broadcast %add3A_363 : i32 to vector<16xi32>
    %add3A_365 = arith.addi %mul3A_321, %add3A_364 : vector<16xi32>
    tpu.vector_store_idx %arg8[%add3A_365], %gather3A_362 : memref<49152xf32, #tpu.memory_space<vmem>>[vector<16xi32>], vector<16xf32>,
    %add3A_366 = arith.constant 48 : i32
    %add3A_367 = vector.broadcast %add3A_366 : i32 to vector<16xi32>
    %add3A_368 = arith.addi %iota3A, %add3A_367 : vector<16xi32>
    %mul3A_369 = arith.constant 768 : i32
    %mul3A_370 = vector.broadcast %mul3A_369 : i32 to vector<16xi32>
    %mul3A_371 = arith.muli %add3A_368, %mul3A_370 : vector<16xi32>
    %get3A_372 = arith.constant 112 : index
    %get3A_373 = tpu.vector_load %arg5[%get3A_372] {strides = array<i32>} : memref<1024xi32, #tpu.memory_space<vmem>>, vector<16xi32>,
    %add3A_374 = arith.addi %mul3A_371, %get3A_373 : vector<16xi32>
    tpu.vector_store_idx %arg8[%add3A_374], %broadcast_in_dim3A_12 : memref<49152xf32, #tpu.memory_space<vmem>>[vector<16xi32>], vector<16xf32>,
    %add3A_375 = arith.constant 112 : i32
    %add3A_376 = vector.broadcast %add3A_375 : i32 to vector<16xi32>
    %add3A_377 = arith.addi %iota3A, %add3A_376 : vector<16xi32>
    %mul3A_378 = arith.constant 5 : i32
    %mul3A_379 = vector.broadcast %mul3A_378 : i32 to vector<16xi32>
    %mul3A_380 = arith.muli %add3A_377, %mul3A_379 : vector<16xi32>
    %add3A_381 = arith.constant 0 : i32
    %add3A_382 = vector.broadcast %add3A_381 : i32 to vector<16xi32>
    %add3A_383 = arith.addi %mul3A_380, %add3A_382 : vector<16xi32>
    %gather3A_384 = tpu.vector_load_idx %arg6[%add3A_383] : memref<5120xf32, #tpu.memory_space<vmem>>[vector<16xi32>], vector<16xf32>,
    %add3A_385 = arith.constant 7 : i32
    %add3A_386 = vector.broadcast %add3A_385 : i32 to vector<16xi32>
    %add3A_387 = arith.addi %mul3A_371, %add3A_386 : vector<16xi32>
    tpu.vector_store_idx %arg8[%add3A_387], %gather3A_384 : memref<49152xf32, #tpu.memory_space<vmem>>[vector<16xi32>], vector<16xf32>,
    %add3A_388 = arith.constant 1 : i32
    %add3A_389 = vector.broadcast %add3A_388 : i32 to vector<16xi32>
    %add3A_390 = arith.addi %mul3A_380, %add3A_389 : vector<16xi32>
    %gather3A_391 = tpu.vector_load_idx %arg6[%add3A_390] : memref<5120xf32, #tpu.memory_space<vmem>>[vector<16xi32>], vector<16xf32>,
    %add3A_392 = arith.constant 8 : i32
    %add3A_393 = vector.broadcast %add3A_392 : i32 to vector<16xi32>
    %add3A_394 = arith.addi %mul3A_371, %add3A_393 : vector<16xi32>
    tpu.vector_store_idx %arg8[%add3A_394], %gather3A_391 : memref<49152xf32, #tpu.memory_space<vmem>>[vector<16xi32>], vector<16xf32>,
    %add3A_395 = arith.constant 2 : i32
    %add3A_396 = vector.broadcast %add3A_395 : i32 to vector<16xi32>
    %add3A_397 = arith.addi %mul3A_380, %add3A_396 : vector<16xi32>
    %gather3A_398 = tpu.vector_load_idx %arg6[%add3A_397] : memref<5120xf32, #tpu.memory_space<vmem>>[vector<16xi32>], vector<16xf32>,
    %add3A_399 = arith.constant 9 : i32
    %add3A_400 = vector.broadcast %add3A_399 : i32 to vector<16xi32>
    %add3A_401 = arith.addi %mul3A_371, %add3A_400 : vector<16xi32>
    tpu.vector_store_idx %arg8[%add3A_401], %gather3A_398 : memref<49152xf32, #tpu.memory_space<vmem>>[vector<16xi32>], vector<16xf32>,
    %add3A_402 = arith.constant 3 : i32
    %add3A_403 = vector.broadcast %add3A_402 : i32 to vector<16xi32>
    %add3A_404 = arith.addi %mul3A_380, %add3A_403 : vector<16xi32>
    %gather3A_405 = tpu.vector_load_idx %arg6[%add3A_404] : memref<5120xf32, #tpu.memory_space<vmem>>[vector<16xi32>], vector<16xf32>,
    %add3A_406 = arith.constant 10 : i32
    %add3A_407 = vector.broadcast %add3A_406 : i32 to vector<16xi32>
    %add3A_408 = arith.addi %mul3A_371, %add3A_407 : vector<16xi32>
    tpu.vector_store_idx %arg8[%add3A_408], %gather3A_405 : memref<49152xf32, #tpu.memory_space<vmem>>[vector<16xi32>], vector<16xf32>,
    %add3A_409 = arith.constant 4 : i32
    %add3A_410 = vector.broadcast %add3A_409 : i32 to vector<16xi32>
    %add3A_411 = arith.addi %mul3A_380, %add3A_410 : vector<16xi32>
    %gather3A_412 = tpu.vector_load_idx %arg6[%add3A_411] : memref<5120xf32, #tpu.memory_space<vmem>>[vector<16xi32>], vector<16xf32>,
    %add3A_413 = arith.constant 11 : i32
    %add3A_414 = vector.broadcast %add3A_413 : i32 to vector<16xi32>
    %add3A_415 = arith.addi %mul3A_371, %add3A_414 : vector<16xi32>
    tpu.vector_store_idx %arg8[%add3A_415], %gather3A_412 : memref<49152xf32, #tpu.memory_space<vmem>>[vector<16xi32>], vector<16xf32>,
    %add3A_416 = arith.constant 64 : i32
    %add3A_417 = arith.addi %mul3A_2, %add3A_416 : i32
    %mul3A_418 = arith.constant 768 : i32
    %mul3A_419 = arith.muli %add3A_417, %mul3A_418 : i32
    %dma_start3A_420 = tpu.memref_slice %arg4[%mul3A_419] : memref<25165824xf32, #tpu.memory_space<hbm>> -> memref<49152xf32, #tpu.memory_space<hbm>>
    %dma_start3A_421 = tpu.memref_slice %arg4[%mul3A_419] : memref<25165824xf32, #tpu.memory_space<hbm>> -> memref<49152xf32, #tpu.memory_space<hbm>>
    tpu.enqueue_dma source(%arg8 : memref<49152xf32, #tpu.memory_space<vmem>>) target(%dma_start3A_421 : memref<49152xf32, #tpu.memory_space<hbm>>) target_semaphore(%arg10 : memref<!tpu.dma_semaphore, #tpu.memory_space<semaphore_mem>>)
    %dma_wait3A = tpu.memref_slice %arg4[%mul3A_214] : memref<25165824xf32, #tpu.memory_space<hbm>> -> memref<49152xf32, #tpu.memory_space<hbm>>
    %dma_wait3A_422 = tpu.memref_slice %arg4[%mul3A_214] : memref<25165824xf32, #tpu.memory_space<hbm>> -> memref<49152xf32, #tpu.memory_space<hbm>>
    tpu.wait_dma2 semaphore(%arg9 : memref<!tpu.dma_semaphore, #tpu.memory_space<semaphore_mem>>) src(%arg7 : memref<49152xf32, #tpu.memory_space<vmem>>) dst(%dma_wait3A_422 : memref<49152xf32, #tpu.memory_space<hbm>>)
    %add3A_423 = arith.constant 0 : i32
    %add3A_424 = vector.broadcast %add3A_423 : i32 to vector<16xi32>
    %add3A_425 = arith.addi %iota3A, %add3A_424 : vector<16xi32>
    %mul3A_426 = arith.constant 768 : i32
    %mul3A_427 = vector.broadcast %mul3A_426 : i32 to vector<16xi32>
    %mul3A_428 = arith.muli %add3A_425, %mul3A_427 : vector<16xi32>
    %get3A_429 = arith.constant 128 : index
    %get3A_430 = tpu.vector_load %arg5[%get3A_429] {strides = array<i32>} : memref<1024xi32, #tpu.memory_space<vmem>>, vector<16xi32>,
    %get3A_431 = arith.constant 0 : index
    %get3A_432 = tpu.vector_load %arg5[%get3A_431] {strides = array<i32>} : memref<1024xi32, #tpu.memory_space<vmem>>, vector<16xi32>,
    %add3A_433 = arith.addi %mul3A_428, %get3A_432 : vector<16xi32>
    tpu.vector_store_idx %arg7[%add3A_433], %broadcast_in_dim3A_5 : memref<49152xf32, #tpu.memory_space<vmem>>[vector<16xi32>], vector<16xf32>,
    %add3A_434 = arith.addi %mul3A_428, %get3A_430 : vector<16xi32>
    tpu.vector_store_idx %arg7[%add3A_434], %broadcast_in_dim3A_12 : memref<49152xf32, #tpu.memory_space<vmem>>[vector<16xi32>], vector<16xf32>,
    %add3A_435 = arith.constant 128 : i32
    %add3A_436 = vector.broadcast %add3A_435 : i32 to vector<16xi32>
    %add3A_437 = arith.addi %iota3A, %add3A_436 : vector<16xi32>
    %mul3A_438 = arith.constant 5 : i32
    %mul3A_439 = vector.broadcast %mul3A_438 : i32 to vector<16xi32>
    %mul3A_440 = arith.muli %add3A_437, %mul3A_439 : vector<16xi32>
    %add3A_441 = arith.constant 0 : i32
    %add3A_442 = vector.broadcast %add3A_441 : i32 to vector<16xi32>
    %add3A_443 = arith.addi %mul3A_440, %add3A_442 : vector<16xi32>
    %gather3A_444 = tpu.vector_load_idx %arg6[%add3A_443] : memref<5120xf32, #tpu.memory_space<vmem>>[vector<16xi32>], vector<16xf32>,
    %add3A_445 = arith.constant 7 : i32
    %add3A_446 = vector.broadcast %add3A_445 : i32 to vector<16xi32>
    %add3A_447 = arith.addi %mul3A_428, %add3A_446 : vector<16xi32>
    tpu.vector_store_idx %arg7[%add3A_447], %gather3A_444 : memref<49152xf32, #tpu.memory_space<vmem>>[vector<16xi32>], vector<16xf32>,
    %add3A_448 = arith.constant 1 : i32
    %add3A_449 = vector.broadcast %add3A_448 : i32 to vector<16xi32>
    %add3A_450 = arith.addi %mul3A_440, %add3A_449 : vector<16xi32>
    %gather3A_451 = tpu.vector_load_idx %arg6[%add3A_450] : memref<5120xf32, #tpu.memory_space<vmem>>[vector<16xi32>], vector<16xf32>,
    %add3A_452 = arith.constant 8 : i32
    %add3A_453 = vector.broadcast %add3A_452 : i32 to vector<16xi32>
    %add3A_454 = arith.addi %mul3A_428, %add3A_453 : vector<16xi32>
    tpu.vector_store_idx %arg7[%add3A_454], %gather3A_451 : memref<49152xf32, #tpu.memory_space<vmem>>[vector<16xi32>], vector<16xf32>,
    %add3A_455 = arith.constant 2 : i32
    %add3A_456 = vector.broadcast %add3A_455 : i32 to vector<16xi32>
    %add3A_457 = arith.addi %mul3A_440, %add3A_456 : vector<16xi32>
    %gather3A_458 = tpu.vector_load_idx %arg6[%add3A_457] : memref<5120xf32, #tpu.memory_space<vmem>>[vector<16xi32>], vector<16xf32>,
    %add3A_459 = arith.constant 9 : i32
    %add3A_460 = vector.broadcast %add3A_459 : i32 to vector<16xi32>
    %add3A_461 = arith.addi %mul3A_428, %add3A_460 : vector<16xi32>
    tpu.vector_store_idx %arg7[%add3A_461], %gather3A_458 : memref<49152xf32, #tpu.memory_space<vmem>>[vector<16xi32>], vector<16xf32>,
    %add3A_462 = arith.constant 3 : i32
    %add3A_463 = vector.broadcast %add3A_462 : i32 to vector<16xi32>
    %add3A_464 = arith.addi %mul3A_440, %add3A_463 : vector<16xi32>
    %gather3A_465 = tpu.vector_load_idx %arg6[%add3A_464] : memref<5120xf32, #tpu.memory_space<vmem>>[vector<16xi32>], vector<16xf32>,
    %add3A_466 = arith.constant 10 : i32
    %add3A_467 = vector.broadcast %add3A_466 : i32 to vector<16xi32>
    %add3A_468 = arith.addi %mul3A_428, %add3A_467 : vector<16xi32>
    tpu.vector_store_idx %arg7[%add3A_468], %gather3A_465 : memref<49152xf32, #tpu.memory_space<vmem>>[vector<16xi32>], vector<16xf32>,
    %add3A_469 = arith.constant 4 : i32
    %add3A_470 = vector.broadcast %add3A_469 : i32 to vector<16xi32>
    %add3A_471 = arith.addi %mul3A_440, %add3A_470 : vector<16xi32>
    %gather3A_472 = tpu.vector_load_idx %arg6[%add3A_471] : memref<5120xf32, #tpu.memory_space<vmem>>[vector<16xi32>], vector<16xf32>,
    %add3A_473 = arith.constant 11 : i32
    %add3A_474 = vector.broadcast %add3A_473 : i32 to vector<16xi32>
    %add3A_475 = arith.addi %mul3A_428, %add3A_474 : vector<16xi32>
    tpu.vector_store_idx %arg7[%add3A_475], %gather3A_472 : memref<49152xf32, #tpu.memory_space<vmem>>[vector<16xi32>], vector<16xf32>,
    %add3A_476 = arith.constant 16 : i32
    %add3A_477 = vector.broadcast %add3A_476 : i32 to vector<16xi32>
    %add3A_478 = arith.addi %iota3A, %add3A_477 : vector<16xi32>
    %mul3A_479 = arith.constant 768 : i32
    %mul3A_480 = vector.broadcast %mul3A_479 : i32 to vector<16xi32>
    %mul3A_481 = arith.muli %add3A_478, %mul3A_480 : vector<16xi32>
    %get3A_482 = arith.constant 144 : index
    %get3A_483 = tpu.vector_load %arg5[%get3A_482] {strides = array<i32>} : memref<1024xi32, #tpu.memory_space<vmem>>, vector<16xi32>,
    %get3A_484 = arith.constant 16 : index
    %get3A_485 = tpu.vector_load %arg5[%get3A_484] {strides = array<i32>} : memref<1024xi32, #tpu.memory_space<vmem>>, vector<16xi32>,
    %add3A_486 = arith.addi %mul3A_481, %get3A_485 : vector<16xi32>
    tpu.vector_store_idx %arg7[%add3A_486], %broadcast_in_dim3A_5 : memref<49152xf32, #tpu.memory_space<vmem>>[vector<16xi32>], vector<16xf32>,
    %add3A_487 = arith.addi %mul3A_481, %get3A_483 : vector<16xi32>
    tpu.vector_store_idx %arg7[%add3A_487], %broadcast_in_dim3A_12 : memref<49152xf32, #tpu.memory_space<vmem>>[vector<16xi32>], vector<16xf32>,
    %add3A_488 = arith.constant 144 : i32
    %add3A_489 = vector.broadcast %add3A_488 : i32 to vector<16xi32>
    %add3A_490 = arith.addi %iota3A, %add3A_489 : vector<16xi32>
    %mul3A_491 = arith.constant 5 : i32
    %mul3A_492 = vector.broadcast %mul3A_491 : i32 to vector<16xi32>
    %mul3A_493 = arith.muli %add3A_490, %mul3A_492 : vector<16xi32>
    %add3A_494 = arith.constant 0 : i32
    %add3A_495 = vector.broadcast %add3A_494 : i32 to vector<16xi32>
    %add3A_496 = arith.addi %mul3A_493, %add3A_495 : vector<16xi32>
    %gather3A_497 = tpu.vector_load_idx %arg6[%add3A_496] : memref<5120xf32, #tpu.memory_space<vmem>>[vector<16xi32>], vector<16xf32>,
    %add3A_498 = arith.constant 7 : i32
    %add3A_499 = vector.broadcast %add3A_498 : i32 to vector<16xi32>
    %add3A_500 = arith.addi %mul3A_481, %add3A_499 : vector<16xi32>
    tpu.vector_store_idx %arg7[%add3A_500], %gather3A_497 : memref<49152xf32, #tpu.memory_space<vmem>>[vector<16xi32>], vector<16xf32>,
    %add3A_501 = arith.constant 1 : i32
    %add3A_502 = vector.broadcast %add3A_501 : i32 to vector<16xi32>
    %add3A_503 = arith.addi %mul3A_493, %add3A_502 : vector<16xi32>
    %gather3A_504 = tpu.vector_load_idx %arg6[%add3A_503] : memref<5120xf32, #tpu.memory_space<vmem>>[vector<16xi32>], vector<16xf32>,
    %add3A_505 = arith.constant 8 : i32
    %add3A_506 = vector.broadcast %add3A_505 : i32 to vector<16xi32>
    %add3A_507 = arith.addi %mul3A_481, %add3A_506 : vector<16xi32>
    tpu.vector_store_idx %arg7[%add3A_507], %gather3A_504 : memref<49152xf32, #tpu.memory_space<vmem>>[vector<16xi32>], vector<16xf32>,
    %add3A_508 = arith.constant 2 : i32
    %add3A_509 = vector.broadcast %add3A_508 : i32 to vector<16xi32>
    %add3A_510 = arith.addi %mul3A_493, %add3A_509 : vector<16xi32>
    %gather3A_511 = tpu.vector_load_idx %arg6[%add3A_510] : memref<5120xf32, #tpu.memory_space<vmem>>[vector<16xi32>], vector<16xf32>,
    %add3A_512 = arith.constant 9 : i32
    %add3A_513 = vector.broadcast %add3A_512 : i32 to vector<16xi32>
    %add3A_514 = arith.addi %mul3A_481, %add3A_513 : vector<16xi32>
    tpu.vector_store_idx %arg7[%add3A_514], %gather3A_511 : memref<49152xf32, #tpu.memory_space<vmem>>[vector<16xi32>], vector<16xf32>,
    %add3A_515 = arith.constant 3 : i32
    %add3A_516 = vector.broadcast %add3A_515 : i32 to vector<16xi32>
    %add3A_517 = arith.addi %mul3A_493, %add3A_516 : vector<16xi32>
    %gather3A_518 = tpu.vector_load_idx %arg6[%add3A_517] : memref<5120xf32, #tpu.memory_space<vmem>>[vector<16xi32>], vector<16xf32>,
    %add3A_519 = arith.constant 10 : i32
    %add3A_520 = vector.broadcast %add3A_519 : i32 to vector<16xi32>
    %add3A_521 = arith.addi %mul3A_481, %add3A_520 : vector<16xi32>
    tpu.vector_store_idx %arg7[%add3A_521], %gather3A_518 : memref<49152xf32, #tpu.memory_space<vmem>>[vector<16xi32>], vector<16xf32>,
    %add3A_522 = arith.constant 4 : i32
    %add3A_523 = vector.broadcast %add3A_522 : i32 to vector<16xi32>
    %add3A_524 = arith.addi %mul3A_493, %add3A_523 : vector<16xi32>
    %gather3A_525 = tpu.vector_load_idx %arg6[%add3A_524] : memref<5120xf32, #tpu.memory_space<vmem>>[vector<16xi32>], vector<16xf32>,
    %add3A_526 = arith.constant 11 : i32
    %add3A_527 = vector.broadcast %add3A_526 : i32 to vector<16xi32>
    %add3A_528 = arith.addi %mul3A_481, %add3A_527 : vector<16xi32>
    tpu.vector_store_idx %arg7[%add3A_528], %gather3A_525 : memref<49152xf32, #tpu.memory_space<vmem>>[vector<16xi32>], vector<16xf32>,
    %add3A_529 = arith.constant 32 : i32
    %add3A_530 = vector.broadcast %add3A_529 : i32 to vector<16xi32>
    %add3A_531 = arith.addi %iota3A, %add3A_530 : vector<16xi32>
    %mul3A_532 = arith.constant 768 : i32
    %mul3A_533 = vector.broadcast %mul3A_532 : i32 to vector<16xi32>
    %mul3A_534 = arith.muli %add3A_531, %mul3A_533 : vector<16xi32>
    %get3A_535 = arith.constant 160 : index
    %get3A_536 = tpu.vector_load %arg5[%get3A_535] {strides = array<i32>} : memref<1024xi32, #tpu.memory_space<vmem>>, vector<16xi32>,
    %get3A_537 = arith.constant 32 : index
    %get3A_538 = tpu.vector_load %arg5[%get3A_537] {strides = array<i32>} : memref<1024xi32, #tpu.memory_space<vmem>>, vector<16xi32>,
    %add3A_539 = arith.addi %mul3A_534, %get3A_538 : vector<16xi32>
    tpu.vector_store_idx %arg7[%add3A_539], %broadcast_in_dim3A_5 : memref<49152xf32, #tpu.memory_space<vmem>>[vector<16xi32>], vector<16xf32>,
    %add3A_540 = arith.addi %mul3A_534, %get3A_536 : vector<16xi32>
    tpu.vector_store_idx %arg7[%add3A_540], %broadcast_in_dim3A_12 : memref<49152xf32, #tpu.memory_space<vmem>>[vector<16xi32>], vector<16xf32>,
    %add3A_541 = arith.constant 160 : i32
    %add3A_542 = vector.broadcast %add3A_541 : i32 to vector<16xi32>
    %add3A_543 = arith.addi %iota3A, %add3A_542 : vector<16xi32>
    %mul3A_544 = arith.constant 5 : i32
    %mul3A_545 = vector.broadcast %mul3A_544 : i32 to vector<16xi32>
    %mul3A_546 = arith.muli %add3A_543, %mul3A_545 : vector<16xi32>
    %add3A_547 = arith.constant 0 : i32
    %add3A_548 = vector.broadcast %add3A_547 : i32 to vector<16xi32>
    %add3A_549 = arith.addi %mul3A_546, %add3A_548 : vector<16xi32>
    %gather3A_550 = tpu.vector_load_idx %arg6[%add3A_549] : memref<5120xf32, #tpu.memory_space<vmem>>[vector<16xi32>], vector<16xf32>,
    %add3A_551 = arith.constant 7 : i32
    %add3A_552 = vector.broadcast %add3A_551 : i32 to vector<16xi32>
    %add3A_553 = arith.addi %mul3A_534, %add3A_552 : vector<16xi32>
    tpu.vector_store_idx %arg7[%add3A_553], %gather3A_550 : memref<49152xf32, #tpu.memory_space<vmem>>[vector<16xi32>], vector<16xf32>,
    %add3A_554 = arith.constant 1 : i32
    %add3A_555 = vector.broadcast %add3A_554 : i32 to vector<16xi32>
    %add3A_556 = arith.addi %mul3A_546, %add3A_555 : vector<16xi32>
    %gather3A_557 = tpu.vector_load_idx %arg6[%add3A_556] : memref<5120xf32, #tpu.memory_space<vmem>>[vector<16xi32>], vector<16xf32>,
    %add3A_558 = arith.constant 8 : i32
    %add3A_559 = vector.broadcast %add3A_558 : i32 to vector<16xi32>
    %add3A_560 = arith.addi %mul3A_534, %add3A_559 : vector<16xi32>
    tpu.vector_store_idx %arg7[%add3A_560], %gather3A_557 : memref<49152xf32, #tpu.memory_space<vmem>>[vector<16xi32>], vector<16xf32>,
    %add3A_561 = arith.constant 2 : i32
    %add3A_562 = vector.broadcast %add3A_561 : i32 to vector<16xi32>
    %add3A_563 = arith.addi %mul3A_546, %add3A_562 : vector<16xi32>
    %gather3A_564 = tpu.vector_load_idx %arg6[%add3A_563] : memref<5120xf32, #tpu.memory_space<vmem>>[vector<16xi32>], vector<16xf32>,
    %add3A_565 = arith.constant 9 : i32
    %add3A_566 = vector.broadcast %add3A_565 : i32 to vector<16xi32>
    %add3A_567 = arith.addi %mul3A_534, %add3A_566 : vector<16xi32>
    tpu.vector_store_idx %arg7[%add3A_567], %gather3A_564 : memref<49152xf32, #tpu.memory_space<vmem>>[vector<16xi32>], vector<16xf32>,
    %add3A_568 = arith.constant 3 : i32
    %add3A_569 = vector.broadcast %add3A_568 : i32 to vector<16xi32>
    %add3A_570 = arith.addi %mul3A_546, %add3A_569 : vector<16xi32>
    %gather3A_571 = tpu.vector_load_idx %arg6[%add3A_570] : memref<5120xf32, #tpu.memory_space<vmem>>[vector<16xi32>], vector<16xf32>,
    %add3A_572 = arith.constant 10 : i32
    %add3A_573 = vector.broadcast %add3A_572 : i32 to vector<16xi32>
    %add3A_574 = arith.addi %mul3A_534, %add3A_573 : vector<16xi32>
    tpu.vector_store_idx %arg7[%add3A_574], %gather3A_571 : memref<49152xf32, #tpu.memory_space<vmem>>[vector<16xi32>], vector<16xf32>,
    %add3A_575 = arith.constant 4 : i32
    %add3A_576 = vector.broadcast %add3A_575 : i32 to vector<16xi32>
    %add3A_577 = arith.addi %mul3A_546, %add3A_576 : vector<16xi32>
    %gather3A_578 = tpu.vector_load_idx %arg6[%add3A_577] : memref<5120xf32, #tpu.memory_space<vmem>>[vector<16xi32>], vector<16xf32>,
    %add3A_579 = arith.constant 11 : i32
    %add3A_580 = vector.broadcast %add3A_579 : i32 to vector<16xi32>
    %add3A_581 = arith.addi %mul3A_534, %add3A_580 : vector<16xi32>
    tpu.vector_store_idx %arg7[%add3A_581], %gather3A_578 : memref<49152xf32, #tpu.memory_space<vmem>>[vector<16xi32>], vector<16xf32>,
    %add3A_582 = arith.constant 48 : i32
    %add3A_583 = vector.broadcast %add3A_582 : i32 to vector<16xi32>
    %add3A_584 = arith.addi %iota3A, %add3A_583 : vector<16xi32>
    %mul3A_585 = arith.constant 768 : i32
    %mul3A_586 = vector.broadcast %mul3A_585 : i32 to vector<16xi32>
    %mul3A_587 = arith.muli %add3A_584, %mul3A_586 : vector<16xi32>
    %get3A_588 = arith.constant 176 : index
    %get3A_589 = tpu.vector_load %arg5[%get3A_588] {strides = array<i32>} : memref<1024xi32, #tpu.memory_space<vmem>>, vector<16xi32>,
    %get3A_590 = arith.constant 48 : index
    %get3A_591 = tpu.vector_load %arg5[%get3A_590] {strides = array<i32>} : memref<1024xi32, #tpu.memory_space<vmem>>, vector<16xi32>,
    %add3A_592 = arith.addi %mul3A_587, %get3A_591 : vector<16xi32>
    tpu.vector_store_idx %arg7[%add3A_592], %broadcast_in_dim3A_5 : memref<49152xf32, #tpu.memory_space<vmem>>[vector<16xi32>], vector<16xf32>,
    %add3A_593 = arith.addi %mul3A_587, %get3A_589 : vector<16xi32>
    tpu.vector_store_idx %arg7[%add3A_593], %broadcast_in_dim3A_12 : memref<49152xf32, #tpu.memory_space<vmem>>[vector<16xi32>], vector<16xf32>,
    %add3A_594 = arith.constant 176 : i32
    %add3A_595 = vector.broadcast %add3A_594 : i32 to vector<16xi32>
    %add3A_596 = arith.addi %iota3A, %add3A_595 : vector<16xi32>
    %mul3A_597 = arith.constant 5 : i32
    %mul3A_598 = vector.broadcast %mul3A_597 : i32 to vector<16xi32>
    %mul3A_599 = arith.muli %add3A_596, %mul3A_598 : vector<16xi32>
    %add3A_600 = arith.constant 0 : i32
    %add3A_601 = vector.broadcast %add3A_600 : i32 to vector<16xi32>
    %add3A_602 = arith.addi %mul3A_599, %add3A_601 : vector<16xi32>
    %gather3A_603 = tpu.vector_load_idx %arg6[%add3A_602] : memref<5120xf32, #tpu.memory_space<vmem>>[vector<16xi32>], vector<16xf32>,
    %add3A_604 = arith.constant 7 : i32
    %add3A_605 = vector.broadcast %add3A_604 : i32 to vector<16xi32>
    %add3A_606 = arith.addi %mul3A_587, %add3A_605 : vector<16xi32>
    tpu.vector_store_idx %arg7[%add3A_606], %gather3A_603 : memref<49152xf32, #tpu.memory_space<vmem>>[vector<16xi32>], vector<16xf32>,
    %add3A_607 = arith.constant 1 : i32
    %add3A_608 = vector.broadcast %add3A_607 : i32 to vector<16xi32>
    %add3A_609 = arith.addi %mul3A_599, %add3A_608 : vector<16xi32>
    %gather3A_610 = tpu.vector_load_idx %arg6[%add3A_609] : memref<5120xf32, #tpu.memory_space<vmem>>[vector<16xi32>], vector<16xf32>,
    %add3A_611 = arith.constant 8 : i32
    %add3A_612 = vector.broadcast %add3A_611 : i32 to vector<16xi32>
    %add3A_613 = arith.addi %mul3A_587, %add3A_612 : vector<16xi32>
    tpu.vector_store_idx %arg7[%add3A_613], %gather3A_610 : memref<49152xf32, #tpu.memory_space<vmem>>[vector<16xi32>], vector<16xf32>,
    %add3A_614 = arith.constant 2 : i32
    %add3A_615 = vector.broadcast %add3A_614 : i32 to vector<16xi32>
    %add3A_616 = arith.addi %mul3A_599, %add3A_615 : vector<16xi32>
    %gather3A_617 = tpu.vector_load_idx %arg6[%add3A_616] : memref<5120xf32, #tpu.memory_space<vmem>>[vector<16xi32>], vector<16xf32>,
    %add3A_618 = arith.constant 9 : i32
    %add3A_619 = vector.broadcast %add3A_618 : i32 to vector<16xi32>
    %add3A_620 = arith.addi %mul3A_587, %add3A_619 : vector<16xi32>
    tpu.vector_store_idx %arg7[%add3A_620], %gather3A_617 : memref<49152xf32, #tpu.memory_space<vmem>>[vector<16xi32>], vector<16xf32>,
    %add3A_621 = arith.constant 3 : i32
    %add3A_622 = vector.broadcast %add3A_621 : i32 to vector<16xi32>
    %add3A_623 = arith.addi %mul3A_599, %add3A_622 : vector<16xi32>
    %gather3A_624 = tpu.vector_load_idx %arg6[%add3A_623] : memref<5120xf32, #tpu.memory_space<vmem>>[vector<16xi32>], vector<16xf32>,
    %add3A_625 = arith.constant 10 : i32
    %add3A_626 = vector.broadcast %add3A_625 : i32 to vector<16xi32>
    %add3A_627 = arith.addi %mul3A_587, %add3A_626 : vector<16xi32>
    tpu.vector_store_idx %arg7[%add3A_627], %gather3A_624 : memref<49152xf32, #tpu.memory_space<vmem>>[vector<16xi32>], vector<16xf32>,
    %add3A_628 = arith.constant 4 : i32
    %add3A_629 = vector.broadcast %add3A_628 : i32 to vector<16xi32>
    %add3A_630 = arith.addi %mul3A_599, %add3A_629 : vector<16xi32>
    %gather3A_631 = tpu.vector_load_idx %arg6[%add3A_630] : memref<5120xf32, #tpu.memory_space<vmem>>[vector<16xi32>], vector<16xf32>,
    %add3A_632 = arith.constant 11 : i32
    %add3A_633 = vector.broadcast %add3A_632 : i32 to vector<16xi32>
    %add3A_634 = arith.addi %mul3A_587, %add3A_633 : vector<16xi32>
    tpu.vector_store_idx %arg7[%add3A_634], %gather3A_631 : memref<49152xf32, #tpu.memory_space<vmem>>[vector<16xi32>], vector<16xf32>,
    %add3A_635 = arith.constant 128 : i32
    %add3A_636 = arith.addi %mul3A_2, %add3A_635 : i32
    %mul3A_637 = arith.constant 768 : i32
    %mul3A_638 = arith.muli %add3A_636, %mul3A_637 : i32
    %dma_start3A_639 = tpu.memref_slice %arg4[%mul3A_638] : memref<25165824xf32, #tpu.memory_space<hbm>> -> memref<49152xf32, #tpu.memory_space<hbm>>
    %dma_start3A_640 = tpu.memref_slice %arg4[%mul3A_638] : memref<25165824xf32, #tpu.memory_space<hbm>> -> memref<49152xf32, #tpu.memory_space<hbm>>
    tpu.enqueue_dma source(%arg7 : memref<49152xf32, #tpu.memory_space<vmem>>) target(%dma_start3A_640 : memref<49152xf32, #tpu.memory_space<hbm>>) target_semaphore(%arg9 : memref<!tpu.dma_semaphore, #tpu.memory_space<semaphore_mem>>)
    %dma_wait3A_641 = tpu.memref_slice %arg4[%mul3A_419] : memref<25165824xf32, #tpu.memory_space<hbm>> -> memref<49152xf32, #tpu.memory_space<hbm>>
    %dma_wait3A_642 = tpu.memref_slice %arg4[%mul3A_419] : memref<25165824xf32, #tpu.memory_space<hbm>> -> memref<49152xf32, #tpu.memory_space<hbm>>
    tpu.wait_dma2 semaphore(%arg10 : memref<!tpu.dma_semaphore, #tpu.memory_space<semaphore_mem>>) src(%arg8 : memref<49152xf32, #tpu.memory_space<vmem>>) dst(%dma_wait3A_642 : memref<49152xf32, #tpu.memory_space<hbm>>)
    %add3A_643 = arith.constant 0 : i32
    %add3A_644 = vector.broadcast %add3A_643 : i32 to vector<16xi32>
    %add3A_645 = arith.addi %iota3A, %add3A_644 : vector<16xi32>
    %mul3A_646 = arith.constant 768 : i32
    %mul3A_647 = vector.broadcast %mul3A_646 : i32 to vector<16xi32>
    %mul3A_648 = arith.muli %add3A_645, %mul3A_647 : vector<16xi32>
    %get3A_649 = arith.constant 192 : index
    %get3A_650 = tpu.vector_load %arg5[%get3A_649] {strides = array<i32>} : memref<1024xi32, #tpu.memory_space<vmem>>, vector<16xi32>,
    %get3A_651 = arith.constant 64 : index
    %get3A_652 = tpu.vector_load %arg5[%get3A_651] {strides = array<i32>} : memref<1024xi32, #tpu.memory_space<vmem>>, vector<16xi32>,
    %add3A_653 = arith.addi %mul3A_648, %get3A_652 : vector<16xi32>
    tpu.vector_store_idx %arg8[%add3A_653], %broadcast_in_dim3A_5 : memref<49152xf32, #tpu.memory_space<vmem>>[vector<16xi32>], vector<16xf32>,
    %add3A_654 = arith.addi %mul3A_648, %get3A_650 : vector<16xi32>
    tpu.vector_store_idx %arg8[%add3A_654], %broadcast_in_dim3A_12 : memref<49152xf32, #tpu.memory_space<vmem>>[vector<16xi32>], vector<16xf32>,
    %add3A_655 = arith.constant 192 : i32
    %add3A_656 = vector.broadcast %add3A_655 : i32 to vector<16xi32>
    %add3A_657 = arith.addi %iota3A, %add3A_656 : vector<16xi32>
    %mul3A_658 = arith.constant 5 : i32
    %mul3A_659 = vector.broadcast %mul3A_658 : i32 to vector<16xi32>
    %mul3A_660 = arith.muli %add3A_657, %mul3A_659 : vector<16xi32>
    %add3A_661 = arith.constant 0 : i32
    %add3A_662 = vector.broadcast %add3A_661 : i32 to vector<16xi32>
    %add3A_663 = arith.addi %mul3A_660, %add3A_662 : vector<16xi32>
    %gather3A_664 = tpu.vector_load_idx %arg6[%add3A_663] : memref<5120xf32, #tpu.memory_space<vmem>>[vector<16xi32>], vector<16xf32>,
    %add3A_665 = arith.constant 7 : i32
    %add3A_666 = vector.broadcast %add3A_665 : i32 to vector<16xi32>
    %add3A_667 = arith.addi %mul3A_648, %add3A_666 : vector<16xi32>
    tpu.vector_store_idx %arg8[%add3A_667], %gather3A_664 : memref<49152xf32, #tpu.memory_space<vmem>>[vector<16xi32>], vector<16xf32>,
    %add3A_668 = arith.constant 1 : i32
    %add3A_669 = vector.broadcast %add3A_668 : i32 to vector<16xi32>
    %add3A_670 = arith.addi %mul3A_660, %add3A_669 : vector<16xi32>
    %gather3A_671 = tpu.vector_load_idx %arg6[%add3A_670] : memref<5120xf32, #tpu.memory_space<vmem>>[vector<16xi32>], vector<16xf32>,
    %add3A_672 = arith.constant 8 : i32
    %add3A_673 = vector.broadcast %add3A_672 : i32 to vector<16xi32>
    %add3A_674 = arith.addi %mul3A_648, %add3A_673 : vector<16xi32>
    tpu.vector_store_idx %arg8[%add3A_674], %gather3A_671 : memref<49152xf32, #tpu.memory_space<vmem>>[vector<16xi32>], vector<16xf32>,
    %add3A_675 = arith.constant 2 : i32
    %add3A_676 = vector.broadcast %add3A_675 : i32 to vector<16xi32>
    %add3A_677 = arith.addi %mul3A_660, %add3A_676 : vector<16xi32>
    %gather3A_678 = tpu.vector_load_idx %arg6[%add3A_677] : memref<5120xf32, #tpu.memory_space<vmem>>[vector<16xi32>], vector<16xf32>,
    %add3A_679 = arith.constant 9 : i32
    %add3A_680 = vector.broadcast %add3A_679 : i32 to vector<16xi32>
    %add3A_681 = arith.addi %mul3A_648, %add3A_680 : vector<16xi32>
    tpu.vector_store_idx %arg8[%add3A_681], %gather3A_678 : memref<49152xf32, #tpu.memory_space<vmem>>[vector<16xi32>], vector<16xf32>,
    %add3A_682 = arith.constant 3 : i32
    %add3A_683 = vector.broadcast %add3A_682 : i32 to vector<16xi32>
    %add3A_684 = arith.addi %mul3A_660, %add3A_683 : vector<16xi32>
    %gather3A_685 = tpu.vector_load_idx %arg6[%add3A_684] : memref<5120xf32, #tpu.memory_space<vmem>>[vector<16xi32>], vector<16xf32>,
    %add3A_686 = arith.constant 10 : i32
    %add3A_687 = vector.broadcast %add3A_686 : i32 to vector<16xi32>
    %add3A_688 = arith.addi %mul3A_648, %add3A_687 : vector<16xi32>
    tpu.vector_store_idx %arg8[%add3A_688], %gather3A_685 : memref<49152xf32, #tpu.memory_space<vmem>>[vector<16xi32>], vector<16xf32>,
    %add3A_689 = arith.constant 4 : i32
    %add3A_690 = vector.broadcast %add3A_689 : i32 to vector<16xi32>
    %add3A_691 = arith.addi %mul3A_660, %add3A_690 : vector<16xi32>
    %gather3A_692 = tpu.vector_load_idx %arg6[%add3A_691] : memref<5120xf32, #tpu.memory_space<vmem>>[vector<16xi32>], vector<16xf32>,
    %add3A_693 = arith.constant 11 : i32
    %add3A_694 = vector.broadcast %add3A_693 : i32 to vector<16xi32>
    %add3A_695 = arith.addi %mul3A_648, %add3A_694 : vector<16xi32>
    tpu.vector_store_idx %arg8[%add3A_695], %gather3A_692 : memref<49152xf32, #tpu.memory_space<vmem>>[vector<16xi32>], vector<16xf32>,
    %add3A_696 = arith.constant 16 : i32
    %add3A_697 = vector.broadcast %add3A_696 : i32 to vector<16xi32>
    %add3A_698 = arith.addi %iota3A, %add3A_697 : vector<16xi32>
    %mul3A_699 = arith.constant 768 : i32
    %mul3A_700 = vector.broadcast %mul3A_699 : i32 to vector<16xi32>
    %mul3A_701 = arith.muli %add3A_698, %mul3A_700 : vector<16xi32>
    %get3A_702 = arith.constant 208 : index
    %get3A_703 = tpu.vector_load %arg5[%get3A_702] {strides = array<i32>} : memref<1024xi32, #tpu.memory_space<vmem>>, vector<16xi32>,
    %get3A_704 = arith.constant 80 : index
    %get3A_705 = tpu.vector_load %arg5[%get3A_704] {strides = array<i32>} : memref<1024xi32, #tpu.memory_space<vmem>>, vector<16xi32>,
    %add3A_706 = arith.addi %mul3A_701, %get3A_705 : vector<16xi32>
    tpu.vector_store_idx %arg8[%add3A_706], %broadcast_in_dim3A_5 : memref<49152xf32, #tpu.memory_space<vmem>>[vector<16xi32>], vector<16xf32>,
    %add3A_707 = arith.addi %mul3A_701, %get3A_703 : vector<16xi32>
    tpu.vector_store_idx %arg8[%add3A_707], %broadcast_in_dim3A_12 : memref<49152xf32, #tpu.memory_space<vmem>>[vector<16xi32>], vector<16xf32>,
    %add3A_708 = arith.constant 208 : i32
    %add3A_709 = vector.broadcast %add3A_708 : i32 to vector<16xi32>
    %add3A_710 = arith.addi %iota3A, %add3A_709 : vector<16xi32>
    %mul3A_711 = arith.constant 5 : i32
    %mul3A_712 = vector.broadcast %mul3A_711 : i32 to vector<16xi32>
    %mul3A_713 = arith.muli %add3A_710, %mul3A_712 : vector<16xi32>
    %add3A_714 = arith.constant 0 : i32
    %add3A_715 = vector.broadcast %add3A_714 : i32 to vector<16xi32>
    %add3A_716 = arith.addi %mul3A_713, %add3A_715 : vector<16xi32>
    %gather3A_717 = tpu.vector_load_idx %arg6[%add3A_716] : memref<5120xf32, #tpu.memory_space<vmem>>[vector<16xi32>], vector<16xf32>,
    %add3A_718 = arith.constant 7 : i32
    %add3A_719 = vector.broadcast %add3A_718 : i32 to vector<16xi32>
    %add3A_720 = arith.addi %mul3A_701, %add3A_719 : vector<16xi32>
    tpu.vector_store_idx %arg8[%add3A_720], %gather3A_717 : memref<49152xf32, #tpu.memory_space<vmem>>[vector<16xi32>], vector<16xf32>,
    %add3A_721 = arith.constant 1 : i32
    %add3A_722 = vector.broadcast %add3A_721 : i32 to vector<16xi32>
    %add3A_723 = arith.addi %mul3A_713, %add3A_722 : vector<16xi32>
    %gather3A_724 = tpu.vector_load_idx %arg6[%add3A_723] : memref<5120xf32, #tpu.memory_space<vmem>>[vector<16xi32>], vector<16xf32>,
    %add3A_725 = arith.constant 8 : i32
    %add3A_726 = vector.broadcast %add3A_725 : i32 to vector<16xi32>
    %add3A_727 = arith.addi %mul3A_701, %add3A_726 : vector<16xi32>
    tpu.vector_store_idx %arg8[%add3A_727], %gather3A_724 : memref<49152xf32, #tpu.memory_space<vmem>>[vector<16xi32>], vector<16xf32>,
    %add3A_728 = arith.constant 2 : i32
    %add3A_729 = vector.broadcast %add3A_728 : i32 to vector<16xi32>
    %add3A_730 = arith.addi %mul3A_713, %add3A_729 : vector<16xi32>
    %gather3A_731 = tpu.vector_load_idx %arg6[%add3A_730] : memref<5120xf32, #tpu.memory_space<vmem>>[vector<16xi32>], vector<16xf32>,
    %add3A_732 = arith.constant 9 : i32
    %add3A_733 = vector.broadcast %add3A_732 : i32 to vector<16xi32>
    %add3A_734 = arith.addi %mul3A_701, %add3A_733 : vector<16xi32>
    tpu.vector_store_idx %arg8[%add3A_734], %gather3A_731 : memref<49152xf32, #tpu.memory_space<vmem>>[vector<16xi32>], vector<16xf32>,
    %add3A_735 = arith.constant 3 : i32
    %add3A_736 = vector.broadcast %add3A_735 : i32 to vector<16xi32>
    %add3A_737 = arith.addi %mul3A_713, %add3A_736 : vector<16xi32>
    %gather3A_738 = tpu.vector_load_idx %arg6[%add3A_737] : memref<5120xf32, #tpu.memory_space<vmem>>[vector<16xi32>], vector<16xf32>,
    %add3A_739 = arith.constant 10 : i32
    %add3A_740 = vector.broadcast %add3A_739 : i32 to vector<16xi32>
    %add3A_741 = arith.addi %mul3A_701, %add3A_740 : vector<16xi32>
    tpu.vector_store_idx %arg8[%add3A_741], %gather3A_738 : memref<49152xf32, #tpu.memory_space<vmem>>[vector<16xi32>], vector<16xf32>,
    %add3A_742 = arith.constant 4 : i32
    %add3A_743 = vector.broadcast %add3A_742 : i32 to vector<16xi32>
    %add3A_744 = arith.addi %mul3A_713, %add3A_743 : vector<16xi32>
    %gather3A_745 = tpu.vector_load_idx %arg6[%add3A_744] : memref<5120xf32, #tpu.memory_space<vmem>>[vector<16xi32>], vector<16xf32>,
    %add3A_746 = arith.constant 11 : i32
    %add3A_747 = vector.broadcast %add3A_746 : i32 to vector<16xi32>
    %add3A_748 = arith.addi %mul3A_701, %add3A_747 : vector<16xi32>
    tpu.vector_store_idx %arg8[%add3A_748], %gather3A_745 : memref<49152xf32, #tpu.memory_space<vmem>>[vector<16xi32>], vector<16xf32>,
    %add3A_749 = arith.constant 32 : i32
    %add3A_750 = vector.broadcast %add3A_749 : i32 to vector<16xi32>
    %add3A_751 = arith.addi %iota3A, %add3A_750 : vector<16xi32>
    %mul3A_752 = arith.constant 768 : i32
    %mul3A_753 = vector.broadcast %mul3A_752 : i32 to vector<16xi32>
    %mul3A_754 = arith.muli %add3A_751, %mul3A_753 : vector<16xi32>
    %get3A_755 = arith.constant 224 : index
    %get3A_756 = tpu.vector_load %arg5[%get3A_755] {strides = array<i32>} : memref<1024xi32, #tpu.memory_space<vmem>>, vector<16xi32>,
    %get3A_757 = arith.constant 96 : index
    %get3A_758 = tpu.vector_load %arg5[%get3A_757] {strides = array<i32>} : memref<1024xi32, #tpu.memory_space<vmem>>, vector<16xi32>,
    %add3A_759 = arith.addi %mul3A_754, %get3A_758 : vector<16xi32>
    tpu.vector_store_idx %arg8[%add3A_759], %broadcast_in_dim3A_5 : memref<49152xf32, #tpu.memory_space<vmem>>[vector<16xi32>], vector<16xf32>,
    %add3A_760 = arith.addi %mul3A_754, %get3A_756 : vector<16xi32>
    tpu.vector_store_idx %arg8[%add3A_760], %broadcast_in_dim3A_12 : memref<49152xf32, #tpu.memory_space<vmem>>[vector<16xi32>], vector<16xf32>,
    %add3A_761 = arith.constant 224 : i32
    %add3A_762 = vector.broadcast %add3A_761 : i32 to vector<16xi32>
    %add3A_763 = arith.addi %iota3A, %add3A_762 : vector<16xi32>
    %mul3A_764 = arith.constant 5 : i32
    %mul3A_765 = vector.broadcast %mul3A_764 : i32 to vector<16xi32>
    %mul3A_766 = arith.muli %add3A_763, %mul3A_765 : vector<16xi32>
    %add3A_767 = arith.constant 0 : i32
    %add3A_768 = vector.broadcast %add3A_767 : i32 to vector<16xi32>
    %add3A_769 = arith.addi %mul3A_766, %add3A_768 : vector<16xi32>
    %gather3A_770 = tpu.vector_load_idx %arg6[%add3A_769] : memref<5120xf32, #tpu.memory_space<vmem>>[vector<16xi32>], vector<16xf32>,
    %add3A_771 = arith.constant 7 : i32
    %add3A_772 = vector.broadcast %add3A_771 : i32 to vector<16xi32>
    %add3A_773 = arith.addi %mul3A_754, %add3A_772 : vector<16xi32>
    tpu.vector_store_idx %arg8[%add3A_773], %gather3A_770 : memref<49152xf32, #tpu.memory_space<vmem>>[vector<16xi32>], vector<16xf32>,
    %add3A_774 = arith.constant 1 : i32
    %add3A_775 = vector.broadcast %add3A_774 : i32 to vector<16xi32>
    %add3A_776 = arith.addi %mul3A_766, %add3A_775 : vector<16xi32>
    %gather3A_777 = tpu.vector_load_idx %arg6[%add3A_776] : memref<5120xf32, #tpu.memory_space<vmem>>[vector<16xi32>], vector<16xf32>,
    %add3A_778 = arith.constant 8 : i32
    %add3A_779 = vector.broadcast %add3A_778 : i32 to vector<16xi32>
    %add3A_780 = arith.addi %mul3A_754, %add3A_779 : vector<16xi32>
    tpu.vector_store_idx %arg8[%add3A_780], %gather3A_777 : memref<49152xf32, #tpu.memory_space<vmem>>[vector<16xi32>], vector<16xf32>,
    %add3A_781 = arith.constant 2 : i32
    %add3A_782 = vector.broadcast %add3A_781 : i32 to vector<16xi32>
    %add3A_783 = arith.addi %mul3A_766, %add3A_782 : vector<16xi32>
    %gather3A_784 = tpu.vector_load_idx %arg6[%add3A_783] : memref<5120xf32, #tpu.memory_space<vmem>>[vector<16xi32>], vector<16xf32>,
    %add3A_785 = arith.constant 9 : i32
    %add3A_786 = vector.broadcast %add3A_785 : i32 to vector<16xi32>
    %add3A_787 = arith.addi %mul3A_754, %add3A_786 : vector<16xi32>
    tpu.vector_store_idx %arg8[%add3A_787], %gather3A_784 : memref<49152xf32, #tpu.memory_space<vmem>>[vector<16xi32>], vector<16xf32>,
    %add3A_788 = arith.constant 3 : i32
    %add3A_789 = vector.broadcast %add3A_788 : i32 to vector<16xi32>
    %add3A_790 = arith.addi %mul3A_766, %add3A_789 : vector<16xi32>
    %gather3A_791 = tpu.vector_load_idx %arg6[%add3A_790] : memref<5120xf32, #tpu.memory_space<vmem>>[vector<16xi32>], vector<16xf32>,
    %add3A_792 = arith.constant 10 : i32
    %add3A_793 = vector.broadcast %add3A_792 : i32 to vector<16xi32>
    %add3A_794 = arith.addi %mul3A_754, %add3A_793 : vector<16xi32>
    tpu.vector_store_idx %arg8[%add3A_794], %gather3A_791 : memref<49152xf32, #tpu.memory_space<vmem>>[vector<16xi32>], vector<16xf32>,
    %add3A_795 = arith.constant 4 : i32
    %add3A_796 = vector.broadcast %add3A_795 : i32 to vector<16xi32>
    %add3A_797 = arith.addi %mul3A_766, %add3A_796 : vector<16xi32>
    %gather3A_798 = tpu.vector_load_idx %arg6[%add3A_797] : memref<5120xf32, #tpu.memory_space<vmem>>[vector<16xi32>], vector<16xf32>,
    %add3A_799 = arith.constant 11 : i32
    %add3A_800 = vector.broadcast %add3A_799 : i32 to vector<16xi32>
    %add3A_801 = arith.addi %mul3A_754, %add3A_800 : vector<16xi32>
    tpu.vector_store_idx %arg8[%add3A_801], %gather3A_798 : memref<49152xf32, #tpu.memory_space<vmem>>[vector<16xi32>], vector<16xf32>,
    %add3A_802 = arith.constant 48 : i32
    %add3A_803 = vector.broadcast %add3A_802 : i32 to vector<16xi32>
    %add3A_804 = arith.addi %iota3A, %add3A_803 : vector<16xi32>
    %mul3A_805 = arith.constant 768 : i32
    %mul3A_806 = vector.broadcast %mul3A_805 : i32 to vector<16xi32>
    %mul3A_807 = arith.muli %add3A_804, %mul3A_806 : vector<16xi32>
    %get3A_808 = arith.constant 240 : index
    %get3A_809 = tpu.vector_load %arg5[%get3A_808] {strides = array<i32>} : memref<1024xi32, #tpu.memory_space<vmem>>, vector<16xi32>,
    %get3A_810 = arith.constant 112 : index
    %get3A_811 = tpu.vector_load %arg5[%get3A_810] {strides = array<i32>} : memref<1024xi32, #tpu.memory_space<vmem>>, vector<16xi32>,
    %add3A_812 = arith.addi %mul3A_807, %get3A_811 : vector<16xi32>
    tpu.vector_store_idx %arg8[%add3A_812], %broadcast_in_dim3A_5 : memref<49152xf32, #tpu.memory_space<vmem>>[vector<16xi32>], vector<16xf32>,
    %add3A_813 = arith.addi %mul3A_807, %get3A_809 : vector<16xi32>
    tpu.vector_store_idx %arg8[%add3A_813], %broadcast_in_dim3A_12 : memref<49152xf32, #tpu.memory_space<vmem>>[vector<16xi32>], vector<16xf32>,
    %add3A_814 = arith.constant 240 : i32
    %add3A_815 = vector.broadcast %add3A_814 : i32 to vector<16xi32>
    %add3A_816 = arith.addi %iota3A, %add3A_815 : vector<16xi32>
    %mul3A_817 = arith.constant 5 : i32
    %mul3A_818 = vector.broadcast %mul3A_817 : i32 to vector<16xi32>
    %mul3A_819 = arith.muli %add3A_816, %mul3A_818 : vector<16xi32>
    %add3A_820 = arith.constant 0 : i32
    %add3A_821 = vector.broadcast %add3A_820 : i32 to vector<16xi32>
    %add3A_822 = arith.addi %mul3A_819, %add3A_821 : vector<16xi32>
    %gather3A_823 = tpu.vector_load_idx %arg6[%add3A_822] : memref<5120xf32, #tpu.memory_space<vmem>>[vector<16xi32>], vector<16xf32>,
    %add3A_824 = arith.constant 7 : i32
    %add3A_825 = vector.broadcast %add3A_824 : i32 to vector<16xi32>
    %add3A_826 = arith.addi %mul3A_807, %add3A_825 : vector<16xi32>
    tpu.vector_store_idx %arg8[%add3A_826], %gather3A_823 : memref<49152xf32, #tpu.memory_space<vmem>>[vector<16xi32>], vector<16xf32>,
    %add3A_827 = arith.constant 1 : i32
    %add3A_828 = vector.broadcast %add3A_827 : i32 to vector<16xi32>
    %add3A_829 = arith.addi %mul3A_819, %add3A_828 : vector<16xi32>
    %gather3A_830 = tpu.vector_load_idx %arg6[%add3A_829] : memref<5120xf32, #tpu.memory_space<vmem>>[vector<16xi32>], vector<16xf32>,
    %add3A_831 = arith.constant 8 : i32
    %add3A_832 = vector.broadcast %add3A_831 : i32 to vector<16xi32>
    %add3A_833 = arith.addi %mul3A_807, %add3A_832 : vector<16xi32>
    tpu.vector_store_idx %arg8[%add3A_833], %gather3A_830 : memref<49152xf32, #tpu.memory_space<vmem>>[vector<16xi32>], vector<16xf32>,
    %add3A_834 = arith.constant 2 : i32
    %add3A_835 = vector.broadcast %add3A_834 : i32 to vector<16xi32>
    %add3A_836 = arith.addi %mul3A_819, %add3A_835 : vector<16xi32>
    %gather3A_837 = tpu.vector_load_idx %arg6[%add3A_836] : memref<5120xf32, #tpu.memory_space<vmem>>[vector<16xi32>], vector<16xf32>,
    %add3A_838 = arith.constant 9 : i32
    %add3A_839 = vector.broadcast %add3A_838 : i32 to vector<16xi32>
    %add3A_840 = arith.addi %mul3A_807, %add3A_839 : vector<16xi32>
    tpu.vector_store_idx %arg8[%add3A_840], %gather3A_837 : memref<49152xf32, #tpu.memory_space<vmem>>[vector<16xi32>], vector<16xf32>,
    %add3A_841 = arith.constant 3 : i32
    %add3A_842 = vector.broadcast %add3A_841 : i32 to vector<16xi32>
    %add3A_843 = arith.addi %mul3A_819, %add3A_842 : vector<16xi32>
    %gather3A_844 = tpu.vector_load_idx %arg6[%add3A_843] : memref<5120xf32, #tpu.memory_space<vmem>>[vector<16xi32>], vector<16xf32>,
    %add3A_845 = arith.constant 10 : i32
    %add3A_846 = vector.broadcast %add3A_845 : i32 to vector<16xi32>
    %add3A_847 = arith.addi %mul3A_807, %add3A_846 : vector<16xi32>
    tpu.vector_store_idx %arg8[%add3A_847], %gather3A_844 : memref<49152xf32, #tpu.memory_space<vmem>>[vector<16xi32>], vector<16xf32>,
    %add3A_848 = arith.constant 4 : i32
    %add3A_849 = vector.broadcast %add3A_848 : i32 to vector<16xi32>
    %add3A_850 = arith.addi %mul3A_819, %add3A_849 : vector<16xi32>
    %gather3A_851 = tpu.vector_load_idx %arg6[%add3A_850] : memref<5120xf32, #tpu.memory_space<vmem>>[vector<16xi32>], vector<16xf32>,
    %add3A_852 = arith.constant 11 : i32
    %add3A_853 = vector.broadcast %add3A_852 : i32 to vector<16xi32>
    %add3A_854 = arith.addi %mul3A_807, %add3A_853 : vector<16xi32>
    tpu.vector_store_idx %arg8[%add3A_854], %gather3A_851 : memref<49152xf32, #tpu.memory_space<vmem>>[vector<16xi32>], vector<16xf32>,
    %add3A_855 = arith.constant 192 : i32
    %add3A_856 = arith.addi %mul3A_2, %add3A_855 : i32
    %mul3A_857 = arith.constant 768 : i32
    %mul3A_858 = arith.muli %add3A_856, %mul3A_857 : i32
    %dma_start3A_859 = tpu.memref_slice %arg4[%mul3A_858] : memref<25165824xf32, #tpu.memory_space<hbm>> -> memref<49152xf32, #tpu.memory_space<hbm>>
    %dma_start3A_860 = tpu.memref_slice %arg4[%mul3A_858] : memref<25165824xf32, #tpu.memory_space<hbm>> -> memref<49152xf32, #tpu.memory_space<hbm>>
    tpu.enqueue_dma source(%arg8 : memref<49152xf32, #tpu.memory_space<vmem>>) target(%dma_start3A_860 : memref<49152xf32, #tpu.memory_space<hbm>>) target_semaphore(%arg10 : memref<!tpu.dma_semaphore, #tpu.memory_space<semaphore_mem>>)
    %dma_wait3A_861 = tpu.memref_slice %arg4[%mul3A_638] : memref<25165824xf32, #tpu.memory_space<hbm>> -> memref<49152xf32, #tpu.memory_space<hbm>>
    %dma_wait3A_862 = tpu.memref_slice %arg4[%mul3A_638] : memref<25165824xf32, #tpu.memory_space<hbm>> -> memref<49152xf32, #tpu.memory_space<hbm>>
    tpu.wait_dma2 semaphore(%arg9 : memref<!tpu.dma_semaphore, #tpu.memory_space<semaphore_mem>>) src(%arg7 : memref<49152xf32, #tpu.memory_space<vmem>>) dst(%dma_wait3A_862 : memref<49152xf32, #tpu.memory_space<hbm>>)
    %add3A_863 = arith.constant 0 : i32
    %add3A_864 = vector.broadcast %add3A_863 : i32 to vector<16xi32>
    %add3A_865 = arith.addi %iota3A, %add3A_864 : vector<16xi32>
    %mul3A_866 = arith.constant 768 : i32
    %mul3A_867 = vector.broadcast %mul3A_866 : i32 to vector<16xi32>
    %mul3A_868 = arith.muli %add3A_865, %mul3A_867 : vector<16xi32>
    %get3A_869 = arith.constant 256 : index
    %get3A_870 = tpu.vector_load %arg5[%get3A_869] {strides = array<i32>} : memref<1024xi32, #tpu.memory_space<vmem>>, vector<16xi32>,
    %get3A_871 = arith.constant 128 : index
    %get3A_872 = tpu.vector_load %arg5[%get3A_871] {strides = array<i32>} : memref<1024xi32, #tpu.memory_space<vmem>>, vector<16xi32>,
    %add3A_873 = arith.addi %mul3A_868, %get3A_872 : vector<16xi32>
    tpu.vector_store_idx %arg7[%add3A_873], %broadcast_in_dim3A_5 : memref<49152xf32, #tpu.memory_space<vmem>>[vector<16xi32>], vector<16xf32>,
    %add3A_874 = arith.addi %mul3A_868, %get3A_870 : vector<16xi32>
    tpu.vector_store_idx %arg7[%add3A_874], %broadcast_in_dim3A_12 : memref<49152xf32, #tpu.memory_space<vmem>>[vector<16xi32>], vector<16xf32>,
    %add3A_875 = arith.constant 256 : i32
    %add3A_876 = vector.broadcast %add3A_875 : i32 to vector<16xi32>
    %add3A_877 = arith.addi %iota3A, %add3A_876 : vector<16xi32>
    %mul3A_878 = arith.constant 5 : i32
    %mul3A_879 = vector.broadcast %mul3A_878 : i32 to vector<16xi32>
    %mul3A_880 = arith.muli %add3A_877, %mul3A_879 : vector<16xi32>
    %add3A_881 = arith.constant 0 : i32
    %add3A_882 = vector.broadcast %add3A_881 : i32 to vector<16xi32>
    %add3A_883 = arith.addi %mul3A_880, %add3A_882 : vector<16xi32>
    %gather3A_884 = tpu.vector_load_idx %arg6[%add3A_883] : memref<5120xf32, #tpu.memory_space<vmem>>[vector<16xi32>], vector<16xf32>,
    %add3A_885 = arith.constant 7 : i32
    %add3A_886 = vector.broadcast %add3A_885 : i32 to vector<16xi32>
    %add3A_887 = arith.addi %mul3A_868, %add3A_886 : vector<16xi32>
    tpu.vector_store_idx %arg7[%add3A_887], %gather3A_884 : memref<49152xf32, #tpu.memory_space<vmem>>[vector<16xi32>], vector<16xf32>,
    %add3A_888 = arith.constant 1 : i32
    %add3A_889 = vector.broadcast %add3A_888 : i32 to vector<16xi32>
    %add3A_890 = arith.addi %mul3A_880, %add3A_889 : vector<16xi32>
    %gather3A_891 = tpu.vector_load_idx %arg6[%add3A_890] : memref<5120xf32, #tpu.memory_space<vmem>>[vector<16xi32>], vector<16xf32>,
    %add3A_892 = arith.constant 8 : i32
    %add3A_893 = vector.broadcast %add3A_892 : i32 to vector<16xi32>
    %add3A_894 = arith.addi %mul3A_868, %add3A_893 : vector<16xi32>
    tpu.vector_store_idx %arg7[%add3A_894], %gather3A_891 : memref<49152xf32, #tpu.memory_space<vmem>>[vector<16xi32>], vector<16xf32>,
    %add3A_895 = arith.constant 2 : i32
    %add3A_896 = vector.broadcast %add3A_895 : i32 to vector<16xi32>
    %add3A_897 = arith.addi %mul3A_880, %add3A_896 : vector<16xi32>
    %gather3A_898 = tpu.vector_load_idx %arg6[%add3A_897] : memref<5120xf32, #tpu.memory_space<vmem>>[vector<16xi32>], vector<16xf32>,
    %add3A_899 = arith.constant 9 : i32
    %add3A_900 = vector.broadcast %add3A_899 : i32 to vector<16xi32>
    %add3A_901 = arith.addi %mul3A_868, %add3A_900 : vector<16xi32>
    tpu.vector_store_idx %arg7[%add3A_901], %gather3A_898 : memref<49152xf32, #tpu.memory_space<vmem>>[vector<16xi32>], vector<16xf32>,
    %add3A_902 = arith.constant 3 : i32
    %add3A_903 = vector.broadcast %add3A_902 : i32 to vector<16xi32>
    %add3A_904 = arith.addi %mul3A_880, %add3A_903 : vector<16xi32>
    %gather3A_905 = tpu.vector_load_idx %arg6[%add3A_904] : memref<5120xf32, #tpu.memory_space<vmem>>[vector<16xi32>], vector<16xf32>,
    %add3A_906 = arith.constant 10 : i32
    %add3A_907 = vector.broadcast %add3A_906 : i32 to vector<16xi32>
    %add3A_908 = arith.addi %mul3A_868, %add3A_907 : vector<16xi32>
    tpu.vector_store_idx %arg7[%add3A_908], %gather3A_905 : memref<49152xf32, #tpu.memory_space<vmem>>[vector<16xi32>], vector<16xf32>,
    %add3A_909 = arith.constant 4 : i32
    %add3A_910 = vector.broadcast %add3A_909 : i32 to vector<16xi32>
    %add3A_911 = arith.addi %mul3A_880, %add3A_910 : vector<16xi32>
    %gather3A_912 = tpu.vector_load_idx %arg6[%add3A_911] : memref<5120xf32, #tpu.memory_space<vmem>>[vector<16xi32>], vector<16xf32>,
    %add3A_913 = arith.constant 11 : i32
    %add3A_914 = vector.broadcast %add3A_913 : i32 to vector<16xi32>
    %add3A_915 = arith.addi %mul3A_868, %add3A_914 : vector<16xi32>
    tpu.vector_store_idx %arg7[%add3A_915], %gather3A_912 : memref<49152xf32, #tpu.memory_space<vmem>>[vector<16xi32>], vector<16xf32>,
    %add3A_916 = arith.constant 16 : i32
    %add3A_917 = vector.broadcast %add3A_916 : i32 to vector<16xi32>
    %add3A_918 = arith.addi %iota3A, %add3A_917 : vector<16xi32>
    %mul3A_919 = arith.constant 768 : i32
    %mul3A_920 = vector.broadcast %mul3A_919 : i32 to vector<16xi32>
    %mul3A_921 = arith.muli %add3A_918, %mul3A_920 : vector<16xi32>
    %get3A_922 = arith.constant 272 : index
    %get3A_923 = tpu.vector_load %arg5[%get3A_922] {strides = array<i32>} : memref<1024xi32, #tpu.memory_space<vmem>>, vector<16xi32>,
    %get3A_924 = arith.constant 144 : index
    %get3A_925 = tpu.vector_load %arg5[%get3A_924] {strides = array<i32>} : memref<1024xi32, #tpu.memory_space<vmem>>, vector<16xi32>,
    %add3A_926 = arith.addi %mul3A_921, %get3A_925 : vector<16xi32>
    tpu.vector_store_idx %arg7[%add3A_926], %broadcast_in_dim3A_5 : memref<49152xf32, #tpu.memory_space<vmem>>[vector<16xi32>], vector<16xf32>,
    %add3A_927 = arith.addi %mul3A_921, %get3A_923 : vector<16xi32>
    tpu.vector_store_idx %arg7[%add3A_927], %broadcast_in_dim3A_12 : memref<49152xf32, #tpu.memory_space<vmem>>[vector<16xi32>], vector<16xf32>,
    %add3A_928 = arith.constant 272 : i32
    %add3A_929 = vector.broadcast %add3A_928 : i32 to vector<16xi32>
    %add3A_930 = arith.addi %iota3A, %add3A_929 : vector<16xi32>
    %mul3A_931 = arith.constant 5 : i32
    %mul3A_932 = vector.broadcast %mul3A_931 : i32 to vector<16xi32>
    %mul3A_933 = arith.muli %add3A_930, %mul3A_932 : vector<16xi32>
    %add3A_934 = arith.constant 0 : i32
    %add3A_935 = vector.broadcast %add3A_934 : i32 to vector<16xi32>
    %add3A_936 = arith.addi %mul3A_933, %add3A_935 : vector<16xi32>
    %gather3A_937 = tpu.vector_load_idx %arg6[%add3A_936] : memref<5120xf32, #tpu.memory_space<vmem>>[vector<16xi32>], vector<16xf32>,
    %add3A_938 = arith.constant 7 : i32
    %add3A_939 = vector.broadcast %add3A_938 : i32 to vector<16xi32>
    %add3A_940 = arith.addi %mul3A_921, %add3A_939 : vector<16xi32>
    tpu.vector_store_idx %arg7[%add3A_940], %gather3A_937 : memref<49152xf32, #tpu.memory_space<vmem>>[vector<16xi32>], vector<16xf32>,
    %add3A_941 = arith.constant 1 : i32
    %add3A_942 = vector.broadcast %add3A_941 : i32 to vector<16xi32>
    %add3A_943 = arith.addi %mul3A_933, %add3A_942 : vector<16xi32>
    %gather3A_944 = tpu.vector_load_idx %arg6[%add3A_943] : memref<5120xf32, #tpu.memory_space<vmem>>[vector<16xi32>], vector<16xf32>,
    %add3A_945 = arith.constant 8 : i32
    %add3A_946 = vector.broadcast %add3A_945 : i32 to vector<16xi32>
    %add3A_947 = arith.addi %mul3A_921, %add3A_946 : vector<16xi32>
    tpu.vector_store_idx %arg7[%add3A_947], %gather3A_944 : memref<49152xf32, #tpu.memory_space<vmem>>[vector<16xi32>], vector<16xf32>,
    %add3A_948 = arith.constant 2 : i32
    %add3A_949 = vector.broadcast %add3A_948 : i32 to vector<16xi32>
    %add3A_950 = arith.addi %mul3A_933, %add3A_949 : vector<16xi32>
    %gather3A_951 = tpu.vector_load_idx %arg6[%add3A_950] : memref<5120xf32, #tpu.memory_space<vmem>>[vector<16xi32>], vector<16xf32>,
    %add3A_952 = arith.constant 9 : i32
    %add3A_953 = vector.broadcast %add3A_952 : i32 to vector<16xi32>
    %add3A_954 = arith.addi %mul3A_921, %add3A_953 : vector<16xi32>
    tpu.vector_store_idx %arg7[%add3A_954], %gather3A_951 : memref<49152xf32, #tpu.memory_space<vmem>>[vector<16xi32>], vector<16xf32>,
    %add3A_955 = arith.constant 3 : i32
    %add3A_956 = vector.broadcast %add3A_955 : i32 to vector<16xi32>
    %add3A_957 = arith.addi %mul3A_933, %add3A_956 : vector<16xi32>
    %gather3A_958 = tpu.vector_load_idx %arg6[%add3A_957] : memref<5120xf32, #tpu.memory_space<vmem>>[vector<16xi32>], vector<16xf32>,
    %add3A_959 = arith.constant 10 : i32
    %add3A_960 = vector.broadcast %add3A_959 : i32 to vector<16xi32>
    %add3A_961 = arith.addi %mul3A_921, %add3A_960 : vector<16xi32>
    tpu.vector_store_idx %arg7[%add3A_961], %gather3A_958 : memref<49152xf32, #tpu.memory_space<vmem>>[vector<16xi32>], vector<16xf32>,
    %add3A_962 = arith.constant 4 : i32
    %add3A_963 = vector.broadcast %add3A_962 : i32 to vector<16xi32>
    %add3A_964 = arith.addi %mul3A_933, %add3A_963 : vector<16xi32>
    %gather3A_965 = tpu.vector_load_idx %arg6[%add3A_964] : memref<5120xf32, #tpu.memory_space<vmem>>[vector<16xi32>], vector<16xf32>,
    %add3A_966 = arith.constant 11 : i32
    %add3A_967 = vector.broadcast %add3A_966 : i32 to vector<16xi32>
    %add3A_968 = arith.addi %mul3A_921, %add3A_967 : vector<16xi32>
    tpu.vector_store_idx %arg7[%add3A_968], %gather3A_965 : memref<49152xf32, #tpu.memory_space<vmem>>[vector<16xi32>], vector<16xf32>,
    %add3A_969 = arith.constant 32 : i32
    %add3A_970 = vector.broadcast %add3A_969 : i32 to vector<16xi32>
    %add3A_971 = arith.addi %iota3A, %add3A_970 : vector<16xi32>
    %mul3A_972 = arith.constant 768 : i32
    %mul3A_973 = vector.broadcast %mul3A_972 : i32 to vector<16xi32>
    %mul3A_974 = arith.muli %add3A_971, %mul3A_973 : vector<16xi32>
    %get3A_975 = arith.constant 288 : index
    %get3A_976 = tpu.vector_load %arg5[%get3A_975] {strides = array<i32>} : memref<1024xi32, #tpu.memory_space<vmem>>, vector<16xi32>,
    %get3A_977 = arith.constant 160 : index
    %get3A_978 = tpu.vector_load %arg5[%get3A_977] {strides = array<i32>} : memref<1024xi32, #tpu.memory_space<vmem>>, vector<16xi32>,
    %add3A_979 = arith.addi %mul3A_974, %get3A_978 : vector<16xi32>
    tpu.vector_store_idx %arg7[%add3A_979], %broadcast_in_dim3A_5 : memref<49152xf32, #tpu.memory_space<vmem>>[vector<16xi32>], vector<16xf32>,
    %add3A_980 = arith.addi %mul3A_974, %get3A_976 : vector<16xi32>
    tpu.vector_store_idx %arg7[%add3A_980], %broadcast_in_dim3A_12 : memref<49152xf32, #tpu.memory_space<vmem>>[vector<16xi32>], vector<16xf32>,
    %add3A_981 = arith.constant 288 : i32
    %add3A_982 = vector.broadcast %add3A_981 : i32 to vector<16xi32>
    %add3A_983 = arith.addi %iota3A, %add3A_982 : vector<16xi32>
    %mul3A_984 = arith.constant 5 : i32
    %mul3A_985 = vector.broadcast %mul3A_984 : i32 to vector<16xi32>
    %mul3A_986 = arith.muli %add3A_983, %mul3A_985 : vector<16xi32>
    %add3A_987 = arith.constant 0 : i32
    %add3A_988 = vector.broadcast %add3A_987 : i32 to vector<16xi32>
    %add3A_989 = arith.addi %mul3A_986, %add3A_988 : vector<16xi32>
    %gather3A_990 = tpu.vector_load_idx %arg6[%add3A_989] : memref<5120xf32, #tpu.memory_space<vmem>>[vector<16xi32>], vector<16xf32>,
    %add3A_991 = arith.constant 7 : i32
    %add3A_992 = vector.broadcast %add3A_991 : i32 to vector<16xi32>
    %add3A_993 = arith.addi %mul3A_974, %add3A_992 : vector<16xi32>
    tpu.vector_store_idx %arg7[%add3A_993], %gather3A_990 : memref<49152xf32, #tpu.memory_space<vmem>>[vector<16xi32>], vector<16xf32>,
    %add3A_994 = arith.constant 1 : i32
    %add3A_995 = vector.broadcast %add3A_994 : i32 to vector<16xi32>
    %add3A_996 = arith.addi %mul3A_986, %add3A_995 : vector<16xi32>
    %gather3A_997 = tpu.vector_load_idx %arg6[%add3A_996] : memref<5120xf32, #tpu.memory_space<vmem>>[vector<16xi32>], vector<16xf32>,
    %add3A_998 = arith.constant 8 : i32
    %add3A_999 = vector.broadcast %add3A_998 : i32 to vector<16xi32>
    %add3A_1000 = arith.addi %mul3A_974, %add3A_999 : vector<16xi32>
    tpu.vector_store_idx %arg7[%add3A_1000], %gather3A_997 : memref<49152xf32, #tpu.memory_space<vmem>>[vector<16xi32>], vector<16xf32>,
    %add3A_1001 = arith.constant 2 : i32
    %add3A_1002 = vector.broadcast %add3A_1001 : i32 to vector<16xi32>
    %add3A_1003 = arith.addi %mul3A_986, %add3A_1002 : vector<16xi32>
    %gather3A_1004 = tpu.vector_load_idx %arg6[%add3A_1003] : memref<5120xf32, #tpu.memory_space<vmem>>[vector<16xi32>], vector<16xf32>,
    %add3A_1005 = arith.constant 9 : i32
    %add3A_1006 = vector.broadcast %add3A_1005 : i32 to vector<16xi32>
    %add3A_1007 = arith.addi %mul3A_974, %add3A_1006 : vector<16xi32>
    tpu.vector_store_idx %arg7[%add3A_1007], %gather3A_1004 : memref<49152xf32, #tpu.memory_space<vmem>>[vector<16xi32>], vector<16xf32>,
    %add3A_1008 = arith.constant 3 : i32
    %add3A_1009 = vector.broadcast %add3A_1008 : i32 to vector<16xi32>
    %add3A_1010 = arith.addi %mul3A_986, %add3A_1009 : vector<16xi32>
    %gather3A_1011 = tpu.vector_load_idx %arg6[%add3A_1010] : memref<5120xf32, #tpu.memory_space<vmem>>[vector<16xi32>], vector<16xf32>,
    %add3A_1012 = arith.constant 10 : i32
    %add3A_1013 = vector.broadcast %add3A_1012 : i32 to vector<16xi32>
    %add3A_1014 = arith.addi %mul3A_974, %add3A_1013 : vector<16xi32>
    tpu.vector_store_idx %arg7[%add3A_1014], %gather3A_1011 : memref<49152xf32, #tpu.memory_space<vmem>>[vector<16xi32>], vector<16xf32>,
    %add3A_1015 = arith.constant 4 : i32
    %add3A_1016 = vector.broadcast %add3A_1015 : i32 to vector<16xi32>
    %add3A_1017 = arith.addi %mul3A_986, %add3A_1016 : vector<16xi32>
    %gather3A_1018 = tpu.vector_load_idx %arg6[%add3A_1017] : memref<5120xf32, #tpu.memory_space<vmem>>[vector<16xi32>], vector<16xf32>,
    %add3A_1019 = arith.constant 11 : i32
    %add3A_1020 = vector.broadcast %add3A_1019 : i32 to vector<16xi32>
    %add3A_1021 = arith.addi %mul3A_974, %add3A_1020 : vector<16xi32>
    tpu.vector_store_idx %arg7[%add3A_1021], %gather3A_1018 : memref<49152xf32, #tpu.memory_space<vmem>>[vector<16xi32>], vector<16xf32>,
    %add3A_1022 = arith.constant 48 : i32
    %add3A_1023 = vector.broadcast %add3A_1022 : i32 to vector<16xi32>
    %add3A_1024 = arith.addi %iota3A, %add3A_1023 : vector<16xi32>
    %mul3A_1025 = arith.constant 768 : i32
    %mul3A_1026 = vector.broadcast %mul3A_1025 : i32 to vector<16xi32>
    %mul3A_1027 = arith.muli %add3A_1024, %mul3A_1026 : vector<16xi32>
    %get3A_1028 = arith.constant 304 : index
    %get3A_1029 = tpu.vector_load %arg5[%get3A_1028] {strides = array<i32>} : memref<1024xi32, #tpu.memory_space<vmem>>, vector<16xi32>,
    %get3A_1030 = arith.constant 176 : index
    %get3A_1031 = tpu.vector_load %arg5[%get3A_1030] {strides = array<i32>} : memref<1024xi32, #tpu.memory_space<vmem>>, vector<16xi32>,
    %add3A_1032 = arith.addi %mul3A_1027, %get3A_1031 : vector<16xi32>
    tpu.vector_store_idx %arg7[%add3A_1032], %broadcast_in_dim3A_5 : memref<49152xf32, #tpu.memory_space<vmem>>[vector<16xi32>], vector<16xf32>,
    %add3A_1033 = arith.addi %mul3A_1027, %get3A_1029 : vector<16xi32>
    tpu.vector_store_idx %arg7[%add3A_1033], %broadcast_in_dim3A_12 : memref<49152xf32, #tpu.memory_space<vmem>>[vector<16xi32>], vector<16xf32>,
    %add3A_1034 = arith.constant 304 : i32
    %add3A_1035 = vector.broadcast %add3A_1034 : i32 to vector<16xi32>
    %add3A_1036 = arith.addi %iota3A, %add3A_1035 : vector<16xi32>
    %mul3A_1037 = arith.constant 5 : i32
    %mul3A_1038 = vector.broadcast %mul3A_1037 : i32 to vector<16xi32>
    %mul3A_1039 = arith.muli %add3A_1036, %mul3A_1038 : vector<16xi32>
    %add3A_1040 = arith.constant 0 : i32
    %add3A_1041 = vector.broadcast %add3A_1040 : i32 to vector<16xi32>
    %add3A_1042 = arith.addi %mul3A_1039, %add3A_1041 : vector<16xi32>
    %gather3A_1043 = tpu.vector_load_idx %arg6[%add3A_1042] : memref<5120xf32, #tpu.memory_space<vmem>>[vector<16xi32>], vector<16xf32>,
    %add3A_1044 = arith.constant 7 : i32
    %add3A_1045 = vector.broadcast %add3A_1044 : i32 to vector<16xi32>
    %add3A_1046 = arith.addi %mul3A_1027, %add3A_1045 : vector<16xi32>
    tpu.vector_store_idx %arg7[%add3A_1046], %gather3A_1043 : memref<49152xf32, #tpu.memory_space<vmem>>[vector<16xi32>], vector<16xf32>,
    %add3A_1047 = arith.constant 1 : i32
    %add3A_1048 = vector.broadcast %add3A_1047 : i32 to vector<16xi32>
    %add3A_1049 = arith.addi %mul3A_1039, %add3A_1048 : vector<16xi32>
    %gather3A_1050 = tpu.vector_load_idx %arg6[%add3A_1049] : memref<5120xf32, #tpu.memory_space<vmem>>[vector<16xi32>], vector<16xf32>,
    %add3A_1051 = arith.constant 8 : i32
    %add3A_1052 = vector.broadcast %add3A_1051 : i32 to vector<16xi32>
    %add3A_1053 = arith.addi %mul3A_1027, %add3A_1052 : vector<16xi32>
    tpu.vector_store_idx %arg7[%add3A_1053], %gather3A_1050 : memref<49152xf32, #tpu.memory_space<vmem>>[vector<16xi32>], vector<16xf32>,
    %add3A_1054 = arith.constant 2 : i32
    %add3A_1055 = vector.broadcast %add3A_1054 : i32 to vector<16xi32>
    %add3A_1056 = arith.addi %mul3A_1039, %add3A_1055 : vector<16xi32>
    %gather3A_1057 = tpu.vector_load_idx %arg6[%add3A_1056] : memref<5120xf32, #tpu.memory_space<vmem>>[vector<16xi32>], vector<16xf32>,
    %add3A_1058 = arith.constant 9 : i32
    %add3A_1059 = vector.broadcast %add3A_1058 : i32 to vector<16xi32>
    %add3A_1060 = arith.addi %mul3A_1027, %add3A_1059 : vector<16xi32>
    tpu.vector_store_idx %arg7[%add3A_1060], %gather3A_1057 : memref<49152xf32, #tpu.memory_space<vmem>>[vector<16xi32>], vector<16xf32>,
    %add3A_1061 = arith.constant 3 : i32
    %add3A_1062 = vector.broadcast %add3A_1061 : i32 to vector<16xi32>
    %add3A_1063 = arith.addi %mul3A_1039, %add3A_1062 : vector<16xi32>
    %gather3A_1064 = tpu.vector_load_idx %arg6[%add3A_1063] : memref<5120xf32, #tpu.memory_space<vmem>>[vector<16xi32>], vector<16xf32>,
    %add3A_1065 = arith.constant 10 : i32
    %add3A_1066 = vector.broadcast %add3A_1065 : i32 to vector<16xi32>
    %add3A_1067 = arith.addi %mul3A_1027, %add3A_1066 : vector<16xi32>
    tpu.vector_store_idx %arg7[%add3A_1067], %gather3A_1064 : memref<49152xf32, #tpu.memory_space<vmem>>[vector<16xi32>], vector<16xf32>,
    %add3A_1068 = arith.constant 4 : i32
    %add3A_1069 = vector.broadcast %add3A_1068 : i32 to vector<16xi32>
    %add3A_1070 = arith.addi %mul3A_1039, %add3A_1069 : vector<16xi32>
    %gather3A_1071 = tpu.vector_load_idx %arg6[%add3A_1070] : memref<5120xf32, #tpu.memory_space<vmem>>[vector<16xi32>], vector<16xf32>,
    %add3A_1072 = arith.constant 11 : i32
    %add3A_1073 = vector.broadcast %add3A_1072 : i32 to vector<16xi32>
    %add3A_1074 = arith.addi %mul3A_1027, %add3A_1073 : vector<16xi32>
    tpu.vector_store_idx %arg7[%add3A_1074], %gather3A_1071 : memref<49152xf32, #tpu.memory_space<vmem>>[vector<16xi32>], vector<16xf32>,
    %add3A_1075 = arith.constant 256 : i32
    %add3A_1076 = arith.addi %mul3A_2, %add3A_1075 : i32
    %mul3A_1077 = arith.constant 768 : i32
    %mul3A_1078 = arith.muli %add3A_1076, %mul3A_1077 : i32
    %dma_start3A_1079 = tpu.memref_slice %arg4[%mul3A_1078] : memref<25165824xf32, #tpu.memory_space<hbm>> -> memref<49152xf32, #tpu.memory_space<hbm>>
    %dma_start3A_1080 = tpu.memref_slice %arg4[%mul3A_1078] : memref<25165824xf32, #tpu.memory_space<hbm>> -> memref<49152xf32, #tpu.memory_space<hbm>>
    tpu.enqueue_dma source(%arg7 : memref<49152xf32, #tpu.memory_space<vmem>>) target(%dma_start3A_1080 : memref<49152xf32, #tpu.memory_space<hbm>>) target_semaphore(%arg9 : memref<!tpu.dma_semaphore, #tpu.memory_space<semaphore_mem>>)
    %dma_wait3A_1081 = tpu.memref_slice %arg4[%mul3A_858] : memref<25165824xf32, #tpu.memory_space<hbm>> -> memref<49152xf32, #tpu.memory_space<hbm>>
    %dma_wait3A_1082 = tpu.memref_slice %arg4[%mul3A_858] : memref<25165824xf32, #tpu.memory_space<hbm>> -> memref<49152xf32, #tpu.memory_space<hbm>>
    tpu.wait_dma2 semaphore(%arg10 : memref<!tpu.dma_semaphore, #tpu.memory_space<semaphore_mem>>) src(%arg8 : memref<49152xf32, #tpu.memory_space<vmem>>) dst(%dma_wait3A_1082 : memref<49152xf32, #tpu.memory_space<hbm>>)
    %add3A_1083 = arith.constant 0 : i32
    %add3A_1084 = vector.broadcast %add3A_1083 : i32 to vector<16xi32>
    %add3A_1085 = arith.addi %iota3A, %add3A_1084 : vector<16xi32>
    %mul3A_1086 = arith.constant 768 : i32
    %mul3A_1087 = vector.broadcast %mul3A_1086 : i32 to vector<16xi32>
    %mul3A_1088 = arith.muli %add3A_1085, %mul3A_1087 : vector<16xi32>
    %get3A_1089 = arith.constant 320 : index
    %get3A_1090 = tpu.vector_load %arg5[%get3A_1089] {strides = array<i32>} : memref<1024xi32, #tpu.memory_space<vmem>>, vector<16xi32>,
    %get3A_1091 = arith.constant 192 : index
    %get3A_1092 = tpu.vector_load %arg5[%get3A_1091] {strides = array<i32>} : memref<1024xi32, #tpu.memory_space<vmem>>, vector<16xi32>,
    %add3A_1093 = arith.addi %mul3A_1088, %get3A_1092 : vector<16xi32>
    tpu.vector_store_idx %arg8[%add3A_1093], %broadcast_in_dim3A_5 : memref<49152xf32, #tpu.memory_space<vmem>>[vector<16xi32>], vector<16xf32>,
    %add3A_1094 = arith.addi %mul3A_1088, %get3A_1090 : vector<16xi32>
    tpu.vector_store_idx %arg8[%add3A_1094], %broadcast_in_dim3A_12 : memref<49152xf32, #tpu.memory_space<vmem>>[vector<16xi32>], vector<16xf32>,
    %add3A_1095 = arith.constant 320 : i32
    %add3A_1096 = vector.broadcast %add3A_1095 : i32 to vector<16xi32>
    %add3A_1097 = arith.addi %iota3A, %add3A_1096 : vector<16xi32>
    %mul3A_1098 = arith.constant 5 : i32
    %mul3A_1099 = vector.broadcast %mul3A_1098 : i32 to vector<16xi32>
    %mul3A_1100 = arith.muli %add3A_1097, %mul3A_1099 : vector<16xi32>
    %add3A_1101 = arith.constant 0 : i32
    %add3A_1102 = vector.broadcast %add3A_1101 : i32 to vector<16xi32>
    %add3A_1103 = arith.addi %mul3A_1100, %add3A_1102 : vector<16xi32>
    %gather3A_1104 = tpu.vector_load_idx %arg6[%add3A_1103] : memref<5120xf32, #tpu.memory_space<vmem>>[vector<16xi32>], vector<16xf32>,
    %add3A_1105 = arith.constant 7 : i32
    %add3A_1106 = vector.broadcast %add3A_1105 : i32 to vector<16xi32>
    %add3A_1107 = arith.addi %mul3A_1088, %add3A_1106 : vector<16xi32>
    tpu.vector_store_idx %arg8[%add3A_1107], %gather3A_1104 : memref<49152xf32, #tpu.memory_space<vmem>>[vector<16xi32>], vector<16xf32>,
    %add3A_1108 = arith.constant 1 : i32
    %add3A_1109 = vector.broadcast %add3A_1108 : i32 to vector<16xi32>
    %add3A_1110 = arith.addi %mul3A_1100, %add3A_1109 : vector<16xi32>
    %gather3A_1111 = tpu.vector_load_idx %arg6[%add3A_1110] : memref<5120xf32, #tpu.memory_space<vmem>>[vector<16xi32>], vector<16xf32>,
    %add3A_1112 = arith.constant 8 : i32
    %add3A_1113 = vector.broadcast %add3A_1112 : i32 to vector<16xi32>
    %add3A_1114 = arith.addi %mul3A_1088, %add3A_1113 : vector<16xi32>
    tpu.vector_store_idx %arg8[%add3A_1114], %gather3A_1111 : memref<49152xf32, #tpu.memory_space<vmem>>[vector<16xi32>], vector<16xf32>,
    %add3A_1115 = arith.constant 2 : i32
    %add3A_1116 = vector.broadcast %add3A_1115 : i32 to vector<16xi32>
    %add3A_1117 = arith.addi %mul3A_1100, %add3A_1116 : vector<16xi32>
    %gather3A_1118 = tpu.vector_load_idx %arg6[%add3A_1117] : memref<5120xf32, #tpu.memory_space<vmem>>[vector<16xi32>], vector<16xf32>,
    %add3A_1119 = arith.constant 9 : i32
    %add3A_1120 = vector.broadcast %add3A_1119 : i32 to vector<16xi32>
    %add3A_1121 = arith.addi %mul3A_1088, %add3A_1120 : vector<16xi32>
    tpu.vector_store_idx %arg8[%add3A_1121], %gather3A_1118 : memref<49152xf32, #tpu.memory_space<vmem>>[vector<16xi32>], vector<16xf32>,
    %add3A_1122 = arith.constant 3 : i32
    %add3A_1123 = vector.broadcast %add3A_1122 : i32 to vector<16xi32>
    %add3A_1124 = arith.addi %mul3A_1100, %add3A_1123 : vector<16xi32>
    %gather3A_1125 = tpu.vector_load_idx %arg6[%add3A_1124] : memref<5120xf32, #tpu.memory_space<vmem>>[vector<16xi32>], vector<16xf32>,
    %add3A_1126 = arith.constant 10 : i32
    %add3A_1127 = vector.broadcast %add3A_1126 : i32 to vector<16xi32>
    %add3A_1128 = arith.addi %mul3A_1088, %add3A_1127 : vector<16xi32>
    tpu.vector_store_idx %arg8[%add3A_1128], %gather3A_1125 : memref<49152xf32, #tpu.memory_space<vmem>>[vector<16xi32>], vector<16xf32>,
    %add3A_1129 = arith.constant 4 : i32
    %add3A_1130 = vector.broadcast %add3A_1129 : i32 to vector<16xi32>
    %add3A_1131 = arith.addi %mul3A_1100, %add3A_1130 : vector<16xi32>
    %gather3A_1132 = tpu.vector_load_idx %arg6[%add3A_1131] : memref<5120xf32, #tpu.memory_space<vmem>>[vector<16xi32>], vector<16xf32>,
    %add3A_1133 = arith.constant 11 : i32
    %add3A_1134 = vector.broadcast %add3A_1133 : i32 to vector<16xi32>
    %add3A_1135 = arith.addi %mul3A_1088, %add3A_1134 : vector<16xi32>
    tpu.vector_store_idx %arg8[%add3A_1135], %gather3A_1132 : memref<49152xf32, #tpu.memory_space<vmem>>[vector<16xi32>], vector<16xf32>,
    %add3A_1136 = arith.constant 16 : i32
    %add3A_1137 = vector.broadcast %add3A_1136 : i32 to vector<16xi32>
    %add3A_1138 = arith.addi %iota3A, %add3A_1137 : vector<16xi32>
    %mul3A_1139 = arith.constant 768 : i32
    %mul3A_1140 = vector.broadcast %mul3A_1139 : i32 to vector<16xi32>
    %mul3A_1141 = arith.muli %add3A_1138, %mul3A_1140 : vector<16xi32>
    %get3A_1142 = arith.constant 336 : index
    %get3A_1143 = tpu.vector_load %arg5[%get3A_1142] {strides = array<i32>} : memref<1024xi32, #tpu.memory_space<vmem>>, vector<16xi32>,
    %get3A_1144 = arith.constant 208 : index
    %get3A_1145 = tpu.vector_load %arg5[%get3A_1144] {strides = array<i32>} : memref<1024xi32, #tpu.memory_space<vmem>>, vector<16xi32>,
    %add3A_1146 = arith.addi %mul3A_1141, %get3A_1145 : vector<16xi32>
    tpu.vector_store_idx %arg8[%add3A_1146], %broadcast_in_dim3A_5 : memref<49152xf32, #tpu.memory_space<vmem>>[vector<16xi32>], vector<16xf32>,
    %add3A_1147 = arith.addi %mul3A_1141, %get3A_1143 : vector<16xi32>
    tpu.vector_store_idx %arg8[%add3A_1147], %broadcast_in_dim3A_12 : memref<49152xf32, #tpu.memory_space<vmem>>[vector<16xi32>], vector<16xf32>,
    %add3A_1148 = arith.constant 336 : i32
    %add3A_1149 = vector.broadcast %add3A_1148 : i32 to vector<16xi32>
    %add3A_1150 = arith.addi %iota3A, %add3A_1149 : vector<16xi32>
    %mul3A_1151 = arith.constant 5 : i32
    %mul3A_1152 = vector.broadcast %mul3A_1151 : i32 to vector<16xi32>
    %mul3A_1153 = arith.muli %add3A_1150, %mul3A_1152 : vector<16xi32>
    %add3A_1154 = arith.constant 0 : i32
    %add3A_1155 = vector.broadcast %add3A_1154 : i32 to vector<16xi32>
    %add3A_1156 = arith.addi %mul3A_1153, %add3A_1155 : vector<16xi32>
    %gather3A_1157 = tpu.vector_load_idx %arg6[%add3A_1156] : memref<5120xf32, #tpu.memory_space<vmem>>[vector<16xi32>], vector<16xf32>,
    %add3A_1158 = arith.constant 7 : i32
    %add3A_1159 = vector.broadcast %add3A_1158 : i32 to vector<16xi32>
    %add3A_1160 = arith.addi %mul3A_1141, %add3A_1159 : vector<16xi32>
    tpu.vector_store_idx %arg8[%add3A_1160], %gather3A_1157 : memref<49152xf32, #tpu.memory_space<vmem>>[vector<16xi32>], vector<16xf32>,
    %add3A_1161 = arith.constant 1 : i32
    %add3A_1162 = vector.broadcast %add3A_1161 : i32 to vector<16xi32>
    %add3A_1163 = arith.addi %mul3A_1153, %add3A_1162 : vector<16xi32>
    %gather3A_1164 = tpu.vector_load_idx %arg6[%add3A_1163] : memref<5120xf32, #tpu.memory_space<vmem>>[vector<16xi32>], vector<16xf32>,
    %add3A_1165 = arith.constant 8 : i32
    %add3A_1166 = vector.broadcast %add3A_1165 : i32 to vector<16xi32>
    %add3A_1167 = arith.addi %mul3A_1141, %add3A_1166 : vector<16xi32>
    tpu.vector_store_idx %arg8[%add3A_1167], %gather3A_1164 : memref<49152xf32, #tpu.memory_space<vmem>>[vector<16xi32>], vector<16xf32>,
    %add3A_1168 = arith.constant 2 : i32
    %add3A_1169 = vector.broadcast %add3A_1168 : i32 to vector<16xi32>
    %add3A_1170 = arith.addi %mul3A_1153, %add3A_1169 : vector<16xi32>
    %gather3A_1171 = tpu.vector_load_idx %arg6[%add3A_1170] : memref<5120xf32, #tpu.memory_space<vmem>>[vector<16xi32>], vector<16xf32>,
    %add3A_1172 = arith.constant 9 : i32
    %add3A_1173 = vector.broadcast %add3A_1172 : i32 to vector<16xi32>
    %add3A_1174 = arith.addi %mul3A_1141, %add3A_1173 : vector<16xi32>
    tpu.vector_store_idx %arg8[%add3A_1174], %gather3A_1171 : memref<49152xf32, #tpu.memory_space<vmem>>[vector<16xi32>], vector<16xf32>,
    %add3A_1175 = arith.constant 3 : i32
    %add3A_1176 = vector.broadcast %add3A_1175 : i32 to vector<16xi32>
    %add3A_1177 = arith.addi %mul3A_1153, %add3A_1176 : vector<16xi32>
    %gather3A_1178 = tpu.vector_load_idx %arg6[%add3A_1177] : memref<5120xf32, #tpu.memory_space<vmem>>[vector<16xi32>], vector<16xf32>,
    %add3A_1179 = arith.constant 10 : i32
    %add3A_1180 = vector.broadcast %add3A_1179 : i32 to vector<16xi32>
    %add3A_1181 = arith.addi %mul3A_1141, %add3A_1180 : vector<16xi32>
    tpu.vector_store_idx %arg8[%add3A_1181], %gather3A_1178 : memref<49152xf32, #tpu.memory_space<vmem>>[vector<16xi32>], vector<16xf32>,
    %add3A_1182 = arith.constant 4 : i32
    %add3A_1183 = vector.broadcast %add3A_1182 : i32 to vector<16xi32>
    %add3A_1184 = arith.addi %mul3A_1153, %add3A_1183 : vector<16xi32>
    %gather3A_1185 = tpu.vector_load_idx %arg6[%add3A_1184] : memref<5120xf32, #tpu.memory_space<vmem>>[vector<16xi32>], vector<16xf32>,
    %add3A_1186 = arith.constant 11 : i32
    %add3A_1187 = vector.broadcast %add3A_1186 : i32 to vector<16xi32>
    %add3A_1188 = arith.addi %mul3A_1141, %add3A_1187 : vector<16xi32>
    tpu.vector_store_idx %arg8[%add3A_1188], %gather3A_1185 : memref<49152xf32, #tpu.memory_space<vmem>>[vector<16xi32>], vector<16xf32>,
    %add3A_1189 = arith.constant 32 : i32
    %add3A_1190 = vector.broadcast %add3A_1189 : i32 to vector<16xi32>
    %add3A_1191 = arith.addi %iota3A, %add3A_1190 : vector<16xi32>
    %mul3A_1192 = arith.constant 768 : i32
    %mul3A_1193 = vector.broadcast %mul3A_1192 : i32 to vector<16xi32>
    %mul3A_1194 = arith.muli %add3A_1191, %mul3A_1193 : vector<16xi32>
    %get3A_1195 = arith.constant 352 : index
    %get3A_1196 = tpu.vector_load %arg5[%get3A_1195] {strides = array<i32>} : memref<1024xi32, #tpu.memory_space<vmem>>, vector<16xi32>,
    %get3A_1197 = arith.constant 224 : index
    %get3A_1198 = tpu.vector_load %arg5[%get3A_1197] {strides = array<i32>} : memref<1024xi32, #tpu.memory_space<vmem>>, vector<16xi32>,
    %add3A_1199 = arith.addi %mul3A_1194, %get3A_1198 : vector<16xi32>
    tpu.vector_store_idx %arg8[%add3A_1199], %broadcast_in_dim3A_5 : memref<49152xf32, #tpu.memory_space<vmem>>[vector<16xi32>], vector<16xf32>,
    %add3A_1200 = arith.addi %mul3A_1194, %get3A_1196 : vector<16xi32>
    tpu.vector_store_idx %arg8[%add3A_1200], %broadcast_in_dim3A_12 : memref<49152xf32, #tpu.memory_space<vmem>>[vector<16xi32>], vector<16xf32>,
    %add3A_1201 = arith.constant 352 : i32
    %add3A_1202 = vector.broadcast %add3A_1201 : i32 to vector<16xi32>
    %add3A_1203 = arith.addi %iota3A, %add3A_1202 : vector<16xi32>
    %mul3A_1204 = arith.constant 5 : i32
    %mul3A_1205 = vector.broadcast %mul3A_1204 : i32 to vector<16xi32>
    %mul3A_1206 = arith.muli %add3A_1203, %mul3A_1205 : vector<16xi32>
    %add3A_1207 = arith.constant 0 : i32
    %add3A_1208 = vector.broadcast %add3A_1207 : i32 to vector<16xi32>
    %add3A_1209 = arith.addi %mul3A_1206, %add3A_1208 : vector<16xi32>
    %gather3A_1210 = tpu.vector_load_idx %arg6[%add3A_1209] : memref<5120xf32, #tpu.memory_space<vmem>>[vector<16xi32>], vector<16xf32>,
    %add3A_1211 = arith.constant 7 : i32
    %add3A_1212 = vector.broadcast %add3A_1211 : i32 to vector<16xi32>
    %add3A_1213 = arith.addi %mul3A_1194, %add3A_1212 : vector<16xi32>
    tpu.vector_store_idx %arg8[%add3A_1213], %gather3A_1210 : memref<49152xf32, #tpu.memory_space<vmem>>[vector<16xi32>], vector<16xf32>,
    %add3A_1214 = arith.constant 1 : i32
    %add3A_1215 = vector.broadcast %add3A_1214 : i32 to vector<16xi32>
    %add3A_1216 = arith.addi %mul3A_1206, %add3A_1215 : vector<16xi32>
    %gather3A_1217 = tpu.vector_load_idx %arg6[%add3A_1216] : memref<5120xf32, #tpu.memory_space<vmem>>[vector<16xi32>], vector<16xf32>,
    %add3A_1218 = arith.constant 8 : i32
    %add3A_1219 = vector.broadcast %add3A_1218 : i32 to vector<16xi32>
    %add3A_1220 = arith.addi %mul3A_1194, %add3A_1219 : vector<16xi32>
    tpu.vector_store_idx %arg8[%add3A_1220], %gather3A_1217 : memref<49152xf32, #tpu.memory_space<vmem>>[vector<16xi32>], vector<16xf32>,
    %add3A_1221 = arith.constant 2 : i32
    %add3A_1222 = vector.broadcast %add3A_1221 : i32 to vector<16xi32>
    %add3A_1223 = arith.addi %mul3A_1206, %add3A_1222 : vector<16xi32>
    %gather3A_1224 = tpu.vector_load_idx %arg6[%add3A_1223] : memref<5120xf32, #tpu.memory_space<vmem>>[vector<16xi32>], vector<16xf32>,
    %add3A_1225 = arith.constant 9 : i32
    %add3A_1226 = vector.broadcast %add3A_1225 : i32 to vector<16xi32>
    %add3A_1227 = arith.addi %mul3A_1194, %add3A_1226 : vector<16xi32>
    tpu.vector_store_idx %arg8[%add3A_1227], %gather3A_1224 : memref<49152xf32, #tpu.memory_space<vmem>>[vector<16xi32>], vector<16xf32>,
    %add3A_1228 = arith.constant 3 : i32
    %add3A_1229 = vector.broadcast %add3A_1228 : i32 to vector<16xi32>
    %add3A_1230 = arith.addi %mul3A_1206, %add3A_1229 : vector<16xi32>
    %gather3A_1231 = tpu.vector_load_idx %arg6[%add3A_1230] : memref<5120xf32, #tpu.memory_space<vmem>>[vector<16xi32>], vector<16xf32>,
    %add3A_1232 = arith.constant 10 : i32
    %add3A_1233 = vector.broadcast %add3A_1232 : i32 to vector<16xi32>
    %add3A_1234 = arith.addi %mul3A_1194, %add3A_1233 : vector<16xi32>
    tpu.vector_store_idx %arg8[%add3A_1234], %gather3A_1231 : memref<49152xf32, #tpu.memory_space<vmem>>[vector<16xi32>], vector<16xf32>,
    %add3A_1235 = arith.constant 4 : i32
    %add3A_1236 = vector.broadcast %add3A_1235 : i32 to vector<16xi32>
    %add3A_1237 = arith.addi %mul3A_1206, %add3A_1236 : vector<16xi32>
    %gather3A_1238 = tpu.vector_load_idx %arg6[%add3A_1237] : memref<5120xf32, #tpu.memory_space<vmem>>[vector<16xi32>], vector<16xf32>,
    %add3A_1239 = arith.constant 11 : i32
    %add3A_1240 = vector.broadcast %add3A_1239 : i32 to vector<16xi32>
    %add3A_1241 = arith.addi %mul3A_1194, %add3A_1240 : vector<16xi32>
    tpu.vector_store_idx %arg8[%add3A_1241], %gather3A_1238 : memref<49152xf32, #tpu.memory_space<vmem>>[vector<16xi32>], vector<16xf32>,
    %add3A_1242 = arith.constant 48 : i32
    %add3A_1243 = vector.broadcast %add3A_1242 : i32 to vector<16xi32>
    %add3A_1244 = arith.addi %iota3A, %add3A_1243 : vector<16xi32>
    %mul3A_1245 = arith.constant 768 : i32
    %mul3A_1246 = vector.broadcast %mul3A_1245 : i32 to vector<16xi32>
    %mul3A_1247 = arith.muli %add3A_1244, %mul3A_1246 : vector<16xi32>
    %get3A_1248 = arith.constant 368 : index
    %get3A_1249 = tpu.vector_load %arg5[%get3A_1248] {strides = array<i32>} : memref<1024xi32, #tpu.memory_space<vmem>>, vector<16xi32>,
    %get3A_1250 = arith.constant 240 : index
    %get3A_1251 = tpu.vector_load %arg5[%get3A_1250] {strides = array<i32>} : memref<1024xi32, #tpu.memory_space<vmem>>, vector<16xi32>,
    %add3A_1252 = arith.addi %mul3A_1247, %get3A_1251 : vector<16xi32>
    tpu.vector_store_idx %arg8[%add3A_1252], %broadcast_in_dim3A_5 : memref<49152xf32, #tpu.memory_space<vmem>>[vector<16xi32>], vector<16xf32>,
    %add3A_1253 = arith.addi %mul3A_1247, %get3A_1249 : vector<16xi32>
    tpu.vector_store_idx %arg8[%add3A_1253], %broadcast_in_dim3A_12 : memref<49152xf32, #tpu.memory_space<vmem>>[vector<16xi32>], vector<16xf32>,
    %add3A_1254 = arith.constant 368 : i32
    %add3A_1255 = vector.broadcast %add3A_1254 : i32 to vector<16xi32>
    %add3A_1256 = arith.addi %iota3A, %add3A_1255 : vector<16xi32>
    %mul3A_1257 = arith.constant 5 : i32
    %mul3A_1258 = vector.broadcast %mul3A_1257 : i32 to vector<16xi32>
    %mul3A_1259 = arith.muli %add3A_1256, %mul3A_1258 : vector<16xi32>
    %add3A_1260 = arith.constant 0 : i32
    %add3A_1261 = vector.broadcast %add3A_1260 : i32 to vector<16xi32>
    %add3A_1262 = arith.addi %mul3A_1259, %add3A_1261 : vector<16xi32>
    %gather3A_1263 = tpu.vector_load_idx %arg6[%add3A_1262] : memref<5120xf32, #tpu.memory_space<vmem>>[vector<16xi32>], vector<16xf32>,
    %add3A_1264 = arith.constant 7 : i32
    %add3A_1265 = vector.broadcast %add3A_1264 : i32 to vector<16xi32>
    %add3A_1266 = arith.addi %mul3A_1247, %add3A_1265 : vector<16xi32>
    tpu.vector_store_idx %arg8[%add3A_1266], %gather3A_1263 : memref<49152xf32, #tpu.memory_space<vmem>>[vector<16xi32>], vector<16xf32>,
    %add3A_1267 = arith.constant 1 : i32
    %add3A_1268 = vector.broadcast %add3A_1267 : i32 to vector<16xi32>
    %add3A_1269 = arith.addi %mul3A_1259, %add3A_1268 : vector<16xi32>
    %gather3A_1270 = tpu.vector_load_idx %arg6[%add3A_1269] : memref<5120xf32, #tpu.memory_space<vmem>>[vector<16xi32>], vector<16xf32>,
    %add3A_1271 = arith.constant 8 : i32
    %add3A_1272 = vector.broadcast %add3A_1271 : i32 to vector<16xi32>
    %add3A_1273 = arith.addi %mul3A_1247, %add3A_1272 : vector<16xi32>
    tpu.vector_store_idx %arg8[%add3A_1273], %gather3A_1270 : memref<49152xf32, #tpu.memory_space<vmem>>[vector<16xi32>], vector<16xf32>,
    %add3A_1274 = arith.constant 2 : i32
    %add3A_1275 = vector.broadcast %add3A_1274 : i32 to vector<16xi32>
    %add3A_1276 = arith.addi %mul3A_1259, %add3A_1275 : vector<16xi32>
    %gather3A_1277 = tpu.vector_load_idx %arg6[%add3A_1276] : memref<5120xf32, #tpu.memory_space<vmem>>[vector<16xi32>], vector<16xf32>,
    %add3A_1278 = arith.constant 9 : i32
    %add3A_1279 = vector.broadcast %add3A_1278 : i32 to vector<16xi32>
    %add3A_1280 = arith.addi %mul3A_1247, %add3A_1279 : vector<16xi32>
    tpu.vector_store_idx %arg8[%add3A_1280], %gather3A_1277 : memref<49152xf32, #tpu.memory_space<vmem>>[vector<16xi32>], vector<16xf32>,
    %add3A_1281 = arith.constant 3 : i32
    %add3A_1282 = vector.broadcast %add3A_1281 : i32 to vector<16xi32>
    %add3A_1283 = arith.addi %mul3A_1259, %add3A_1282 : vector<16xi32>
    %gather3A_1284 = tpu.vector_load_idx %arg6[%add3A_1283] : memref<5120xf32, #tpu.memory_space<vmem>>[vector<16xi32>], vector<16xf32>,
    %add3A_1285 = arith.constant 10 : i32
    %add3A_1286 = vector.broadcast %add3A_1285 : i32 to vector<16xi32>
    %add3A_1287 = arith.addi %mul3A_1247, %add3A_1286 : vector<16xi32>
    tpu.vector_store_idx %arg8[%add3A_1287], %gather3A_1284 : memref<49152xf32, #tpu.memory_space<vmem>>[vector<16xi32>], vector<16xf32>,
    %add3A_1288 = arith.constant 4 : i32
    %add3A_1289 = vector.broadcast %add3A_1288 : i32 to vector<16xi32>
    %add3A_1290 = arith.addi %mul3A_1259, %add3A_1289 : vector<16xi32>
    %gather3A_1291 = tpu.vector_load_idx %arg6[%add3A_1290] : memref<5120xf32, #tpu.memory_space<vmem>>[vector<16xi32>], vector<16xf32>,
    %add3A_1292 = arith.constant 11 : i32
    %add3A_1293 = vector.broadcast %add3A_1292 : i32 to vector<16xi32>
    %add3A_1294 = arith.addi %mul3A_1247, %add3A_1293 : vector<16xi32>
    tpu.vector_store_idx %arg8[%add3A_1294], %gather3A_1291 : memref<49152xf32, #tpu.memory_space<vmem>>[vector<16xi32>], vector<16xf32>,
    %add3A_1295 = arith.constant 320 : i32
    %add3A_1296 = arith.addi %mul3A_2, %add3A_1295 : i32
    %mul3A_1297 = arith.constant 768 : i32
    %mul3A_1298 = arith.muli %add3A_1296, %mul3A_1297 : i32
    %dma_start3A_1299 = tpu.memref_slice %arg4[%mul3A_1298] : memref<25165824xf32, #tpu.memory_space<hbm>> -> memref<49152xf32, #tpu.memory_space<hbm>>
    %dma_start3A_1300 = tpu.memref_slice %arg4[%mul3A_1298] : memref<25165824xf32, #tpu.memory_space<hbm>> -> memref<49152xf32, #tpu.memory_space<hbm>>
    tpu.enqueue_dma source(%arg8 : memref<49152xf32, #tpu.memory_space<vmem>>) target(%dma_start3A_1300 : memref<49152xf32, #tpu.memory_space<hbm>>) target_semaphore(%arg10 : memref<!tpu.dma_semaphore, #tpu.memory_space<semaphore_mem>>)
    %dma_wait3A_1301 = tpu.memref_slice %arg4[%mul3A_1078] : memref<25165824xf32, #tpu.memory_space<hbm>> -> memref<49152xf32, #tpu.memory_space<hbm>>
    %dma_wait3A_1302 = tpu.memref_slice %arg4[%mul3A_1078] : memref<25165824xf32, #tpu.memory_space<hbm>> -> memref<49152xf32, #tpu.memory_space<hbm>>
    tpu.wait_dma2 semaphore(%arg9 : memref<!tpu.dma_semaphore, #tpu.memory_space<semaphore_mem>>) src(%arg7 : memref<49152xf32, #tpu.memory_space<vmem>>) dst(%dma_wait3A_1302 : memref<49152xf32, #tpu.memory_space<hbm>>)
    %add3A_1303 = arith.constant 0 : i32
    %add3A_1304 = vector.broadcast %add3A_1303 : i32 to vector<16xi32>
    %add3A_1305 = arith.addi %iota3A, %add3A_1304 : vector<16xi32>
    %mul3A_1306 = arith.constant 768 : i32
    %mul3A_1307 = vector.broadcast %mul3A_1306 : i32 to vector<16xi32>
    %mul3A_1308 = arith.muli %add3A_1305, %mul3A_1307 : vector<16xi32>
    %get3A_1309 = arith.constant 384 : index
    %get3A_1310 = tpu.vector_load %arg5[%get3A_1309] {strides = array<i32>} : memref<1024xi32, #tpu.memory_space<vmem>>, vector<16xi32>,
    %get3A_1311 = arith.constant 256 : index
    %get3A_1312 = tpu.vector_load %arg5[%get3A_1311] {strides = array<i32>} : memref<1024xi32, #tpu.memory_space<vmem>>, vector<16xi32>,
    %add3A_1313 = arith.addi %mul3A_1308, %get3A_1312 : vector<16xi32>
    tpu.vector_store_idx %arg7[%add3A_1313], %broadcast_in_dim3A_5 : memref<49152xf32, #tpu.memory_space<vmem>>[vector<16xi32>], vector<16xf32>,
    %add3A_1314 = arith.addi %mul3A_1308, %get3A_1310 : vector<16xi32>
    tpu.vector_store_idx %arg7[%add3A_1314], %broadcast_in_dim3A_12 : memref<49152xf32, #tpu.memory_space<vmem>>[vector<16xi32>], vector<16xf32>,
    %add3A_1315 = arith.constant 384 : i32
    %add3A_1316 = vector.broadcast %add3A_1315 : i32 to vector<16xi32>
    %add3A_1317 = arith.addi %iota3A, %add3A_1316 : vector<16xi32>
    %mul3A_1318 = arith.constant 5 : i32
    %mul3A_1319 = vector.broadcast %mul3A_1318 : i32 to vector<16xi32>
    %mul3A_1320 = arith.muli %add3A_1317, %mul3A_1319 : vector<16xi32>
    %add3A_1321 = arith.constant 0 : i32
    %add3A_1322 = vector.broadcast %add3A_1321 : i32 to vector<16xi32>
    %add3A_1323 = arith.addi %mul3A_1320, %add3A_1322 : vector<16xi32>
    %gather3A_1324 = tpu.vector_load_idx %arg6[%add3A_1323] : memref<5120xf32, #tpu.memory_space<vmem>>[vector<16xi32>], vector<16xf32>,
    %add3A_1325 = arith.constant 7 : i32
    %add3A_1326 = vector.broadcast %add3A_1325 : i32 to vector<16xi32>
    %add3A_1327 = arith.addi %mul3A_1308, %add3A_1326 : vector<16xi32>
    tpu.vector_store_idx %arg7[%add3A_1327], %gather3A_1324 : memref<49152xf32, #tpu.memory_space<vmem>>[vector<16xi32>], vector<16xf32>,
    %add3A_1328 = arith.constant 1 : i32
    %add3A_1329 = vector.broadcast %add3A_1328 : i32 to vector<16xi32>
    %add3A_1330 = arith.addi %mul3A_1320, %add3A_1329 : vector<16xi32>
    %gather3A_1331 = tpu.vector_load_idx %arg6[%add3A_1330] : memref<5120xf32, #tpu.memory_space<vmem>>[vector<16xi32>], vector<16xf32>,
    %add3A_1332 = arith.constant 8 : i32
    %add3A_1333 = vector.broadcast %add3A_1332 : i32 to vector<16xi32>
    %add3A_1334 = arith.addi %mul3A_1308, %add3A_1333 : vector<16xi32>
    tpu.vector_store_idx %arg7[%add3A_1334], %gather3A_1331 : memref<49152xf32, #tpu.memory_space<vmem>>[vector<16xi32>], vector<16xf32>,
    %add3A_1335 = arith.constant 2 : i32
    %add3A_1336 = vector.broadcast %add3A_1335 : i32 to vector<16xi32>
    %add3A_1337 = arith.addi %mul3A_1320, %add3A_1336 : vector<16xi32>
    %gather3A_1338 = tpu.vector_load_idx %arg6[%add3A_1337] : memref<5120xf32, #tpu.memory_space<vmem>>[vector<16xi32>], vector<16xf32>,
    %add3A_1339 = arith.constant 9 : i32
    %add3A_1340 = vector.broadcast %add3A_1339 : i32 to vector<16xi32>
    %add3A_1341 = arith.addi %mul3A_1308, %add3A_1340 : vector<16xi32>
    tpu.vector_store_idx %arg7[%add3A_1341], %gather3A_1338 : memref<49152xf32, #tpu.memory_space<vmem>>[vector<16xi32>], vector<16xf32>,
    %add3A_1342 = arith.constant 3 : i32
    %add3A_1343 = vector.broadcast %add3A_1342 : i32 to vector<16xi32>
    %add3A_1344 = arith.addi %mul3A_1320, %add3A_1343 : vector<16xi32>
    %gather3A_1345 = tpu.vector_load_idx %arg6[%add3A_1344] : memref<5120xf32, #tpu.memory_space<vmem>>[vector<16xi32>], vector<16xf32>,
    %add3A_1346 = arith.constant 10 : i32
    %add3A_1347 = vector.broadcast %add3A_1346 : i32 to vector<16xi32>
    %add3A_1348 = arith.addi %mul3A_1308, %add3A_1347 : vector<16xi32>
    tpu.vector_store_idx %arg7[%add3A_1348], %gather3A_1345 : memref<49152xf32, #tpu.memory_space<vmem>>[vector<16xi32>], vector<16xf32>,
    %add3A_1349 = arith.constant 4 : i32
    %add3A_1350 = vector.broadcast %add3A_1349 : i32 to vector<16xi32>
    %add3A_1351 = arith.addi %mul3A_1320, %add3A_1350 : vector<16xi32>
    %gather3A_1352 = tpu.vector_load_idx %arg6[%add3A_1351] : memref<5120xf32, #tpu.memory_space<vmem>>[vector<16xi32>], vector<16xf32>,
    %add3A_1353 = arith.constant 11 : i32
    %add3A_1354 = vector.broadcast %add3A_1353 : i32 to vector<16xi32>
    %add3A_1355 = arith.addi %mul3A_1308, %add3A_1354 : vector<16xi32>
    tpu.vector_store_idx %arg7[%add3A_1355], %gather3A_1352 : memref<49152xf32, #tpu.memory_space<vmem>>[vector<16xi32>], vector<16xf32>,
    %add3A_1356 = arith.constant 16 : i32
    %add3A_1357 = vector.broadcast %add3A_1356 : i32 to vector<16xi32>
    %add3A_1358 = arith.addi %iota3A, %add3A_1357 : vector<16xi32>
    %mul3A_1359 = arith.constant 768 : i32
    %mul3A_1360 = vector.broadcast %mul3A_1359 : i32 to vector<16xi32>
    %mul3A_1361 = arith.muli %add3A_1358, %mul3A_1360 : vector<16xi32>
    %get3A_1362 = arith.constant 400 : index
    %get3A_1363 = tpu.vector_load %arg5[%get3A_1362] {strides = array<i32>} : memref<1024xi32, #tpu.memory_space<vmem>>, vector<16xi32>,
    %get3A_1364 = arith.constant 272 : index
    %get3A_1365 = tpu.vector_load %arg5[%get3A_1364] {strides = array<i32>} : memref<1024xi32, #tpu.memory_space<vmem>>, vector<16xi32>,
    %add3A_1366 = arith.addi %mul3A_1361, %get3A_1365 : vector<16xi32>
    tpu.vector_store_idx %arg7[%add3A_1366], %broadcast_in_dim3A_5 : memref<49152xf32, #tpu.memory_space<vmem>>[vector<16xi32>], vector<16xf32>,
    %add3A_1367 = arith.addi %mul3A_1361, %get3A_1363 : vector<16xi32>
    tpu.vector_store_idx %arg7[%add3A_1367], %broadcast_in_dim3A_12 : memref<49152xf32, #tpu.memory_space<vmem>>[vector<16xi32>], vector<16xf32>,
    %add3A_1368 = arith.constant 400 : i32
    %add3A_1369 = vector.broadcast %add3A_1368 : i32 to vector<16xi32>
    %add3A_1370 = arith.addi %iota3A, %add3A_1369 : vector<16xi32>
    %mul3A_1371 = arith.constant 5 : i32
    %mul3A_1372 = vector.broadcast %mul3A_1371 : i32 to vector<16xi32>
    %mul3A_1373 = arith.muli %add3A_1370, %mul3A_1372 : vector<16xi32>
    %add3A_1374 = arith.constant 0 : i32
    %add3A_1375 = vector.broadcast %add3A_1374 : i32 to vector<16xi32>
    %add3A_1376 = arith.addi %mul3A_1373, %add3A_1375 : vector<16xi32>
    %gather3A_1377 = tpu.vector_load_idx %arg6[%add3A_1376] : memref<5120xf32, #tpu.memory_space<vmem>>[vector<16xi32>], vector<16xf32>,
    %add3A_1378 = arith.constant 7 : i32
    %add3A_1379 = vector.broadcast %add3A_1378 : i32 to vector<16xi32>
    %add3A_1380 = arith.addi %mul3A_1361, %add3A_1379 : vector<16xi32>
    tpu.vector_store_idx %arg7[%add3A_1380], %gather3A_1377 : memref<49152xf32, #tpu.memory_space<vmem>>[vector<16xi32>], vector<16xf32>,
    %add3A_1381 = arith.constant 1 : i32
    %add3A_1382 = vector.broadcast %add3A_1381 : i32 to vector<16xi32>
    %add3A_1383 = arith.addi %mul3A_1373, %add3A_1382 : vector<16xi32>
    %gather3A_1384 = tpu.vector_load_idx %arg6[%add3A_1383] : memref<5120xf32, #tpu.memory_space<vmem>>[vector<16xi32>], vector<16xf32>,
    %add3A_1385 = arith.constant 8 : i32
    %add3A_1386 = vector.broadcast %add3A_1385 : i32 to vector<16xi32>
    %add3A_1387 = arith.addi %mul3A_1361, %add3A_1386 : vector<16xi32>
    tpu.vector_store_idx %arg7[%add3A_1387], %gather3A_1384 : memref<49152xf32, #tpu.memory_space<vmem>>[vector<16xi32>], vector<16xf32>,
    %add3A_1388 = arith.constant 2 : i32
    %add3A_1389 = vector.broadcast %add3A_1388 : i32 to vector<16xi32>
    %add3A_1390 = arith.addi %mul3A_1373, %add3A_1389 : vector<16xi32>
    %gather3A_1391 = tpu.vector_load_idx %arg6[%add3A_1390] : memref<5120xf32, #tpu.memory_space<vmem>>[vector<16xi32>], vector<16xf32>,
    %add3A_1392 = arith.constant 9 : i32
    %add3A_1393 = vector.broadcast %add3A_1392 : i32 to vector<16xi32>
    %add3A_1394 = arith.addi %mul3A_1361, %add3A_1393 : vector<16xi32>
    tpu.vector_store_idx %arg7[%add3A_1394], %gather3A_1391 : memref<49152xf32, #tpu.memory_space<vmem>>[vector<16xi32>], vector<16xf32>,
    %add3A_1395 = arith.constant 3 : i32
    %add3A_1396 = vector.broadcast %add3A_1395 : i32 to vector<16xi32>
    %add3A_1397 = arith.addi %mul3A_1373, %add3A_1396 : vector<16xi32>
    %gather3A_1398 = tpu.vector_load_idx %arg6[%add3A_1397] : memref<5120xf32, #tpu.memory_space<vmem>>[vector<16xi32>], vector<16xf32>,
    %add3A_1399 = arith.constant 10 : i32
    %add3A_1400 = vector.broadcast %add3A_1399 : i32 to vector<16xi32>
    %add3A_1401 = arith.addi %mul3A_1361, %add3A_1400 : vector<16xi32>
    tpu.vector_store_idx %arg7[%add3A_1401], %gather3A_1398 : memref<49152xf32, #tpu.memory_space<vmem>>[vector<16xi32>], vector<16xf32>,
    %add3A_1402 = arith.constant 4 : i32
    %add3A_1403 = vector.broadcast %add3A_1402 : i32 to vector<16xi32>
    %add3A_1404 = arith.addi %mul3A_1373, %add3A_1403 : vector<16xi32>
    %gather3A_1405 = tpu.vector_load_idx %arg6[%add3A_1404] : memref<5120xf32, #tpu.memory_space<vmem>>[vector<16xi32>], vector<16xf32>,
    %add3A_1406 = arith.constant 11 : i32
    %add3A_1407 = vector.broadcast %add3A_1406 : i32 to vector<16xi32>
    %add3A_1408 = arith.addi %mul3A_1361, %add3A_1407 : vector<16xi32>
    tpu.vector_store_idx %arg7[%add3A_1408], %gather3A_1405 : memref<49152xf32, #tpu.memory_space<vmem>>[vector<16xi32>], vector<16xf32>,
    %add3A_1409 = arith.constant 32 : i32
    %add3A_1410 = vector.broadcast %add3A_1409 : i32 to vector<16xi32>
    %add3A_1411 = arith.addi %iota3A, %add3A_1410 : vector<16xi32>
    %mul3A_1412 = arith.constant 768 : i32
    %mul3A_1413 = vector.broadcast %mul3A_1412 : i32 to vector<16xi32>
    %mul3A_1414 = arith.muli %add3A_1411, %mul3A_1413 : vector<16xi32>
    %get3A_1415 = arith.constant 416 : index
    %get3A_1416 = tpu.vector_load %arg5[%get3A_1415] {strides = array<i32>} : memref<1024xi32, #tpu.memory_space<vmem>>, vector<16xi32>,
    %get3A_1417 = arith.constant 288 : index
    %get3A_1418 = tpu.vector_load %arg5[%get3A_1417] {strides = array<i32>} : memref<1024xi32, #tpu.memory_space<vmem>>, vector<16xi32>,
    %add3A_1419 = arith.addi %mul3A_1414, %get3A_1418 : vector<16xi32>
    tpu.vector_store_idx %arg7[%add3A_1419], %broadcast_in_dim3A_5 : memref<49152xf32, #tpu.memory_space<vmem>>[vector<16xi32>], vector<16xf32>,
    %add3A_1420 = arith.addi %mul3A_1414, %get3A_1416 : vector<16xi32>
    tpu.vector_store_idx %arg7[%add3A_1420], %broadcast_in_dim3A_12 : memref<49152xf32, #tpu.memory_space<vmem>>[vector<16xi32>], vector<16xf32>,
    %add3A_1421 = arith.constant 416 : i32
    %add3A_1422 = vector.broadcast %add3A_1421 : i32 to vector<16xi32>
    %add3A_1423 = arith.addi %iota3A, %add3A_1422 : vector<16xi32>
    %mul3A_1424 = arith.constant 5 : i32
    %mul3A_1425 = vector.broadcast %mul3A_1424 : i32 to vector<16xi32>
    %mul3A_1426 = arith.muli %add3A_1423, %mul3A_1425 : vector<16xi32>
    %add3A_1427 = arith.constant 0 : i32
    %add3A_1428 = vector.broadcast %add3A_1427 : i32 to vector<16xi32>
    %add3A_1429 = arith.addi %mul3A_1426, %add3A_1428 : vector<16xi32>
    %gather3A_1430 = tpu.vector_load_idx %arg6[%add3A_1429] : memref<5120xf32, #tpu.memory_space<vmem>>[vector<16xi32>], vector<16xf32>,
    %add3A_1431 = arith.constant 7 : i32
    %add3A_1432 = vector.broadcast %add3A_1431 : i32 to vector<16xi32>
    %add3A_1433 = arith.addi %mul3A_1414, %add3A_1432 : vector<16xi32>
    tpu.vector_store_idx %arg7[%add3A_1433], %gather3A_1430 : memref<49152xf32, #tpu.memory_space<vmem>>[vector<16xi32>], vector<16xf32>,
    %add3A_1434 = arith.constant 1 : i32
    %add3A_1435 = vector.broadcast %add3A_1434 : i32 to vector<16xi32>
    %add3A_1436 = arith.addi %mul3A_1426, %add3A_1435 : vector<16xi32>
    %gather3A_1437 = tpu.vector_load_idx %arg6[%add3A_1436] : memref<5120xf32, #tpu.memory_space<vmem>>[vector<16xi32>], vector<16xf32>,
    %add3A_1438 = arith.constant 8 : i32
    %add3A_1439 = vector.broadcast %add3A_1438 : i32 to vector<16xi32>
    %add3A_1440 = arith.addi %mul3A_1414, %add3A_1439 : vector<16xi32>
    tpu.vector_store_idx %arg7[%add3A_1440], %gather3A_1437 : memref<49152xf32, #tpu.memory_space<vmem>>[vector<16xi32>], vector<16xf32>,
    %add3A_1441 = arith.constant 2 : i32
    %add3A_1442 = vector.broadcast %add3A_1441 : i32 to vector<16xi32>
    %add3A_1443 = arith.addi %mul3A_1426, %add3A_1442 : vector<16xi32>
    %gather3A_1444 = tpu.vector_load_idx %arg6[%add3A_1443] : memref<5120xf32, #tpu.memory_space<vmem>>[vector<16xi32>], vector<16xf32>,
    %add3A_1445 = arith.constant 9 : i32
    %add3A_1446 = vector.broadcast %add3A_1445 : i32 to vector<16xi32>
    %add3A_1447 = arith.addi %mul3A_1414, %add3A_1446 : vector<16xi32>
    tpu.vector_store_idx %arg7[%add3A_1447], %gather3A_1444 : memref<49152xf32, #tpu.memory_space<vmem>>[vector<16xi32>], vector<16xf32>,
    %add3A_1448 = arith.constant 3 : i32
    %add3A_1449 = vector.broadcast %add3A_1448 : i32 to vector<16xi32>
    %add3A_1450 = arith.addi %mul3A_1426, %add3A_1449 : vector<16xi32>
    %gather3A_1451 = tpu.vector_load_idx %arg6[%add3A_1450] : memref<5120xf32, #tpu.memory_space<vmem>>[vector<16xi32>], vector<16xf32>,
    %add3A_1452 = arith.constant 10 : i32
    %add3A_1453 = vector.broadcast %add3A_1452 : i32 to vector<16xi32>
    %add3A_1454 = arith.addi %mul3A_1414, %add3A_1453 : vector<16xi32>
    tpu.vector_store_idx %arg7[%add3A_1454], %gather3A_1451 : memref<49152xf32, #tpu.memory_space<vmem>>[vector<16xi32>], vector<16xf32>,
    %add3A_1455 = arith.constant 4 : i32
    %add3A_1456 = vector.broadcast %add3A_1455 : i32 to vector<16xi32>
    %add3A_1457 = arith.addi %mul3A_1426, %add3A_1456 : vector<16xi32>
    %gather3A_1458 = tpu.vector_load_idx %arg6[%add3A_1457] : memref<5120xf32, #tpu.memory_space<vmem>>[vector<16xi32>], vector<16xf32>,
    %add3A_1459 = arith.constant 11 : i32
    %add3A_1460 = vector.broadcast %add3A_1459 : i32 to vector<16xi32>
    %add3A_1461 = arith.addi %mul3A_1414, %add3A_1460 : vector<16xi32>
    tpu.vector_store_idx %arg7[%add3A_1461], %gather3A_1458 : memref<49152xf32, #tpu.memory_space<vmem>>[vector<16xi32>], vector<16xf32>,
    %add3A_1462 = arith.constant 48 : i32
    %add3A_1463 = vector.broadcast %add3A_1462 : i32 to vector<16xi32>
    %add3A_1464 = arith.addi %iota3A, %add3A_1463 : vector<16xi32>
    %mul3A_1465 = arith.constant 768 : i32
    %mul3A_1466 = vector.broadcast %mul3A_1465 : i32 to vector<16xi32>
    %mul3A_1467 = arith.muli %add3A_1464, %mul3A_1466 : vector<16xi32>
    %get3A_1468 = arith.constant 432 : index
    %get3A_1469 = tpu.vector_load %arg5[%get3A_1468] {strides = array<i32>} : memref<1024xi32, #tpu.memory_space<vmem>>, vector<16xi32>,
    %get3A_1470 = arith.constant 304 : index
    %get3A_1471 = tpu.vector_load %arg5[%get3A_1470] {strides = array<i32>} : memref<1024xi32, #tpu.memory_space<vmem>>, vector<16xi32>,
    %add3A_1472 = arith.addi %mul3A_1467, %get3A_1471 : vector<16xi32>
    tpu.vector_store_idx %arg7[%add3A_1472], %broadcast_in_dim3A_5 : memref<49152xf32, #tpu.memory_space<vmem>>[vector<16xi32>], vector<16xf32>,
    %add3A_1473 = arith.addi %mul3A_1467, %get3A_1469 : vector<16xi32>
    tpu.vector_store_idx %arg7[%add3A_1473], %broadcast_in_dim3A_12 : memref<49152xf32, #tpu.memory_space<vmem>>[vector<16xi32>], vector<16xf32>,
    %add3A_1474 = arith.constant 432 : i32
    %add3A_1475 = vector.broadcast %add3A_1474 : i32 to vector<16xi32>
    %add3A_1476 = arith.addi %iota3A, %add3A_1475 : vector<16xi32>
    %mul3A_1477 = arith.constant 5 : i32
    %mul3A_1478 = vector.broadcast %mul3A_1477 : i32 to vector<16xi32>
    %mul3A_1479 = arith.muli %add3A_1476, %mul3A_1478 : vector<16xi32>
    %add3A_1480 = arith.constant 0 : i32
    %add3A_1481 = vector.broadcast %add3A_1480 : i32 to vector<16xi32>
    %add3A_1482 = arith.addi %mul3A_1479, %add3A_1481 : vector<16xi32>
    %gather3A_1483 = tpu.vector_load_idx %arg6[%add3A_1482] : memref<5120xf32, #tpu.memory_space<vmem>>[vector<16xi32>], vector<16xf32>,
    %add3A_1484 = arith.constant 7 : i32
    %add3A_1485 = vector.broadcast %add3A_1484 : i32 to vector<16xi32>
    %add3A_1486 = arith.addi %mul3A_1467, %add3A_1485 : vector<16xi32>
    tpu.vector_store_idx %arg7[%add3A_1486], %gather3A_1483 : memref<49152xf32, #tpu.memory_space<vmem>>[vector<16xi32>], vector<16xf32>,
    %add3A_1487 = arith.constant 1 : i32
    %add3A_1488 = vector.broadcast %add3A_1487 : i32 to vector<16xi32>
    %add3A_1489 = arith.addi %mul3A_1479, %add3A_1488 : vector<16xi32>
    %gather3A_1490 = tpu.vector_load_idx %arg6[%add3A_1489] : memref<5120xf32, #tpu.memory_space<vmem>>[vector<16xi32>], vector<16xf32>,
    %add3A_1491 = arith.constant 8 : i32
    %add3A_1492 = vector.broadcast %add3A_1491 : i32 to vector<16xi32>
    %add3A_1493 = arith.addi %mul3A_1467, %add3A_1492 : vector<16xi32>
    tpu.vector_store_idx %arg7[%add3A_1493], %gather3A_1490 : memref<49152xf32, #tpu.memory_space<vmem>>[vector<16xi32>], vector<16xf32>,
    %add3A_1494 = arith.constant 2 : i32
    %add3A_1495 = vector.broadcast %add3A_1494 : i32 to vector<16xi32>
    %add3A_1496 = arith.addi %mul3A_1479, %add3A_1495 : vector<16xi32>
    %gather3A_1497 = tpu.vector_load_idx %arg6[%add3A_1496] : memref<5120xf32, #tpu.memory_space<vmem>>[vector<16xi32>], vector<16xf32>,
    %add3A_1498 = arith.constant 9 : i32
    %add3A_1499 = vector.broadcast %add3A_1498 : i32 to vector<16xi32>
    %add3A_1500 = arith.addi %mul3A_1467, %add3A_1499 : vector<16xi32>
    tpu.vector_store_idx %arg7[%add3A_1500], %gather3A_1497 : memref<49152xf32, #tpu.memory_space<vmem>>[vector<16xi32>], vector<16xf32>,
    %add3A_1501 = arith.constant 3 : i32
    %add3A_1502 = vector.broadcast %add3A_1501 : i32 to vector<16xi32>
    %add3A_1503 = arith.addi %mul3A_1479, %add3A_1502 : vector<16xi32>
    %gather3A_1504 = tpu.vector_load_idx %arg6[%add3A_1503] : memref<5120xf32, #tpu.memory_space<vmem>>[vector<16xi32>], vector<16xf32>,
    %add3A_1505 = arith.constant 10 : i32
    %add3A_1506 = vector.broadcast %add3A_1505 : i32 to vector<16xi32>
    %add3A_1507 = arith.addi %mul3A_1467, %add3A_1506 : vector<16xi32>
    tpu.vector_store_idx %arg7[%add3A_1507], %gather3A_1504 : memref<49152xf32, #tpu.memory_space<vmem>>[vector<16xi32>], vector<16xf32>,
    %add3A_1508 = arith.constant 4 : i32
    %add3A_1509 = vector.broadcast %add3A_1508 : i32 to vector<16xi32>
    %add3A_1510 = arith.addi %mul3A_1479, %add3A_1509 : vector<16xi32>
    %gather3A_1511 = tpu.vector_load_idx %arg6[%add3A_1510] : memref<5120xf32, #tpu.memory_space<vmem>>[vector<16xi32>], vector<16xf32>,
    %add3A_1512 = arith.constant 11 : i32
    %add3A_1513 = vector.broadcast %add3A_1512 : i32 to vector<16xi32>
    %add3A_1514 = arith.addi %mul3A_1467, %add3A_1513 : vector<16xi32>
    tpu.vector_store_idx %arg7[%add3A_1514], %gather3A_1511 : memref<49152xf32, #tpu.memory_space<vmem>>[vector<16xi32>], vector<16xf32>,
    %add3A_1515 = arith.constant 384 : i32
    %add3A_1516 = arith.addi %mul3A_2, %add3A_1515 : i32
    %mul3A_1517 = arith.constant 768 : i32
    %mul3A_1518 = arith.muli %add3A_1516, %mul3A_1517 : i32
    %dma_start3A_1519 = tpu.memref_slice %arg4[%mul3A_1518] : memref<25165824xf32, #tpu.memory_space<hbm>> -> memref<49152xf32, #tpu.memory_space<hbm>>
    %dma_start3A_1520 = tpu.memref_slice %arg4[%mul3A_1518] : memref<25165824xf32, #tpu.memory_space<hbm>> -> memref<49152xf32, #tpu.memory_space<hbm>>
    tpu.enqueue_dma source(%arg7 : memref<49152xf32, #tpu.memory_space<vmem>>) target(%dma_start3A_1520 : memref<49152xf32, #tpu.memory_space<hbm>>) target_semaphore(%arg9 : memref<!tpu.dma_semaphore, #tpu.memory_space<semaphore_mem>>)
    %dma_wait3A_1521 = tpu.memref_slice %arg4[%mul3A_1298] : memref<25165824xf32, #tpu.memory_space<hbm>> -> memref<49152xf32, #tpu.memory_space<hbm>>
    %dma_wait3A_1522 = tpu.memref_slice %arg4[%mul3A_1298] : memref<25165824xf32, #tpu.memory_space<hbm>> -> memref<49152xf32, #tpu.memory_space<hbm>>
    tpu.wait_dma2 semaphore(%arg10 : memref<!tpu.dma_semaphore, #tpu.memory_space<semaphore_mem>>) src(%arg8 : memref<49152xf32, #tpu.memory_space<vmem>>) dst(%dma_wait3A_1522 : memref<49152xf32, #tpu.memory_space<hbm>>)
    %add3A_1523 = arith.constant 0 : i32
    %add3A_1524 = vector.broadcast %add3A_1523 : i32 to vector<16xi32>
    %add3A_1525 = arith.addi %iota3A, %add3A_1524 : vector<16xi32>
    %mul3A_1526 = arith.constant 768 : i32
    %mul3A_1527 = vector.broadcast %mul3A_1526 : i32 to vector<16xi32>
    %mul3A_1528 = arith.muli %add3A_1525, %mul3A_1527 : vector<16xi32>
    %get3A_1529 = arith.constant 448 : index
    %get3A_1530 = tpu.vector_load %arg5[%get3A_1529] {strides = array<i32>} : memref<1024xi32, #tpu.memory_space<vmem>>, vector<16xi32>,
    %get3A_1531 = arith.constant 320 : index
    %get3A_1532 = tpu.vector_load %arg5[%get3A_1531] {strides = array<i32>} : memref<1024xi32, #tpu.memory_space<vmem>>, vector<16xi32>,
    %add3A_1533 = arith.addi %mul3A_1528, %get3A_1532 : vector<16xi32>
    tpu.vector_store_idx %arg8[%add3A_1533], %broadcast_in_dim3A_5 : memref<49152xf32, #tpu.memory_space<vmem>>[vector<16xi32>], vector<16xf32>,
    %add3A_1534 = arith.addi %mul3A_1528, %get3A_1530 : vector<16xi32>
    tpu.vector_store_idx %arg8[%add3A_1534], %broadcast_in_dim3A_12 : memref<49152xf32, #tpu.memory_space<vmem>>[vector<16xi32>], vector<16xf32>,
    %add3A_1535 = arith.constant 448 : i32
    %add3A_1536 = vector.broadcast %add3A_1535 : i32 to vector<16xi32>
    %add3A_1537 = arith.addi %iota3A, %add3A_1536 : vector<16xi32>
    %mul3A_1538 = arith.constant 5 : i32
    %mul3A_1539 = vector.broadcast %mul3A_1538 : i32 to vector<16xi32>
    %mul3A_1540 = arith.muli %add3A_1537, %mul3A_1539 : vector<16xi32>
    %add3A_1541 = arith.constant 0 : i32
    %add3A_1542 = vector.broadcast %add3A_1541 : i32 to vector<16xi32>
    %add3A_1543 = arith.addi %mul3A_1540, %add3A_1542 : vector<16xi32>
    %gather3A_1544 = tpu.vector_load_idx %arg6[%add3A_1543] : memref<5120xf32, #tpu.memory_space<vmem>>[vector<16xi32>], vector<16xf32>,
    %add3A_1545 = arith.constant 7 : i32
    %add3A_1546 = vector.broadcast %add3A_1545 : i32 to vector<16xi32>
    %add3A_1547 = arith.addi %mul3A_1528, %add3A_1546 : vector<16xi32>
    tpu.vector_store_idx %arg8[%add3A_1547], %gather3A_1544 : memref<49152xf32, #tpu.memory_space<vmem>>[vector<16xi32>], vector<16xf32>,
    %add3A_1548 = arith.constant 1 : i32
    %add3A_1549 = vector.broadcast %add3A_1548 : i32 to vector<16xi32>
    %add3A_1550 = arith.addi %mul3A_1540, %add3A_1549 : vector<16xi32>
    %gather3A_1551 = tpu.vector_load_idx %arg6[%add3A_1550] : memref<5120xf32, #tpu.memory_space<vmem>>[vector<16xi32>], vector<16xf32>,
    %add3A_1552 = arith.constant 8 : i32
    %add3A_1553 = vector.broadcast %add3A_1552 : i32 to vector<16xi32>
    %add3A_1554 = arith.addi %mul3A_1528, %add3A_1553 : vector<16xi32>
    tpu.vector_store_idx %arg8[%add3A_1554], %gather3A_1551 : memref<49152xf32, #tpu.memory_space<vmem>>[vector<16xi32>], vector<16xf32>,
    %add3A_1555 = arith.constant 2 : i32
    %add3A_1556 = vector.broadcast %add3A_1555 : i32 to vector<16xi32>
    %add3A_1557 = arith.addi %mul3A_1540, %add3A_1556 : vector<16xi32>
    %gather3A_1558 = tpu.vector_load_idx %arg6[%add3A_1557] : memref<5120xf32, #tpu.memory_space<vmem>>[vector<16xi32>], vector<16xf32>,
    %add3A_1559 = arith.constant 9 : i32
    %add3A_1560 = vector.broadcast %add3A_1559 : i32 to vector<16xi32>
    %add3A_1561 = arith.addi %mul3A_1528, %add3A_1560 : vector<16xi32>
    tpu.vector_store_idx %arg8[%add3A_1561], %gather3A_1558 : memref<49152xf32, #tpu.memory_space<vmem>>[vector<16xi32>], vector<16xf32>,
    %add3A_1562 = arith.constant 3 : i32
    %add3A_1563 = vector.broadcast %add3A_1562 : i32 to vector<16xi32>
    %add3A_1564 = arith.addi %mul3A_1540, %add3A_1563 : vector<16xi32>
    %gather3A_1565 = tpu.vector_load_idx %arg6[%add3A_1564] : memref<5120xf32, #tpu.memory_space<vmem>>[vector<16xi32>], vector<16xf32>,
    %add3A_1566 = arith.constant 10 : i32
    %add3A_1567 = vector.broadcast %add3A_1566 : i32 to vector<16xi32>
    %add3A_1568 = arith.addi %mul3A_1528, %add3A_1567 : vector<16xi32>
    tpu.vector_store_idx %arg8[%add3A_1568], %gather3A_1565 : memref<49152xf32, #tpu.memory_space<vmem>>[vector<16xi32>], vector<16xf32>,
    %add3A_1569 = arith.constant 4 : i32
    %add3A_1570 = vector.broadcast %add3A_1569 : i32 to vector<16xi32>
    %add3A_1571 = arith.addi %mul3A_1540, %add3A_1570 : vector<16xi32>
    %gather3A_1572 = tpu.vector_load_idx %arg6[%add3A_1571] : memref<5120xf32, #tpu.memory_space<vmem>>[vector<16xi32>], vector<16xf32>,
    %add3A_1573 = arith.constant 11 : i32
    %add3A_1574 = vector.broadcast %add3A_1573 : i32 to vector<16xi32>
    %add3A_1575 = arith.addi %mul3A_1528, %add3A_1574 : vector<16xi32>
    tpu.vector_store_idx %arg8[%add3A_1575], %gather3A_1572 : memref<49152xf32, #tpu.memory_space<vmem>>[vector<16xi32>], vector<16xf32>,
    %add3A_1576 = arith.constant 16 : i32
    %add3A_1577 = vector.broadcast %add3A_1576 : i32 to vector<16xi32>
    %add3A_1578 = arith.addi %iota3A, %add3A_1577 : vector<16xi32>
    %mul3A_1579 = arith.constant 768 : i32
    %mul3A_1580 = vector.broadcast %mul3A_1579 : i32 to vector<16xi32>
    %mul3A_1581 = arith.muli %add3A_1578, %mul3A_1580 : vector<16xi32>
    %get3A_1582 = arith.constant 464 : index
    %get3A_1583 = tpu.vector_load %arg5[%get3A_1582] {strides = array<i32>} : memref<1024xi32, #tpu.memory_space<vmem>>, vector<16xi32>,
    %get3A_1584 = arith.constant 336 : index
    %get3A_1585 = tpu.vector_load %arg5[%get3A_1584] {strides = array<i32>} : memref<1024xi32, #tpu.memory_space<vmem>>, vector<16xi32>,
    %add3A_1586 = arith.addi %mul3A_1581, %get3A_1585 : vector<16xi32>
    tpu.vector_store_idx %arg8[%add3A_1586], %broadcast_in_dim3A_5 : memref<49152xf32, #tpu.memory_space<vmem>>[vector<16xi32>], vector<16xf32>,
    %add3A_1587 = arith.addi %mul3A_1581, %get3A_1583 : vector<16xi32>
    tpu.vector_store_idx %arg8[%add3A_1587], %broadcast_in_dim3A_12 : memref<49152xf32, #tpu.memory_space<vmem>>[vector<16xi32>], vector<16xf32>,
    %add3A_1588 = arith.constant 464 : i32
    %add3A_1589 = vector.broadcast %add3A_1588 : i32 to vector<16xi32>
    %add3A_1590 = arith.addi %iota3A, %add3A_1589 : vector<16xi32>
    %mul3A_1591 = arith.constant 5 : i32
    %mul3A_1592 = vector.broadcast %mul3A_1591 : i32 to vector<16xi32>
    %mul3A_1593 = arith.muli %add3A_1590, %mul3A_1592 : vector<16xi32>
    %add3A_1594 = arith.constant 0 : i32
    %add3A_1595 = vector.broadcast %add3A_1594 : i32 to vector<16xi32>
    %add3A_1596 = arith.addi %mul3A_1593, %add3A_1595 : vector<16xi32>
    %gather3A_1597 = tpu.vector_load_idx %arg6[%add3A_1596] : memref<5120xf32, #tpu.memory_space<vmem>>[vector<16xi32>], vector<16xf32>,
    %add3A_1598 = arith.constant 7 : i32
    %add3A_1599 = vector.broadcast %add3A_1598 : i32 to vector<16xi32>
    %add3A_1600 = arith.addi %mul3A_1581, %add3A_1599 : vector<16xi32>
    tpu.vector_store_idx %arg8[%add3A_1600], %gather3A_1597 : memref<49152xf32, #tpu.memory_space<vmem>>[vector<16xi32>], vector<16xf32>,
    %add3A_1601 = arith.constant 1 : i32
    %add3A_1602 = vector.broadcast %add3A_1601 : i32 to vector<16xi32>
    %add3A_1603 = arith.addi %mul3A_1593, %add3A_1602 : vector<16xi32>
    %gather3A_1604 = tpu.vector_load_idx %arg6[%add3A_1603] : memref<5120xf32, #tpu.memory_space<vmem>>[vector<16xi32>], vector<16xf32>,
    %add3A_1605 = arith.constant 8 : i32
    %add3A_1606 = vector.broadcast %add3A_1605 : i32 to vector<16xi32>
    %add3A_1607 = arith.addi %mul3A_1581, %add3A_1606 : vector<16xi32>
    tpu.vector_store_idx %arg8[%add3A_1607], %gather3A_1604 : memref<49152xf32, #tpu.memory_space<vmem>>[vector<16xi32>], vector<16xf32>,
    %add3A_1608 = arith.constant 2 : i32
    %add3A_1609 = vector.broadcast %add3A_1608 : i32 to vector<16xi32>
    %add3A_1610 = arith.addi %mul3A_1593, %add3A_1609 : vector<16xi32>
    %gather3A_1611 = tpu.vector_load_idx %arg6[%add3A_1610] : memref<5120xf32, #tpu.memory_space<vmem>>[vector<16xi32>], vector<16xf32>,
    %add3A_1612 = arith.constant 9 : i32
    %add3A_1613 = vector.broadcast %add3A_1612 : i32 to vector<16xi32>
    %add3A_1614 = arith.addi %mul3A_1581, %add3A_1613 : vector<16xi32>
    tpu.vector_store_idx %arg8[%add3A_1614], %gather3A_1611 : memref<49152xf32, #tpu.memory_space<vmem>>[vector<16xi32>], vector<16xf32>,
    %add3A_1615 = arith.constant 3 : i32
    %add3A_1616 = vector.broadcast %add3A_1615 : i32 to vector<16xi32>
    %add3A_1617 = arith.addi %mul3A_1593, %add3A_1616 : vector<16xi32>
    %gather3A_1618 = tpu.vector_load_idx %arg6[%add3A_1617] : memref<5120xf32, #tpu.memory_space<vmem>>[vector<16xi32>], vector<16xf32>,
    %add3A_1619 = arith.constant 10 : i32
    %add3A_1620 = vector.broadcast %add3A_1619 : i32 to vector<16xi32>
    %add3A_1621 = arith.addi %mul3A_1581, %add3A_1620 : vector<16xi32>
    tpu.vector_store_idx %arg8[%add3A_1621], %gather3A_1618 : memref<49152xf32, #tpu.memory_space<vmem>>[vector<16xi32>], vector<16xf32>,
    %add3A_1622 = arith.constant 4 : i32
    %add3A_1623 = vector.broadcast %add3A_1622 : i32 to vector<16xi32>
    %add3A_1624 = arith.addi %mul3A_1593, %add3A_1623 : vector<16xi32>
    %gather3A_1625 = tpu.vector_load_idx %arg6[%add3A_1624] : memref<5120xf32, #tpu.memory_space<vmem>>[vector<16xi32>], vector<16xf32>,
    %add3A_1626 = arith.constant 11 : i32
    %add3A_1627 = vector.broadcast %add3A_1626 : i32 to vector<16xi32>
    %add3A_1628 = arith.addi %mul3A_1581, %add3A_1627 : vector<16xi32>
    tpu.vector_store_idx %arg8[%add3A_1628], %gather3A_1625 : memref<49152xf32, #tpu.memory_space<vmem>>[vector<16xi32>], vector<16xf32>,
    %add3A_1629 = arith.constant 32 : i32
    %add3A_1630 = vector.broadcast %add3A_1629 : i32 to vector<16xi32>
    %add3A_1631 = arith.addi %iota3A, %add3A_1630 : vector<16xi32>
    %mul3A_1632 = arith.constant 768 : i32
    %mul3A_1633 = vector.broadcast %mul3A_1632 : i32 to vector<16xi32>
    %mul3A_1634 = arith.muli %add3A_1631, %mul3A_1633 : vector<16xi32>
    %get3A_1635 = arith.constant 480 : index
    %get3A_1636 = tpu.vector_load %arg5[%get3A_1635] {strides = array<i32>} : memref<1024xi32, #tpu.memory_space<vmem>>, vector<16xi32>,
    %get3A_1637 = arith.constant 352 : index
    %get3A_1638 = tpu.vector_load %arg5[%get3A_1637] {strides = array<i32>} : memref<1024xi32, #tpu.memory_space<vmem>>, vector<16xi32>,
    %add3A_1639 = arith.addi %mul3A_1634, %get3A_1638 : vector<16xi32>
    tpu.vector_store_idx %arg8[%add3A_1639], %broadcast_in_dim3A_5 : memref<49152xf32, #tpu.memory_space<vmem>>[vector<16xi32>], vector<16xf32>,
    %add3A_1640 = arith.addi %mul3A_1634, %get3A_1636 : vector<16xi32>
    tpu.vector_store_idx %arg8[%add3A_1640], %broadcast_in_dim3A_12 : memref<49152xf32, #tpu.memory_space<vmem>>[vector<16xi32>], vector<16xf32>,
    %add3A_1641 = arith.constant 480 : i32
    %add3A_1642 = vector.broadcast %add3A_1641 : i32 to vector<16xi32>
    %add3A_1643 = arith.addi %iota3A, %add3A_1642 : vector<16xi32>
    %mul3A_1644 = arith.constant 5 : i32
    %mul3A_1645 = vector.broadcast %mul3A_1644 : i32 to vector<16xi32>
    %mul3A_1646 = arith.muli %add3A_1643, %mul3A_1645 : vector<16xi32>
    %add3A_1647 = arith.constant 0 : i32
    %add3A_1648 = vector.broadcast %add3A_1647 : i32 to vector<16xi32>
    %add3A_1649 = arith.addi %mul3A_1646, %add3A_1648 : vector<16xi32>
    %gather3A_1650 = tpu.vector_load_idx %arg6[%add3A_1649] : memref<5120xf32, #tpu.memory_space<vmem>>[vector<16xi32>], vector<16xf32>,
    %add3A_1651 = arith.constant 7 : i32
    %add3A_1652 = vector.broadcast %add3A_1651 : i32 to vector<16xi32>
    %add3A_1653 = arith.addi %mul3A_1634, %add3A_1652 : vector<16xi32>
    tpu.vector_store_idx %arg8[%add3A_1653], %gather3A_1650 : memref<49152xf32, #tpu.memory_space<vmem>>[vector<16xi32>], vector<16xf32>,
    %add3A_1654 = arith.constant 1 : i32
    %add3A_1655 = vector.broadcast %add3A_1654 : i32 to vector<16xi32>
    %add3A_1656 = arith.addi %mul3A_1646, %add3A_1655 : vector<16xi32>
    %gather3A_1657 = tpu.vector_load_idx %arg6[%add3A_1656] : memref<5120xf32, #tpu.memory_space<vmem>>[vector<16xi32>], vector<16xf32>,
    %add3A_1658 = arith.constant 8 : i32
    %add3A_1659 = vector.broadcast %add3A_1658 : i32 to vector<16xi32>
    %add3A_1660 = arith.addi %mul3A_1634, %add3A_1659 : vector<16xi32>
    tpu.vector_store_idx %arg8[%add3A_1660], %gather3A_1657 : memref<49152xf32, #tpu.memory_space<vmem>>[vector<16xi32>], vector<16xf32>,
    %add3A_1661 = arith.constant 2 : i32
    %add3A_1662 = vector.broadcast %add3A_1661 : i32 to vector<16xi32>
    %add3A_1663 = arith.addi %mul3A_1646, %add3A_1662 : vector<16xi32>
    %gather3A_1664 = tpu.vector_load_idx %arg6[%add3A_1663] : memref<5120xf32, #tpu.memory_space<vmem>>[vector<16xi32>], vector<16xf32>,
    %add3A_1665 = arith.constant 9 : i32
    %add3A_1666 = vector.broadcast %add3A_1665 : i32 to vector<16xi32>
    %add3A_1667 = arith.addi %mul3A_1634, %add3A_1666 : vector<16xi32>
    tpu.vector_store_idx %arg8[%add3A_1667], %gather3A_1664 : memref<49152xf32, #tpu.memory_space<vmem>>[vector<16xi32>], vector<16xf32>,
    %add3A_1668 = arith.constant 3 : i32
    %add3A_1669 = vector.broadcast %add3A_1668 : i32 to vector<16xi32>
    %add3A_1670 = arith.addi %mul3A_1646, %add3A_1669 : vector<16xi32>
    %gather3A_1671 = tpu.vector_load_idx %arg6[%add3A_1670] : memref<5120xf32, #tpu.memory_space<vmem>>[vector<16xi32>], vector<16xf32>,
    %add3A_1672 = arith.constant 10 : i32
    %add3A_1673 = vector.broadcast %add3A_1672 : i32 to vector<16xi32>
    %add3A_1674 = arith.addi %mul3A_1634, %add3A_1673 : vector<16xi32>
    tpu.vector_store_idx %arg8[%add3A_1674], %gather3A_1671 : memref<49152xf32, #tpu.memory_space<vmem>>[vector<16xi32>], vector<16xf32>,
    %add3A_1675 = arith.constant 4 : i32
    %add3A_1676 = vector.broadcast %add3A_1675 : i32 to vector<16xi32>
    %add3A_1677 = arith.addi %mul3A_1646, %add3A_1676 : vector<16xi32>
    %gather3A_1678 = tpu.vector_load_idx %arg6[%add3A_1677] : memref<5120xf32, #tpu.memory_space<vmem>>[vector<16xi32>], vector<16xf32>,
    %add3A_1679 = arith.constant 11 : i32
    %add3A_1680 = vector.broadcast %add3A_1679 : i32 to vector<16xi32>
    %add3A_1681 = arith.addi %mul3A_1634, %add3A_1680 : vector<16xi32>
    tpu.vector_store_idx %arg8[%add3A_1681], %gather3A_1678 : memref<49152xf32, #tpu.memory_space<vmem>>[vector<16xi32>], vector<16xf32>,
    %add3A_1682 = arith.constant 48 : i32
    %add3A_1683 = vector.broadcast %add3A_1682 : i32 to vector<16xi32>
    %add3A_1684 = arith.addi %iota3A, %add3A_1683 : vector<16xi32>
    %mul3A_1685 = arith.constant 768 : i32
    %mul3A_1686 = vector.broadcast %mul3A_1685 : i32 to vector<16xi32>
    %mul3A_1687 = arith.muli %add3A_1684, %mul3A_1686 : vector<16xi32>
    %get3A_1688 = arith.constant 496 : index
    %get3A_1689 = tpu.vector_load %arg5[%get3A_1688] {strides = array<i32>} : memref<1024xi32, #tpu.memory_space<vmem>>, vector<16xi32>,
    %get3A_1690 = arith.constant 368 : index
    %get3A_1691 = tpu.vector_load %arg5[%get3A_1690] {strides = array<i32>} : memref<1024xi32, #tpu.memory_space<vmem>>, vector<16xi32>,
    %add3A_1692 = arith.addi %mul3A_1687, %get3A_1691 : vector<16xi32>
    tpu.vector_store_idx %arg8[%add3A_1692], %broadcast_in_dim3A_5 : memref<49152xf32, #tpu.memory_space<vmem>>[vector<16xi32>], vector<16xf32>,
    %add3A_1693 = arith.addi %mul3A_1687, %get3A_1689 : vector<16xi32>
    tpu.vector_store_idx %arg8[%add3A_1693], %broadcast_in_dim3A_12 : memref<49152xf32, #tpu.memory_space<vmem>>[vector<16xi32>], vector<16xf32>,
    %add3A_1694 = arith.constant 496 : i32
    %add3A_1695 = vector.broadcast %add3A_1694 : i32 to vector<16xi32>
    %add3A_1696 = arith.addi %iota3A, %add3A_1695 : vector<16xi32>
    %mul3A_1697 = arith.constant 5 : i32
    %mul3A_1698 = vector.broadcast %mul3A_1697 : i32 to vector<16xi32>
    %mul3A_1699 = arith.muli %add3A_1696, %mul3A_1698 : vector<16xi32>
    %add3A_1700 = arith.constant 0 : i32
    %add3A_1701 = vector.broadcast %add3A_1700 : i32 to vector<16xi32>
    %add3A_1702 = arith.addi %mul3A_1699, %add3A_1701 : vector<16xi32>
    %gather3A_1703 = tpu.vector_load_idx %arg6[%add3A_1702] : memref<5120xf32, #tpu.memory_space<vmem>>[vector<16xi32>], vector<16xf32>,
    %add3A_1704 = arith.constant 7 : i32
    %add3A_1705 = vector.broadcast %add3A_1704 : i32 to vector<16xi32>
    %add3A_1706 = arith.addi %mul3A_1687, %add3A_1705 : vector<16xi32>
    tpu.vector_store_idx %arg8[%add3A_1706], %gather3A_1703 : memref<49152xf32, #tpu.memory_space<vmem>>[vector<16xi32>], vector<16xf32>,
    %add3A_1707 = arith.constant 1 : i32
    %add3A_1708 = vector.broadcast %add3A_1707 : i32 to vector<16xi32>
    %add3A_1709 = arith.addi %mul3A_1699, %add3A_1708 : vector<16xi32>
    %gather3A_1710 = tpu.vector_load_idx %arg6[%add3A_1709] : memref<5120xf32, #tpu.memory_space<vmem>>[vector<16xi32>], vector<16xf32>,
    %add3A_1711 = arith.constant 8 : i32
    %add3A_1712 = vector.broadcast %add3A_1711 : i32 to vector<16xi32>
    %add3A_1713 = arith.addi %mul3A_1687, %add3A_1712 : vector<16xi32>
    tpu.vector_store_idx %arg8[%add3A_1713], %gather3A_1710 : memref<49152xf32, #tpu.memory_space<vmem>>[vector<16xi32>], vector<16xf32>,
    %add3A_1714 = arith.constant 2 : i32
    %add3A_1715 = vector.broadcast %add3A_1714 : i32 to vector<16xi32>
    %add3A_1716 = arith.addi %mul3A_1699, %add3A_1715 : vector<16xi32>
    %gather3A_1717 = tpu.vector_load_idx %arg6[%add3A_1716] : memref<5120xf32, #tpu.memory_space<vmem>>[vector<16xi32>], vector<16xf32>,
    %add3A_1718 = arith.constant 9 : i32
    %add3A_1719 = vector.broadcast %add3A_1718 : i32 to vector<16xi32>
    %add3A_1720 = arith.addi %mul3A_1687, %add3A_1719 : vector<16xi32>
    tpu.vector_store_idx %arg8[%add3A_1720], %gather3A_1717 : memref<49152xf32, #tpu.memory_space<vmem>>[vector<16xi32>], vector<16xf32>,
    %add3A_1721 = arith.constant 3 : i32
    %add3A_1722 = vector.broadcast %add3A_1721 : i32 to vector<16xi32>
    %add3A_1723 = arith.addi %mul3A_1699, %add3A_1722 : vector<16xi32>
    %gather3A_1724 = tpu.vector_load_idx %arg6[%add3A_1723] : memref<5120xf32, #tpu.memory_space<vmem>>[vector<16xi32>], vector<16xf32>,
    %add3A_1725 = arith.constant 10 : i32
    %add3A_1726 = vector.broadcast %add3A_1725 : i32 to vector<16xi32>
    %add3A_1727 = arith.addi %mul3A_1687, %add3A_1726 : vector<16xi32>
    tpu.vector_store_idx %arg8[%add3A_1727], %gather3A_1724 : memref<49152xf32, #tpu.memory_space<vmem>>[vector<16xi32>], vector<16xf32>,
    %add3A_1728 = arith.constant 4 : i32
    %add3A_1729 = vector.broadcast %add3A_1728 : i32 to vector<16xi32>
    %add3A_1730 = arith.addi %mul3A_1699, %add3A_1729 : vector<16xi32>
    %gather3A_1731 = tpu.vector_load_idx %arg6[%add3A_1730] : memref<5120xf32, #tpu.memory_space<vmem>>[vector<16xi32>], vector<16xf32>,
    %add3A_1732 = arith.constant 11 : i32
    %add3A_1733 = vector.broadcast %add3A_1732 : i32 to vector<16xi32>
    %add3A_1734 = arith.addi %mul3A_1687, %add3A_1733 : vector<16xi32>
    tpu.vector_store_idx %arg8[%add3A_1734], %gather3A_1731 : memref<49152xf32, #tpu.memory_space<vmem>>[vector<16xi32>], vector<16xf32>,
    %add3A_1735 = arith.constant 448 : i32
    %add3A_1736 = arith.addi %mul3A_2, %add3A_1735 : i32
    %mul3A_1737 = arith.constant 768 : i32
    %mul3A_1738 = arith.muli %add3A_1736, %mul3A_1737 : i32
    %dma_start3A_1739 = tpu.memref_slice %arg4[%mul3A_1738] : memref<25165824xf32, #tpu.memory_space<hbm>> -> memref<49152xf32, #tpu.memory_space<hbm>>
    %dma_start3A_1740 = tpu.memref_slice %arg4[%mul3A_1738] : memref<25165824xf32, #tpu.memory_space<hbm>> -> memref<49152xf32, #tpu.memory_space<hbm>>
    tpu.enqueue_dma source(%arg8 : memref<49152xf32, #tpu.memory_space<vmem>>) target(%dma_start3A_1740 : memref<49152xf32, #tpu.memory_space<hbm>>) target_semaphore(%arg10 : memref<!tpu.dma_semaphore, #tpu.memory_space<semaphore_mem>>)
    %dma_wait3A_1741 = tpu.memref_slice %arg4[%mul3A_1518] : memref<25165824xf32, #tpu.memory_space<hbm>> -> memref<49152xf32, #tpu.memory_space<hbm>>
    %dma_wait3A_1742 = tpu.memref_slice %arg4[%mul3A_1518] : memref<25165824xf32, #tpu.memory_space<hbm>> -> memref<49152xf32, #tpu.memory_space<hbm>>
    tpu.wait_dma2 semaphore(%arg9 : memref<!tpu.dma_semaphore, #tpu.memory_space<semaphore_mem>>) src(%arg7 : memref<49152xf32, #tpu.memory_space<vmem>>) dst(%dma_wait3A_1742 : memref<49152xf32, #tpu.memory_space<hbm>>)
    %add3A_1743 = arith.constant 0 : i32
    %add3A_1744 = vector.broadcast %add3A_1743 : i32 to vector<16xi32>
    %add3A_1745 = arith.addi %iota3A, %add3A_1744 : vector<16xi32>
    %mul3A_1746 = arith.constant 768 : i32
    %mul3A_1747 = vector.broadcast %mul3A_1746 : i32 to vector<16xi32>
    %mul3A_1748 = arith.muli %add3A_1745, %mul3A_1747 : vector<16xi32>
    %get3A_1749 = arith.constant 512 : index
    %get3A_1750 = tpu.vector_load %arg5[%get3A_1749] {strides = array<i32>} : memref<1024xi32, #tpu.memory_space<vmem>>, vector<16xi32>,
    %get3A_1751 = arith.constant 384 : index
    %get3A_1752 = tpu.vector_load %arg5[%get3A_1751] {strides = array<i32>} : memref<1024xi32, #tpu.memory_space<vmem>>, vector<16xi32>,
    %add3A_1753 = arith.addi %mul3A_1748, %get3A_1752 : vector<16xi32>
    tpu.vector_store_idx %arg7[%add3A_1753], %broadcast_in_dim3A_5 : memref<49152xf32, #tpu.memory_space<vmem>>[vector<16xi32>], vector<16xf32>,
    %add3A_1754 = arith.addi %mul3A_1748, %get3A_1750 : vector<16xi32>
    tpu.vector_store_idx %arg7[%add3A_1754], %broadcast_in_dim3A_12 : memref<49152xf32, #tpu.memory_space<vmem>>[vector<16xi32>], vector<16xf32>,
    %add3A_1755 = arith.constant 512 : i32
    %add3A_1756 = vector.broadcast %add3A_1755 : i32 to vector<16xi32>
    %add3A_1757 = arith.addi %iota3A, %add3A_1756 : vector<16xi32>
    %mul3A_1758 = arith.constant 5 : i32
    %mul3A_1759 = vector.broadcast %mul3A_1758 : i32 to vector<16xi32>
    %mul3A_1760 = arith.muli %add3A_1757, %mul3A_1759 : vector<16xi32>
    %add3A_1761 = arith.constant 0 : i32
    %add3A_1762 = vector.broadcast %add3A_1761 : i32 to vector<16xi32>
    %add3A_1763 = arith.addi %mul3A_1760, %add3A_1762 : vector<16xi32>
    %gather3A_1764 = tpu.vector_load_idx %arg6[%add3A_1763] : memref<5120xf32, #tpu.memory_space<vmem>>[vector<16xi32>], vector<16xf32>,
    %add3A_1765 = arith.constant 7 : i32
    %add3A_1766 = vector.broadcast %add3A_1765 : i32 to vector<16xi32>
    %add3A_1767 = arith.addi %mul3A_1748, %add3A_1766 : vector<16xi32>
    tpu.vector_store_idx %arg7[%add3A_1767], %gather3A_1764 : memref<49152xf32, #tpu.memory_space<vmem>>[vector<16xi32>], vector<16xf32>,
    %add3A_1768 = arith.constant 1 : i32
    %add3A_1769 = vector.broadcast %add3A_1768 : i32 to vector<16xi32>
    %add3A_1770 = arith.addi %mul3A_1760, %add3A_1769 : vector<16xi32>
    %gather3A_1771 = tpu.vector_load_idx %arg6[%add3A_1770] : memref<5120xf32, #tpu.memory_space<vmem>>[vector<16xi32>], vector<16xf32>,
    %add3A_1772 = arith.constant 8 : i32
    %add3A_1773 = vector.broadcast %add3A_1772 : i32 to vector<16xi32>
    %add3A_1774 = arith.addi %mul3A_1748, %add3A_1773 : vector<16xi32>
    tpu.vector_store_idx %arg7[%add3A_1774], %gather3A_1771 : memref<49152xf32, #tpu.memory_space<vmem>>[vector<16xi32>], vector<16xf32>,
    %add3A_1775 = arith.constant 2 : i32
    %add3A_1776 = vector.broadcast %add3A_1775 : i32 to vector<16xi32>
    %add3A_1777 = arith.addi %mul3A_1760, %add3A_1776 : vector<16xi32>
    %gather3A_1778 = tpu.vector_load_idx %arg6[%add3A_1777] : memref<5120xf32, #tpu.memory_space<vmem>>[vector<16xi32>], vector<16xf32>,
    %add3A_1779 = arith.constant 9 : i32
    %add3A_1780 = vector.broadcast %add3A_1779 : i32 to vector<16xi32>
    %add3A_1781 = arith.addi %mul3A_1748, %add3A_1780 : vector<16xi32>
    tpu.vector_store_idx %arg7[%add3A_1781], %gather3A_1778 : memref<49152xf32, #tpu.memory_space<vmem>>[vector<16xi32>], vector<16xf32>,
    %add3A_1782 = arith.constant 3 : i32
    %add3A_1783 = vector.broadcast %add3A_1782 : i32 to vector<16xi32>
    %add3A_1784 = arith.addi %mul3A_1760, %add3A_1783 : vector<16xi32>
    %gather3A_1785 = tpu.vector_load_idx %arg6[%add3A_1784] : memref<5120xf32, #tpu.memory_space<vmem>>[vector<16xi32>], vector<16xf32>,
    %add3A_1786 = arith.constant 10 : i32
    %add3A_1787 = vector.broadcast %add3A_1786 : i32 to vector<16xi32>
    %add3A_1788 = arith.addi %mul3A_1748, %add3A_1787 : vector<16xi32>
    tpu.vector_store_idx %arg7[%add3A_1788], %gather3A_1785 : memref<49152xf32, #tpu.memory_space<vmem>>[vector<16xi32>], vector<16xf32>,
    %add3A_1789 = arith.constant 4 : i32
    %add3A_1790 = vector.broadcast %add3A_1789 : i32 to vector<16xi32>
    %add3A_1791 = arith.addi %mul3A_1760, %add3A_1790 : vector<16xi32>
    %gather3A_1792 = tpu.vector_load_idx %arg6[%add3A_1791] : memref<5120xf32, #tpu.memory_space<vmem>>[vector<16xi32>], vector<16xf32>,
    %add3A_1793 = arith.constant 11 : i32
    %add3A_1794 = vector.broadcast %add3A_1793 : i32 to vector<16xi32>
    %add3A_1795 = arith.addi %mul3A_1748, %add3A_1794 : vector<16xi32>
    tpu.vector_store_idx %arg7[%add3A_1795], %gather3A_1792 : memref<49152xf32, #tpu.memory_space<vmem>>[vector<16xi32>], vector<16xf32>,
    %add3A_1796 = arith.constant 16 : i32
    %add3A_1797 = vector.broadcast %add3A_1796 : i32 to vector<16xi32>
    %add3A_1798 = arith.addi %iota3A, %add3A_1797 : vector<16xi32>
    %mul3A_1799 = arith.constant 768 : i32
    %mul3A_1800 = vector.broadcast %mul3A_1799 : i32 to vector<16xi32>
    %mul3A_1801 = arith.muli %add3A_1798, %mul3A_1800 : vector<16xi32>
    %get3A_1802 = arith.constant 528 : index
    %get3A_1803 = tpu.vector_load %arg5[%get3A_1802] {strides = array<i32>} : memref<1024xi32, #tpu.memory_space<vmem>>, vector<16xi32>,
    %get3A_1804 = arith.constant 400 : index
    %get3A_1805 = tpu.vector_load %arg5[%get3A_1804] {strides = array<i32>} : memref<1024xi32, #tpu.memory_space<vmem>>, vector<16xi32>,
    %add3A_1806 = arith.addi %mul3A_1801, %get3A_1805 : vector<16xi32>
    tpu.vector_store_idx %arg7[%add3A_1806], %broadcast_in_dim3A_5 : memref<49152xf32, #tpu.memory_space<vmem>>[vector<16xi32>], vector<16xf32>,
    %add3A_1807 = arith.addi %mul3A_1801, %get3A_1803 : vector<16xi32>
    tpu.vector_store_idx %arg7[%add3A_1807], %broadcast_in_dim3A_12 : memref<49152xf32, #tpu.memory_space<vmem>>[vector<16xi32>], vector<16xf32>,
    %add3A_1808 = arith.constant 528 : i32
    %add3A_1809 = vector.broadcast %add3A_1808 : i32 to vector<16xi32>
    %add3A_1810 = arith.addi %iota3A, %add3A_1809 : vector<16xi32>
    %mul3A_1811 = arith.constant 5 : i32
    %mul3A_1812 = vector.broadcast %mul3A_1811 : i32 to vector<16xi32>
    %mul3A_1813 = arith.muli %add3A_1810, %mul3A_1812 : vector<16xi32>
    %add3A_1814 = arith.constant 0 : i32
    %add3A_1815 = vector.broadcast %add3A_1814 : i32 to vector<16xi32>
    %add3A_1816 = arith.addi %mul3A_1813, %add3A_1815 : vector<16xi32>
    %gather3A_1817 = tpu.vector_load_idx %arg6[%add3A_1816] : memref<5120xf32, #tpu.memory_space<vmem>>[vector<16xi32>], vector<16xf32>,
    %add3A_1818 = arith.constant 7 : i32
    %add3A_1819 = vector.broadcast %add3A_1818 : i32 to vector<16xi32>
    %add3A_1820 = arith.addi %mul3A_1801, %add3A_1819 : vector<16xi32>
    tpu.vector_store_idx %arg7[%add3A_1820], %gather3A_1817 : memref<49152xf32, #tpu.memory_space<vmem>>[vector<16xi32>], vector<16xf32>,
    %add3A_1821 = arith.constant 1 : i32
    %add3A_1822 = vector.broadcast %add3A_1821 : i32 to vector<16xi32>
    %add3A_1823 = arith.addi %mul3A_1813, %add3A_1822 : vector<16xi32>
    %gather3A_1824 = tpu.vector_load_idx %arg6[%add3A_1823] : memref<5120xf32, #tpu.memory_space<vmem>>[vector<16xi32>], vector<16xf32>,
    %add3A_1825 = arith.constant 8 : i32
    %add3A_1826 = vector.broadcast %add3A_1825 : i32 to vector<16xi32>
    %add3A_1827 = arith.addi %mul3A_1801, %add3A_1826 : vector<16xi32>
    tpu.vector_store_idx %arg7[%add3A_1827], %gather3A_1824 : memref<49152xf32, #tpu.memory_space<vmem>>[vector<16xi32>], vector<16xf32>,
    %add3A_1828 = arith.constant 2 : i32
    %add3A_1829 = vector.broadcast %add3A_1828 : i32 to vector<16xi32>
    %add3A_1830 = arith.addi %mul3A_1813, %add3A_1829 : vector<16xi32>
    %gather3A_1831 = tpu.vector_load_idx %arg6[%add3A_1830] : memref<5120xf32, #tpu.memory_space<vmem>>[vector<16xi32>], vector<16xf32>,
    %add3A_1832 = arith.constant 9 : i32
    %add3A_1833 = vector.broadcast %add3A_1832 : i32 to vector<16xi32>
    %add3A_1834 = arith.addi %mul3A_1801, %add3A_1833 : vector<16xi32>
    tpu.vector_store_idx %arg7[%add3A_1834], %gather3A_1831 : memref<49152xf32, #tpu.memory_space<vmem>>[vector<16xi32>], vector<16xf32>,
    %add3A_1835 = arith.constant 3 : i32
    %add3A_1836 = vector.broadcast %add3A_1835 : i32 to vector<16xi32>
    %add3A_1837 = arith.addi %mul3A_1813, %add3A_1836 : vector<16xi32>
    %gather3A_1838 = tpu.vector_load_idx %arg6[%add3A_1837] : memref<5120xf32, #tpu.memory_space<vmem>>[vector<16xi32>], vector<16xf32>,
    %add3A_1839 = arith.constant 10 : i32
    %add3A_1840 = vector.broadcast %add3A_1839 : i32 to vector<16xi32>
    %add3A_1841 = arith.addi %mul3A_1801, %add3A_1840 : vector<16xi32>
    tpu.vector_store_idx %arg7[%add3A_1841], %gather3A_1838 : memref<49152xf32, #tpu.memory_space<vmem>>[vector<16xi32>], vector<16xf32>,
    %add3A_1842 = arith.constant 4 : i32
    %add3A_1843 = vector.broadcast %add3A_1842 : i32 to vector<16xi32>
    %add3A_1844 = arith.addi %mul3A_1813, %add3A_1843 : vector<16xi32>
    %gather3A_1845 = tpu.vector_load_idx %arg6[%add3A_1844] : memref<5120xf32, #tpu.memory_space<vmem>>[vector<16xi32>], vector<16xf32>,
    %add3A_1846 = arith.constant 11 : i32
    %add3A_1847 = vector.broadcast %add3A_1846 : i32 to vector<16xi32>
    %add3A_1848 = arith.addi %mul3A_1801, %add3A_1847 : vector<16xi32>
    tpu.vector_store_idx %arg7[%add3A_1848], %gather3A_1845 : memref<49152xf32, #tpu.memory_space<vmem>>[vector<16xi32>], vector<16xf32>,
    %add3A_1849 = arith.constant 32 : i32
    %add3A_1850 = vector.broadcast %add3A_1849 : i32 to vector<16xi32>
    %add3A_1851 = arith.addi %iota3A, %add3A_1850 : vector<16xi32>
    %mul3A_1852 = arith.constant 768 : i32
    %mul3A_1853 = vector.broadcast %mul3A_1852 : i32 to vector<16xi32>
    %mul3A_1854 = arith.muli %add3A_1851, %mul3A_1853 : vector<16xi32>
    %get3A_1855 = arith.constant 544 : index
    %get3A_1856 = tpu.vector_load %arg5[%get3A_1855] {strides = array<i32>} : memref<1024xi32, #tpu.memory_space<vmem>>, vector<16xi32>,
    %get3A_1857 = arith.constant 416 : index
    %get3A_1858 = tpu.vector_load %arg5[%get3A_1857] {strides = array<i32>} : memref<1024xi32, #tpu.memory_space<vmem>>, vector<16xi32>,
    %add3A_1859 = arith.addi %mul3A_1854, %get3A_1858 : vector<16xi32>
    tpu.vector_store_idx %arg7[%add3A_1859], %broadcast_in_dim3A_5 : memref<49152xf32, #tpu.memory_space<vmem>>[vector<16xi32>], vector<16xf32>,
    %add3A_1860 = arith.addi %mul3A_1854, %get3A_1856 : vector<16xi32>
    tpu.vector_store_idx %arg7[%add3A_1860], %broadcast_in_dim3A_12 : memref<49152xf32, #tpu.memory_space<vmem>>[vector<16xi32>], vector<16xf32>,
    %add3A_1861 = arith.constant 544 : i32
    %add3A_1862 = vector.broadcast %add3A_1861 : i32 to vector<16xi32>
    %add3A_1863 = arith.addi %iota3A, %add3A_1862 : vector<16xi32>
    %mul3A_1864 = arith.constant 5 : i32
    %mul3A_1865 = vector.broadcast %mul3A_1864 : i32 to vector<16xi32>
    %mul3A_1866 = arith.muli %add3A_1863, %mul3A_1865 : vector<16xi32>
    %add3A_1867 = arith.constant 0 : i32
    %add3A_1868 = vector.broadcast %add3A_1867 : i32 to vector<16xi32>
    %add3A_1869 = arith.addi %mul3A_1866, %add3A_1868 : vector<16xi32>
    %gather3A_1870 = tpu.vector_load_idx %arg6[%add3A_1869] : memref<5120xf32, #tpu.memory_space<vmem>>[vector<16xi32>], vector<16xf32>,
    %add3A_1871 = arith.constant 7 : i32
    %add3A_1872 = vector.broadcast %add3A_1871 : i32 to vector<16xi32>
    %add3A_1873 = arith.addi %mul3A_1854, %add3A_1872 : vector<16xi32>
    tpu.vector_store_idx %arg7[%add3A_1873], %gather3A_1870 : memref<49152xf32, #tpu.memory_space<vmem>>[vector<16xi32>], vector<16xf32>,
    %add3A_1874 = arith.constant 1 : i32
    %add3A_1875 = vector.broadcast %add3A_1874 : i32 to vector<16xi32>
    %add3A_1876 = arith.addi %mul3A_1866, %add3A_1875 : vector<16xi32>
    %gather3A_1877 = tpu.vector_load_idx %arg6[%add3A_1876] : memref<5120xf32, #tpu.memory_space<vmem>>[vector<16xi32>], vector<16xf32>,
    %add3A_1878 = arith.constant 8 : i32
    %add3A_1879 = vector.broadcast %add3A_1878 : i32 to vector<16xi32>
    %add3A_1880 = arith.addi %mul3A_1854, %add3A_1879 : vector<16xi32>
    tpu.vector_store_idx %arg7[%add3A_1880], %gather3A_1877 : memref<49152xf32, #tpu.memory_space<vmem>>[vector<16xi32>], vector<16xf32>,
    %add3A_1881 = arith.constant 2 : i32
    %add3A_1882 = vector.broadcast %add3A_1881 : i32 to vector<16xi32>
    %add3A_1883 = arith.addi %mul3A_1866, %add3A_1882 : vector<16xi32>
    %gather3A_1884 = tpu.vector_load_idx %arg6[%add3A_1883] : memref<5120xf32, #tpu.memory_space<vmem>>[vector<16xi32>], vector<16xf32>,
    %add3A_1885 = arith.constant 9 : i32
    %add3A_1886 = vector.broadcast %add3A_1885 : i32 to vector<16xi32>
    %add3A_1887 = arith.addi %mul3A_1854, %add3A_1886 : vector<16xi32>
    tpu.vector_store_idx %arg7[%add3A_1887], %gather3A_1884 : memref<49152xf32, #tpu.memory_space<vmem>>[vector<16xi32>], vector<16xf32>,
    %add3A_1888 = arith.constant 3 : i32
    %add3A_1889 = vector.broadcast %add3A_1888 : i32 to vector<16xi32>
    %add3A_1890 = arith.addi %mul3A_1866, %add3A_1889 : vector<16xi32>
    %gather3A_1891 = tpu.vector_load_idx %arg6[%add3A_1890] : memref<5120xf32, #tpu.memory_space<vmem>>[vector<16xi32>], vector<16xf32>,
    %add3A_1892 = arith.constant 10 : i32
    %add3A_1893 = vector.broadcast %add3A_1892 : i32 to vector<16xi32>
    %add3A_1894 = arith.addi %mul3A_1854, %add3A_1893 : vector<16xi32>
    tpu.vector_store_idx %arg7[%add3A_1894], %gather3A_1891 : memref<49152xf32, #tpu.memory_space<vmem>>[vector<16xi32>], vector<16xf32>,
    %add3A_1895 = arith.constant 4 : i32
    %add3A_1896 = vector.broadcast %add3A_1895 : i32 to vector<16xi32>
    %add3A_1897 = arith.addi %mul3A_1866, %add3A_1896 : vector<16xi32>
    %gather3A_1898 = tpu.vector_load_idx %arg6[%add3A_1897] : memref<5120xf32, #tpu.memory_space<vmem>>[vector<16xi32>], vector<16xf32>,
    %add3A_1899 = arith.constant 11 : i32
    %add3A_1900 = vector.broadcast %add3A_1899 : i32 to vector<16xi32>
    %add3A_1901 = arith.addi %mul3A_1854, %add3A_1900 : vector<16xi32>
    tpu.vector_store_idx %arg7[%add3A_1901], %gather3A_1898 : memref<49152xf32, #tpu.memory_space<vmem>>[vector<16xi32>], vector<16xf32>,
    %add3A_1902 = arith.constant 48 : i32
    %add3A_1903 = vector.broadcast %add3A_1902 : i32 to vector<16xi32>
    %add3A_1904 = arith.addi %iota3A, %add3A_1903 : vector<16xi32>
    %mul3A_1905 = arith.constant 768 : i32
    %mul3A_1906 = vector.broadcast %mul3A_1905 : i32 to vector<16xi32>
    %mul3A_1907 = arith.muli %add3A_1904, %mul3A_1906 : vector<16xi32>
    %get3A_1908 = arith.constant 560 : index
    %get3A_1909 = tpu.vector_load %arg5[%get3A_1908] {strides = array<i32>} : memref<1024xi32, #tpu.memory_space<vmem>>, vector<16xi32>,
    %get3A_1910 = arith.constant 432 : index
    %get3A_1911 = tpu.vector_load %arg5[%get3A_1910] {strides = array<i32>} : memref<1024xi32, #tpu.memory_space<vmem>>, vector<16xi32>,
    %add3A_1912 = arith.addi %mul3A_1907, %get3A_1911 : vector<16xi32>
    tpu.vector_store_idx %arg7[%add3A_1912], %broadcast_in_dim3A_5 : memref<49152xf32, #tpu.memory_space<vmem>>[vector<16xi32>], vector<16xf32>,
    %add3A_1913 = arith.addi %mul3A_1907, %get3A_1909 : vector<16xi32>
    tpu.vector_store_idx %arg7[%add3A_1913], %broadcast_in_dim3A_12 : memref<49152xf32, #tpu.memory_space<vmem>>[vector<16xi32>], vector<16xf32>,
    %add3A_1914 = arith.constant 560 : i32
    %add3A_1915 = vector.broadcast %add3A_1914 : i32 to vector<16xi32>
    %add3A_1916 = arith.addi %iota3A, %add3A_1915 : vector<16xi32>
    %mul3A_1917 = arith.constant 5 : i32
    %mul3A_1918 = vector.broadcast %mul3A_1917 : i32 to vector<16xi32>
    %mul3A_1919 = arith.muli %add3A_1916, %mul3A_1918 : vector<16xi32>
    %add3A_1920 = arith.constant 0 : i32
    %add3A_1921 = vector.broadcast %add3A_1920 : i32 to vector<16xi32>
    %add3A_1922 = arith.addi %mul3A_1919, %add3A_1921 : vector<16xi32>
    %gather3A_1923 = tpu.vector_load_idx %arg6[%add3A_1922] : memref<5120xf32, #tpu.memory_space<vmem>>[vector<16xi32>], vector<16xf32>,
    %add3A_1924 = arith.constant 7 : i32
    %add3A_1925 = vector.broadcast %add3A_1924 : i32 to vector<16xi32>
    %add3A_1926 = arith.addi %mul3A_1907, %add3A_1925 : vector<16xi32>
    tpu.vector_store_idx %arg7[%add3A_1926], %gather3A_1923 : memref<49152xf32, #tpu.memory_space<vmem>>[vector<16xi32>], vector<16xf32>,
    %add3A_1927 = arith.constant 1 : i32
    %add3A_1928 = vector.broadcast %add3A_1927 : i32 to vector<16xi32>
    %add3A_1929 = arith.addi %mul3A_1919, %add3A_1928 : vector<16xi32>
    %gather3A_1930 = tpu.vector_load_idx %arg6[%add3A_1929] : memref<5120xf32, #tpu.memory_space<vmem>>[vector<16xi32>], vector<16xf32>,
    %add3A_1931 = arith.constant 8 : i32
    %add3A_1932 = vector.broadcast %add3A_1931 : i32 to vector<16xi32>
    %add3A_1933 = arith.addi %mul3A_1907, %add3A_1932 : vector<16xi32>
    tpu.vector_store_idx %arg7[%add3A_1933], %gather3A_1930 : memref<49152xf32, #tpu.memory_space<vmem>>[vector<16xi32>], vector<16xf32>,
    %add3A_1934 = arith.constant 2 : i32
    %add3A_1935 = vector.broadcast %add3A_1934 : i32 to vector<16xi32>
    %add3A_1936 = arith.addi %mul3A_1919, %add3A_1935 : vector<16xi32>
    %gather3A_1937 = tpu.vector_load_idx %arg6[%add3A_1936] : memref<5120xf32, #tpu.memory_space<vmem>>[vector<16xi32>], vector<16xf32>,
    %add3A_1938 = arith.constant 9 : i32
    %add3A_1939 = vector.broadcast %add3A_1938 : i32 to vector<16xi32>
    %add3A_1940 = arith.addi %mul3A_1907, %add3A_1939 : vector<16xi32>
    tpu.vector_store_idx %arg7[%add3A_1940], %gather3A_1937 : memref<49152xf32, #tpu.memory_space<vmem>>[vector<16xi32>], vector<16xf32>,
    %add3A_1941 = arith.constant 3 : i32
    %add3A_1942 = vector.broadcast %add3A_1941 : i32 to vector<16xi32>
    %add3A_1943 = arith.addi %mul3A_1919, %add3A_1942 : vector<16xi32>
    %gather3A_1944 = tpu.vector_load_idx %arg6[%add3A_1943] : memref<5120xf32, #tpu.memory_space<vmem>>[vector<16xi32>], vector<16xf32>,
    %add3A_1945 = arith.constant 10 : i32
    %add3A_1946 = vector.broadcast %add3A_1945 : i32 to vector<16xi32>
    %add3A_1947 = arith.addi %mul3A_1907, %add3A_1946 : vector<16xi32>
    tpu.vector_store_idx %arg7[%add3A_1947], %gather3A_1944 : memref<49152xf32, #tpu.memory_space<vmem>>[vector<16xi32>], vector<16xf32>,
    %add3A_1948 = arith.constant 4 : i32
    %add3A_1949 = vector.broadcast %add3A_1948 : i32 to vector<16xi32>
    %add3A_1950 = arith.addi %mul3A_1919, %add3A_1949 : vector<16xi32>
    %gather3A_1951 = tpu.vector_load_idx %arg6[%add3A_1950] : memref<5120xf32, #tpu.memory_space<vmem>>[vector<16xi32>], vector<16xf32>,
    %add3A_1952 = arith.constant 11 : i32
    %add3A_1953 = vector.broadcast %add3A_1952 : i32 to vector<16xi32>
    %add3A_1954 = arith.addi %mul3A_1907, %add3A_1953 : vector<16xi32>
    tpu.vector_store_idx %arg7[%add3A_1954], %gather3A_1951 : memref<49152xf32, #tpu.memory_space<vmem>>[vector<16xi32>], vector<16xf32>,
    %add3A_1955 = arith.constant 512 : i32
    %add3A_1956 = arith.addi %mul3A_2, %add3A_1955 : i32
    %mul3A_1957 = arith.constant 768 : i32
    %mul3A_1958 = arith.muli %add3A_1956, %mul3A_1957 : i32
    %dma_start3A_1959 = tpu.memref_slice %arg4[%mul3A_1958] : memref<25165824xf32, #tpu.memory_space<hbm>> -> memref<49152xf32, #tpu.memory_space<hbm>>
    %dma_start3A_1960 = tpu.memref_slice %arg4[%mul3A_1958] : memref<25165824xf32, #tpu.memory_space<hbm>> -> memref<49152xf32, #tpu.memory_space<hbm>>
    tpu.enqueue_dma source(%arg7 : memref<49152xf32, #tpu.memory_space<vmem>>) target(%dma_start3A_1960 : memref<49152xf32, #tpu.memory_space<hbm>>) target_semaphore(%arg9 : memref<!tpu.dma_semaphore, #tpu.memory_space<semaphore_mem>>)
    %dma_wait3A_1961 = tpu.memref_slice %arg4[%mul3A_1738] : memref<25165824xf32, #tpu.memory_space<hbm>> -> memref<49152xf32, #tpu.memory_space<hbm>>
    %dma_wait3A_1962 = tpu.memref_slice %arg4[%mul3A_1738] : memref<25165824xf32, #tpu.memory_space<hbm>> -> memref<49152xf32, #tpu.memory_space<hbm>>
    tpu.wait_dma2 semaphore(%arg10 : memref<!tpu.dma_semaphore, #tpu.memory_space<semaphore_mem>>) src(%arg8 : memref<49152xf32, #tpu.memory_space<vmem>>) dst(%dma_wait3A_1962 : memref<49152xf32, #tpu.memory_space<hbm>>)
    %add3A_1963 = arith.constant 0 : i32
    %add3A_1964 = vector.broadcast %add3A_1963 : i32 to vector<16xi32>
    %add3A_1965 = arith.addi %iota3A, %add3A_1964 : vector<16xi32>
    %mul3A_1966 = arith.constant 768 : i32
    %mul3A_1967 = vector.broadcast %mul3A_1966 : i32 to vector<16xi32>
    %mul3A_1968 = arith.muli %add3A_1965, %mul3A_1967 : vector<16xi32>
    %get3A_1969 = arith.constant 576 : index
    %get3A_1970 = tpu.vector_load %arg5[%get3A_1969] {strides = array<i32>} : memref<1024xi32, #tpu.memory_space<vmem>>, vector<16xi32>,
    %get3A_1971 = arith.constant 448 : index
    %get3A_1972 = tpu.vector_load %arg5[%get3A_1971] {strides = array<i32>} : memref<1024xi32, #tpu.memory_space<vmem>>, vector<16xi32>,
    %add3A_1973 = arith.addi %mul3A_1968, %get3A_1972 : vector<16xi32>
    tpu.vector_store_idx %arg8[%add3A_1973], %broadcast_in_dim3A_5 : memref<49152xf32, #tpu.memory_space<vmem>>[vector<16xi32>], vector<16xf32>,
    %add3A_1974 = arith.addi %mul3A_1968, %get3A_1970 : vector<16xi32>
    tpu.vector_store_idx %arg8[%add3A_1974], %broadcast_in_dim3A_12 : memref<49152xf32, #tpu.memory_space<vmem>>[vector<16xi32>], vector<16xf32>,
    %add3A_1975 = arith.constant 576 : i32
    %add3A_1976 = vector.broadcast %add3A_1975 : i32 to vector<16xi32>
    %add3A_1977 = arith.addi %iota3A, %add3A_1976 : vector<16xi32>
    %mul3A_1978 = arith.constant 5 : i32
    %mul3A_1979 = vector.broadcast %mul3A_1978 : i32 to vector<16xi32>
    %mul3A_1980 = arith.muli %add3A_1977, %mul3A_1979 : vector<16xi32>
    %add3A_1981 = arith.constant 0 : i32
    %add3A_1982 = vector.broadcast %add3A_1981 : i32 to vector<16xi32>
    %add3A_1983 = arith.addi %mul3A_1980, %add3A_1982 : vector<16xi32>
    %gather3A_1984 = tpu.vector_load_idx %arg6[%add3A_1983] : memref<5120xf32, #tpu.memory_space<vmem>>[vector<16xi32>], vector<16xf32>,
    %add3A_1985 = arith.constant 7 : i32
    %add3A_1986 = vector.broadcast %add3A_1985 : i32 to vector<16xi32>
    %add3A_1987 = arith.addi %mul3A_1968, %add3A_1986 : vector<16xi32>
    tpu.vector_store_idx %arg8[%add3A_1987], %gather3A_1984 : memref<49152xf32, #tpu.memory_space<vmem>>[vector<16xi32>], vector<16xf32>,
    %add3A_1988 = arith.constant 1 : i32
    %add3A_1989 = vector.broadcast %add3A_1988 : i32 to vector<16xi32>
    %add3A_1990 = arith.addi %mul3A_1980, %add3A_1989 : vector<16xi32>
    %gather3A_1991 = tpu.vector_load_idx %arg6[%add3A_1990] : memref<5120xf32, #tpu.memory_space<vmem>>[vector<16xi32>], vector<16xf32>,
    %add3A_1992 = arith.constant 8 : i32
    %add3A_1993 = vector.broadcast %add3A_1992 : i32 to vector<16xi32>
    %add3A_1994 = arith.addi %mul3A_1968, %add3A_1993 : vector<16xi32>
    tpu.vector_store_idx %arg8[%add3A_1994], %gather3A_1991 : memref<49152xf32, #tpu.memory_space<vmem>>[vector<16xi32>], vector<16xf32>,
    %add3A_1995 = arith.constant 2 : i32
    %add3A_1996 = vector.broadcast %add3A_1995 : i32 to vector<16xi32>
    %add3A_1997 = arith.addi %mul3A_1980, %add3A_1996 : vector<16xi32>
    %gather3A_1998 = tpu.vector_load_idx %arg6[%add3A_1997] : memref<5120xf32, #tpu.memory_space<vmem>>[vector<16xi32>], vector<16xf32>,
    %add3A_1999 = arith.constant 9 : i32
    %add3A_2000 = vector.broadcast %add3A_1999 : i32 to vector<16xi32>
    %add3A_2001 = arith.addi %mul3A_1968, %add3A_2000 : vector<16xi32>
    tpu.vector_store_idx %arg8[%add3A_2001], %gather3A_1998 : memref<49152xf32, #tpu.memory_space<vmem>>[vector<16xi32>], vector<16xf32>,
    %add3A_2002 = arith.constant 3 : i32
    %add3A_2003 = vector.broadcast %add3A_2002 : i32 to vector<16xi32>
    %add3A_2004 = arith.addi %mul3A_1980, %add3A_2003 : vector<16xi32>
    %gather3A_2005 = tpu.vector_load_idx %arg6[%add3A_2004] : memref<5120xf32, #tpu.memory_space<vmem>>[vector<16xi32>], vector<16xf32>,
    %add3A_2006 = arith.constant 10 : i32
    %add3A_2007 = vector.broadcast %add3A_2006 : i32 to vector<16xi32>
    %add3A_2008 = arith.addi %mul3A_1968, %add3A_2007 : vector<16xi32>
    tpu.vector_store_idx %arg8[%add3A_2008], %gather3A_2005 : memref<49152xf32, #tpu.memory_space<vmem>>[vector<16xi32>], vector<16xf32>,
    %add3A_2009 = arith.constant 4 : i32
    %add3A_2010 = vector.broadcast %add3A_2009 : i32 to vector<16xi32>
    %add3A_2011 = arith.addi %mul3A_1980, %add3A_2010 : vector<16xi32>
    %gather3A_2012 = tpu.vector_load_idx %arg6[%add3A_2011] : memref<5120xf32, #tpu.memory_space<vmem>>[vector<16xi32>], vector<16xf32>,
    %add3A_2013 = arith.constant 11 : i32
    %add3A_2014 = vector.broadcast %add3A_2013 : i32 to vector<16xi32>
    %add3A_2015 = arith.addi %mul3A_1968, %add3A_2014 : vector<16xi32>
    tpu.vector_store_idx %arg8[%add3A_2015], %gather3A_2012 : memref<49152xf32, #tpu.memory_space<vmem>>[vector<16xi32>], vector<16xf32>,
    %add3A_2016 = arith.constant 16 : i32
    %add3A_2017 = vector.broadcast %add3A_2016 : i32 to vector<16xi32>
    %add3A_2018 = arith.addi %iota3A, %add3A_2017 : vector<16xi32>
    %mul3A_2019 = arith.constant 768 : i32
    %mul3A_2020 = vector.broadcast %mul3A_2019 : i32 to vector<16xi32>
    %mul3A_2021 = arith.muli %add3A_2018, %mul3A_2020 : vector<16xi32>
    %get3A_2022 = arith.constant 592 : index
    %get3A_2023 = tpu.vector_load %arg5[%get3A_2022] {strides = array<i32>} : memref<1024xi32, #tpu.memory_space<vmem>>, vector<16xi32>,
    %get3A_2024 = arith.constant 464 : index
    %get3A_2025 = tpu.vector_load %arg5[%get3A_2024] {strides = array<i32>} : memref<1024xi32, #tpu.memory_space<vmem>>, vector<16xi32>,
    %add3A_2026 = arith.addi %mul3A_2021, %get3A_2025 : vector<16xi32>
    tpu.vector_store_idx %arg8[%add3A_2026], %broadcast_in_dim3A_5 : memref<49152xf32, #tpu.memory_space<vmem>>[vector<16xi32>], vector<16xf32>,
    %add3A_2027 = arith.addi %mul3A_2021, %get3A_2023 : vector<16xi32>
    tpu.vector_store_idx %arg8[%add3A_2027], %broadcast_in_dim3A_12 : memref<49152xf32, #tpu.memory_space<vmem>>[vector<16xi32>], vector<16xf32>,
    %add3A_2028 = arith.constant 592 : i32
    %add3A_2029 = vector.broadcast %add3A_2028 : i32 to vector<16xi32>
    %add3A_2030 = arith.addi %iota3A, %add3A_2029 : vector<16xi32>
    %mul3A_2031 = arith.constant 5 : i32
    %mul3A_2032 = vector.broadcast %mul3A_2031 : i32 to vector<16xi32>
    %mul3A_2033 = arith.muli %add3A_2030, %mul3A_2032 : vector<16xi32>
    %add3A_2034 = arith.constant 0 : i32
    %add3A_2035 = vector.broadcast %add3A_2034 : i32 to vector<16xi32>
    %add3A_2036 = arith.addi %mul3A_2033, %add3A_2035 : vector<16xi32>
    %gather3A_2037 = tpu.vector_load_idx %arg6[%add3A_2036] : memref<5120xf32, #tpu.memory_space<vmem>>[vector<16xi32>], vector<16xf32>,
    %add3A_2038 = arith.constant 7 : i32
    %add3A_2039 = vector.broadcast %add3A_2038 : i32 to vector<16xi32>
    %add3A_2040 = arith.addi %mul3A_2021, %add3A_2039 : vector<16xi32>
    tpu.vector_store_idx %arg8[%add3A_2040], %gather3A_2037 : memref<49152xf32, #tpu.memory_space<vmem>>[vector<16xi32>], vector<16xf32>,
    %add3A_2041 = arith.constant 1 : i32
    %add3A_2042 = vector.broadcast %add3A_2041 : i32 to vector<16xi32>
    %add3A_2043 = arith.addi %mul3A_2033, %add3A_2042 : vector<16xi32>
    %gather3A_2044 = tpu.vector_load_idx %arg6[%add3A_2043] : memref<5120xf32, #tpu.memory_space<vmem>>[vector<16xi32>], vector<16xf32>,
    %add3A_2045 = arith.constant 8 : i32
    %add3A_2046 = vector.broadcast %add3A_2045 : i32 to vector<16xi32>
    %add3A_2047 = arith.addi %mul3A_2021, %add3A_2046 : vector<16xi32>
    tpu.vector_store_idx %arg8[%add3A_2047], %gather3A_2044 : memref<49152xf32, #tpu.memory_space<vmem>>[vector<16xi32>], vector<16xf32>,
    %add3A_2048 = arith.constant 2 : i32
    %add3A_2049 = vector.broadcast %add3A_2048 : i32 to vector<16xi32>
    %add3A_2050 = arith.addi %mul3A_2033, %add3A_2049 : vector<16xi32>
    %gather3A_2051 = tpu.vector_load_idx %arg6[%add3A_2050] : memref<5120xf32, #tpu.memory_space<vmem>>[vector<16xi32>], vector<16xf32>,
    %add3A_2052 = arith.constant 9 : i32
    %add3A_2053 = vector.broadcast %add3A_2052 : i32 to vector<16xi32>
    %add3A_2054 = arith.addi %mul3A_2021, %add3A_2053 : vector<16xi32>
    tpu.vector_store_idx %arg8[%add3A_2054], %gather3A_2051 : memref<49152xf32, #tpu.memory_space<vmem>>[vector<16xi32>], vector<16xf32>,
    %add3A_2055 = arith.constant 3 : i32
    %add3A_2056 = vector.broadcast %add3A_2055 : i32 to vector<16xi32>
    %add3A_2057 = arith.addi %mul3A_2033, %add3A_2056 : vector<16xi32>
    %gather3A_2058 = tpu.vector_load_idx %arg6[%add3A_2057] : memref<5120xf32, #tpu.memory_space<vmem>>[vector<16xi32>], vector<16xf32>,
    %add3A_2059 = arith.constant 10 : i32
    %add3A_2060 = vector.broadcast %add3A_2059 : i32 to vector<16xi32>
    %add3A_2061 = arith.addi %mul3A_2021, %add3A_2060 : vector<16xi32>
    tpu.vector_store_idx %arg8[%add3A_2061], %gather3A_2058 : memref<49152xf32, #tpu.memory_space<vmem>>[vector<16xi32>], vector<16xf32>,
    %add3A_2062 = arith.constant 4 : i32
    %add3A_2063 = vector.broadcast %add3A_2062 : i32 to vector<16xi32>
    %add3A_2064 = arith.addi %mul3A_2033, %add3A_2063 : vector<16xi32>
    %gather3A_2065 = tpu.vector_load_idx %arg6[%add3A_2064] : memref<5120xf32, #tpu.memory_space<vmem>>[vector<16xi32>], vector<16xf32>,
    %add3A_2066 = arith.constant 11 : i32
    %add3A_2067 = vector.broadcast %add3A_2066 : i32 to vector<16xi32>
    %add3A_2068 = arith.addi %mul3A_2021, %add3A_2067 : vector<16xi32>
    tpu.vector_store_idx %arg8[%add3A_2068], %gather3A_2065 : memref<49152xf32, #tpu.memory_space<vmem>>[vector<16xi32>], vector<16xf32>,
    %add3A_2069 = arith.constant 32 : i32
    %add3A_2070 = vector.broadcast %add3A_2069 : i32 to vector<16xi32>
    %add3A_2071 = arith.addi %iota3A, %add3A_2070 : vector<16xi32>
    %mul3A_2072 = arith.constant 768 : i32
    %mul3A_2073 = vector.broadcast %mul3A_2072 : i32 to vector<16xi32>
    %mul3A_2074 = arith.muli %add3A_2071, %mul3A_2073 : vector<16xi32>
    %get3A_2075 = arith.constant 608 : index
    %get3A_2076 = tpu.vector_load %arg5[%get3A_2075] {strides = array<i32>} : memref<1024xi32, #tpu.memory_space<vmem>>, vector<16xi32>,
    %get3A_2077 = arith.constant 480 : index
    %get3A_2078 = tpu.vector_load %arg5[%get3A_2077] {strides = array<i32>} : memref<1024xi32, #tpu.memory_space<vmem>>, vector<16xi32>,
    %add3A_2079 = arith.addi %mul3A_2074, %get3A_2078 : vector<16xi32>
    tpu.vector_store_idx %arg8[%add3A_2079], %broadcast_in_dim3A_5 : memref<49152xf32, #tpu.memory_space<vmem>>[vector<16xi32>], vector<16xf32>,
    %add3A_2080 = arith.addi %mul3A_2074, %get3A_2076 : vector<16xi32>
    tpu.vector_store_idx %arg8[%add3A_2080], %broadcast_in_dim3A_12 : memref<49152xf32, #tpu.memory_space<vmem>>[vector<16xi32>], vector<16xf32>,
    %add3A_2081 = arith.constant 608 : i32
    %add3A_2082 = vector.broadcast %add3A_2081 : i32 to vector<16xi32>
    %add3A_2083 = arith.addi %iota3A, %add3A_2082 : vector<16xi32>
    %mul3A_2084 = arith.constant 5 : i32
    %mul3A_2085 = vector.broadcast %mul3A_2084 : i32 to vector<16xi32>
    %mul3A_2086 = arith.muli %add3A_2083, %mul3A_2085 : vector<16xi32>
    %add3A_2087 = arith.constant 0 : i32
    %add3A_2088 = vector.broadcast %add3A_2087 : i32 to vector<16xi32>
    %add3A_2089 = arith.addi %mul3A_2086, %add3A_2088 : vector<16xi32>
    %gather3A_2090 = tpu.vector_load_idx %arg6[%add3A_2089] : memref<5120xf32, #tpu.memory_space<vmem>>[vector<16xi32>], vector<16xf32>,
    %add3A_2091 = arith.constant 7 : i32
    %add3A_2092 = vector.broadcast %add3A_2091 : i32 to vector<16xi32>
    %add3A_2093 = arith.addi %mul3A_2074, %add3A_2092 : vector<16xi32>
    tpu.vector_store_idx %arg8[%add3A_2093], %gather3A_2090 : memref<49152xf32, #tpu.memory_space<vmem>>[vector<16xi32>], vector<16xf32>,
    %add3A_2094 = arith.constant 1 : i32
    %add3A_2095 = vector.broadcast %add3A_2094 : i32 to vector<16xi32>
    %add3A_2096 = arith.addi %mul3A_2086, %add3A_2095 : vector<16xi32>
    %gather3A_2097 = tpu.vector_load_idx %arg6[%add3A_2096] : memref<5120xf32, #tpu.memory_space<vmem>>[vector<16xi32>], vector<16xf32>,
    %add3A_2098 = arith.constant 8 : i32
    %add3A_2099 = vector.broadcast %add3A_2098 : i32 to vector<16xi32>
    %add3A_2100 = arith.addi %mul3A_2074, %add3A_2099 : vector<16xi32>
    tpu.vector_store_idx %arg8[%add3A_2100], %gather3A_2097 : memref<49152xf32, #tpu.memory_space<vmem>>[vector<16xi32>], vector<16xf32>,
    %add3A_2101 = arith.constant 2 : i32
    %add3A_2102 = vector.broadcast %add3A_2101 : i32 to vector<16xi32>
    %add3A_2103 = arith.addi %mul3A_2086, %add3A_2102 : vector<16xi32>
    %gather3A_2104 = tpu.vector_load_idx %arg6[%add3A_2103] : memref<5120xf32, #tpu.memory_space<vmem>>[vector<16xi32>], vector<16xf32>,
    %add3A_2105 = arith.constant 9 : i32
    %add3A_2106 = vector.broadcast %add3A_2105 : i32 to vector<16xi32>
    %add3A_2107 = arith.addi %mul3A_2074, %add3A_2106 : vector<16xi32>
    tpu.vector_store_idx %arg8[%add3A_2107], %gather3A_2104 : memref<49152xf32, #tpu.memory_space<vmem>>[vector<16xi32>], vector<16xf32>,
    %add3A_2108 = arith.constant 3 : i32
    %add3A_2109 = vector.broadcast %add3A_2108 : i32 to vector<16xi32>
    %add3A_2110 = arith.addi %mul3A_2086, %add3A_2109 : vector<16xi32>
    %gather3A_2111 = tpu.vector_load_idx %arg6[%add3A_2110] : memref<5120xf32, #tpu.memory_space<vmem>>[vector<16xi32>], vector<16xf32>,
    %add3A_2112 = arith.constant 10 : i32
    %add3A_2113 = vector.broadcast %add3A_2112 : i32 to vector<16xi32>
    %add3A_2114 = arith.addi %mul3A_2074, %add3A_2113 : vector<16xi32>
    tpu.vector_store_idx %arg8[%add3A_2114], %gather3A_2111 : memref<49152xf32, #tpu.memory_space<vmem>>[vector<16xi32>], vector<16xf32>,
    %add3A_2115 = arith.constant 4 : i32
    %add3A_2116 = vector.broadcast %add3A_2115 : i32 to vector<16xi32>
    %add3A_2117 = arith.addi %mul3A_2086, %add3A_2116 : vector<16xi32>
    %gather3A_2118 = tpu.vector_load_idx %arg6[%add3A_2117] : memref<5120xf32, #tpu.memory_space<vmem>>[vector<16xi32>], vector<16xf32>,
    %add3A_2119 = arith.constant 11 : i32
    %add3A_2120 = vector.broadcast %add3A_2119 : i32 to vector<16xi32>
    %add3A_2121 = arith.addi %mul3A_2074, %add3A_2120 : vector<16xi32>
    tpu.vector_store_idx %arg8[%add3A_2121], %gather3A_2118 : memref<49152xf32, #tpu.memory_space<vmem>>[vector<16xi32>], vector<16xf32>,
    %add3A_2122 = arith.constant 48 : i32
    %add3A_2123 = vector.broadcast %add3A_2122 : i32 to vector<16xi32>
    %add3A_2124 = arith.addi %iota3A, %add3A_2123 : vector<16xi32>
    %mul3A_2125 = arith.constant 768 : i32
    %mul3A_2126 = vector.broadcast %mul3A_2125 : i32 to vector<16xi32>
    %mul3A_2127 = arith.muli %add3A_2124, %mul3A_2126 : vector<16xi32>
    %get3A_2128 = arith.constant 624 : index
    %get3A_2129 = tpu.vector_load %arg5[%get3A_2128] {strides = array<i32>} : memref<1024xi32, #tpu.memory_space<vmem>>, vector<16xi32>,
    %get3A_2130 = arith.constant 496 : index
    %get3A_2131 = tpu.vector_load %arg5[%get3A_2130] {strides = array<i32>} : memref<1024xi32, #tpu.memory_space<vmem>>, vector<16xi32>,
    %add3A_2132 = arith.addi %mul3A_2127, %get3A_2131 : vector<16xi32>
    tpu.vector_store_idx %arg8[%add3A_2132], %broadcast_in_dim3A_5 : memref<49152xf32, #tpu.memory_space<vmem>>[vector<16xi32>], vector<16xf32>,
    %add3A_2133 = arith.addi %mul3A_2127, %get3A_2129 : vector<16xi32>
    tpu.vector_store_idx %arg8[%add3A_2133], %broadcast_in_dim3A_12 : memref<49152xf32, #tpu.memory_space<vmem>>[vector<16xi32>], vector<16xf32>,
    %add3A_2134 = arith.constant 624 : i32
    %add3A_2135 = vector.broadcast %add3A_2134 : i32 to vector<16xi32>
    %add3A_2136 = arith.addi %iota3A, %add3A_2135 : vector<16xi32>
    %mul3A_2137 = arith.constant 5 : i32
    %mul3A_2138 = vector.broadcast %mul3A_2137 : i32 to vector<16xi32>
    %mul3A_2139 = arith.muli %add3A_2136, %mul3A_2138 : vector<16xi32>
    %add3A_2140 = arith.constant 0 : i32
    %add3A_2141 = vector.broadcast %add3A_2140 : i32 to vector<16xi32>
    %add3A_2142 = arith.addi %mul3A_2139, %add3A_2141 : vector<16xi32>
    %gather3A_2143 = tpu.vector_load_idx %arg6[%add3A_2142] : memref<5120xf32, #tpu.memory_space<vmem>>[vector<16xi32>], vector<16xf32>,
    %add3A_2144 = arith.constant 7 : i32
    %add3A_2145 = vector.broadcast %add3A_2144 : i32 to vector<16xi32>
    %add3A_2146 = arith.addi %mul3A_2127, %add3A_2145 : vector<16xi32>
    tpu.vector_store_idx %arg8[%add3A_2146], %gather3A_2143 : memref<49152xf32, #tpu.memory_space<vmem>>[vector<16xi32>], vector<16xf32>,
    %add3A_2147 = arith.constant 1 : i32
    %add3A_2148 = vector.broadcast %add3A_2147 : i32 to vector<16xi32>
    %add3A_2149 = arith.addi %mul3A_2139, %add3A_2148 : vector<16xi32>
    %gather3A_2150 = tpu.vector_load_idx %arg6[%add3A_2149] : memref<5120xf32, #tpu.memory_space<vmem>>[vector<16xi32>], vector<16xf32>,
    %add3A_2151 = arith.constant 8 : i32
    %add3A_2152 = vector.broadcast %add3A_2151 : i32 to vector<16xi32>
    %add3A_2153 = arith.addi %mul3A_2127, %add3A_2152 : vector<16xi32>
    tpu.vector_store_idx %arg8[%add3A_2153], %gather3A_2150 : memref<49152xf32, #tpu.memory_space<vmem>>[vector<16xi32>], vector<16xf32>,
    %add3A_2154 = arith.constant 2 : i32
    %add3A_2155 = vector.broadcast %add3A_2154 : i32 to vector<16xi32>
    %add3A_2156 = arith.addi %mul3A_2139, %add3A_2155 : vector<16xi32>
    %gather3A_2157 = tpu.vector_load_idx %arg6[%add3A_2156] : memref<5120xf32, #tpu.memory_space<vmem>>[vector<16xi32>], vector<16xf32>,
    %add3A_2158 = arith.constant 9 : i32
    %add3A_2159 = vector.broadcast %add3A_2158 : i32 to vector<16xi32>
    %add3A_2160 = arith.addi %mul3A_2127, %add3A_2159 : vector<16xi32>
    tpu.vector_store_idx %arg8[%add3A_2160], %gather3A_2157 : memref<49152xf32, #tpu.memory_space<vmem>>[vector<16xi32>], vector<16xf32>,
    %add3A_2161 = arith.constant 3 : i32
    %add3A_2162 = vector.broadcast %add3A_2161 : i32 to vector<16xi32>
    %add3A_2163 = arith.addi %mul3A_2139, %add3A_2162 : vector<16xi32>
    %gather3A_2164 = tpu.vector_load_idx %arg6[%add3A_2163] : memref<5120xf32, #tpu.memory_space<vmem>>[vector<16xi32>], vector<16xf32>,
    %add3A_2165 = arith.constant 10 : i32
    %add3A_2166 = vector.broadcast %add3A_2165 : i32 to vector<16xi32>
    %add3A_2167 = arith.addi %mul3A_2127, %add3A_2166 : vector<16xi32>
    tpu.vector_store_idx %arg8[%add3A_2167], %gather3A_2164 : memref<49152xf32, #tpu.memory_space<vmem>>[vector<16xi32>], vector<16xf32>,
    %add3A_2168 = arith.constant 4 : i32
    %add3A_2169 = vector.broadcast %add3A_2168 : i32 to vector<16xi32>
    %add3A_2170 = arith.addi %mul3A_2139, %add3A_2169 : vector<16xi32>
    %gather3A_2171 = tpu.vector_load_idx %arg6[%add3A_2170] : memref<5120xf32, #tpu.memory_space<vmem>>[vector<16xi32>], vector<16xf32>,
    %add3A_2172 = arith.constant 11 : i32
    %add3A_2173 = vector.broadcast %add3A_2172 : i32 to vector<16xi32>
    %add3A_2174 = arith.addi %mul3A_2127, %add3A_2173 : vector<16xi32>
    tpu.vector_store_idx %arg8[%add3A_2174], %gather3A_2171 : memref<49152xf32, #tpu.memory_space<vmem>>[vector<16xi32>], vector<16xf32>,
    %add3A_2175 = arith.constant 576 : i32
    %add3A_2176 = arith.addi %mul3A_2, %add3A_2175 : i32
    %mul3A_2177 = arith.constant 768 : i32
    %mul3A_2178 = arith.muli %add3A_2176, %mul3A_2177 : i32
    %dma_start3A_2179 = tpu.memref_slice %arg4[%mul3A_2178] : memref<25165824xf32, #tpu.memory_space<hbm>> -> memref<49152xf32, #tpu.memory_space<hbm>>
    %dma_start3A_2180 = tpu.memref_slice %arg4[%mul3A_2178] : memref<25165824xf32, #tpu.memory_space<hbm>> -> memref<49152xf32, #tpu.memory_space<hbm>>
    tpu.enqueue_dma source(%arg8 : memref<49152xf32, #tpu.memory_space<vmem>>) target(%dma_start3A_2180 : memref<49152xf32, #tpu.memory_space<hbm>>) target_semaphore(%arg10 : memref<!tpu.dma_semaphore, #tpu.memory_space<semaphore_mem>>)
    %dma_wait3A_2181 = tpu.memref_slice %arg4[%mul3A_1958] : memref<25165824xf32, #tpu.memory_space<hbm>> -> memref<49152xf32, #tpu.memory_space<hbm>>
    %dma_wait3A_2182 = tpu.memref_slice %arg4[%mul3A_1958] : memref<25165824xf32, #tpu.memory_space<hbm>> -> memref<49152xf32, #tpu.memory_space<hbm>>
    tpu.wait_dma2 semaphore(%arg9 : memref<!tpu.dma_semaphore, #tpu.memory_space<semaphore_mem>>) src(%arg7 : memref<49152xf32, #tpu.memory_space<vmem>>) dst(%dma_wait3A_2182 : memref<49152xf32, #tpu.memory_space<hbm>>)
    %add3A_2183 = arith.constant 0 : i32
    %add3A_2184 = vector.broadcast %add3A_2183 : i32 to vector<16xi32>
    %add3A_2185 = arith.addi %iota3A, %add3A_2184 : vector<16xi32>
    %mul3A_2186 = arith.constant 768 : i32
    %mul3A_2187 = vector.broadcast %mul3A_2186 : i32 to vector<16xi32>
    %mul3A_2188 = arith.muli %add3A_2185, %mul3A_2187 : vector<16xi32>
    %get3A_2189 = arith.constant 640 : index
    %get3A_2190 = tpu.vector_load %arg5[%get3A_2189] {strides = array<i32>} : memref<1024xi32, #tpu.memory_space<vmem>>, vector<16xi32>,
    %get3A_2191 = arith.constant 512 : index
    %get3A_2192 = tpu.vector_load %arg5[%get3A_2191] {strides = array<i32>} : memref<1024xi32, #tpu.memory_space<vmem>>, vector<16xi32>,
    %add3A_2193 = arith.addi %mul3A_2188, %get3A_2192 : vector<16xi32>
    tpu.vector_store_idx %arg7[%add3A_2193], %broadcast_in_dim3A_5 : memref<49152xf32, #tpu.memory_space<vmem>>[vector<16xi32>], vector<16xf32>,
    %add3A_2194 = arith.addi %mul3A_2188, %get3A_2190 : vector<16xi32>
    tpu.vector_store_idx %arg7[%add3A_2194], %broadcast_in_dim3A_12 : memref<49152xf32, #tpu.memory_space<vmem>>[vector<16xi32>], vector<16xf32>,
    %add3A_2195 = arith.constant 640 : i32
    %add3A_2196 = vector.broadcast %add3A_2195 : i32 to vector<16xi32>
    %add3A_2197 = arith.addi %iota3A, %add3A_2196 : vector<16xi32>
    %mul3A_2198 = arith.constant 5 : i32
    %mul3A_2199 = vector.broadcast %mul3A_2198 : i32 to vector<16xi32>
    %mul3A_2200 = arith.muli %add3A_2197, %mul3A_2199 : vector<16xi32>
    %add3A_2201 = arith.constant 0 : i32
    %add3A_2202 = vector.broadcast %add3A_2201 : i32 to vector<16xi32>
    %add3A_2203 = arith.addi %mul3A_2200, %add3A_2202 : vector<16xi32>
    %gather3A_2204 = tpu.vector_load_idx %arg6[%add3A_2203] : memref<5120xf32, #tpu.memory_space<vmem>>[vector<16xi32>], vector<16xf32>,
    %add3A_2205 = arith.constant 7 : i32
    %add3A_2206 = vector.broadcast %add3A_2205 : i32 to vector<16xi32>
    %add3A_2207 = arith.addi %mul3A_2188, %add3A_2206 : vector<16xi32>
    tpu.vector_store_idx %arg7[%add3A_2207], %gather3A_2204 : memref<49152xf32, #tpu.memory_space<vmem>>[vector<16xi32>], vector<16xf32>,
    %add3A_2208 = arith.constant 1 : i32
    %add3A_2209 = vector.broadcast %add3A_2208 : i32 to vector<16xi32>
    %add3A_2210 = arith.addi %mul3A_2200, %add3A_2209 : vector<16xi32>
    %gather3A_2211 = tpu.vector_load_idx %arg6[%add3A_2210] : memref<5120xf32, #tpu.memory_space<vmem>>[vector<16xi32>], vector<16xf32>,
    %add3A_2212 = arith.constant 8 : i32
    %add3A_2213 = vector.broadcast %add3A_2212 : i32 to vector<16xi32>
    %add3A_2214 = arith.addi %mul3A_2188, %add3A_2213 : vector<16xi32>
    tpu.vector_store_idx %arg7[%add3A_2214], %gather3A_2211 : memref<49152xf32, #tpu.memory_space<vmem>>[vector<16xi32>], vector<16xf32>,
    %add3A_2215 = arith.constant 2 : i32
    %add3A_2216 = vector.broadcast %add3A_2215 : i32 to vector<16xi32>
    %add3A_2217 = arith.addi %mul3A_2200, %add3A_2216 : vector<16xi32>
    %gather3A_2218 = tpu.vector_load_idx %arg6[%add3A_2217] : memref<5120xf32, #tpu.memory_space<vmem>>[vector<16xi32>], vector<16xf32>,
    %add3A_2219 = arith.constant 9 : i32
    %add3A_2220 = vector.broadcast %add3A_2219 : i32 to vector<16xi32>
    %add3A_2221 = arith.addi %mul3A_2188, %add3A_2220 : vector<16xi32>
    tpu.vector_store_idx %arg7[%add3A_2221], %gather3A_2218 : memref<49152xf32, #tpu.memory_space<vmem>>[vector<16xi32>], vector<16xf32>,
    %add3A_2222 = arith.constant 3 : i32
    %add3A_2223 = vector.broadcast %add3A_2222 : i32 to vector<16xi32>
    %add3A_2224 = arith.addi %mul3A_2200, %add3A_2223 : vector<16xi32>
    %gather3A_2225 = tpu.vector_load_idx %arg6[%add3A_2224] : memref<5120xf32, #tpu.memory_space<vmem>>[vector<16xi32>], vector<16xf32>,
    %add3A_2226 = arith.constant 10 : i32
    %add3A_2227 = vector.broadcast %add3A_2226 : i32 to vector<16xi32>
    %add3A_2228 = arith.addi %mul3A_2188, %add3A_2227 : vector<16xi32>
    tpu.vector_store_idx %arg7[%add3A_2228], %gather3A_2225 : memref<49152xf32, #tpu.memory_space<vmem>>[vector<16xi32>], vector<16xf32>,
    %add3A_2229 = arith.constant 4 : i32
    %add3A_2230 = vector.broadcast %add3A_2229 : i32 to vector<16xi32>
    %add3A_2231 = arith.addi %mul3A_2200, %add3A_2230 : vector<16xi32>
    %gather3A_2232 = tpu.vector_load_idx %arg6[%add3A_2231] : memref<5120xf32, #tpu.memory_space<vmem>>[vector<16xi32>], vector<16xf32>,
    %add3A_2233 = arith.constant 11 : i32
    %add3A_2234 = vector.broadcast %add3A_2233 : i32 to vector<16xi32>
    %add3A_2235 = arith.addi %mul3A_2188, %add3A_2234 : vector<16xi32>
    tpu.vector_store_idx %arg7[%add3A_2235], %gather3A_2232 : memref<49152xf32, #tpu.memory_space<vmem>>[vector<16xi32>], vector<16xf32>,
    %add3A_2236 = arith.constant 16 : i32
    %add3A_2237 = vector.broadcast %add3A_2236 : i32 to vector<16xi32>
    %add3A_2238 = arith.addi %iota3A, %add3A_2237 : vector<16xi32>
    %mul3A_2239 = arith.constant 768 : i32
    %mul3A_2240 = vector.broadcast %mul3A_2239 : i32 to vector<16xi32>
    %mul3A_2241 = arith.muli %add3A_2238, %mul3A_2240 : vector<16xi32>
    %get3A_2242 = arith.constant 656 : index
    %get3A_2243 = tpu.vector_load %arg5[%get3A_2242] {strides = array<i32>} : memref<1024xi32, #tpu.memory_space<vmem>>, vector<16xi32>,
    %get3A_2244 = arith.constant 528 : index
    %get3A_2245 = tpu.vector_load %arg5[%get3A_2244] {strides = array<i32>} : memref<1024xi32, #tpu.memory_space<vmem>>, vector<16xi32>,
    %add3A_2246 = arith.addi %mul3A_2241, %get3A_2245 : vector<16xi32>
    tpu.vector_store_idx %arg7[%add3A_2246], %broadcast_in_dim3A_5 : memref<49152xf32, #tpu.memory_space<vmem>>[vector<16xi32>], vector<16xf32>,
    %add3A_2247 = arith.addi %mul3A_2241, %get3A_2243 : vector<16xi32>
    tpu.vector_store_idx %arg7[%add3A_2247], %broadcast_in_dim3A_12 : memref<49152xf32, #tpu.memory_space<vmem>>[vector<16xi32>], vector<16xf32>,
    %add3A_2248 = arith.constant 656 : i32
    %add3A_2249 = vector.broadcast %add3A_2248 : i32 to vector<16xi32>
    %add3A_2250 = arith.addi %iota3A, %add3A_2249 : vector<16xi32>
    %mul3A_2251 = arith.constant 5 : i32
    %mul3A_2252 = vector.broadcast %mul3A_2251 : i32 to vector<16xi32>
    %mul3A_2253 = arith.muli %add3A_2250, %mul3A_2252 : vector<16xi32>
    %add3A_2254 = arith.constant 0 : i32
    %add3A_2255 = vector.broadcast %add3A_2254 : i32 to vector<16xi32>
    %add3A_2256 = arith.addi %mul3A_2253, %add3A_2255 : vector<16xi32>
    %gather3A_2257 = tpu.vector_load_idx %arg6[%add3A_2256] : memref<5120xf32, #tpu.memory_space<vmem>>[vector<16xi32>], vector<16xf32>,
    %add3A_2258 = arith.constant 7 : i32
    %add3A_2259 = vector.broadcast %add3A_2258 : i32 to vector<16xi32>
    %add3A_2260 = arith.addi %mul3A_2241, %add3A_2259 : vector<16xi32>
    tpu.vector_store_idx %arg7[%add3A_2260], %gather3A_2257 : memref<49152xf32, #tpu.memory_space<vmem>>[vector<16xi32>], vector<16xf32>,
    %add3A_2261 = arith.constant 1 : i32
    %add3A_2262 = vector.broadcast %add3A_2261 : i32 to vector<16xi32>
    %add3A_2263 = arith.addi %mul3A_2253, %add3A_2262 : vector<16xi32>
    %gather3A_2264 = tpu.vector_load_idx %arg6[%add3A_2263] : memref<5120xf32, #tpu.memory_space<vmem>>[vector<16xi32>], vector<16xf32>,
    %add3A_2265 = arith.constant 8 : i32
    %add3A_2266 = vector.broadcast %add3A_2265 : i32 to vector<16xi32>
    %add3A_2267 = arith.addi %mul3A_2241, %add3A_2266 : vector<16xi32>
    tpu.vector_store_idx %arg7[%add3A_2267], %gather3A_2264 : memref<49152xf32, #tpu.memory_space<vmem>>[vector<16xi32>], vector<16xf32>,
    %add3A_2268 = arith.constant 2 : i32
    %add3A_2269 = vector.broadcast %add3A_2268 : i32 to vector<16xi32>
    %add3A_2270 = arith.addi %mul3A_2253, %add3A_2269 : vector<16xi32>
    %gather3A_2271 = tpu.vector_load_idx %arg6[%add3A_2270] : memref<5120xf32, #tpu.memory_space<vmem>>[vector<16xi32>], vector<16xf32>,
    %add3A_2272 = arith.constant 9 : i32
    %add3A_2273 = vector.broadcast %add3A_2272 : i32 to vector<16xi32>
    %add3A_2274 = arith.addi %mul3A_2241, %add3A_2273 : vector<16xi32>
    tpu.vector_store_idx %arg7[%add3A_2274], %gather3A_2271 : memref<49152xf32, #tpu.memory_space<vmem>>[vector<16xi32>], vector<16xf32>,
    %add3A_2275 = arith.constant 3 : i32
    %add3A_2276 = vector.broadcast %add3A_2275 : i32 to vector<16xi32>
    %add3A_2277 = arith.addi %mul3A_2253, %add3A_2276 : vector<16xi32>
    %gather3A_2278 = tpu.vector_load_idx %arg6[%add3A_2277] : memref<5120xf32, #tpu.memory_space<vmem>>[vector<16xi32>], vector<16xf32>,
    %add3A_2279 = arith.constant 10 : i32
    %add3A_2280 = vector.broadcast %add3A_2279 : i32 to vector<16xi32>
    %add3A_2281 = arith.addi %mul3A_2241, %add3A_2280 : vector<16xi32>
    tpu.vector_store_idx %arg7[%add3A_2281], %gather3A_2278 : memref<49152xf32, #tpu.memory_space<vmem>>[vector<16xi32>], vector<16xf32>,
    %add3A_2282 = arith.constant 4 : i32
    %add3A_2283 = vector.broadcast %add3A_2282 : i32 to vector<16xi32>
    %add3A_2284 = arith.addi %mul3A_2253, %add3A_2283 : vector<16xi32>
    %gather3A_2285 = tpu.vector_load_idx %arg6[%add3A_2284] : memref<5120xf32, #tpu.memory_space<vmem>>[vector<16xi32>], vector<16xf32>,
    %add3A_2286 = arith.constant 11 : i32
    %add3A_2287 = vector.broadcast %add3A_2286 : i32 to vector<16xi32>
    %add3A_2288 = arith.addi %mul3A_2241, %add3A_2287 : vector<16xi32>
    tpu.vector_store_idx %arg7[%add3A_2288], %gather3A_2285 : memref<49152xf32, #tpu.memory_space<vmem>>[vector<16xi32>], vector<16xf32>,
    %add3A_2289 = arith.constant 32 : i32
    %add3A_2290 = vector.broadcast %add3A_2289 : i32 to vector<16xi32>
    %add3A_2291 = arith.addi %iota3A, %add3A_2290 : vector<16xi32>
    %mul3A_2292 = arith.constant 768 : i32
    %mul3A_2293 = vector.broadcast %mul3A_2292 : i32 to vector<16xi32>
    %mul3A_2294 = arith.muli %add3A_2291, %mul3A_2293 : vector<16xi32>
    %get3A_2295 = arith.constant 672 : index
    %get3A_2296 = tpu.vector_load %arg5[%get3A_2295] {strides = array<i32>} : memref<1024xi32, #tpu.memory_space<vmem>>, vector<16xi32>,
    %get3A_2297 = arith.constant 544 : index
    %get3A_2298 = tpu.vector_load %arg5[%get3A_2297] {strides = array<i32>} : memref<1024xi32, #tpu.memory_space<vmem>>, vector<16xi32>,
    %add3A_2299 = arith.addi %mul3A_2294, %get3A_2298 : vector<16xi32>
    tpu.vector_store_idx %arg7[%add3A_2299], %broadcast_in_dim3A_5 : memref<49152xf32, #tpu.memory_space<vmem>>[vector<16xi32>], vector<16xf32>,
    %add3A_2300 = arith.addi %mul3A_2294, %get3A_2296 : vector<16xi32>
    tpu.vector_store_idx %arg7[%add3A_2300], %broadcast_in_dim3A_12 : memref<49152xf32, #tpu.memory_space<vmem>>[vector<16xi32>], vector<16xf32>,
    %add3A_2301 = arith.constant 672 : i32
    %add3A_2302 = vector.broadcast %add3A_2301 : i32 to vector<16xi32>
    %add3A_2303 = arith.addi %iota3A, %add3A_2302 : vector<16xi32>
    %mul3A_2304 = arith.constant 5 : i32
    %mul3A_2305 = vector.broadcast %mul3A_2304 : i32 to vector<16xi32>
    %mul3A_2306 = arith.muli %add3A_2303, %mul3A_2305 : vector<16xi32>
    %add3A_2307 = arith.constant 0 : i32
    %add3A_2308 = vector.broadcast %add3A_2307 : i32 to vector<16xi32>
    %add3A_2309 = arith.addi %mul3A_2306, %add3A_2308 : vector<16xi32>
    %gather3A_2310 = tpu.vector_load_idx %arg6[%add3A_2309] : memref<5120xf32, #tpu.memory_space<vmem>>[vector<16xi32>], vector<16xf32>,
    %add3A_2311 = arith.constant 7 : i32
    %add3A_2312 = vector.broadcast %add3A_2311 : i32 to vector<16xi32>
    %add3A_2313 = arith.addi %mul3A_2294, %add3A_2312 : vector<16xi32>
    tpu.vector_store_idx %arg7[%add3A_2313], %gather3A_2310 : memref<49152xf32, #tpu.memory_space<vmem>>[vector<16xi32>], vector<16xf32>,
    %add3A_2314 = arith.constant 1 : i32
    %add3A_2315 = vector.broadcast %add3A_2314 : i32 to vector<16xi32>
    %add3A_2316 = arith.addi %mul3A_2306, %add3A_2315 : vector<16xi32>
    %gather3A_2317 = tpu.vector_load_idx %arg6[%add3A_2316] : memref<5120xf32, #tpu.memory_space<vmem>>[vector<16xi32>], vector<16xf32>,
    %add3A_2318 = arith.constant 8 : i32
    %add3A_2319 = vector.broadcast %add3A_2318 : i32 to vector<16xi32>
    %add3A_2320 = arith.addi %mul3A_2294, %add3A_2319 : vector<16xi32>
    tpu.vector_store_idx %arg7[%add3A_2320], %gather3A_2317 : memref<49152xf32, #tpu.memory_space<vmem>>[vector<16xi32>], vector<16xf32>,
    %add3A_2321 = arith.constant 2 : i32
    %add3A_2322 = vector.broadcast %add3A_2321 : i32 to vector<16xi32>
    %add3A_2323 = arith.addi %mul3A_2306, %add3A_2322 : vector<16xi32>
    %gather3A_2324 = tpu.vector_load_idx %arg6[%add3A_2323] : memref<5120xf32, #tpu.memory_space<vmem>>[vector<16xi32>], vector<16xf32>,
    %add3A_2325 = arith.constant 9 : i32
    %add3A_2326 = vector.broadcast %add3A_2325 : i32 to vector<16xi32>
    %add3A_2327 = arith.addi %mul3A_2294, %add3A_2326 : vector<16xi32>
    tpu.vector_store_idx %arg7[%add3A_2327], %gather3A_2324 : memref<49152xf32, #tpu.memory_space<vmem>>[vector<16xi32>], vector<16xf32>,
    %add3A_2328 = arith.constant 3 : i32
    %add3A_2329 = vector.broadcast %add3A_2328 : i32 to vector<16xi32>
    %add3A_2330 = arith.addi %mul3A_2306, %add3A_2329 : vector<16xi32>
    %gather3A_2331 = tpu.vector_load_idx %arg6[%add3A_2330] : memref<5120xf32, #tpu.memory_space<vmem>>[vector<16xi32>], vector<16xf32>,
    %add3A_2332 = arith.constant 10 : i32
    %add3A_2333 = vector.broadcast %add3A_2332 : i32 to vector<16xi32>
    %add3A_2334 = arith.addi %mul3A_2294, %add3A_2333 : vector<16xi32>
    tpu.vector_store_idx %arg7[%add3A_2334], %gather3A_2331 : memref<49152xf32, #tpu.memory_space<vmem>>[vector<16xi32>], vector<16xf32>,
    %add3A_2335 = arith.constant 4 : i32
    %add3A_2336 = vector.broadcast %add3A_2335 : i32 to vector<16xi32>
    %add3A_2337 = arith.addi %mul3A_2306, %add3A_2336 : vector<16xi32>
    %gather3A_2338 = tpu.vector_load_idx %arg6[%add3A_2337] : memref<5120xf32, #tpu.memory_space<vmem>>[vector<16xi32>], vector<16xf32>,
    %add3A_2339 = arith.constant 11 : i32
    %add3A_2340 = vector.broadcast %add3A_2339 : i32 to vector<16xi32>
    %add3A_2341 = arith.addi %mul3A_2294, %add3A_2340 : vector<16xi32>
    tpu.vector_store_idx %arg7[%add3A_2341], %gather3A_2338 : memref<49152xf32, #tpu.memory_space<vmem>>[vector<16xi32>], vector<16xf32>,
    %add3A_2342 = arith.constant 48 : i32
    %add3A_2343 = vector.broadcast %add3A_2342 : i32 to vector<16xi32>
    %add3A_2344 = arith.addi %iota3A, %add3A_2343 : vector<16xi32>
    %mul3A_2345 = arith.constant 768 : i32
    %mul3A_2346 = vector.broadcast %mul3A_2345 : i32 to vector<16xi32>
    %mul3A_2347 = arith.muli %add3A_2344, %mul3A_2346 : vector<16xi32>
    %get3A_2348 = arith.constant 688 : index
    %get3A_2349 = tpu.vector_load %arg5[%get3A_2348] {strides = array<i32>} : memref<1024xi32, #tpu.memory_space<vmem>>, vector<16xi32>,
    %get3A_2350 = arith.constant 560 : index
    %get3A_2351 = tpu.vector_load %arg5[%get3A_2350] {strides = array<i32>} : memref<1024xi32, #tpu.memory_space<vmem>>, vector<16xi32>,
    %add3A_2352 = arith.addi %mul3A_2347, %get3A_2351 : vector<16xi32>
    tpu.vector_store_idx %arg7[%add3A_2352], %broadcast_in_dim3A_5 : memref<49152xf32, #tpu.memory_space<vmem>>[vector<16xi32>], vector<16xf32>,
    %add3A_2353 = arith.addi %mul3A_2347, %get3A_2349 : vector<16xi32>
    tpu.vector_store_idx %arg7[%add3A_2353], %broadcast_in_dim3A_12 : memref<49152xf32, #tpu.memory_space<vmem>>[vector<16xi32>], vector<16xf32>,
    %add3A_2354 = arith.constant 688 : i32
    %add3A_2355 = vector.broadcast %add3A_2354 : i32 to vector<16xi32>
    %add3A_2356 = arith.addi %iota3A, %add3A_2355 : vector<16xi32>
    %mul3A_2357 = arith.constant 5 : i32
    %mul3A_2358 = vector.broadcast %mul3A_2357 : i32 to vector<16xi32>
    %mul3A_2359 = arith.muli %add3A_2356, %mul3A_2358 : vector<16xi32>
    %add3A_2360 = arith.constant 0 : i32
    %add3A_2361 = vector.broadcast %add3A_2360 : i32 to vector<16xi32>
    %add3A_2362 = arith.addi %mul3A_2359, %add3A_2361 : vector<16xi32>
    %gather3A_2363 = tpu.vector_load_idx %arg6[%add3A_2362] : memref<5120xf32, #tpu.memory_space<vmem>>[vector<16xi32>], vector<16xf32>,
    %add3A_2364 = arith.constant 7 : i32
    %add3A_2365 = vector.broadcast %add3A_2364 : i32 to vector<16xi32>
    %add3A_2366 = arith.addi %mul3A_2347, %add3A_2365 : vector<16xi32>
    tpu.vector_store_idx %arg7[%add3A_2366], %gather3A_2363 : memref<49152xf32, #tpu.memory_space<vmem>>[vector<16xi32>], vector<16xf32>,
    %add3A_2367 = arith.constant 1 : i32
    %add3A_2368 = vector.broadcast %add3A_2367 : i32 to vector<16xi32>
    %add3A_2369 = arith.addi %mul3A_2359, %add3A_2368 : vector<16xi32>
    %gather3A_2370 = tpu.vector_load_idx %arg6[%add3A_2369] : memref<5120xf32, #tpu.memory_space<vmem>>[vector<16xi32>], vector<16xf32>,
    %add3A_2371 = arith.constant 8 : i32
    %add3A_2372 = vector.broadcast %add3A_2371 : i32 to vector<16xi32>
    %add3A_2373 = arith.addi %mul3A_2347, %add3A_2372 : vector<16xi32>
    tpu.vector_store_idx %arg7[%add3A_2373], %gather3A_2370 : memref<49152xf32, #tpu.memory_space<vmem>>[vector<16xi32>], vector<16xf32>,
    %add3A_2374 = arith.constant 2 : i32
    %add3A_2375 = vector.broadcast %add3A_2374 : i32 to vector<16xi32>
    %add3A_2376 = arith.addi %mul3A_2359, %add3A_2375 : vector<16xi32>
    %gather3A_2377 = tpu.vector_load_idx %arg6[%add3A_2376] : memref<5120xf32, #tpu.memory_space<vmem>>[vector<16xi32>], vector<16xf32>,
    %add3A_2378 = arith.constant 9 : i32
    %add3A_2379 = vector.broadcast %add3A_2378 : i32 to vector<16xi32>
    %add3A_2380 = arith.addi %mul3A_2347, %add3A_2379 : vector<16xi32>
    tpu.vector_store_idx %arg7[%add3A_2380], %gather3A_2377 : memref<49152xf32, #tpu.memory_space<vmem>>[vector<16xi32>], vector<16xf32>,
    %add3A_2381 = arith.constant 3 : i32
    %add3A_2382 = vector.broadcast %add3A_2381 : i32 to vector<16xi32>
    %add3A_2383 = arith.addi %mul3A_2359, %add3A_2382 : vector<16xi32>
    %gather3A_2384 = tpu.vector_load_idx %arg6[%add3A_2383] : memref<5120xf32, #tpu.memory_space<vmem>>[vector<16xi32>], vector<16xf32>,
    %add3A_2385 = arith.constant 10 : i32
    %add3A_2386 = vector.broadcast %add3A_2385 : i32 to vector<16xi32>
    %add3A_2387 = arith.addi %mul3A_2347, %add3A_2386 : vector<16xi32>
    tpu.vector_store_idx %arg7[%add3A_2387], %gather3A_2384 : memref<49152xf32, #tpu.memory_space<vmem>>[vector<16xi32>], vector<16xf32>,
    %add3A_2388 = arith.constant 4 : i32
    %add3A_2389 = vector.broadcast %add3A_2388 : i32 to vector<16xi32>
    %add3A_2390 = arith.addi %mul3A_2359, %add3A_2389 : vector<16xi32>
    %gather3A_2391 = tpu.vector_load_idx %arg6[%add3A_2390] : memref<5120xf32, #tpu.memory_space<vmem>>[vector<16xi32>], vector<16xf32>,
    %add3A_2392 = arith.constant 11 : i32
    %add3A_2393 = vector.broadcast %add3A_2392 : i32 to vector<16xi32>
    %add3A_2394 = arith.addi %mul3A_2347, %add3A_2393 : vector<16xi32>
    tpu.vector_store_idx %arg7[%add3A_2394], %gather3A_2391 : memref<49152xf32, #tpu.memory_space<vmem>>[vector<16xi32>], vector<16xf32>,
    %add3A_2395 = arith.constant 640 : i32
    %add3A_2396 = arith.addi %mul3A_2, %add3A_2395 : i32
    %mul3A_2397 = arith.constant 768 : i32
    %mul3A_2398 = arith.muli %add3A_2396, %mul3A_2397 : i32
    %dma_start3A_2399 = tpu.memref_slice %arg4[%mul3A_2398] : memref<25165824xf32, #tpu.memory_space<hbm>> -> memref<49152xf32, #tpu.memory_space<hbm>>
    %dma_start3A_2400 = tpu.memref_slice %arg4[%mul3A_2398] : memref<25165824xf32, #tpu.memory_space<hbm>> -> memref<49152xf32, #tpu.memory_space<hbm>>
    tpu.enqueue_dma source(%arg7 : memref<49152xf32, #tpu.memory_space<vmem>>) target(%dma_start3A_2400 : memref<49152xf32, #tpu.memory_space<hbm>>) target_semaphore(%arg9 : memref<!tpu.dma_semaphore, #tpu.memory_space<semaphore_mem>>)
    %dma_wait3A_2401 = tpu.memref_slice %arg4[%mul3A_2178] : memref<25165824xf32, #tpu.memory_space<hbm>> -> memref<49152xf32, #tpu.memory_space<hbm>>
    %dma_wait3A_2402 = tpu.memref_slice %arg4[%mul3A_2178] : memref<25165824xf32, #tpu.memory_space<hbm>> -> memref<49152xf32, #tpu.memory_space<hbm>>
    tpu.wait_dma2 semaphore(%arg10 : memref<!tpu.dma_semaphore, #tpu.memory_space<semaphore_mem>>) src(%arg8 : memref<49152xf32, #tpu.memory_space<vmem>>) dst(%dma_wait3A_2402 : memref<49152xf32, #tpu.memory_space<hbm>>)
    %add3A_2403 = arith.constant 0 : i32
    %add3A_2404 = vector.broadcast %add3A_2403 : i32 to vector<16xi32>
    %add3A_2405 = arith.addi %iota3A, %add3A_2404 : vector<16xi32>
    %mul3A_2406 = arith.constant 768 : i32
    %mul3A_2407 = vector.broadcast %mul3A_2406 : i32 to vector<16xi32>
    %mul3A_2408 = arith.muli %add3A_2405, %mul3A_2407 : vector<16xi32>
    %get3A_2409 = arith.constant 704 : index
    %get3A_2410 = tpu.vector_load %arg5[%get3A_2409] {strides = array<i32>} : memref<1024xi32, #tpu.memory_space<vmem>>, vector<16xi32>,
    %get3A_2411 = arith.constant 576 : index
    %get3A_2412 = tpu.vector_load %arg5[%get3A_2411] {strides = array<i32>} : memref<1024xi32, #tpu.memory_space<vmem>>, vector<16xi32>,
    %add3A_2413 = arith.addi %mul3A_2408, %get3A_2412 : vector<16xi32>
    tpu.vector_store_idx %arg8[%add3A_2413], %broadcast_in_dim3A_5 : memref<49152xf32, #tpu.memory_space<vmem>>[vector<16xi32>], vector<16xf32>,
    %add3A_2414 = arith.addi %mul3A_2408, %get3A_2410 : vector<16xi32>
    tpu.vector_store_idx %arg8[%add3A_2414], %broadcast_in_dim3A_12 : memref<49152xf32, #tpu.memory_space<vmem>>[vector<16xi32>], vector<16xf32>,
    %add3A_2415 = arith.constant 704 : i32
    %add3A_2416 = vector.broadcast %add3A_2415 : i32 to vector<16xi32>
    %add3A_2417 = arith.addi %iota3A, %add3A_2416 : vector<16xi32>
    %mul3A_2418 = arith.constant 5 : i32
    %mul3A_2419 = vector.broadcast %mul3A_2418 : i32 to vector<16xi32>
    %mul3A_2420 = arith.muli %add3A_2417, %mul3A_2419 : vector<16xi32>
    %add3A_2421 = arith.constant 0 : i32
    %add3A_2422 = vector.broadcast %add3A_2421 : i32 to vector<16xi32>
    %add3A_2423 = arith.addi %mul3A_2420, %add3A_2422 : vector<16xi32>
    %gather3A_2424 = tpu.vector_load_idx %arg6[%add3A_2423] : memref<5120xf32, #tpu.memory_space<vmem>>[vector<16xi32>], vector<16xf32>,
    %add3A_2425 = arith.constant 7 : i32
    %add3A_2426 = vector.broadcast %add3A_2425 : i32 to vector<16xi32>
    %add3A_2427 = arith.addi %mul3A_2408, %add3A_2426 : vector<16xi32>
    tpu.vector_store_idx %arg8[%add3A_2427], %gather3A_2424 : memref<49152xf32, #tpu.memory_space<vmem>>[vector<16xi32>], vector<16xf32>,
    %add3A_2428 = arith.constant 1 : i32
    %add3A_2429 = vector.broadcast %add3A_2428 : i32 to vector<16xi32>
    %add3A_2430 = arith.addi %mul3A_2420, %add3A_2429 : vector<16xi32>
    %gather3A_2431 = tpu.vector_load_idx %arg6[%add3A_2430] : memref<5120xf32, #tpu.memory_space<vmem>>[vector<16xi32>], vector<16xf32>,
    %add3A_2432 = arith.constant 8 : i32
    %add3A_2433 = vector.broadcast %add3A_2432 : i32 to vector<16xi32>
    %add3A_2434 = arith.addi %mul3A_2408, %add3A_2433 : vector<16xi32>
    tpu.vector_store_idx %arg8[%add3A_2434], %gather3A_2431 : memref<49152xf32, #tpu.memory_space<vmem>>[vector<16xi32>], vector<16xf32>,
    %add3A_2435 = arith.constant 2 : i32
    %add3A_2436 = vector.broadcast %add3A_2435 : i32 to vector<16xi32>
    %add3A_2437 = arith.addi %mul3A_2420, %add3A_2436 : vector<16xi32>
    %gather3A_2438 = tpu.vector_load_idx %arg6[%add3A_2437] : memref<5120xf32, #tpu.memory_space<vmem>>[vector<16xi32>], vector<16xf32>,
    %add3A_2439 = arith.constant 9 : i32
    %add3A_2440 = vector.broadcast %add3A_2439 : i32 to vector<16xi32>
    %add3A_2441 = arith.addi %mul3A_2408, %add3A_2440 : vector<16xi32>
    tpu.vector_store_idx %arg8[%add3A_2441], %gather3A_2438 : memref<49152xf32, #tpu.memory_space<vmem>>[vector<16xi32>], vector<16xf32>,
    %add3A_2442 = arith.constant 3 : i32
    %add3A_2443 = vector.broadcast %add3A_2442 : i32 to vector<16xi32>
    %add3A_2444 = arith.addi %mul3A_2420, %add3A_2443 : vector<16xi32>
    %gather3A_2445 = tpu.vector_load_idx %arg6[%add3A_2444] : memref<5120xf32, #tpu.memory_space<vmem>>[vector<16xi32>], vector<16xf32>,
    %add3A_2446 = arith.constant 10 : i32
    %add3A_2447 = vector.broadcast %add3A_2446 : i32 to vector<16xi32>
    %add3A_2448 = arith.addi %mul3A_2408, %add3A_2447 : vector<16xi32>
    tpu.vector_store_idx %arg8[%add3A_2448], %gather3A_2445 : memref<49152xf32, #tpu.memory_space<vmem>>[vector<16xi32>], vector<16xf32>,
    %add3A_2449 = arith.constant 4 : i32
    %add3A_2450 = vector.broadcast %add3A_2449 : i32 to vector<16xi32>
    %add3A_2451 = arith.addi %mul3A_2420, %add3A_2450 : vector<16xi32>
    %gather3A_2452 = tpu.vector_load_idx %arg6[%add3A_2451] : memref<5120xf32, #tpu.memory_space<vmem>>[vector<16xi32>], vector<16xf32>,
    %add3A_2453 = arith.constant 11 : i32
    %add3A_2454 = vector.broadcast %add3A_2453 : i32 to vector<16xi32>
    %add3A_2455 = arith.addi %mul3A_2408, %add3A_2454 : vector<16xi32>
    tpu.vector_store_idx %arg8[%add3A_2455], %gather3A_2452 : memref<49152xf32, #tpu.memory_space<vmem>>[vector<16xi32>], vector<16xf32>,
    %add3A_2456 = arith.constant 16 : i32
    %add3A_2457 = vector.broadcast %add3A_2456 : i32 to vector<16xi32>
    %add3A_2458 = arith.addi %iota3A, %add3A_2457 : vector<16xi32>
    %mul3A_2459 = arith.constant 768 : i32
    %mul3A_2460 = vector.broadcast %mul3A_2459 : i32 to vector<16xi32>
    %mul3A_2461 = arith.muli %add3A_2458, %mul3A_2460 : vector<16xi32>
    %get3A_2462 = arith.constant 720 : index
    %get3A_2463 = tpu.vector_load %arg5[%get3A_2462] {strides = array<i32>} : memref<1024xi32, #tpu.memory_space<vmem>>, vector<16xi32>,
    %get3A_2464 = arith.constant 592 : index
    %get3A_2465 = tpu.vector_load %arg5[%get3A_2464] {strides = array<i32>} : memref<1024xi32, #tpu.memory_space<vmem>>, vector<16xi32>,
    %add3A_2466 = arith.addi %mul3A_2461, %get3A_2465 : vector<16xi32>
    tpu.vector_store_idx %arg8[%add3A_2466], %broadcast_in_dim3A_5 : memref<49152xf32, #tpu.memory_space<vmem>>[vector<16xi32>], vector<16xf32>,
    %add3A_2467 = arith.addi %mul3A_2461, %get3A_2463 : vector<16xi32>
    tpu.vector_store_idx %arg8[%add3A_2467], %broadcast_in_dim3A_12 : memref<49152xf32, #tpu.memory_space<vmem>>[vector<16xi32>], vector<16xf32>,
    %add3A_2468 = arith.constant 720 : i32
    %add3A_2469 = vector.broadcast %add3A_2468 : i32 to vector<16xi32>
    %add3A_2470 = arith.addi %iota3A, %add3A_2469 : vector<16xi32>
    %mul3A_2471 = arith.constant 5 : i32
    %mul3A_2472 = vector.broadcast %mul3A_2471 : i32 to vector<16xi32>
    %mul3A_2473 = arith.muli %add3A_2470, %mul3A_2472 : vector<16xi32>
    %add3A_2474 = arith.constant 0 : i32
    %add3A_2475 = vector.broadcast %add3A_2474 : i32 to vector<16xi32>
    %add3A_2476 = arith.addi %mul3A_2473, %add3A_2475 : vector<16xi32>
    %gather3A_2477 = tpu.vector_load_idx %arg6[%add3A_2476] : memref<5120xf32, #tpu.memory_space<vmem>>[vector<16xi32>], vector<16xf32>,
    %add3A_2478 = arith.constant 7 : i32
    %add3A_2479 = vector.broadcast %add3A_2478 : i32 to vector<16xi32>
    %add3A_2480 = arith.addi %mul3A_2461, %add3A_2479 : vector<16xi32>
    tpu.vector_store_idx %arg8[%add3A_2480], %gather3A_2477 : memref<49152xf32, #tpu.memory_space<vmem>>[vector<16xi32>], vector<16xf32>,
    %add3A_2481 = arith.constant 1 : i32
    %add3A_2482 = vector.broadcast %add3A_2481 : i32 to vector<16xi32>
    %add3A_2483 = arith.addi %mul3A_2473, %add3A_2482 : vector<16xi32>
    %gather3A_2484 = tpu.vector_load_idx %arg6[%add3A_2483] : memref<5120xf32, #tpu.memory_space<vmem>>[vector<16xi32>], vector<16xf32>,
    %add3A_2485 = arith.constant 8 : i32
    %add3A_2486 = vector.broadcast %add3A_2485 : i32 to vector<16xi32>
    %add3A_2487 = arith.addi %mul3A_2461, %add3A_2486 : vector<16xi32>
    tpu.vector_store_idx %arg8[%add3A_2487], %gather3A_2484 : memref<49152xf32, #tpu.memory_space<vmem>>[vector<16xi32>], vector<16xf32>,
    %add3A_2488 = arith.constant 2 : i32
    %add3A_2489 = vector.broadcast %add3A_2488 : i32 to vector<16xi32>
    %add3A_2490 = arith.addi %mul3A_2473, %add3A_2489 : vector<16xi32>
    %gather3A_2491 = tpu.vector_load_idx %arg6[%add3A_2490] : memref<5120xf32, #tpu.memory_space<vmem>>[vector<16xi32>], vector<16xf32>,
    %add3A_2492 = arith.constant 9 : i32
    %add3A_2493 = vector.broadcast %add3A_2492 : i32 to vector<16xi32>
    %add3A_2494 = arith.addi %mul3A_2461, %add3A_2493 : vector<16xi32>
    tpu.vector_store_idx %arg8[%add3A_2494], %gather3A_2491 : memref<49152xf32, #tpu.memory_space<vmem>>[vector<16xi32>], vector<16xf32>,
    %add3A_2495 = arith.constant 3 : i32
    %add3A_2496 = vector.broadcast %add3A_2495 : i32 to vector<16xi32>
    %add3A_2497 = arith.addi %mul3A_2473, %add3A_2496 : vector<16xi32>
    %gather3A_2498 = tpu.vector_load_idx %arg6[%add3A_2497] : memref<5120xf32, #tpu.memory_space<vmem>>[vector<16xi32>], vector<16xf32>,
    %add3A_2499 = arith.constant 10 : i32
    %add3A_2500 = vector.broadcast %add3A_2499 : i32 to vector<16xi32>
    %add3A_2501 = arith.addi %mul3A_2461, %add3A_2500 : vector<16xi32>
    tpu.vector_store_idx %arg8[%add3A_2501], %gather3A_2498 : memref<49152xf32, #tpu.memory_space<vmem>>[vector<16xi32>], vector<16xf32>,
    %add3A_2502 = arith.constant 4 : i32
    %add3A_2503 = vector.broadcast %add3A_2502 : i32 to vector<16xi32>
    %add3A_2504 = arith.addi %mul3A_2473, %add3A_2503 : vector<16xi32>
    %gather3A_2505 = tpu.vector_load_idx %arg6[%add3A_2504] : memref<5120xf32, #tpu.memory_space<vmem>>[vector<16xi32>], vector<16xf32>,
    %add3A_2506 = arith.constant 11 : i32
    %add3A_2507 = vector.broadcast %add3A_2506 : i32 to vector<16xi32>
    %add3A_2508 = arith.addi %mul3A_2461, %add3A_2507 : vector<16xi32>
    tpu.vector_store_idx %arg8[%add3A_2508], %gather3A_2505 : memref<49152xf32, #tpu.memory_space<vmem>>[vector<16xi32>], vector<16xf32>,
    %add3A_2509 = arith.constant 32 : i32
    %add3A_2510 = vector.broadcast %add3A_2509 : i32 to vector<16xi32>
    %add3A_2511 = arith.addi %iota3A, %add3A_2510 : vector<16xi32>
    %mul3A_2512 = arith.constant 768 : i32
    %mul3A_2513 = vector.broadcast %mul3A_2512 : i32 to vector<16xi32>
    %mul3A_2514 = arith.muli %add3A_2511, %mul3A_2513 : vector<16xi32>
    %get3A_2515 = arith.constant 736 : index
    %get3A_2516 = tpu.vector_load %arg5[%get3A_2515] {strides = array<i32>} : memref<1024xi32, #tpu.memory_space<vmem>>, vector<16xi32>,
    %get3A_2517 = arith.constant 608 : index
    %get3A_2518 = tpu.vector_load %arg5[%get3A_2517] {strides = array<i32>} : memref<1024xi32, #tpu.memory_space<vmem>>, vector<16xi32>,
    %add3A_2519 = arith.addi %mul3A_2514, %get3A_2518 : vector<16xi32>
    tpu.vector_store_idx %arg8[%add3A_2519], %broadcast_in_dim3A_5 : memref<49152xf32, #tpu.memory_space<vmem>>[vector<16xi32>], vector<16xf32>,
    %add3A_2520 = arith.addi %mul3A_2514, %get3A_2516 : vector<16xi32>
    tpu.vector_store_idx %arg8[%add3A_2520], %broadcast_in_dim3A_12 : memref<49152xf32, #tpu.memory_space<vmem>>[vector<16xi32>], vector<16xf32>,
    %add3A_2521 = arith.constant 736 : i32
    %add3A_2522 = vector.broadcast %add3A_2521 : i32 to vector<16xi32>
    %add3A_2523 = arith.addi %iota3A, %add3A_2522 : vector<16xi32>
    %mul3A_2524 = arith.constant 5 : i32
    %mul3A_2525 = vector.broadcast %mul3A_2524 : i32 to vector<16xi32>
    %mul3A_2526 = arith.muli %add3A_2523, %mul3A_2525 : vector<16xi32>
    %add3A_2527 = arith.constant 0 : i32
    %add3A_2528 = vector.broadcast %add3A_2527 : i32 to vector<16xi32>
    %add3A_2529 = arith.addi %mul3A_2526, %add3A_2528 : vector<16xi32>
    %gather3A_2530 = tpu.vector_load_idx %arg6[%add3A_2529] : memref<5120xf32, #tpu.memory_space<vmem>>[vector<16xi32>], vector<16xf32>,
    %add3A_2531 = arith.constant 7 : i32
    %add3A_2532 = vector.broadcast %add3A_2531 : i32 to vector<16xi32>
    %add3A_2533 = arith.addi %mul3A_2514, %add3A_2532 : vector<16xi32>
    tpu.vector_store_idx %arg8[%add3A_2533], %gather3A_2530 : memref<49152xf32, #tpu.memory_space<vmem>>[vector<16xi32>], vector<16xf32>,
    %add3A_2534 = arith.constant 1 : i32
    %add3A_2535 = vector.broadcast %add3A_2534 : i32 to vector<16xi32>
    %add3A_2536 = arith.addi %mul3A_2526, %add3A_2535 : vector<16xi32>
    %gather3A_2537 = tpu.vector_load_idx %arg6[%add3A_2536] : memref<5120xf32, #tpu.memory_space<vmem>>[vector<16xi32>], vector<16xf32>,
    %add3A_2538 = arith.constant 8 : i32
    %add3A_2539 = vector.broadcast %add3A_2538 : i32 to vector<16xi32>
    %add3A_2540 = arith.addi %mul3A_2514, %add3A_2539 : vector<16xi32>
    tpu.vector_store_idx %arg8[%add3A_2540], %gather3A_2537 : memref<49152xf32, #tpu.memory_space<vmem>>[vector<16xi32>], vector<16xf32>,
    %add3A_2541 = arith.constant 2 : i32
    %add3A_2542 = vector.broadcast %add3A_2541 : i32 to vector<16xi32>
    %add3A_2543 = arith.addi %mul3A_2526, %add3A_2542 : vector<16xi32>
    %gather3A_2544 = tpu.vector_load_idx %arg6[%add3A_2543] : memref<5120xf32, #tpu.memory_space<vmem>>[vector<16xi32>], vector<16xf32>,
    %add3A_2545 = arith.constant 9 : i32
    %add3A_2546 = vector.broadcast %add3A_2545 : i32 to vector<16xi32>
    %add3A_2547 = arith.addi %mul3A_2514, %add3A_2546 : vector<16xi32>
    tpu.vector_store_idx %arg8[%add3A_2547], %gather3A_2544 : memref<49152xf32, #tpu.memory_space<vmem>>[vector<16xi32>], vector<16xf32>,
    %add3A_2548 = arith.constant 3 : i32
    %add3A_2549 = vector.broadcast %add3A_2548 : i32 to vector<16xi32>
    %add3A_2550 = arith.addi %mul3A_2526, %add3A_2549 : vector<16xi32>
    %gather3A_2551 = tpu.vector_load_idx %arg6[%add3A_2550] : memref<5120xf32, #tpu.memory_space<vmem>>[vector<16xi32>], vector<16xf32>,
    %add3A_2552 = arith.constant 10 : i32
    %add3A_2553 = vector.broadcast %add3A_2552 : i32 to vector<16xi32>
    %add3A_2554 = arith.addi %mul3A_2514, %add3A_2553 : vector<16xi32>
    tpu.vector_store_idx %arg8[%add3A_2554], %gather3A_2551 : memref<49152xf32, #tpu.memory_space<vmem>>[vector<16xi32>], vector<16xf32>,
    %add3A_2555 = arith.constant 4 : i32
    %add3A_2556 = vector.broadcast %add3A_2555 : i32 to vector<16xi32>
    %add3A_2557 = arith.addi %mul3A_2526, %add3A_2556 : vector<16xi32>
    %gather3A_2558 = tpu.vector_load_idx %arg6[%add3A_2557] : memref<5120xf32, #tpu.memory_space<vmem>>[vector<16xi32>], vector<16xf32>,
    %add3A_2559 = arith.constant 11 : i32
    %add3A_2560 = vector.broadcast %add3A_2559 : i32 to vector<16xi32>
    %add3A_2561 = arith.addi %mul3A_2514, %add3A_2560 : vector<16xi32>
    tpu.vector_store_idx %arg8[%add3A_2561], %gather3A_2558 : memref<49152xf32, #tpu.memory_space<vmem>>[vector<16xi32>], vector<16xf32>,
    %add3A_2562 = arith.constant 48 : i32
    %add3A_2563 = vector.broadcast %add3A_2562 : i32 to vector<16xi32>
    %add3A_2564 = arith.addi %iota3A, %add3A_2563 : vector<16xi32>
    %mul3A_2565 = arith.constant 768 : i32
    %mul3A_2566 = vector.broadcast %mul3A_2565 : i32 to vector<16xi32>
    %mul3A_2567 = arith.muli %add3A_2564, %mul3A_2566 : vector<16xi32>
    %get3A_2568 = arith.constant 752 : index
    %get3A_2569 = tpu.vector_load %arg5[%get3A_2568] {strides = array<i32>} : memref<1024xi32, #tpu.memory_space<vmem>>, vector<16xi32>,
    %get3A_2570 = arith.constant 624 : index
    %get3A_2571 = tpu.vector_load %arg5[%get3A_2570] {strides = array<i32>} : memref<1024xi32, #tpu.memory_space<vmem>>, vector<16xi32>,
    %add3A_2572 = arith.addi %mul3A_2567, %get3A_2571 : vector<16xi32>
    tpu.vector_store_idx %arg8[%add3A_2572], %broadcast_in_dim3A_5 : memref<49152xf32, #tpu.memory_space<vmem>>[vector<16xi32>], vector<16xf32>,
    %add3A_2573 = arith.addi %mul3A_2567, %get3A_2569 : vector<16xi32>
    tpu.vector_store_idx %arg8[%add3A_2573], %broadcast_in_dim3A_12 : memref<49152xf32, #tpu.memory_space<vmem>>[vector<16xi32>], vector<16xf32>,
    %add3A_2574 = arith.constant 752 : i32
    %add3A_2575 = vector.broadcast %add3A_2574 : i32 to vector<16xi32>
    %add3A_2576 = arith.addi %iota3A, %add3A_2575 : vector<16xi32>
    %mul3A_2577 = arith.constant 5 : i32
    %mul3A_2578 = vector.broadcast %mul3A_2577 : i32 to vector<16xi32>
    %mul3A_2579 = arith.muli %add3A_2576, %mul3A_2578 : vector<16xi32>
    %add3A_2580 = arith.constant 0 : i32
    %add3A_2581 = vector.broadcast %add3A_2580 : i32 to vector<16xi32>
    %add3A_2582 = arith.addi %mul3A_2579, %add3A_2581 : vector<16xi32>
    %gather3A_2583 = tpu.vector_load_idx %arg6[%add3A_2582] : memref<5120xf32, #tpu.memory_space<vmem>>[vector<16xi32>], vector<16xf32>,
    %add3A_2584 = arith.constant 7 : i32
    %add3A_2585 = vector.broadcast %add3A_2584 : i32 to vector<16xi32>
    %add3A_2586 = arith.addi %mul3A_2567, %add3A_2585 : vector<16xi32>
    tpu.vector_store_idx %arg8[%add3A_2586], %gather3A_2583 : memref<49152xf32, #tpu.memory_space<vmem>>[vector<16xi32>], vector<16xf32>,
    %add3A_2587 = arith.constant 1 : i32
    %add3A_2588 = vector.broadcast %add3A_2587 : i32 to vector<16xi32>
    %add3A_2589 = arith.addi %mul3A_2579, %add3A_2588 : vector<16xi32>
    %gather3A_2590 = tpu.vector_load_idx %arg6[%add3A_2589] : memref<5120xf32, #tpu.memory_space<vmem>>[vector<16xi32>], vector<16xf32>,
    %add3A_2591 = arith.constant 8 : i32
    %add3A_2592 = vector.broadcast %add3A_2591 : i32 to vector<16xi32>
    %add3A_2593 = arith.addi %mul3A_2567, %add3A_2592 : vector<16xi32>
    tpu.vector_store_idx %arg8[%add3A_2593], %gather3A_2590 : memref<49152xf32, #tpu.memory_space<vmem>>[vector<16xi32>], vector<16xf32>,
    %add3A_2594 = arith.constant 2 : i32
    %add3A_2595 = vector.broadcast %add3A_2594 : i32 to vector<16xi32>
    %add3A_2596 = arith.addi %mul3A_2579, %add3A_2595 : vector<16xi32>
    %gather3A_2597 = tpu.vector_load_idx %arg6[%add3A_2596] : memref<5120xf32, #tpu.memory_space<vmem>>[vector<16xi32>], vector<16xf32>,
    %add3A_2598 = arith.constant 9 : i32
    %add3A_2599 = vector.broadcast %add3A_2598 : i32 to vector<16xi32>
    %add3A_2600 = arith.addi %mul3A_2567, %add3A_2599 : vector<16xi32>
    tpu.vector_store_idx %arg8[%add3A_2600], %gather3A_2597 : memref<49152xf32, #tpu.memory_space<vmem>>[vector<16xi32>], vector<16xf32>,
    %add3A_2601 = arith.constant 3 : i32
    %add3A_2602 = vector.broadcast %add3A_2601 : i32 to vector<16xi32>
    %add3A_2603 = arith.addi %mul3A_2579, %add3A_2602 : vector<16xi32>
    %gather3A_2604 = tpu.vector_load_idx %arg6[%add3A_2603] : memref<5120xf32, #tpu.memory_space<vmem>>[vector<16xi32>], vector<16xf32>,
    %add3A_2605 = arith.constant 10 : i32
    %add3A_2606 = vector.broadcast %add3A_2605 : i32 to vector<16xi32>
    %add3A_2607 = arith.addi %mul3A_2567, %add3A_2606 : vector<16xi32>
    tpu.vector_store_idx %arg8[%add3A_2607], %gather3A_2604 : memref<49152xf32, #tpu.memory_space<vmem>>[vector<16xi32>], vector<16xf32>,
    %add3A_2608 = arith.constant 4 : i32
    %add3A_2609 = vector.broadcast %add3A_2608 : i32 to vector<16xi32>
    %add3A_2610 = arith.addi %mul3A_2579, %add3A_2609 : vector<16xi32>
    %gather3A_2611 = tpu.vector_load_idx %arg6[%add3A_2610] : memref<5120xf32, #tpu.memory_space<vmem>>[vector<16xi32>], vector<16xf32>,
    %add3A_2612 = arith.constant 11 : i32
    %add3A_2613 = vector.broadcast %add3A_2612 : i32 to vector<16xi32>
    %add3A_2614 = arith.addi %mul3A_2567, %add3A_2613 : vector<16xi32>
    tpu.vector_store_idx %arg8[%add3A_2614], %gather3A_2611 : memref<49152xf32, #tpu.memory_space<vmem>>[vector<16xi32>], vector<16xf32>,
    %add3A_2615 = arith.constant 704 : i32
    %add3A_2616 = arith.addi %mul3A_2, %add3A_2615 : i32
    %mul3A_2617 = arith.constant 768 : i32
    %mul3A_2618 = arith.muli %add3A_2616, %mul3A_2617 : i32
    %dma_start3A_2619 = tpu.memref_slice %arg4[%mul3A_2618] : memref<25165824xf32, #tpu.memory_space<hbm>> -> memref<49152xf32, #tpu.memory_space<hbm>>
    %dma_start3A_2620 = tpu.memref_slice %arg4[%mul3A_2618] : memref<25165824xf32, #tpu.memory_space<hbm>> -> memref<49152xf32, #tpu.memory_space<hbm>>
    tpu.enqueue_dma source(%arg8 : memref<49152xf32, #tpu.memory_space<vmem>>) target(%dma_start3A_2620 : memref<49152xf32, #tpu.memory_space<hbm>>) target_semaphore(%arg10 : memref<!tpu.dma_semaphore, #tpu.memory_space<semaphore_mem>>)
    %dma_wait3A_2621 = tpu.memref_slice %arg4[%mul3A_2398] : memref<25165824xf32, #tpu.memory_space<hbm>> -> memref<49152xf32, #tpu.memory_space<hbm>>
    %dma_wait3A_2622 = tpu.memref_slice %arg4[%mul3A_2398] : memref<25165824xf32, #tpu.memory_space<hbm>> -> memref<49152xf32, #tpu.memory_space<hbm>>
    tpu.wait_dma2 semaphore(%arg9 : memref<!tpu.dma_semaphore, #tpu.memory_space<semaphore_mem>>) src(%arg7 : memref<49152xf32, #tpu.memory_space<vmem>>) dst(%dma_wait3A_2622 : memref<49152xf32, #tpu.memory_space<hbm>>)
    %add3A_2623 = arith.constant 0 : i32
    %add3A_2624 = vector.broadcast %add3A_2623 : i32 to vector<16xi32>
    %add3A_2625 = arith.addi %iota3A, %add3A_2624 : vector<16xi32>
    %mul3A_2626 = arith.constant 768 : i32
    %mul3A_2627 = vector.broadcast %mul3A_2626 : i32 to vector<16xi32>
    %mul3A_2628 = arith.muli %add3A_2625, %mul3A_2627 : vector<16xi32>
    %get3A_2629 = arith.constant 768 : index
    %get3A_2630 = tpu.vector_load %arg5[%get3A_2629] {strides = array<i32>} : memref<1024xi32, #tpu.memory_space<vmem>>, vector<16xi32>,
    %get3A_2631 = arith.constant 640 : index
    %get3A_2632 = tpu.vector_load %arg5[%get3A_2631] {strides = array<i32>} : memref<1024xi32, #tpu.memory_space<vmem>>, vector<16xi32>,
    %add3A_2633 = arith.addi %mul3A_2628, %get3A_2632 : vector<16xi32>
    tpu.vector_store_idx %arg7[%add3A_2633], %broadcast_in_dim3A_5 : memref<49152xf32, #tpu.memory_space<vmem>>[vector<16xi32>], vector<16xf32>,
    %add3A_2634 = arith.addi %mul3A_2628, %get3A_2630 : vector<16xi32>
    tpu.vector_store_idx %arg7[%add3A_2634], %broadcast_in_dim3A_12 : memref<49152xf32, #tpu.memory_space<vmem>>[vector<16xi32>], vector<16xf32>,
    %add3A_2635 = arith.constant 768 : i32
    %add3A_2636 = vector.broadcast %add3A_2635 : i32 to vector<16xi32>
    %add3A_2637 = arith.addi %iota3A, %add3A_2636 : vector<16xi32>
    %mul3A_2638 = arith.constant 5 : i32
    %mul3A_2639 = vector.broadcast %mul3A_2638 : i32 to vector<16xi32>
    %mul3A_2640 = arith.muli %add3A_2637, %mul3A_2639 : vector<16xi32>
    %add3A_2641 = arith.constant 0 : i32
    %add3A_2642 = vector.broadcast %add3A_2641 : i32 to vector<16xi32>
    %add3A_2643 = arith.addi %mul3A_2640, %add3A_2642 : vector<16xi32>
    %gather3A_2644 = tpu.vector_load_idx %arg6[%add3A_2643] : memref<5120xf32, #tpu.memory_space<vmem>>[vector<16xi32>], vector<16xf32>,
    %add3A_2645 = arith.constant 7 : i32
    %add3A_2646 = vector.broadcast %add3A_2645 : i32 to vector<16xi32>
    %add3A_2647 = arith.addi %mul3A_2628, %add3A_2646 : vector<16xi32>
    tpu.vector_store_idx %arg7[%add3A_2647], %gather3A_2644 : memref<49152xf32, #tpu.memory_space<vmem>>[vector<16xi32>], vector<16xf32>,
    %add3A_2648 = arith.constant 1 : i32
    %add3A_2649 = vector.broadcast %add3A_2648 : i32 to vector<16xi32>
    %add3A_2650 = arith.addi %mul3A_2640, %add3A_2649 : vector<16xi32>
    %gather3A_2651 = tpu.vector_load_idx %arg6[%add3A_2650] : memref<5120xf32, #tpu.memory_space<vmem>>[vector<16xi32>], vector<16xf32>,
    %add3A_2652 = arith.constant 8 : i32
    %add3A_2653 = vector.broadcast %add3A_2652 : i32 to vector<16xi32>
    %add3A_2654 = arith.addi %mul3A_2628, %add3A_2653 : vector<16xi32>
    tpu.vector_store_idx %arg7[%add3A_2654], %gather3A_2651 : memref<49152xf32, #tpu.memory_space<vmem>>[vector<16xi32>], vector<16xf32>,
    %add3A_2655 = arith.constant 2 : i32
    %add3A_2656 = vector.broadcast %add3A_2655 : i32 to vector<16xi32>
    %add3A_2657 = arith.addi %mul3A_2640, %add3A_2656 : vector<16xi32>
    %gather3A_2658 = tpu.vector_load_idx %arg6[%add3A_2657] : memref<5120xf32, #tpu.memory_space<vmem>>[vector<16xi32>], vector<16xf32>,
    %add3A_2659 = arith.constant 9 : i32
    %add3A_2660 = vector.broadcast %add3A_2659 : i32 to vector<16xi32>
    %add3A_2661 = arith.addi %mul3A_2628, %add3A_2660 : vector<16xi32>
    tpu.vector_store_idx %arg7[%add3A_2661], %gather3A_2658 : memref<49152xf32, #tpu.memory_space<vmem>>[vector<16xi32>], vector<16xf32>,
    %add3A_2662 = arith.constant 3 : i32
    %add3A_2663 = vector.broadcast %add3A_2662 : i32 to vector<16xi32>
    %add3A_2664 = arith.addi %mul3A_2640, %add3A_2663 : vector<16xi32>
    %gather3A_2665 = tpu.vector_load_idx %arg6[%add3A_2664] : memref<5120xf32, #tpu.memory_space<vmem>>[vector<16xi32>], vector<16xf32>,
    %add3A_2666 = arith.constant 10 : i32
    %add3A_2667 = vector.broadcast %add3A_2666 : i32 to vector<16xi32>
    %add3A_2668 = arith.addi %mul3A_2628, %add3A_2667 : vector<16xi32>
    tpu.vector_store_idx %arg7[%add3A_2668], %gather3A_2665 : memref<49152xf32, #tpu.memory_space<vmem>>[vector<16xi32>], vector<16xf32>,
    %add3A_2669 = arith.constant 4 : i32
    %add3A_2670 = vector.broadcast %add3A_2669 : i32 to vector<16xi32>
    %add3A_2671 = arith.addi %mul3A_2640, %add3A_2670 : vector<16xi32>
    %gather3A_2672 = tpu.vector_load_idx %arg6[%add3A_2671] : memref<5120xf32, #tpu.memory_space<vmem>>[vector<16xi32>], vector<16xf32>,
    %add3A_2673 = arith.constant 11 : i32
    %add3A_2674 = vector.broadcast %add3A_2673 : i32 to vector<16xi32>
    %add3A_2675 = arith.addi %mul3A_2628, %add3A_2674 : vector<16xi32>
    tpu.vector_store_idx %arg7[%add3A_2675], %gather3A_2672 : memref<49152xf32, #tpu.memory_space<vmem>>[vector<16xi32>], vector<16xf32>,
    %add3A_2676 = arith.constant 16 : i32
    %add3A_2677 = vector.broadcast %add3A_2676 : i32 to vector<16xi32>
    %add3A_2678 = arith.addi %iota3A, %add3A_2677 : vector<16xi32>
    %mul3A_2679 = arith.constant 768 : i32
    %mul3A_2680 = vector.broadcast %mul3A_2679 : i32 to vector<16xi32>
    %mul3A_2681 = arith.muli %add3A_2678, %mul3A_2680 : vector<16xi32>
    %get3A_2682 = arith.constant 784 : index
    %get3A_2683 = tpu.vector_load %arg5[%get3A_2682] {strides = array<i32>} : memref<1024xi32, #tpu.memory_space<vmem>>, vector<16xi32>,
    %get3A_2684 = arith.constant 656 : index
    %get3A_2685 = tpu.vector_load %arg5[%get3A_2684] {strides = array<i32>} : memref<1024xi32, #tpu.memory_space<vmem>>, vector<16xi32>,
    %add3A_2686 = arith.addi %mul3A_2681, %get3A_2685 : vector<16xi32>
    tpu.vector_store_idx %arg7[%add3A_2686], %broadcast_in_dim3A_5 : memref<49152xf32, #tpu.memory_space<vmem>>[vector<16xi32>], vector<16xf32>,
    %add3A_2687 = arith.addi %mul3A_2681, %get3A_2683 : vector<16xi32>
    tpu.vector_store_idx %arg7[%add3A_2687], %broadcast_in_dim3A_12 : memref<49152xf32, #tpu.memory_space<vmem>>[vector<16xi32>], vector<16xf32>,
    %add3A_2688 = arith.constant 784 : i32
    %add3A_2689 = vector.broadcast %add3A_2688 : i32 to vector<16xi32>
    %add3A_2690 = arith.addi %iota3A, %add3A_2689 : vector<16xi32>
    %mul3A_2691 = arith.constant 5 : i32
    %mul3A_2692 = vector.broadcast %mul3A_2691 : i32 to vector<16xi32>
    %mul3A_2693 = arith.muli %add3A_2690, %mul3A_2692 : vector<16xi32>
    %add3A_2694 = arith.constant 0 : i32
    %add3A_2695 = vector.broadcast %add3A_2694 : i32 to vector<16xi32>
    %add3A_2696 = arith.addi %mul3A_2693, %add3A_2695 : vector<16xi32>
    %gather3A_2697 = tpu.vector_load_idx %arg6[%add3A_2696] : memref<5120xf32, #tpu.memory_space<vmem>>[vector<16xi32>], vector<16xf32>,
    %add3A_2698 = arith.constant 7 : i32
    %add3A_2699 = vector.broadcast %add3A_2698 : i32 to vector<16xi32>
    %add3A_2700 = arith.addi %mul3A_2681, %add3A_2699 : vector<16xi32>
    tpu.vector_store_idx %arg7[%add3A_2700], %gather3A_2697 : memref<49152xf32, #tpu.memory_space<vmem>>[vector<16xi32>], vector<16xf32>,
    %add3A_2701 = arith.constant 1 : i32
    %add3A_2702 = vector.broadcast %add3A_2701 : i32 to vector<16xi32>
    %add3A_2703 = arith.addi %mul3A_2693, %add3A_2702 : vector<16xi32>
    %gather3A_2704 = tpu.vector_load_idx %arg6[%add3A_2703] : memref<5120xf32, #tpu.memory_space<vmem>>[vector<16xi32>], vector<16xf32>,
    %add3A_2705 = arith.constant 8 : i32
    %add3A_2706 = vector.broadcast %add3A_2705 : i32 to vector<16xi32>
    %add3A_2707 = arith.addi %mul3A_2681, %add3A_2706 : vector<16xi32>
    tpu.vector_store_idx %arg7[%add3A_2707], %gather3A_2704 : memref<49152xf32, #tpu.memory_space<vmem>>[vector<16xi32>], vector<16xf32>,
    %add3A_2708 = arith.constant 2 : i32
    %add3A_2709 = vector.broadcast %add3A_2708 : i32 to vector<16xi32>
    %add3A_2710 = arith.addi %mul3A_2693, %add3A_2709 : vector<16xi32>
    %gather3A_2711 = tpu.vector_load_idx %arg6[%add3A_2710] : memref<5120xf32, #tpu.memory_space<vmem>>[vector<16xi32>], vector<16xf32>,
    %add3A_2712 = arith.constant 9 : i32
    %add3A_2713 = vector.broadcast %add3A_2712 : i32 to vector<16xi32>
    %add3A_2714 = arith.addi %mul3A_2681, %add3A_2713 : vector<16xi32>
    tpu.vector_store_idx %arg7[%add3A_2714], %gather3A_2711 : memref<49152xf32, #tpu.memory_space<vmem>>[vector<16xi32>], vector<16xf32>,
    %add3A_2715 = arith.constant 3 : i32
    %add3A_2716 = vector.broadcast %add3A_2715 : i32 to vector<16xi32>
    %add3A_2717 = arith.addi %mul3A_2693, %add3A_2716 : vector<16xi32>
    %gather3A_2718 = tpu.vector_load_idx %arg6[%add3A_2717] : memref<5120xf32, #tpu.memory_space<vmem>>[vector<16xi32>], vector<16xf32>,
    %add3A_2719 = arith.constant 10 : i32
    %add3A_2720 = vector.broadcast %add3A_2719 : i32 to vector<16xi32>
    %add3A_2721 = arith.addi %mul3A_2681, %add3A_2720 : vector<16xi32>
    tpu.vector_store_idx %arg7[%add3A_2721], %gather3A_2718 : memref<49152xf32, #tpu.memory_space<vmem>>[vector<16xi32>], vector<16xf32>,
    %add3A_2722 = arith.constant 4 : i32
    %add3A_2723 = vector.broadcast %add3A_2722 : i32 to vector<16xi32>
    %add3A_2724 = arith.addi %mul3A_2693, %add3A_2723 : vector<16xi32>
    %gather3A_2725 = tpu.vector_load_idx %arg6[%add3A_2724] : memref<5120xf32, #tpu.memory_space<vmem>>[vector<16xi32>], vector<16xf32>,
    %add3A_2726 = arith.constant 11 : i32
    %add3A_2727 = vector.broadcast %add3A_2726 : i32 to vector<16xi32>
    %add3A_2728 = arith.addi %mul3A_2681, %add3A_2727 : vector<16xi32>
    tpu.vector_store_idx %arg7[%add3A_2728], %gather3A_2725 : memref<49152xf32, #tpu.memory_space<vmem>>[vector<16xi32>], vector<16xf32>,
    %add3A_2729 = arith.constant 32 : i32
    %add3A_2730 = vector.broadcast %add3A_2729 : i32 to vector<16xi32>
    %add3A_2731 = arith.addi %iota3A, %add3A_2730 : vector<16xi32>
    %mul3A_2732 = arith.constant 768 : i32
    %mul3A_2733 = vector.broadcast %mul3A_2732 : i32 to vector<16xi32>
    %mul3A_2734 = arith.muli %add3A_2731, %mul3A_2733 : vector<16xi32>
    %get3A_2735 = arith.constant 800 : index
    %get3A_2736 = tpu.vector_load %arg5[%get3A_2735] {strides = array<i32>} : memref<1024xi32, #tpu.memory_space<vmem>>, vector<16xi32>,
    %get3A_2737 = arith.constant 672 : index
    %get3A_2738 = tpu.vector_load %arg5[%get3A_2737] {strides = array<i32>} : memref<1024xi32, #tpu.memory_space<vmem>>, vector<16xi32>,
    %add3A_2739 = arith.addi %mul3A_2734, %get3A_2738 : vector<16xi32>
    tpu.vector_store_idx %arg7[%add3A_2739], %broadcast_in_dim3A_5 : memref<49152xf32, #tpu.memory_space<vmem>>[vector<16xi32>], vector<16xf32>,
    %add3A_2740 = arith.addi %mul3A_2734, %get3A_2736 : vector<16xi32>
    tpu.vector_store_idx %arg7[%add3A_2740], %broadcast_in_dim3A_12 : memref<49152xf32, #tpu.memory_space<vmem>>[vector<16xi32>], vector<16xf32>,
    %add3A_2741 = arith.constant 800 : i32
    %add3A_2742 = vector.broadcast %add3A_2741 : i32 to vector<16xi32>
    %add3A_2743 = arith.addi %iota3A, %add3A_2742 : vector<16xi32>
    %mul3A_2744 = arith.constant 5 : i32
    %mul3A_2745 = vector.broadcast %mul3A_2744 : i32 to vector<16xi32>
    %mul3A_2746 = arith.muli %add3A_2743, %mul3A_2745 : vector<16xi32>
    %add3A_2747 = arith.constant 0 : i32
    %add3A_2748 = vector.broadcast %add3A_2747 : i32 to vector<16xi32>
    %add3A_2749 = arith.addi %mul3A_2746, %add3A_2748 : vector<16xi32>
    %gather3A_2750 = tpu.vector_load_idx %arg6[%add3A_2749] : memref<5120xf32, #tpu.memory_space<vmem>>[vector<16xi32>], vector<16xf32>,
    %add3A_2751 = arith.constant 7 : i32
    %add3A_2752 = vector.broadcast %add3A_2751 : i32 to vector<16xi32>
    %add3A_2753 = arith.addi %mul3A_2734, %add3A_2752 : vector<16xi32>
    tpu.vector_store_idx %arg7[%add3A_2753], %gather3A_2750 : memref<49152xf32, #tpu.memory_space<vmem>>[vector<16xi32>], vector<16xf32>,
    %add3A_2754 = arith.constant 1 : i32
    %add3A_2755 = vector.broadcast %add3A_2754 : i32 to vector<16xi32>
    %add3A_2756 = arith.addi %mul3A_2746, %add3A_2755 : vector<16xi32>
    %gather3A_2757 = tpu.vector_load_idx %arg6[%add3A_2756] : memref<5120xf32, #tpu.memory_space<vmem>>[vector<16xi32>], vector<16xf32>,
    %add3A_2758 = arith.constant 8 : i32
    %add3A_2759 = vector.broadcast %add3A_2758 : i32 to vector<16xi32>
    %add3A_2760 = arith.addi %mul3A_2734, %add3A_2759 : vector<16xi32>
    tpu.vector_store_idx %arg7[%add3A_2760], %gather3A_2757 : memref<49152xf32, #tpu.memory_space<vmem>>[vector<16xi32>], vector<16xf32>,
    %add3A_2761 = arith.constant 2 : i32
    %add3A_2762 = vector.broadcast %add3A_2761 : i32 to vector<16xi32>
    %add3A_2763 = arith.addi %mul3A_2746, %add3A_2762 : vector<16xi32>
    %gather3A_2764 = tpu.vector_load_idx %arg6[%add3A_2763] : memref<5120xf32, #tpu.memory_space<vmem>>[vector<16xi32>], vector<16xf32>,
    %add3A_2765 = arith.constant 9 : i32
    %add3A_2766 = vector.broadcast %add3A_2765 : i32 to vector<16xi32>
    %add3A_2767 = arith.addi %mul3A_2734, %add3A_2766 : vector<16xi32>
    tpu.vector_store_idx %arg7[%add3A_2767], %gather3A_2764 : memref<49152xf32, #tpu.memory_space<vmem>>[vector<16xi32>], vector<16xf32>,
    %add3A_2768 = arith.constant 3 : i32
    %add3A_2769 = vector.broadcast %add3A_2768 : i32 to vector<16xi32>
    %add3A_2770 = arith.addi %mul3A_2746, %add3A_2769 : vector<16xi32>
    %gather3A_2771 = tpu.vector_load_idx %arg6[%add3A_2770] : memref<5120xf32, #tpu.memory_space<vmem>>[vector<16xi32>], vector<16xf32>,
    %add3A_2772 = arith.constant 10 : i32
    %add3A_2773 = vector.broadcast %add3A_2772 : i32 to vector<16xi32>
    %add3A_2774 = arith.addi %mul3A_2734, %add3A_2773 : vector<16xi32>
    tpu.vector_store_idx %arg7[%add3A_2774], %gather3A_2771 : memref<49152xf32, #tpu.memory_space<vmem>>[vector<16xi32>], vector<16xf32>,
    %add3A_2775 = arith.constant 4 : i32
    %add3A_2776 = vector.broadcast %add3A_2775 : i32 to vector<16xi32>
    %add3A_2777 = arith.addi %mul3A_2746, %add3A_2776 : vector<16xi32>
    %gather3A_2778 = tpu.vector_load_idx %arg6[%add3A_2777] : memref<5120xf32, #tpu.memory_space<vmem>>[vector<16xi32>], vector<16xf32>,
    %add3A_2779 = arith.constant 11 : i32
    %add3A_2780 = vector.broadcast %add3A_2779 : i32 to vector<16xi32>
    %add3A_2781 = arith.addi %mul3A_2734, %add3A_2780 : vector<16xi32>
    tpu.vector_store_idx %arg7[%add3A_2781], %gather3A_2778 : memref<49152xf32, #tpu.memory_space<vmem>>[vector<16xi32>], vector<16xf32>,
    %add3A_2782 = arith.constant 48 : i32
    %add3A_2783 = vector.broadcast %add3A_2782 : i32 to vector<16xi32>
    %add3A_2784 = arith.addi %iota3A, %add3A_2783 : vector<16xi32>
    %mul3A_2785 = arith.constant 768 : i32
    %mul3A_2786 = vector.broadcast %mul3A_2785 : i32 to vector<16xi32>
    %mul3A_2787 = arith.muli %add3A_2784, %mul3A_2786 : vector<16xi32>
    %get3A_2788 = arith.constant 816 : index
    %get3A_2789 = tpu.vector_load %arg5[%get3A_2788] {strides = array<i32>} : memref<1024xi32, #tpu.memory_space<vmem>>, vector<16xi32>,
    %get3A_2790 = arith.constant 688 : index
    %get3A_2791 = tpu.vector_load %arg5[%get3A_2790] {strides = array<i32>} : memref<1024xi32, #tpu.memory_space<vmem>>, vector<16xi32>,
    %add3A_2792 = arith.addi %mul3A_2787, %get3A_2791 : vector<16xi32>
    tpu.vector_store_idx %arg7[%add3A_2792], %broadcast_in_dim3A_5 : memref<49152xf32, #tpu.memory_space<vmem>>[vector<16xi32>], vector<16xf32>,
    %add3A_2793 = arith.addi %mul3A_2787, %get3A_2789 : vector<16xi32>
    tpu.vector_store_idx %arg7[%add3A_2793], %broadcast_in_dim3A_12 : memref<49152xf32, #tpu.memory_space<vmem>>[vector<16xi32>], vector<16xf32>,
    %add3A_2794 = arith.constant 816 : i32
    %add3A_2795 = vector.broadcast %add3A_2794 : i32 to vector<16xi32>
    %add3A_2796 = arith.addi %iota3A, %add3A_2795 : vector<16xi32>
    %mul3A_2797 = arith.constant 5 : i32
    %mul3A_2798 = vector.broadcast %mul3A_2797 : i32 to vector<16xi32>
    %mul3A_2799 = arith.muli %add3A_2796, %mul3A_2798 : vector<16xi32>
    %add3A_2800 = arith.constant 0 : i32
    %add3A_2801 = vector.broadcast %add3A_2800 : i32 to vector<16xi32>
    %add3A_2802 = arith.addi %mul3A_2799, %add3A_2801 : vector<16xi32>
    %gather3A_2803 = tpu.vector_load_idx %arg6[%add3A_2802] : memref<5120xf32, #tpu.memory_space<vmem>>[vector<16xi32>], vector<16xf32>,
    %add3A_2804 = arith.constant 7 : i32
    %add3A_2805 = vector.broadcast %add3A_2804 : i32 to vector<16xi32>
    %add3A_2806 = arith.addi %mul3A_2787, %add3A_2805 : vector<16xi32>
    tpu.vector_store_idx %arg7[%add3A_2806], %gather3A_2803 : memref<49152xf32, #tpu.memory_space<vmem>>[vector<16xi32>], vector<16xf32>,
    %add3A_2807 = arith.constant 1 : i32
    %add3A_2808 = vector.broadcast %add3A_2807 : i32 to vector<16xi32>
    %add3A_2809 = arith.addi %mul3A_2799, %add3A_2808 : vector<16xi32>
    %gather3A_2810 = tpu.vector_load_idx %arg6[%add3A_2809] : memref<5120xf32, #tpu.memory_space<vmem>>[vector<16xi32>], vector<16xf32>,
    %add3A_2811 = arith.constant 8 : i32
    %add3A_2812 = vector.broadcast %add3A_2811 : i32 to vector<16xi32>
    %add3A_2813 = arith.addi %mul3A_2787, %add3A_2812 : vector<16xi32>
    tpu.vector_store_idx %arg7[%add3A_2813], %gather3A_2810 : memref<49152xf32, #tpu.memory_space<vmem>>[vector<16xi32>], vector<16xf32>,
    %add3A_2814 = arith.constant 2 : i32
    %add3A_2815 = vector.broadcast %add3A_2814 : i32 to vector<16xi32>
    %add3A_2816 = arith.addi %mul3A_2799, %add3A_2815 : vector<16xi32>
    %gather3A_2817 = tpu.vector_load_idx %arg6[%add3A_2816] : memref<5120xf32, #tpu.memory_space<vmem>>[vector<16xi32>], vector<16xf32>,
    %add3A_2818 = arith.constant 9 : i32
    %add3A_2819 = vector.broadcast %add3A_2818 : i32 to vector<16xi32>
    %add3A_2820 = arith.addi %mul3A_2787, %add3A_2819 : vector<16xi32>
    tpu.vector_store_idx %arg7[%add3A_2820], %gather3A_2817 : memref<49152xf32, #tpu.memory_space<vmem>>[vector<16xi32>], vector<16xf32>,
    %add3A_2821 = arith.constant 3 : i32
    %add3A_2822 = vector.broadcast %add3A_2821 : i32 to vector<16xi32>
    %add3A_2823 = arith.addi %mul3A_2799, %add3A_2822 : vector<16xi32>
    %gather3A_2824 = tpu.vector_load_idx %arg6[%add3A_2823] : memref<5120xf32, #tpu.memory_space<vmem>>[vector<16xi32>], vector<16xf32>,
    %add3A_2825 = arith.constant 10 : i32
    %add3A_2826 = vector.broadcast %add3A_2825 : i32 to vector<16xi32>
    %add3A_2827 = arith.addi %mul3A_2787, %add3A_2826 : vector<16xi32>
    tpu.vector_store_idx %arg7[%add3A_2827], %gather3A_2824 : memref<49152xf32, #tpu.memory_space<vmem>>[vector<16xi32>], vector<16xf32>,
    %add3A_2828 = arith.constant 4 : i32
    %add3A_2829 = vector.broadcast %add3A_2828 : i32 to vector<16xi32>
    %add3A_2830 = arith.addi %mul3A_2799, %add3A_2829 : vector<16xi32>
    %gather3A_2831 = tpu.vector_load_idx %arg6[%add3A_2830] : memref<5120xf32, #tpu.memory_space<vmem>>[vector<16xi32>], vector<16xf32>,
    %add3A_2832 = arith.constant 11 : i32
    %add3A_2833 = vector.broadcast %add3A_2832 : i32 to vector<16xi32>
    %add3A_2834 = arith.addi %mul3A_2787, %add3A_2833 : vector<16xi32>
    tpu.vector_store_idx %arg7[%add3A_2834], %gather3A_2831 : memref<49152xf32, #tpu.memory_space<vmem>>[vector<16xi32>], vector<16xf32>,
    %add3A_2835 = arith.constant 768 : i32
    %add3A_2836 = arith.addi %mul3A_2, %add3A_2835 : i32
    %mul3A_2837 = arith.constant 768 : i32
    %mul3A_2838 = arith.muli %add3A_2836, %mul3A_2837 : i32
    %dma_start3A_2839 = tpu.memref_slice %arg4[%mul3A_2838] : memref<25165824xf32, #tpu.memory_space<hbm>> -> memref<49152xf32, #tpu.memory_space<hbm>>
    %dma_start3A_2840 = tpu.memref_slice %arg4[%mul3A_2838] : memref<25165824xf32, #tpu.memory_space<hbm>> -> memref<49152xf32, #tpu.memory_space<hbm>>
    tpu.enqueue_dma source(%arg7 : memref<49152xf32, #tpu.memory_space<vmem>>) target(%dma_start3A_2840 : memref<49152xf32, #tpu.memory_space<hbm>>) target_semaphore(%arg9 : memref<!tpu.dma_semaphore, #tpu.memory_space<semaphore_mem>>)
    %dma_wait3A_2841 = tpu.memref_slice %arg4[%mul3A_2618] : memref<25165824xf32, #tpu.memory_space<hbm>> -> memref<49152xf32, #tpu.memory_space<hbm>>
    %dma_wait3A_2842 = tpu.memref_slice %arg4[%mul3A_2618] : memref<25165824xf32, #tpu.memory_space<hbm>> -> memref<49152xf32, #tpu.memory_space<hbm>>
    tpu.wait_dma2 semaphore(%arg10 : memref<!tpu.dma_semaphore, #tpu.memory_space<semaphore_mem>>) src(%arg8 : memref<49152xf32, #tpu.memory_space<vmem>>) dst(%dma_wait3A_2842 : memref<49152xf32, #tpu.memory_space<hbm>>)
    %add3A_2843 = arith.constant 0 : i32
    %add3A_2844 = vector.broadcast %add3A_2843 : i32 to vector<16xi32>
    %add3A_2845 = arith.addi %iota3A, %add3A_2844 : vector<16xi32>
    %mul3A_2846 = arith.constant 768 : i32
    %mul3A_2847 = vector.broadcast %mul3A_2846 : i32 to vector<16xi32>
    %mul3A_2848 = arith.muli %add3A_2845, %mul3A_2847 : vector<16xi32>
    %get3A_2849 = arith.constant 832 : index
    %get3A_2850 = tpu.vector_load %arg5[%get3A_2849] {strides = array<i32>} : memref<1024xi32, #tpu.memory_space<vmem>>, vector<16xi32>,
    %get3A_2851 = arith.constant 704 : index
    %get3A_2852 = tpu.vector_load %arg5[%get3A_2851] {strides = array<i32>} : memref<1024xi32, #tpu.memory_space<vmem>>, vector<16xi32>,
    %add3A_2853 = arith.addi %mul3A_2848, %get3A_2852 : vector<16xi32>
    tpu.vector_store_idx %arg8[%add3A_2853], %broadcast_in_dim3A_5 : memref<49152xf32, #tpu.memory_space<vmem>>[vector<16xi32>], vector<16xf32>,
    %add3A_2854 = arith.addi %mul3A_2848, %get3A_2850 : vector<16xi32>
    tpu.vector_store_idx %arg8[%add3A_2854], %broadcast_in_dim3A_12 : memref<49152xf32, #tpu.memory_space<vmem>>[vector<16xi32>], vector<16xf32>,
    %add3A_2855 = arith.constant 832 : i32
    %add3A_2856 = vector.broadcast %add3A_2855 : i32 to vector<16xi32>
    %add3A_2857 = arith.addi %iota3A, %add3A_2856 : vector<16xi32>
    %mul3A_2858 = arith.constant 5 : i32
    %mul3A_2859 = vector.broadcast %mul3A_2858 : i32 to vector<16xi32>
    %mul3A_2860 = arith.muli %add3A_2857, %mul3A_2859 : vector<16xi32>
    %add3A_2861 = arith.constant 0 : i32
    %add3A_2862 = vector.broadcast %add3A_2861 : i32 to vector<16xi32>
    %add3A_2863 = arith.addi %mul3A_2860, %add3A_2862 : vector<16xi32>
    %gather3A_2864 = tpu.vector_load_idx %arg6[%add3A_2863] : memref<5120xf32, #tpu.memory_space<vmem>>[vector<16xi32>], vector<16xf32>,
    %add3A_2865 = arith.constant 7 : i32
    %add3A_2866 = vector.broadcast %add3A_2865 : i32 to vector<16xi32>
    %add3A_2867 = arith.addi %mul3A_2848, %add3A_2866 : vector<16xi32>
    tpu.vector_store_idx %arg8[%add3A_2867], %gather3A_2864 : memref<49152xf32, #tpu.memory_space<vmem>>[vector<16xi32>], vector<16xf32>,
    %add3A_2868 = arith.constant 1 : i32
    %add3A_2869 = vector.broadcast %add3A_2868 : i32 to vector<16xi32>
    %add3A_2870 = arith.addi %mul3A_2860, %add3A_2869 : vector<16xi32>
    %gather3A_2871 = tpu.vector_load_idx %arg6[%add3A_2870] : memref<5120xf32, #tpu.memory_space<vmem>>[vector<16xi32>], vector<16xf32>,
    %add3A_2872 = arith.constant 8 : i32
    %add3A_2873 = vector.broadcast %add3A_2872 : i32 to vector<16xi32>
    %add3A_2874 = arith.addi %mul3A_2848, %add3A_2873 : vector<16xi32>
    tpu.vector_store_idx %arg8[%add3A_2874], %gather3A_2871 : memref<49152xf32, #tpu.memory_space<vmem>>[vector<16xi32>], vector<16xf32>,
    %add3A_2875 = arith.constant 2 : i32
    %add3A_2876 = vector.broadcast %add3A_2875 : i32 to vector<16xi32>
    %add3A_2877 = arith.addi %mul3A_2860, %add3A_2876 : vector<16xi32>
    %gather3A_2878 = tpu.vector_load_idx %arg6[%add3A_2877] : memref<5120xf32, #tpu.memory_space<vmem>>[vector<16xi32>], vector<16xf32>,
    %add3A_2879 = arith.constant 9 : i32
    %add3A_2880 = vector.broadcast %add3A_2879 : i32 to vector<16xi32>
    %add3A_2881 = arith.addi %mul3A_2848, %add3A_2880 : vector<16xi32>
    tpu.vector_store_idx %arg8[%add3A_2881], %gather3A_2878 : memref<49152xf32, #tpu.memory_space<vmem>>[vector<16xi32>], vector<16xf32>,
    %add3A_2882 = arith.constant 3 : i32
    %add3A_2883 = vector.broadcast %add3A_2882 : i32 to vector<16xi32>
    %add3A_2884 = arith.addi %mul3A_2860, %add3A_2883 : vector<16xi32>
    %gather3A_2885 = tpu.vector_load_idx %arg6[%add3A_2884] : memref<5120xf32, #tpu.memory_space<vmem>>[vector<16xi32>], vector<16xf32>,
    %add3A_2886 = arith.constant 10 : i32
    %add3A_2887 = vector.broadcast %add3A_2886 : i32 to vector<16xi32>
    %add3A_2888 = arith.addi %mul3A_2848, %add3A_2887 : vector<16xi32>
    tpu.vector_store_idx %arg8[%add3A_2888], %gather3A_2885 : memref<49152xf32, #tpu.memory_space<vmem>>[vector<16xi32>], vector<16xf32>,
    %add3A_2889 = arith.constant 4 : i32
    %add3A_2890 = vector.broadcast %add3A_2889 : i32 to vector<16xi32>
    %add3A_2891 = arith.addi %mul3A_2860, %add3A_2890 : vector<16xi32>
    %gather3A_2892 = tpu.vector_load_idx %arg6[%add3A_2891] : memref<5120xf32, #tpu.memory_space<vmem>>[vector<16xi32>], vector<16xf32>,
    %add3A_2893 = arith.constant 11 : i32
    %add3A_2894 = vector.broadcast %add3A_2893 : i32 to vector<16xi32>
    %add3A_2895 = arith.addi %mul3A_2848, %add3A_2894 : vector<16xi32>
    tpu.vector_store_idx %arg8[%add3A_2895], %gather3A_2892 : memref<49152xf32, #tpu.memory_space<vmem>>[vector<16xi32>], vector<16xf32>,
    %add3A_2896 = arith.constant 16 : i32
    %add3A_2897 = vector.broadcast %add3A_2896 : i32 to vector<16xi32>
    %add3A_2898 = arith.addi %iota3A, %add3A_2897 : vector<16xi32>
    %mul3A_2899 = arith.constant 768 : i32
    %mul3A_2900 = vector.broadcast %mul3A_2899 : i32 to vector<16xi32>
    %mul3A_2901 = arith.muli %add3A_2898, %mul3A_2900 : vector<16xi32>
    %get3A_2902 = arith.constant 848 : index
    %get3A_2903 = tpu.vector_load %arg5[%get3A_2902] {strides = array<i32>} : memref<1024xi32, #tpu.memory_space<vmem>>, vector<16xi32>,
    %get3A_2904 = arith.constant 720 : index
    %get3A_2905 = tpu.vector_load %arg5[%get3A_2904] {strides = array<i32>} : memref<1024xi32, #tpu.memory_space<vmem>>, vector<16xi32>,
    %add3A_2906 = arith.addi %mul3A_2901, %get3A_2905 : vector<16xi32>
    tpu.vector_store_idx %arg8[%add3A_2906], %broadcast_in_dim3A_5 : memref<49152xf32, #tpu.memory_space<vmem>>[vector<16xi32>], vector<16xf32>,
    %add3A_2907 = arith.addi %mul3A_2901, %get3A_2903 : vector<16xi32>
    tpu.vector_store_idx %arg8[%add3A_2907], %broadcast_in_dim3A_12 : memref<49152xf32, #tpu.memory_space<vmem>>[vector<16xi32>], vector<16xf32>,
    %add3A_2908 = arith.constant 848 : i32
    %add3A_2909 = vector.broadcast %add3A_2908 : i32 to vector<16xi32>
    %add3A_2910 = arith.addi %iota3A, %add3A_2909 : vector<16xi32>
    %mul3A_2911 = arith.constant 5 : i32
    %mul3A_2912 = vector.broadcast %mul3A_2911 : i32 to vector<16xi32>
    %mul3A_2913 = arith.muli %add3A_2910, %mul3A_2912 : vector<16xi32>
    %add3A_2914 = arith.constant 0 : i32
    %add3A_2915 = vector.broadcast %add3A_2914 : i32 to vector<16xi32>
    %add3A_2916 = arith.addi %mul3A_2913, %add3A_2915 : vector<16xi32>
    %gather3A_2917 = tpu.vector_load_idx %arg6[%add3A_2916] : memref<5120xf32, #tpu.memory_space<vmem>>[vector<16xi32>], vector<16xf32>,
    %add3A_2918 = arith.constant 7 : i32
    %add3A_2919 = vector.broadcast %add3A_2918 : i32 to vector<16xi32>
    %add3A_2920 = arith.addi %mul3A_2901, %add3A_2919 : vector<16xi32>
    tpu.vector_store_idx %arg8[%add3A_2920], %gather3A_2917 : memref<49152xf32, #tpu.memory_space<vmem>>[vector<16xi32>], vector<16xf32>,
    %add3A_2921 = arith.constant 1 : i32
    %add3A_2922 = vector.broadcast %add3A_2921 : i32 to vector<16xi32>
    %add3A_2923 = arith.addi %mul3A_2913, %add3A_2922 : vector<16xi32>
    %gather3A_2924 = tpu.vector_load_idx %arg6[%add3A_2923] : memref<5120xf32, #tpu.memory_space<vmem>>[vector<16xi32>], vector<16xf32>,
    %add3A_2925 = arith.constant 8 : i32
    %add3A_2926 = vector.broadcast %add3A_2925 : i32 to vector<16xi32>
    %add3A_2927 = arith.addi %mul3A_2901, %add3A_2926 : vector<16xi32>
    tpu.vector_store_idx %arg8[%add3A_2927], %gather3A_2924 : memref<49152xf32, #tpu.memory_space<vmem>>[vector<16xi32>], vector<16xf32>,
    %add3A_2928 = arith.constant 2 : i32
    %add3A_2929 = vector.broadcast %add3A_2928 : i32 to vector<16xi32>
    %add3A_2930 = arith.addi %mul3A_2913, %add3A_2929 : vector<16xi32>
    %gather3A_2931 = tpu.vector_load_idx %arg6[%add3A_2930] : memref<5120xf32, #tpu.memory_space<vmem>>[vector<16xi32>], vector<16xf32>,
    %add3A_2932 = arith.constant 9 : i32
    %add3A_2933 = vector.broadcast %add3A_2932 : i32 to vector<16xi32>
    %add3A_2934 = arith.addi %mul3A_2901, %add3A_2933 : vector<16xi32>
    tpu.vector_store_idx %arg8[%add3A_2934], %gather3A_2931 : memref<49152xf32, #tpu.memory_space<vmem>>[vector<16xi32>], vector<16xf32>,
    %add3A_2935 = arith.constant 3 : i32
    %add3A_2936 = vector.broadcast %add3A_2935 : i32 to vector<16xi32>
    %add3A_2937 = arith.addi %mul3A_2913, %add3A_2936 : vector<16xi32>
    %gather3A_2938 = tpu.vector_load_idx %arg6[%add3A_2937] : memref<5120xf32, #tpu.memory_space<vmem>>[vector<16xi32>], vector<16xf32>,
    %add3A_2939 = arith.constant 10 : i32
    %add3A_2940 = vector.broadcast %add3A_2939 : i32 to vector<16xi32>
    %add3A_2941 = arith.addi %mul3A_2901, %add3A_2940 : vector<16xi32>
    tpu.vector_store_idx %arg8[%add3A_2941], %gather3A_2938 : memref<49152xf32, #tpu.memory_space<vmem>>[vector<16xi32>], vector<16xf32>,
    %add3A_2942 = arith.constant 4 : i32
    %add3A_2943 = vector.broadcast %add3A_2942 : i32 to vector<16xi32>
    %add3A_2944 = arith.addi %mul3A_2913, %add3A_2943 : vector<16xi32>
    %gather3A_2945 = tpu.vector_load_idx %arg6[%add3A_2944] : memref<5120xf32, #tpu.memory_space<vmem>>[vector<16xi32>], vector<16xf32>,
    %add3A_2946 = arith.constant 11 : i32
    %add3A_2947 = vector.broadcast %add3A_2946 : i32 to vector<16xi32>
    %add3A_2948 = arith.addi %mul3A_2901, %add3A_2947 : vector<16xi32>
    tpu.vector_store_idx %arg8[%add3A_2948], %gather3A_2945 : memref<49152xf32, #tpu.memory_space<vmem>>[vector<16xi32>], vector<16xf32>,
    %add3A_2949 = arith.constant 32 : i32
    %add3A_2950 = vector.broadcast %add3A_2949 : i32 to vector<16xi32>
    %add3A_2951 = arith.addi %iota3A, %add3A_2950 : vector<16xi32>
    %mul3A_2952 = arith.constant 768 : i32
    %mul3A_2953 = vector.broadcast %mul3A_2952 : i32 to vector<16xi32>
    %mul3A_2954 = arith.muli %add3A_2951, %mul3A_2953 : vector<16xi32>
    %get3A_2955 = arith.constant 864 : index
    %get3A_2956 = tpu.vector_load %arg5[%get3A_2955] {strides = array<i32>} : memref<1024xi32, #tpu.memory_space<vmem>>, vector<16xi32>,
    %get3A_2957 = arith.constant 736 : index
    %get3A_2958 = tpu.vector_load %arg5[%get3A_2957] {strides = array<i32>} : memref<1024xi32, #tpu.memory_space<vmem>>, vector<16xi32>,
    %add3A_2959 = arith.addi %mul3A_2954, %get3A_2958 : vector<16xi32>
    tpu.vector_store_idx %arg8[%add3A_2959], %broadcast_in_dim3A_5 : memref<49152xf32, #tpu.memory_space<vmem>>[vector<16xi32>], vector<16xf32>,
    %add3A_2960 = arith.addi %mul3A_2954, %get3A_2956 : vector<16xi32>
    tpu.vector_store_idx %arg8[%add3A_2960], %broadcast_in_dim3A_12 : memref<49152xf32, #tpu.memory_space<vmem>>[vector<16xi32>], vector<16xf32>,
    %add3A_2961 = arith.constant 864 : i32
    %add3A_2962 = vector.broadcast %add3A_2961 : i32 to vector<16xi32>
    %add3A_2963 = arith.addi %iota3A, %add3A_2962 : vector<16xi32>
    %mul3A_2964 = arith.constant 5 : i32
    %mul3A_2965 = vector.broadcast %mul3A_2964 : i32 to vector<16xi32>
    %mul3A_2966 = arith.muli %add3A_2963, %mul3A_2965 : vector<16xi32>
    %add3A_2967 = arith.constant 0 : i32
    %add3A_2968 = vector.broadcast %add3A_2967 : i32 to vector<16xi32>
    %add3A_2969 = arith.addi %mul3A_2966, %add3A_2968 : vector<16xi32>
    %gather3A_2970 = tpu.vector_load_idx %arg6[%add3A_2969] : memref<5120xf32, #tpu.memory_space<vmem>>[vector<16xi32>], vector<16xf32>,
    %add3A_2971 = arith.constant 7 : i32
    %add3A_2972 = vector.broadcast %add3A_2971 : i32 to vector<16xi32>
    %add3A_2973 = arith.addi %mul3A_2954, %add3A_2972 : vector<16xi32>
    tpu.vector_store_idx %arg8[%add3A_2973], %gather3A_2970 : memref<49152xf32, #tpu.memory_space<vmem>>[vector<16xi32>], vector<16xf32>,
    %add3A_2974 = arith.constant 1 : i32
    %add3A_2975 = vector.broadcast %add3A_2974 : i32 to vector<16xi32>
    %add3A_2976 = arith.addi %mul3A_2966, %add3A_2975 : vector<16xi32>
    %gather3A_2977 = tpu.vector_load_idx %arg6[%add3A_2976] : memref<5120xf32, #tpu.memory_space<vmem>>[vector<16xi32>], vector<16xf32>,
    %add3A_2978 = arith.constant 8 : i32
    %add3A_2979 = vector.broadcast %add3A_2978 : i32 to vector<16xi32>
    %add3A_2980 = arith.addi %mul3A_2954, %add3A_2979 : vector<16xi32>
    tpu.vector_store_idx %arg8[%add3A_2980], %gather3A_2977 : memref<49152xf32, #tpu.memory_space<vmem>>[vector<16xi32>], vector<16xf32>,
    %add3A_2981 = arith.constant 2 : i32
    %add3A_2982 = vector.broadcast %add3A_2981 : i32 to vector<16xi32>
    %add3A_2983 = arith.addi %mul3A_2966, %add3A_2982 : vector<16xi32>
    %gather3A_2984 = tpu.vector_load_idx %arg6[%add3A_2983] : memref<5120xf32, #tpu.memory_space<vmem>>[vector<16xi32>], vector<16xf32>,
    %add3A_2985 = arith.constant 9 : i32
    %add3A_2986 = vector.broadcast %add3A_2985 : i32 to vector<16xi32>
    %add3A_2987 = arith.addi %mul3A_2954, %add3A_2986 : vector<16xi32>
    tpu.vector_store_idx %arg8[%add3A_2987], %gather3A_2984 : memref<49152xf32, #tpu.memory_space<vmem>>[vector<16xi32>], vector<16xf32>,
    %add3A_2988 = arith.constant 3 : i32
    %add3A_2989 = vector.broadcast %add3A_2988 : i32 to vector<16xi32>
    %add3A_2990 = arith.addi %mul3A_2966, %add3A_2989 : vector<16xi32>
    %gather3A_2991 = tpu.vector_load_idx %arg6[%add3A_2990] : memref<5120xf32, #tpu.memory_space<vmem>>[vector<16xi32>], vector<16xf32>,
    %add3A_2992 = arith.constant 10 : i32
    %add3A_2993 = vector.broadcast %add3A_2992 : i32 to vector<16xi32>
    %add3A_2994 = arith.addi %mul3A_2954, %add3A_2993 : vector<16xi32>
    tpu.vector_store_idx %arg8[%add3A_2994], %gather3A_2991 : memref<49152xf32, #tpu.memory_space<vmem>>[vector<16xi32>], vector<16xf32>,
    %add3A_2995 = arith.constant 4 : i32
    %add3A_2996 = vector.broadcast %add3A_2995 : i32 to vector<16xi32>
    %add3A_2997 = arith.addi %mul3A_2966, %add3A_2996 : vector<16xi32>
    %gather3A_2998 = tpu.vector_load_idx %arg6[%add3A_2997] : memref<5120xf32, #tpu.memory_space<vmem>>[vector<16xi32>], vector<16xf32>,
    %add3A_2999 = arith.constant 11 : i32
    %add3A_3000 = vector.broadcast %add3A_2999 : i32 to vector<16xi32>
    %add3A_3001 = arith.addi %mul3A_2954, %add3A_3000 : vector<16xi32>
    tpu.vector_store_idx %arg8[%add3A_3001], %gather3A_2998 : memref<49152xf32, #tpu.memory_space<vmem>>[vector<16xi32>], vector<16xf32>,
    %add3A_3002 = arith.constant 48 : i32
    %add3A_3003 = vector.broadcast %add3A_3002 : i32 to vector<16xi32>
    %add3A_3004 = arith.addi %iota3A, %add3A_3003 : vector<16xi32>
    %mul3A_3005 = arith.constant 768 : i32
    %mul3A_3006 = vector.broadcast %mul3A_3005 : i32 to vector<16xi32>
    %mul3A_3007 = arith.muli %add3A_3004, %mul3A_3006 : vector<16xi32>
    %get3A_3008 = arith.constant 880 : index
    %get3A_3009 = tpu.vector_load %arg5[%get3A_3008] {strides = array<i32>} : memref<1024xi32, #tpu.memory_space<vmem>>, vector<16xi32>,
    %get3A_3010 = arith.constant 752 : index
    %get3A_3011 = tpu.vector_load %arg5[%get3A_3010] {strides = array<i32>} : memref<1024xi32, #tpu.memory_space<vmem>>, vector<16xi32>,
    %add3A_3012 = arith.addi %mul3A_3007, %get3A_3011 : vector<16xi32>
    tpu.vector_store_idx %arg8[%add3A_3012], %broadcast_in_dim3A_5 : memref<49152xf32, #tpu.memory_space<vmem>>[vector<16xi32>], vector<16xf32>,
    %add3A_3013 = arith.addi %mul3A_3007, %get3A_3009 : vector<16xi32>
    tpu.vector_store_idx %arg8[%add3A_3013], %broadcast_in_dim3A_12 : memref<49152xf32, #tpu.memory_space<vmem>>[vector<16xi32>], vector<16xf32>,
    %add3A_3014 = arith.constant 880 : i32
    %add3A_3015 = vector.broadcast %add3A_3014 : i32 to vector<16xi32>
    %add3A_3016 = arith.addi %iota3A, %add3A_3015 : vector<16xi32>
    %mul3A_3017 = arith.constant 5 : i32
    %mul3A_3018 = vector.broadcast %mul3A_3017 : i32 to vector<16xi32>
    %mul3A_3019 = arith.muli %add3A_3016, %mul3A_3018 : vector<16xi32>
    %add3A_3020 = arith.constant 0 : i32
    %add3A_3021 = vector.broadcast %add3A_3020 : i32 to vector<16xi32>
    %add3A_3022 = arith.addi %mul3A_3019, %add3A_3021 : vector<16xi32>
    %gather3A_3023 = tpu.vector_load_idx %arg6[%add3A_3022] : memref<5120xf32, #tpu.memory_space<vmem>>[vector<16xi32>], vector<16xf32>,
    %add3A_3024 = arith.constant 7 : i32
    %add3A_3025 = vector.broadcast %add3A_3024 : i32 to vector<16xi32>
    %add3A_3026 = arith.addi %mul3A_3007, %add3A_3025 : vector<16xi32>
    tpu.vector_store_idx %arg8[%add3A_3026], %gather3A_3023 : memref<49152xf32, #tpu.memory_space<vmem>>[vector<16xi32>], vector<16xf32>,
    %add3A_3027 = arith.constant 1 : i32
    %add3A_3028 = vector.broadcast %add3A_3027 : i32 to vector<16xi32>
    %add3A_3029 = arith.addi %mul3A_3019, %add3A_3028 : vector<16xi32>
    %gather3A_3030 = tpu.vector_load_idx %arg6[%add3A_3029] : memref<5120xf32, #tpu.memory_space<vmem>>[vector<16xi32>], vector<16xf32>,
    %add3A_3031 = arith.constant 8 : i32
    %add3A_3032 = vector.broadcast %add3A_3031 : i32 to vector<16xi32>
    %add3A_3033 = arith.addi %mul3A_3007, %add3A_3032 : vector<16xi32>
    tpu.vector_store_idx %arg8[%add3A_3033], %gather3A_3030 : memref<49152xf32, #tpu.memory_space<vmem>>[vector<16xi32>], vector<16xf32>,
    %add3A_3034 = arith.constant 2 : i32
    %add3A_3035 = vector.broadcast %add3A_3034 : i32 to vector<16xi32>
    %add3A_3036 = arith.addi %mul3A_3019, %add3A_3035 : vector<16xi32>
    %gather3A_3037 = tpu.vector_load_idx %arg6[%add3A_3036] : memref<5120xf32, #tpu.memory_space<vmem>>[vector<16xi32>], vector<16xf32>,
    %add3A_3038 = arith.constant 9 : i32
    %add3A_3039 = vector.broadcast %add3A_3038 : i32 to vector<16xi32>
    %add3A_3040 = arith.addi %mul3A_3007, %add3A_3039 : vector<16xi32>
    tpu.vector_store_idx %arg8[%add3A_3040], %gather3A_3037 : memref<49152xf32, #tpu.memory_space<vmem>>[vector<16xi32>], vector<16xf32>,
    %add3A_3041 = arith.constant 3 : i32
    %add3A_3042 = vector.broadcast %add3A_3041 : i32 to vector<16xi32>
    %add3A_3043 = arith.addi %mul3A_3019, %add3A_3042 : vector<16xi32>
    %gather3A_3044 = tpu.vector_load_idx %arg6[%add3A_3043] : memref<5120xf32, #tpu.memory_space<vmem>>[vector<16xi32>], vector<16xf32>,
    %add3A_3045 = arith.constant 10 : i32
    %add3A_3046 = vector.broadcast %add3A_3045 : i32 to vector<16xi32>
    %add3A_3047 = arith.addi %mul3A_3007, %add3A_3046 : vector<16xi32>
    tpu.vector_store_idx %arg8[%add3A_3047], %gather3A_3044 : memref<49152xf32, #tpu.memory_space<vmem>>[vector<16xi32>], vector<16xf32>,
    %add3A_3048 = arith.constant 4 : i32
    %add3A_3049 = vector.broadcast %add3A_3048 : i32 to vector<16xi32>
    %add3A_3050 = arith.addi %mul3A_3019, %add3A_3049 : vector<16xi32>
    %gather3A_3051 = tpu.vector_load_idx %arg6[%add3A_3050] : memref<5120xf32, #tpu.memory_space<vmem>>[vector<16xi32>], vector<16xf32>,
    %add3A_3052 = arith.constant 11 : i32
    %add3A_3053 = vector.broadcast %add3A_3052 : i32 to vector<16xi32>
    %add3A_3054 = arith.addi %mul3A_3007, %add3A_3053 : vector<16xi32>
    tpu.vector_store_idx %arg8[%add3A_3054], %gather3A_3051 : memref<49152xf32, #tpu.memory_space<vmem>>[vector<16xi32>], vector<16xf32>,
    %add3A_3055 = arith.constant 832 : i32
    %add3A_3056 = arith.addi %mul3A_2, %add3A_3055 : i32
    %mul3A_3057 = arith.constant 768 : i32
    %mul3A_3058 = arith.muli %add3A_3056, %mul3A_3057 : i32
    %dma_start3A_3059 = tpu.memref_slice %arg4[%mul3A_3058] : memref<25165824xf32, #tpu.memory_space<hbm>> -> memref<49152xf32, #tpu.memory_space<hbm>>
    %dma_start3A_3060 = tpu.memref_slice %arg4[%mul3A_3058] : memref<25165824xf32, #tpu.memory_space<hbm>> -> memref<49152xf32, #tpu.memory_space<hbm>>
    tpu.enqueue_dma source(%arg8 : memref<49152xf32, #tpu.memory_space<vmem>>) target(%dma_start3A_3060 : memref<49152xf32, #tpu.memory_space<hbm>>) target_semaphore(%arg10 : memref<!tpu.dma_semaphore, #tpu.memory_space<semaphore_mem>>)
    %dma_wait3A_3061 = tpu.memref_slice %arg4[%mul3A_2838] : memref<25165824xf32, #tpu.memory_space<hbm>> -> memref<49152xf32, #tpu.memory_space<hbm>>
    %dma_wait3A_3062 = tpu.memref_slice %arg4[%mul3A_2838] : memref<25165824xf32, #tpu.memory_space<hbm>> -> memref<49152xf32, #tpu.memory_space<hbm>>
    tpu.wait_dma2 semaphore(%arg9 : memref<!tpu.dma_semaphore, #tpu.memory_space<semaphore_mem>>) src(%arg7 : memref<49152xf32, #tpu.memory_space<vmem>>) dst(%dma_wait3A_3062 : memref<49152xf32, #tpu.memory_space<hbm>>)
    %add3A_3063 = arith.constant 0 : i32
    %add3A_3064 = vector.broadcast %add3A_3063 : i32 to vector<16xi32>
    %add3A_3065 = arith.addi %iota3A, %add3A_3064 : vector<16xi32>
    %mul3A_3066 = arith.constant 768 : i32
    %mul3A_3067 = vector.broadcast %mul3A_3066 : i32 to vector<16xi32>
    %mul3A_3068 = arith.muli %add3A_3065, %mul3A_3067 : vector<16xi32>
    %get3A_3069 = arith.constant 896 : index
    %get3A_3070 = tpu.vector_load %arg5[%get3A_3069] {strides = array<i32>} : memref<1024xi32, #tpu.memory_space<vmem>>, vector<16xi32>,
    %get3A_3071 = arith.constant 768 : index
    %get3A_3072 = tpu.vector_load %arg5[%get3A_3071] {strides = array<i32>} : memref<1024xi32, #tpu.memory_space<vmem>>, vector<16xi32>,
    %add3A_3073 = arith.addi %mul3A_3068, %get3A_3072 : vector<16xi32>
    tpu.vector_store_idx %arg7[%add3A_3073], %broadcast_in_dim3A_5 : memref<49152xf32, #tpu.memory_space<vmem>>[vector<16xi32>], vector<16xf32>,
    %add3A_3074 = arith.addi %mul3A_3068, %get3A_3070 : vector<16xi32>
    tpu.vector_store_idx %arg7[%add3A_3074], %broadcast_in_dim3A_12 : memref<49152xf32, #tpu.memory_space<vmem>>[vector<16xi32>], vector<16xf32>,
    %add3A_3075 = arith.constant 896 : i32
    %add3A_3076 = vector.broadcast %add3A_3075 : i32 to vector<16xi32>
    %add3A_3077 = arith.addi %iota3A, %add3A_3076 : vector<16xi32>
    %mul3A_3078 = arith.constant 5 : i32
    %mul3A_3079 = vector.broadcast %mul3A_3078 : i32 to vector<16xi32>
    %mul3A_3080 = arith.muli %add3A_3077, %mul3A_3079 : vector<16xi32>
    %add3A_3081 = arith.constant 0 : i32
    %add3A_3082 = vector.broadcast %add3A_3081 : i32 to vector<16xi32>
    %add3A_3083 = arith.addi %mul3A_3080, %add3A_3082 : vector<16xi32>
    %gather3A_3084 = tpu.vector_load_idx %arg6[%add3A_3083] : memref<5120xf32, #tpu.memory_space<vmem>>[vector<16xi32>], vector<16xf32>,
    %add3A_3085 = arith.constant 7 : i32
    %add3A_3086 = vector.broadcast %add3A_3085 : i32 to vector<16xi32>
    %add3A_3087 = arith.addi %mul3A_3068, %add3A_3086 : vector<16xi32>
    tpu.vector_store_idx %arg7[%add3A_3087], %gather3A_3084 : memref<49152xf32, #tpu.memory_space<vmem>>[vector<16xi32>], vector<16xf32>,
    %add3A_3088 = arith.constant 1 : i32
    %add3A_3089 = vector.broadcast %add3A_3088 : i32 to vector<16xi32>
    %add3A_3090 = arith.addi %mul3A_3080, %add3A_3089 : vector<16xi32>
    %gather3A_3091 = tpu.vector_load_idx %arg6[%add3A_3090] : memref<5120xf32, #tpu.memory_space<vmem>>[vector<16xi32>], vector<16xf32>,
    %add3A_3092 = arith.constant 8 : i32
    %add3A_3093 = vector.broadcast %add3A_3092 : i32 to vector<16xi32>
    %add3A_3094 = arith.addi %mul3A_3068, %add3A_3093 : vector<16xi32>
    tpu.vector_store_idx %arg7[%add3A_3094], %gather3A_3091 : memref<49152xf32, #tpu.memory_space<vmem>>[vector<16xi32>], vector<16xf32>,
    %add3A_3095 = arith.constant 2 : i32
    %add3A_3096 = vector.broadcast %add3A_3095 : i32 to vector<16xi32>
    %add3A_3097 = arith.addi %mul3A_3080, %add3A_3096 : vector<16xi32>
    %gather3A_3098 = tpu.vector_load_idx %arg6[%add3A_3097] : memref<5120xf32, #tpu.memory_space<vmem>>[vector<16xi32>], vector<16xf32>,
    %add3A_3099 = arith.constant 9 : i32
    %add3A_3100 = vector.broadcast %add3A_3099 : i32 to vector<16xi32>
    %add3A_3101 = arith.addi %mul3A_3068, %add3A_3100 : vector<16xi32>
    tpu.vector_store_idx %arg7[%add3A_3101], %gather3A_3098 : memref<49152xf32, #tpu.memory_space<vmem>>[vector<16xi32>], vector<16xf32>,
    %add3A_3102 = arith.constant 3 : i32
    %add3A_3103 = vector.broadcast %add3A_3102 : i32 to vector<16xi32>
    %add3A_3104 = arith.addi %mul3A_3080, %add3A_3103 : vector<16xi32>
    %gather3A_3105 = tpu.vector_load_idx %arg6[%add3A_3104] : memref<5120xf32, #tpu.memory_space<vmem>>[vector<16xi32>], vector<16xf32>,
    %add3A_3106 = arith.constant 10 : i32
    %add3A_3107 = vector.broadcast %add3A_3106 : i32 to vector<16xi32>
    %add3A_3108 = arith.addi %mul3A_3068, %add3A_3107 : vector<16xi32>
    tpu.vector_store_idx %arg7[%add3A_3108], %gather3A_3105 : memref<49152xf32, #tpu.memory_space<vmem>>[vector<16xi32>], vector<16xf32>,
    %add3A_3109 = arith.constant 4 : i32
    %add3A_3110 = vector.broadcast %add3A_3109 : i32 to vector<16xi32>
    %add3A_3111 = arith.addi %mul3A_3080, %add3A_3110 : vector<16xi32>
    %gather3A_3112 = tpu.vector_load_idx %arg6[%add3A_3111] : memref<5120xf32, #tpu.memory_space<vmem>>[vector<16xi32>], vector<16xf32>,
    %add3A_3113 = arith.constant 11 : i32
    %add3A_3114 = vector.broadcast %add3A_3113 : i32 to vector<16xi32>
    %add3A_3115 = arith.addi %mul3A_3068, %add3A_3114 : vector<16xi32>
    tpu.vector_store_idx %arg7[%add3A_3115], %gather3A_3112 : memref<49152xf32, #tpu.memory_space<vmem>>[vector<16xi32>], vector<16xf32>,
    %add3A_3116 = arith.constant 16 : i32
    %add3A_3117 = vector.broadcast %add3A_3116 : i32 to vector<16xi32>
    %add3A_3118 = arith.addi %iota3A, %add3A_3117 : vector<16xi32>
    %mul3A_3119 = arith.constant 768 : i32
    %mul3A_3120 = vector.broadcast %mul3A_3119 : i32 to vector<16xi32>
    %mul3A_3121 = arith.muli %add3A_3118, %mul3A_3120 : vector<16xi32>
    %get3A_3122 = arith.constant 912 : index
    %get3A_3123 = tpu.vector_load %arg5[%get3A_3122] {strides = array<i32>} : memref<1024xi32, #tpu.memory_space<vmem>>, vector<16xi32>,
    %get3A_3124 = arith.constant 784 : index
    %get3A_3125 = tpu.vector_load %arg5[%get3A_3124] {strides = array<i32>} : memref<1024xi32, #tpu.memory_space<vmem>>, vector<16xi32>,
    %add3A_3126 = arith.addi %mul3A_3121, %get3A_3125 : vector<16xi32>
    tpu.vector_store_idx %arg7[%add3A_3126], %broadcast_in_dim3A_5 : memref<49152xf32, #tpu.memory_space<vmem>>[vector<16xi32>], vector<16xf32>,
    %add3A_3127 = arith.addi %mul3A_3121, %get3A_3123 : vector<16xi32>
    tpu.vector_store_idx %arg7[%add3A_3127], %broadcast_in_dim3A_12 : memref<49152xf32, #tpu.memory_space<vmem>>[vector<16xi32>], vector<16xf32>,
    %add3A_3128 = arith.constant 912 : i32
    %add3A_3129 = vector.broadcast %add3A_3128 : i32 to vector<16xi32>
    %add3A_3130 = arith.addi %iota3A, %add3A_3129 : vector<16xi32>
    %mul3A_3131 = arith.constant 5 : i32
    %mul3A_3132 = vector.broadcast %mul3A_3131 : i32 to vector<16xi32>
    %mul3A_3133 = arith.muli %add3A_3130, %mul3A_3132 : vector<16xi32>
    %add3A_3134 = arith.constant 0 : i32
    %add3A_3135 = vector.broadcast %add3A_3134 : i32 to vector<16xi32>
    %add3A_3136 = arith.addi %mul3A_3133, %add3A_3135 : vector<16xi32>
    %gather3A_3137 = tpu.vector_load_idx %arg6[%add3A_3136] : memref<5120xf32, #tpu.memory_space<vmem>>[vector<16xi32>], vector<16xf32>,
    %add3A_3138 = arith.constant 7 : i32
    %add3A_3139 = vector.broadcast %add3A_3138 : i32 to vector<16xi32>
    %add3A_3140 = arith.addi %mul3A_3121, %add3A_3139 : vector<16xi32>
    tpu.vector_store_idx %arg7[%add3A_3140], %gather3A_3137 : memref<49152xf32, #tpu.memory_space<vmem>>[vector<16xi32>], vector<16xf32>,
    %add3A_3141 = arith.constant 1 : i32
    %add3A_3142 = vector.broadcast %add3A_3141 : i32 to vector<16xi32>
    %add3A_3143 = arith.addi %mul3A_3133, %add3A_3142 : vector<16xi32>
    %gather3A_3144 = tpu.vector_load_idx %arg6[%add3A_3143] : memref<5120xf32, #tpu.memory_space<vmem>>[vector<16xi32>], vector<16xf32>,
    %add3A_3145 = arith.constant 8 : i32
    %add3A_3146 = vector.broadcast %add3A_3145 : i32 to vector<16xi32>
    %add3A_3147 = arith.addi %mul3A_3121, %add3A_3146 : vector<16xi32>
    tpu.vector_store_idx %arg7[%add3A_3147], %gather3A_3144 : memref<49152xf32, #tpu.memory_space<vmem>>[vector<16xi32>], vector<16xf32>,
    %add3A_3148 = arith.constant 2 : i32
    %add3A_3149 = vector.broadcast %add3A_3148 : i32 to vector<16xi32>
    %add3A_3150 = arith.addi %mul3A_3133, %add3A_3149 : vector<16xi32>
    %gather3A_3151 = tpu.vector_load_idx %arg6[%add3A_3150] : memref<5120xf32, #tpu.memory_space<vmem>>[vector<16xi32>], vector<16xf32>,
    %add3A_3152 = arith.constant 9 : i32
    %add3A_3153 = vector.broadcast %add3A_3152 : i32 to vector<16xi32>
    %add3A_3154 = arith.addi %mul3A_3121, %add3A_3153 : vector<16xi32>
    tpu.vector_store_idx %arg7[%add3A_3154], %gather3A_3151 : memref<49152xf32, #tpu.memory_space<vmem>>[vector<16xi32>], vector<16xf32>,
    %add3A_3155 = arith.constant 3 : i32
    %add3A_3156 = vector.broadcast %add3A_3155 : i32 to vector<16xi32>
    %add3A_3157 = arith.addi %mul3A_3133, %add3A_3156 : vector<16xi32>
    %gather3A_3158 = tpu.vector_load_idx %arg6[%add3A_3157] : memref<5120xf32, #tpu.memory_space<vmem>>[vector<16xi32>], vector<16xf32>,
    %add3A_3159 = arith.constant 10 : i32
    %add3A_3160 = vector.broadcast %add3A_3159 : i32 to vector<16xi32>
    %add3A_3161 = arith.addi %mul3A_3121, %add3A_3160 : vector<16xi32>
    tpu.vector_store_idx %arg7[%add3A_3161], %gather3A_3158 : memref<49152xf32, #tpu.memory_space<vmem>>[vector<16xi32>], vector<16xf32>,
    %add3A_3162 = arith.constant 4 : i32
    %add3A_3163 = vector.broadcast %add3A_3162 : i32 to vector<16xi32>
    %add3A_3164 = arith.addi %mul3A_3133, %add3A_3163 : vector<16xi32>
    %gather3A_3165 = tpu.vector_load_idx %arg6[%add3A_3164] : memref<5120xf32, #tpu.memory_space<vmem>>[vector<16xi32>], vector<16xf32>,
    %add3A_3166 = arith.constant 11 : i32
    %add3A_3167 = vector.broadcast %add3A_3166 : i32 to vector<16xi32>
    %add3A_3168 = arith.addi %mul3A_3121, %add3A_3167 : vector<16xi32>
    tpu.vector_store_idx %arg7[%add3A_3168], %gather3A_3165 : memref<49152xf32, #tpu.memory_space<vmem>>[vector<16xi32>], vector<16xf32>,
    %add3A_3169 = arith.constant 32 : i32
    %add3A_3170 = vector.broadcast %add3A_3169 : i32 to vector<16xi32>
    %add3A_3171 = arith.addi %iota3A, %add3A_3170 : vector<16xi32>
    %mul3A_3172 = arith.constant 768 : i32
    %mul3A_3173 = vector.broadcast %mul3A_3172 : i32 to vector<16xi32>
    %mul3A_3174 = arith.muli %add3A_3171, %mul3A_3173 : vector<16xi32>
    %get3A_3175 = arith.constant 928 : index
    %get3A_3176 = tpu.vector_load %arg5[%get3A_3175] {strides = array<i32>} : memref<1024xi32, #tpu.memory_space<vmem>>, vector<16xi32>,
    %get3A_3177 = arith.constant 800 : index
    %get3A_3178 = tpu.vector_load %arg5[%get3A_3177] {strides = array<i32>} : memref<1024xi32, #tpu.memory_space<vmem>>, vector<16xi32>,
    %add3A_3179 = arith.addi %mul3A_3174, %get3A_3178 : vector<16xi32>
    tpu.vector_store_idx %arg7[%add3A_3179], %broadcast_in_dim3A_5 : memref<49152xf32, #tpu.memory_space<vmem>>[vector<16xi32>], vector<16xf32>,
    %add3A_3180 = arith.addi %mul3A_3174, %get3A_3176 : vector<16xi32>
    tpu.vector_store_idx %arg7[%add3A_3180], %broadcast_in_dim3A_12 : memref<49152xf32, #tpu.memory_space<vmem>>[vector<16xi32>], vector<16xf32>,
    %add3A_3181 = arith.constant 928 : i32
    %add3A_3182 = vector.broadcast %add3A_3181 : i32 to vector<16xi32>
    %add3A_3183 = arith.addi %iota3A, %add3A_3182 : vector<16xi32>
    %mul3A_3184 = arith.constant 5 : i32
    %mul3A_3185 = vector.broadcast %mul3A_3184 : i32 to vector<16xi32>
    %mul3A_3186 = arith.muli %add3A_3183, %mul3A_3185 : vector<16xi32>
    %add3A_3187 = arith.constant 0 : i32
    %add3A_3188 = vector.broadcast %add3A_3187 : i32 to vector<16xi32>
    %add3A_3189 = arith.addi %mul3A_3186, %add3A_3188 : vector<16xi32>
    %gather3A_3190 = tpu.vector_load_idx %arg6[%add3A_3189] : memref<5120xf32, #tpu.memory_space<vmem>>[vector<16xi32>], vector<16xf32>,
    %add3A_3191 = arith.constant 7 : i32
    %add3A_3192 = vector.broadcast %add3A_3191 : i32 to vector<16xi32>
    %add3A_3193 = arith.addi %mul3A_3174, %add3A_3192 : vector<16xi32>
    tpu.vector_store_idx %arg7[%add3A_3193], %gather3A_3190 : memref<49152xf32, #tpu.memory_space<vmem>>[vector<16xi32>], vector<16xf32>,
    %add3A_3194 = arith.constant 1 : i32
    %add3A_3195 = vector.broadcast %add3A_3194 : i32 to vector<16xi32>
    %add3A_3196 = arith.addi %mul3A_3186, %add3A_3195 : vector<16xi32>
    %gather3A_3197 = tpu.vector_load_idx %arg6[%add3A_3196] : memref<5120xf32, #tpu.memory_space<vmem>>[vector<16xi32>], vector<16xf32>,
    %add3A_3198 = arith.constant 8 : i32
    %add3A_3199 = vector.broadcast %add3A_3198 : i32 to vector<16xi32>
    %add3A_3200 = arith.addi %mul3A_3174, %add3A_3199 : vector<16xi32>
    tpu.vector_store_idx %arg7[%add3A_3200], %gather3A_3197 : memref<49152xf32, #tpu.memory_space<vmem>>[vector<16xi32>], vector<16xf32>,
    %add3A_3201 = arith.constant 2 : i32
    %add3A_3202 = vector.broadcast %add3A_3201 : i32 to vector<16xi32>
    %add3A_3203 = arith.addi %mul3A_3186, %add3A_3202 : vector<16xi32>
    %gather3A_3204 = tpu.vector_load_idx %arg6[%add3A_3203] : memref<5120xf32, #tpu.memory_space<vmem>>[vector<16xi32>], vector<16xf32>,
    %add3A_3205 = arith.constant 9 : i32
    %add3A_3206 = vector.broadcast %add3A_3205 : i32 to vector<16xi32>
    %add3A_3207 = arith.addi %mul3A_3174, %add3A_3206 : vector<16xi32>
    tpu.vector_store_idx %arg7[%add3A_3207], %gather3A_3204 : memref<49152xf32, #tpu.memory_space<vmem>>[vector<16xi32>], vector<16xf32>,
    %add3A_3208 = arith.constant 3 : i32
    %add3A_3209 = vector.broadcast %add3A_3208 : i32 to vector<16xi32>
    %add3A_3210 = arith.addi %mul3A_3186, %add3A_3209 : vector<16xi32>
    %gather3A_3211 = tpu.vector_load_idx %arg6[%add3A_3210] : memref<5120xf32, #tpu.memory_space<vmem>>[vector<16xi32>], vector<16xf32>,
    %add3A_3212 = arith.constant 10 : i32
    %add3A_3213 = vector.broadcast %add3A_3212 : i32 to vector<16xi32>
    %add3A_3214 = arith.addi %mul3A_3174, %add3A_3213 : vector<16xi32>
    tpu.vector_store_idx %arg7[%add3A_3214], %gather3A_3211 : memref<49152xf32, #tpu.memory_space<vmem>>[vector<16xi32>], vector<16xf32>,
    %add3A_3215 = arith.constant 4 : i32
    %add3A_3216 = vector.broadcast %add3A_3215 : i32 to vector<16xi32>
    %add3A_3217 = arith.addi %mul3A_3186, %add3A_3216 : vector<16xi32>
    %gather3A_3218 = tpu.vector_load_idx %arg6[%add3A_3217] : memref<5120xf32, #tpu.memory_space<vmem>>[vector<16xi32>], vector<16xf32>,
    %add3A_3219 = arith.constant 11 : i32
    %add3A_3220 = vector.broadcast %add3A_3219 : i32 to vector<16xi32>
    %add3A_3221 = arith.addi %mul3A_3174, %add3A_3220 : vector<16xi32>
    tpu.vector_store_idx %arg7[%add3A_3221], %gather3A_3218 : memref<49152xf32, #tpu.memory_space<vmem>>[vector<16xi32>], vector<16xf32>,
    %add3A_3222 = arith.constant 48 : i32
    %add3A_3223 = vector.broadcast %add3A_3222 : i32 to vector<16xi32>
    %add3A_3224 = arith.addi %iota3A, %add3A_3223 : vector<16xi32>
    %mul3A_3225 = arith.constant 768 : i32
    %mul3A_3226 = vector.broadcast %mul3A_3225 : i32 to vector<16xi32>
    %mul3A_3227 = arith.muli %add3A_3224, %mul3A_3226 : vector<16xi32>
    %get3A_3228 = arith.constant 944 : index
    %get3A_3229 = tpu.vector_load %arg5[%get3A_3228] {strides = array<i32>} : memref<1024xi32, #tpu.memory_space<vmem>>, vector<16xi32>,
    %get3A_3230 = arith.constant 816 : index
    %get3A_3231 = tpu.vector_load %arg5[%get3A_3230] {strides = array<i32>} : memref<1024xi32, #tpu.memory_space<vmem>>, vector<16xi32>,
    %add3A_3232 = arith.addi %mul3A_3227, %get3A_3231 : vector<16xi32>
    tpu.vector_store_idx %arg7[%add3A_3232], %broadcast_in_dim3A_5 : memref<49152xf32, #tpu.memory_space<vmem>>[vector<16xi32>], vector<16xf32>,
    %add3A_3233 = arith.addi %mul3A_3227, %get3A_3229 : vector<16xi32>
    tpu.vector_store_idx %arg7[%add3A_3233], %broadcast_in_dim3A_12 : memref<49152xf32, #tpu.memory_space<vmem>>[vector<16xi32>], vector<16xf32>,
    %add3A_3234 = arith.constant 944 : i32
    %add3A_3235 = vector.broadcast %add3A_3234 : i32 to vector<16xi32>
    %add3A_3236 = arith.addi %iota3A, %add3A_3235 : vector<16xi32>
    %mul3A_3237 = arith.constant 5 : i32
    %mul3A_3238 = vector.broadcast %mul3A_3237 : i32 to vector<16xi32>
    %mul3A_3239 = arith.muli %add3A_3236, %mul3A_3238 : vector<16xi32>
    %add3A_3240 = arith.constant 0 : i32
    %add3A_3241 = vector.broadcast %add3A_3240 : i32 to vector<16xi32>
    %add3A_3242 = arith.addi %mul3A_3239, %add3A_3241 : vector<16xi32>
    %gather3A_3243 = tpu.vector_load_idx %arg6[%add3A_3242] : memref<5120xf32, #tpu.memory_space<vmem>>[vector<16xi32>], vector<16xf32>,
    %add3A_3244 = arith.constant 7 : i32
    %add3A_3245 = vector.broadcast %add3A_3244 : i32 to vector<16xi32>
    %add3A_3246 = arith.addi %mul3A_3227, %add3A_3245 : vector<16xi32>
    tpu.vector_store_idx %arg7[%add3A_3246], %gather3A_3243 : memref<49152xf32, #tpu.memory_space<vmem>>[vector<16xi32>], vector<16xf32>,
    %add3A_3247 = arith.constant 1 : i32
    %add3A_3248 = vector.broadcast %add3A_3247 : i32 to vector<16xi32>
    %add3A_3249 = arith.addi %mul3A_3239, %add3A_3248 : vector<16xi32>
    %gather3A_3250 = tpu.vector_load_idx %arg6[%add3A_3249] : memref<5120xf32, #tpu.memory_space<vmem>>[vector<16xi32>], vector<16xf32>,
    %add3A_3251 = arith.constant 8 : i32
    %add3A_3252 = vector.broadcast %add3A_3251 : i32 to vector<16xi32>
    %add3A_3253 = arith.addi %mul3A_3227, %add3A_3252 : vector<16xi32>
    tpu.vector_store_idx %arg7[%add3A_3253], %gather3A_3250 : memref<49152xf32, #tpu.memory_space<vmem>>[vector<16xi32>], vector<16xf32>,
    %add3A_3254 = arith.constant 2 : i32
    %add3A_3255 = vector.broadcast %add3A_3254 : i32 to vector<16xi32>
    %add3A_3256 = arith.addi %mul3A_3239, %add3A_3255 : vector<16xi32>
    %gather3A_3257 = tpu.vector_load_idx %arg6[%add3A_3256] : memref<5120xf32, #tpu.memory_space<vmem>>[vector<16xi32>], vector<16xf32>,
    %add3A_3258 = arith.constant 9 : i32
    %add3A_3259 = vector.broadcast %add3A_3258 : i32 to vector<16xi32>
    %add3A_3260 = arith.addi %mul3A_3227, %add3A_3259 : vector<16xi32>
    tpu.vector_store_idx %arg7[%add3A_3260], %gather3A_3257 : memref<49152xf32, #tpu.memory_space<vmem>>[vector<16xi32>], vector<16xf32>,
    %add3A_3261 = arith.constant 3 : i32
    %add3A_3262 = vector.broadcast %add3A_3261 : i32 to vector<16xi32>
    %add3A_3263 = arith.addi %mul3A_3239, %add3A_3262 : vector<16xi32>
    %gather3A_3264 = tpu.vector_load_idx %arg6[%add3A_3263] : memref<5120xf32, #tpu.memory_space<vmem>>[vector<16xi32>], vector<16xf32>,
    %add3A_3265 = arith.constant 10 : i32
    %add3A_3266 = vector.broadcast %add3A_3265 : i32 to vector<16xi32>
    %add3A_3267 = arith.addi %mul3A_3227, %add3A_3266 : vector<16xi32>
    tpu.vector_store_idx %arg7[%add3A_3267], %gather3A_3264 : memref<49152xf32, #tpu.memory_space<vmem>>[vector<16xi32>], vector<16xf32>,
    %add3A_3268 = arith.constant 4 : i32
    %add3A_3269 = vector.broadcast %add3A_3268 : i32 to vector<16xi32>
    %add3A_3270 = arith.addi %mul3A_3239, %add3A_3269 : vector<16xi32>
    %gather3A_3271 = tpu.vector_load_idx %arg6[%add3A_3270] : memref<5120xf32, #tpu.memory_space<vmem>>[vector<16xi32>], vector<16xf32>,
    %add3A_3272 = arith.constant 11 : i32
    %add3A_3273 = vector.broadcast %add3A_3272 : i32 to vector<16xi32>
    %add3A_3274 = arith.addi %mul3A_3227, %add3A_3273 : vector<16xi32>
    tpu.vector_store_idx %arg7[%add3A_3274], %gather3A_3271 : memref<49152xf32, #tpu.memory_space<vmem>>[vector<16xi32>], vector<16xf32>,
    %add3A_3275 = arith.constant 896 : i32
    %add3A_3276 = arith.addi %mul3A_2, %add3A_3275 : i32
    %mul3A_3277 = arith.constant 768 : i32
    %mul3A_3278 = arith.muli %add3A_3276, %mul3A_3277 : i32
    %dma_start3A_3279 = tpu.memref_slice %arg4[%mul3A_3278] : memref<25165824xf32, #tpu.memory_space<hbm>> -> memref<49152xf32, #tpu.memory_space<hbm>>
    %dma_start3A_3280 = tpu.memref_slice %arg4[%mul3A_3278] : memref<25165824xf32, #tpu.memory_space<hbm>> -> memref<49152xf32, #tpu.memory_space<hbm>>
    tpu.enqueue_dma source(%arg7 : memref<49152xf32, #tpu.memory_space<vmem>>) target(%dma_start3A_3280 : memref<49152xf32, #tpu.memory_space<hbm>>) target_semaphore(%arg9 : memref<!tpu.dma_semaphore, #tpu.memory_space<semaphore_mem>>)
    %dma_wait3A_3281 = tpu.memref_slice %arg4[%mul3A_3058] : memref<25165824xf32, #tpu.memory_space<hbm>> -> memref<49152xf32, #tpu.memory_space<hbm>>
    %dma_wait3A_3282 = tpu.memref_slice %arg4[%mul3A_3058] : memref<25165824xf32, #tpu.memory_space<hbm>> -> memref<49152xf32, #tpu.memory_space<hbm>>
    tpu.wait_dma2 semaphore(%arg10 : memref<!tpu.dma_semaphore, #tpu.memory_space<semaphore_mem>>) src(%arg8 : memref<49152xf32, #tpu.memory_space<vmem>>) dst(%dma_wait3A_3282 : memref<49152xf32, #tpu.memory_space<hbm>>)
    %add3A_3283 = arith.constant 0 : i32
    %add3A_3284 = vector.broadcast %add3A_3283 : i32 to vector<16xi32>
    %add3A_3285 = arith.addi %iota3A, %add3A_3284 : vector<16xi32>
    %mul3A_3286 = arith.constant 768 : i32
    %mul3A_3287 = vector.broadcast %mul3A_3286 : i32 to vector<16xi32>
    %mul3A_3288 = arith.muli %add3A_3285, %mul3A_3287 : vector<16xi32>
    %get3A_3289 = arith.constant 960 : index
    %get3A_3290 = tpu.vector_load %arg5[%get3A_3289] {strides = array<i32>} : memref<1024xi32, #tpu.memory_space<vmem>>, vector<16xi32>,
    %get3A_3291 = arith.constant 832 : index
    %get3A_3292 = tpu.vector_load %arg5[%get3A_3291] {strides = array<i32>} : memref<1024xi32, #tpu.memory_space<vmem>>, vector<16xi32>,
    %add3A_3293 = arith.addi %mul3A_3288, %get3A_3292 : vector<16xi32>
    tpu.vector_store_idx %arg8[%add3A_3293], %broadcast_in_dim3A_5 : memref<49152xf32, #tpu.memory_space<vmem>>[vector<16xi32>], vector<16xf32>,
    %add3A_3294 = arith.addi %mul3A_3288, %get3A_3290 : vector<16xi32>
    tpu.vector_store_idx %arg8[%add3A_3294], %broadcast_in_dim3A_12 : memref<49152xf32, #tpu.memory_space<vmem>>[vector<16xi32>], vector<16xf32>,
    %add3A_3295 = arith.constant 960 : i32
    %add3A_3296 = vector.broadcast %add3A_3295 : i32 to vector<16xi32>
    %add3A_3297 = arith.addi %iota3A, %add3A_3296 : vector<16xi32>
    %mul3A_3298 = arith.constant 5 : i32
    %mul3A_3299 = vector.broadcast %mul3A_3298 : i32 to vector<16xi32>
    %mul3A_3300 = arith.muli %add3A_3297, %mul3A_3299 : vector<16xi32>
    %add3A_3301 = arith.constant 0 : i32
    %add3A_3302 = vector.broadcast %add3A_3301 : i32 to vector<16xi32>
    %add3A_3303 = arith.addi %mul3A_3300, %add3A_3302 : vector<16xi32>
    %gather3A_3304 = tpu.vector_load_idx %arg6[%add3A_3303] : memref<5120xf32, #tpu.memory_space<vmem>>[vector<16xi32>], vector<16xf32>,
    %add3A_3305 = arith.constant 7 : i32
    %add3A_3306 = vector.broadcast %add3A_3305 : i32 to vector<16xi32>
    %add3A_3307 = arith.addi %mul3A_3288, %add3A_3306 : vector<16xi32>
    tpu.vector_store_idx %arg8[%add3A_3307], %gather3A_3304 : memref<49152xf32, #tpu.memory_space<vmem>>[vector<16xi32>], vector<16xf32>,
    %add3A_3308 = arith.constant 1 : i32
    %add3A_3309 = vector.broadcast %add3A_3308 : i32 to vector<16xi32>
    %add3A_3310 = arith.addi %mul3A_3300, %add3A_3309 : vector<16xi32>
    %gather3A_3311 = tpu.vector_load_idx %arg6[%add3A_3310] : memref<5120xf32, #tpu.memory_space<vmem>>[vector<16xi32>], vector<16xf32>,
    %add3A_3312 = arith.constant 8 : i32
    %add3A_3313 = vector.broadcast %add3A_3312 : i32 to vector<16xi32>
    %add3A_3314 = arith.addi %mul3A_3288, %add3A_3313 : vector<16xi32>
    tpu.vector_store_idx %arg8[%add3A_3314], %gather3A_3311 : memref<49152xf32, #tpu.memory_space<vmem>>[vector<16xi32>], vector<16xf32>,
    %add3A_3315 = arith.constant 2 : i32
    %add3A_3316 = vector.broadcast %add3A_3315 : i32 to vector<16xi32>
    %add3A_3317 = arith.addi %mul3A_3300, %add3A_3316 : vector<16xi32>
    %gather3A_3318 = tpu.vector_load_idx %arg6[%add3A_3317] : memref<5120xf32, #tpu.memory_space<vmem>>[vector<16xi32>], vector<16xf32>,
    %add3A_3319 = arith.constant 9 : i32
    %add3A_3320 = vector.broadcast %add3A_3319 : i32 to vector<16xi32>
    %add3A_3321 = arith.addi %mul3A_3288, %add3A_3320 : vector<16xi32>
    tpu.vector_store_idx %arg8[%add3A_3321], %gather3A_3318 : memref<49152xf32, #tpu.memory_space<vmem>>[vector<16xi32>], vector<16xf32>,
    %add3A_3322 = arith.constant 3 : i32
    %add3A_3323 = vector.broadcast %add3A_3322 : i32 to vector<16xi32>
    %add3A_3324 = arith.addi %mul3A_3300, %add3A_3323 : vector<16xi32>
    %gather3A_3325 = tpu.vector_load_idx %arg6[%add3A_3324] : memref<5120xf32, #tpu.memory_space<vmem>>[vector<16xi32>], vector<16xf32>,
    %add3A_3326 = arith.constant 10 : i32
    %add3A_3327 = vector.broadcast %add3A_3326 : i32 to vector<16xi32>
    %add3A_3328 = arith.addi %mul3A_3288, %add3A_3327 : vector<16xi32>
    tpu.vector_store_idx %arg8[%add3A_3328], %gather3A_3325 : memref<49152xf32, #tpu.memory_space<vmem>>[vector<16xi32>], vector<16xf32>,
    %add3A_3329 = arith.constant 4 : i32
    %add3A_3330 = vector.broadcast %add3A_3329 : i32 to vector<16xi32>
    %add3A_3331 = arith.addi %mul3A_3300, %add3A_3330 : vector<16xi32>
    %gather3A_3332 = tpu.vector_load_idx %arg6[%add3A_3331] : memref<5120xf32, #tpu.memory_space<vmem>>[vector<16xi32>], vector<16xf32>,
    %add3A_3333 = arith.constant 11 : i32
    %add3A_3334 = vector.broadcast %add3A_3333 : i32 to vector<16xi32>
    %add3A_3335 = arith.addi %mul3A_3288, %add3A_3334 : vector<16xi32>
    tpu.vector_store_idx %arg8[%add3A_3335], %gather3A_3332 : memref<49152xf32, #tpu.memory_space<vmem>>[vector<16xi32>], vector<16xf32>,
    %add3A_3336 = arith.constant 16 : i32
    %add3A_3337 = vector.broadcast %add3A_3336 : i32 to vector<16xi32>
    %add3A_3338 = arith.addi %iota3A, %add3A_3337 : vector<16xi32>
    %mul3A_3339 = arith.constant 768 : i32
    %mul3A_3340 = vector.broadcast %mul3A_3339 : i32 to vector<16xi32>
    %mul3A_3341 = arith.muli %add3A_3338, %mul3A_3340 : vector<16xi32>
    %get3A_3342 = arith.constant 976 : index
    %get3A_3343 = tpu.vector_load %arg5[%get3A_3342] {strides = array<i32>} : memref<1024xi32, #tpu.memory_space<vmem>>, vector<16xi32>,
    %get3A_3344 = arith.constant 848 : index
    %get3A_3345 = tpu.vector_load %arg5[%get3A_3344] {strides = array<i32>} : memref<1024xi32, #tpu.memory_space<vmem>>, vector<16xi32>,
    %add3A_3346 = arith.addi %mul3A_3341, %get3A_3345 : vector<16xi32>
    tpu.vector_store_idx %arg8[%add3A_3346], %broadcast_in_dim3A_5 : memref<49152xf32, #tpu.memory_space<vmem>>[vector<16xi32>], vector<16xf32>,
    %add3A_3347 = arith.addi %mul3A_3341, %get3A_3343 : vector<16xi32>
    tpu.vector_store_idx %arg8[%add3A_3347], %broadcast_in_dim3A_12 : memref<49152xf32, #tpu.memory_space<vmem>>[vector<16xi32>], vector<16xf32>,
    %add3A_3348 = arith.constant 976 : i32
    %add3A_3349 = vector.broadcast %add3A_3348 : i32 to vector<16xi32>
    %add3A_3350 = arith.addi %iota3A, %add3A_3349 : vector<16xi32>
    %mul3A_3351 = arith.constant 5 : i32
    %mul3A_3352 = vector.broadcast %mul3A_3351 : i32 to vector<16xi32>
    %mul3A_3353 = arith.muli %add3A_3350, %mul3A_3352 : vector<16xi32>
    %add3A_3354 = arith.constant 0 : i32
    %add3A_3355 = vector.broadcast %add3A_3354 : i32 to vector<16xi32>
    %add3A_3356 = arith.addi %mul3A_3353, %add3A_3355 : vector<16xi32>
    %gather3A_3357 = tpu.vector_load_idx %arg6[%add3A_3356] : memref<5120xf32, #tpu.memory_space<vmem>>[vector<16xi32>], vector<16xf32>,
    %add3A_3358 = arith.constant 7 : i32
    %add3A_3359 = vector.broadcast %add3A_3358 : i32 to vector<16xi32>
    %add3A_3360 = arith.addi %mul3A_3341, %add3A_3359 : vector<16xi32>
    tpu.vector_store_idx %arg8[%add3A_3360], %gather3A_3357 : memref<49152xf32, #tpu.memory_space<vmem>>[vector<16xi32>], vector<16xf32>,
    %add3A_3361 = arith.constant 1 : i32
    %add3A_3362 = vector.broadcast %add3A_3361 : i32 to vector<16xi32>
    %add3A_3363 = arith.addi %mul3A_3353, %add3A_3362 : vector<16xi32>
    %gather3A_3364 = tpu.vector_load_idx %arg6[%add3A_3363] : memref<5120xf32, #tpu.memory_space<vmem>>[vector<16xi32>], vector<16xf32>,
    %add3A_3365 = arith.constant 8 : i32
    %add3A_3366 = vector.broadcast %add3A_3365 : i32 to vector<16xi32>
    %add3A_3367 = arith.addi %mul3A_3341, %add3A_3366 : vector<16xi32>
    tpu.vector_store_idx %arg8[%add3A_3367], %gather3A_3364 : memref<49152xf32, #tpu.memory_space<vmem>>[vector<16xi32>], vector<16xf32>,
    %add3A_3368 = arith.constant 2 : i32
    %add3A_3369 = vector.broadcast %add3A_3368 : i32 to vector<16xi32>
    %add3A_3370 = arith.addi %mul3A_3353, %add3A_3369 : vector<16xi32>
    %gather3A_3371 = tpu.vector_load_idx %arg6[%add3A_3370] : memref<5120xf32, #tpu.memory_space<vmem>>[vector<16xi32>], vector<16xf32>,
    %add3A_3372 = arith.constant 9 : i32
    %add3A_3373 = vector.broadcast %add3A_3372 : i32 to vector<16xi32>
    %add3A_3374 = arith.addi %mul3A_3341, %add3A_3373 : vector<16xi32>
    tpu.vector_store_idx %arg8[%add3A_3374], %gather3A_3371 : memref<49152xf32, #tpu.memory_space<vmem>>[vector<16xi32>], vector<16xf32>,
    %add3A_3375 = arith.constant 3 : i32
    %add3A_3376 = vector.broadcast %add3A_3375 : i32 to vector<16xi32>
    %add3A_3377 = arith.addi %mul3A_3353, %add3A_3376 : vector<16xi32>
    %gather3A_3378 = tpu.vector_load_idx %arg6[%add3A_3377] : memref<5120xf32, #tpu.memory_space<vmem>>[vector<16xi32>], vector<16xf32>,
    %add3A_3379 = arith.constant 10 : i32
    %add3A_3380 = vector.broadcast %add3A_3379 : i32 to vector<16xi32>
    %add3A_3381 = arith.addi %mul3A_3341, %add3A_3380 : vector<16xi32>
    tpu.vector_store_idx %arg8[%add3A_3381], %gather3A_3378 : memref<49152xf32, #tpu.memory_space<vmem>>[vector<16xi32>], vector<16xf32>,
    %add3A_3382 = arith.constant 4 : i32
    %add3A_3383 = vector.broadcast %add3A_3382 : i32 to vector<16xi32>
    %add3A_3384 = arith.addi %mul3A_3353, %add3A_3383 : vector<16xi32>
    %gather3A_3385 = tpu.vector_load_idx %arg6[%add3A_3384] : memref<5120xf32, #tpu.memory_space<vmem>>[vector<16xi32>], vector<16xf32>,
    %add3A_3386 = arith.constant 11 : i32
    %add3A_3387 = vector.broadcast %add3A_3386 : i32 to vector<16xi32>
    %add3A_3388 = arith.addi %mul3A_3341, %add3A_3387 : vector<16xi32>
    tpu.vector_store_idx %arg8[%add3A_3388], %gather3A_3385 : memref<49152xf32, #tpu.memory_space<vmem>>[vector<16xi32>], vector<16xf32>,
    %add3A_3389 = arith.constant 32 : i32
    %add3A_3390 = vector.broadcast %add3A_3389 : i32 to vector<16xi32>
    %add3A_3391 = arith.addi %iota3A, %add3A_3390 : vector<16xi32>
    %mul3A_3392 = arith.constant 768 : i32
    %mul3A_3393 = vector.broadcast %mul3A_3392 : i32 to vector<16xi32>
    %mul3A_3394 = arith.muli %add3A_3391, %mul3A_3393 : vector<16xi32>
    %get3A_3395 = arith.constant 992 : index
    %get3A_3396 = tpu.vector_load %arg5[%get3A_3395] {strides = array<i32>} : memref<1024xi32, #tpu.memory_space<vmem>>, vector<16xi32>,
    %get3A_3397 = arith.constant 864 : index
    %get3A_3398 = tpu.vector_load %arg5[%get3A_3397] {strides = array<i32>} : memref<1024xi32, #tpu.memory_space<vmem>>, vector<16xi32>,
    %add3A_3399 = arith.addi %mul3A_3394, %get3A_3398 : vector<16xi32>
    tpu.vector_store_idx %arg8[%add3A_3399], %broadcast_in_dim3A_5 : memref<49152xf32, #tpu.memory_space<vmem>>[vector<16xi32>], vector<16xf32>,
    %add3A_3400 = arith.addi %mul3A_3394, %get3A_3396 : vector<16xi32>
    tpu.vector_store_idx %arg8[%add3A_3400], %broadcast_in_dim3A_12 : memref<49152xf32, #tpu.memory_space<vmem>>[vector<16xi32>], vector<16xf32>,
    %add3A_3401 = arith.constant 992 : i32
    %add3A_3402 = vector.broadcast %add3A_3401 : i32 to vector<16xi32>
    %add3A_3403 = arith.addi %iota3A, %add3A_3402 : vector<16xi32>
    %mul3A_3404 = arith.constant 5 : i32
    %mul3A_3405 = vector.broadcast %mul3A_3404 : i32 to vector<16xi32>
    %mul3A_3406 = arith.muli %add3A_3403, %mul3A_3405 : vector<16xi32>
    %add3A_3407 = arith.constant 0 : i32
    %add3A_3408 = vector.broadcast %add3A_3407 : i32 to vector<16xi32>
    %add3A_3409 = arith.addi %mul3A_3406, %add3A_3408 : vector<16xi32>
    %gather3A_3410 = tpu.vector_load_idx %arg6[%add3A_3409] : memref<5120xf32, #tpu.memory_space<vmem>>[vector<16xi32>], vector<16xf32>,
    %add3A_3411 = arith.constant 7 : i32
    %add3A_3412 = vector.broadcast %add3A_3411 : i32 to vector<16xi32>
    %add3A_3413 = arith.addi %mul3A_3394, %add3A_3412 : vector<16xi32>
    tpu.vector_store_idx %arg8[%add3A_3413], %gather3A_3410 : memref<49152xf32, #tpu.memory_space<vmem>>[vector<16xi32>], vector<16xf32>,
    %add3A_3414 = arith.constant 1 : i32
    %add3A_3415 = vector.broadcast %add3A_3414 : i32 to vector<16xi32>
    %add3A_3416 = arith.addi %mul3A_3406, %add3A_3415 : vector<16xi32>
    %gather3A_3417 = tpu.vector_load_idx %arg6[%add3A_3416] : memref<5120xf32, #tpu.memory_space<vmem>>[vector<16xi32>], vector<16xf32>,
    %add3A_3418 = arith.constant 8 : i32
    %add3A_3419 = vector.broadcast %add3A_3418 : i32 to vector<16xi32>
    %add3A_3420 = arith.addi %mul3A_3394, %add3A_3419 : vector<16xi32>
    tpu.vector_store_idx %arg8[%add3A_3420], %gather3A_3417 : memref<49152xf32, #tpu.memory_space<vmem>>[vector<16xi32>], vector<16xf32>,
    %add3A_3421 = arith.constant 2 : i32
    %add3A_3422 = vector.broadcast %add3A_3421 : i32 to vector<16xi32>
    %add3A_3423 = arith.addi %mul3A_3406, %add3A_3422 : vector<16xi32>
    %gather3A_3424 = tpu.vector_load_idx %arg6[%add3A_3423] : memref<5120xf32, #tpu.memory_space<vmem>>[vector<16xi32>], vector<16xf32>,
    %add3A_3425 = arith.constant 9 : i32
    %add3A_3426 = vector.broadcast %add3A_3425 : i32 to vector<16xi32>
    %add3A_3427 = arith.addi %mul3A_3394, %add3A_3426 : vector<16xi32>
    tpu.vector_store_idx %arg8[%add3A_3427], %gather3A_3424 : memref<49152xf32, #tpu.memory_space<vmem>>[vector<16xi32>], vector<16xf32>,
    %add3A_3428 = arith.constant 3 : i32
    %add3A_3429 = vector.broadcast %add3A_3428 : i32 to vector<16xi32>
    %add3A_3430 = arith.addi %mul3A_3406, %add3A_3429 : vector<16xi32>
    %gather3A_3431 = tpu.vector_load_idx %arg6[%add3A_3430] : memref<5120xf32, #tpu.memory_space<vmem>>[vector<16xi32>], vector<16xf32>,
    %add3A_3432 = arith.constant 10 : i32
    %add3A_3433 = vector.broadcast %add3A_3432 : i32 to vector<16xi32>
    %add3A_3434 = arith.addi %mul3A_3394, %add3A_3433 : vector<16xi32>
    tpu.vector_store_idx %arg8[%add3A_3434], %gather3A_3431 : memref<49152xf32, #tpu.memory_space<vmem>>[vector<16xi32>], vector<16xf32>,
    %add3A_3435 = arith.constant 4 : i32
    %add3A_3436 = vector.broadcast %add3A_3435 : i32 to vector<16xi32>
    %add3A_3437 = arith.addi %mul3A_3406, %add3A_3436 : vector<16xi32>
    %gather3A_3438 = tpu.vector_load_idx %arg6[%add3A_3437] : memref<5120xf32, #tpu.memory_space<vmem>>[vector<16xi32>], vector<16xf32>,
    %add3A_3439 = arith.constant 11 : i32
    %add3A_3440 = vector.broadcast %add3A_3439 : i32 to vector<16xi32>
    %add3A_3441 = arith.addi %mul3A_3394, %add3A_3440 : vector<16xi32>
    tpu.vector_store_idx %arg8[%add3A_3441], %gather3A_3438 : memref<49152xf32, #tpu.memory_space<vmem>>[vector<16xi32>], vector<16xf32>,
    %add3A_3442 = arith.constant 48 : i32
    %add3A_3443 = vector.broadcast %add3A_3442 : i32 to vector<16xi32>
    %add3A_3444 = arith.addi %iota3A, %add3A_3443 : vector<16xi32>
    %mul3A_3445 = arith.constant 768 : i32
    %mul3A_3446 = vector.broadcast %mul3A_3445 : i32 to vector<16xi32>
    %mul3A_3447 = arith.muli %add3A_3444, %mul3A_3446 : vector<16xi32>
    %get3A_3448 = arith.constant 1008 : index
    %get3A_3449 = tpu.vector_load %arg5[%get3A_3448] {strides = array<i32>} : memref<1024xi32, #tpu.memory_space<vmem>>, vector<16xi32>,
    %get3A_3450 = arith.constant 880 : index
    %get3A_3451 = tpu.vector_load %arg5[%get3A_3450] {strides = array<i32>} : memref<1024xi32, #tpu.memory_space<vmem>>, vector<16xi32>,
    %add3A_3452 = arith.addi %mul3A_3447, %get3A_3451 : vector<16xi32>
    tpu.vector_store_idx %arg8[%add3A_3452], %broadcast_in_dim3A_5 : memref<49152xf32, #tpu.memory_space<vmem>>[vector<16xi32>], vector<16xf32>,
    %add3A_3453 = arith.addi %mul3A_3447, %get3A_3449 : vector<16xi32>
    tpu.vector_store_idx %arg8[%add3A_3453], %broadcast_in_dim3A_12 : memref<49152xf32, #tpu.memory_space<vmem>>[vector<16xi32>], vector<16xf32>,
    %add3A_3454 = arith.constant 1008 : i32
    %add3A_3455 = vector.broadcast %add3A_3454 : i32 to vector<16xi32>
    %add3A_3456 = arith.addi %iota3A, %add3A_3455 : vector<16xi32>
    %mul3A_3457 = arith.constant 5 : i32
    %mul3A_3458 = vector.broadcast %mul3A_3457 : i32 to vector<16xi32>
    %mul3A_3459 = arith.muli %add3A_3456, %mul3A_3458 : vector<16xi32>
    %add3A_3460 = arith.constant 0 : i32
    %add3A_3461 = vector.broadcast %add3A_3460 : i32 to vector<16xi32>
    %add3A_3462 = arith.addi %mul3A_3459, %add3A_3461 : vector<16xi32>
    %gather3A_3463 = tpu.vector_load_idx %arg6[%add3A_3462] : memref<5120xf32, #tpu.memory_space<vmem>>[vector<16xi32>], vector<16xf32>,
    %add3A_3464 = arith.constant 7 : i32
    %add3A_3465 = vector.broadcast %add3A_3464 : i32 to vector<16xi32>
    %add3A_3466 = arith.addi %mul3A_3447, %add3A_3465 : vector<16xi32>
    tpu.vector_store_idx %arg8[%add3A_3466], %gather3A_3463 : memref<49152xf32, #tpu.memory_space<vmem>>[vector<16xi32>], vector<16xf32>,
    %add3A_3467 = arith.constant 1 : i32
    %add3A_3468 = vector.broadcast %add3A_3467 : i32 to vector<16xi32>
    %add3A_3469 = arith.addi %mul3A_3459, %add3A_3468 : vector<16xi32>
    %gather3A_3470 = tpu.vector_load_idx %arg6[%add3A_3469] : memref<5120xf32, #tpu.memory_space<vmem>>[vector<16xi32>], vector<16xf32>,
    %add3A_3471 = arith.constant 8 : i32
    %add3A_3472 = vector.broadcast %add3A_3471 : i32 to vector<16xi32>
    %add3A_3473 = arith.addi %mul3A_3447, %add3A_3472 : vector<16xi32>
    tpu.vector_store_idx %arg8[%add3A_3473], %gather3A_3470 : memref<49152xf32, #tpu.memory_space<vmem>>[vector<16xi32>], vector<16xf32>,
    %add3A_3474 = arith.constant 2 : i32
    %add3A_3475 = vector.broadcast %add3A_3474 : i32 to vector<16xi32>
    %add3A_3476 = arith.addi %mul3A_3459, %add3A_3475 : vector<16xi32>
    %gather3A_3477 = tpu.vector_load_idx %arg6[%add3A_3476] : memref<5120xf32, #tpu.memory_space<vmem>>[vector<16xi32>], vector<16xf32>,
    %add3A_3478 = arith.constant 9 : i32
    %add3A_3479 = vector.broadcast %add3A_3478 : i32 to vector<16xi32>
    %add3A_3480 = arith.addi %mul3A_3447, %add3A_3479 : vector<16xi32>
    tpu.vector_store_idx %arg8[%add3A_3480], %gather3A_3477 : memref<49152xf32, #tpu.memory_space<vmem>>[vector<16xi32>], vector<16xf32>,
    %add3A_3481 = arith.constant 3 : i32
    %add3A_3482 = vector.broadcast %add3A_3481 : i32 to vector<16xi32>
    %add3A_3483 = arith.addi %mul3A_3459, %add3A_3482 : vector<16xi32>
    %gather3A_3484 = tpu.vector_load_idx %arg6[%add3A_3483] : memref<5120xf32, #tpu.memory_space<vmem>>[vector<16xi32>], vector<16xf32>,
    %add3A_3485 = arith.constant 10 : i32
    %add3A_3486 = vector.broadcast %add3A_3485 : i32 to vector<16xi32>
    %add3A_3487 = arith.addi %mul3A_3447, %add3A_3486 : vector<16xi32>
    tpu.vector_store_idx %arg8[%add3A_3487], %gather3A_3484 : memref<49152xf32, #tpu.memory_space<vmem>>[vector<16xi32>], vector<16xf32>,
    %add3A_3488 = arith.constant 4 : i32
    %add3A_3489 = vector.broadcast %add3A_3488 : i32 to vector<16xi32>
    %add3A_3490 = arith.addi %mul3A_3459, %add3A_3489 : vector<16xi32>
    %gather3A_3491 = tpu.vector_load_idx %arg6[%add3A_3490] : memref<5120xf32, #tpu.memory_space<vmem>>[vector<16xi32>], vector<16xf32>,
    %add3A_3492 = arith.constant 11 : i32
    %add3A_3493 = vector.broadcast %add3A_3492 : i32 to vector<16xi32>
    %add3A_3494 = arith.addi %mul3A_3447, %add3A_3493 : vector<16xi32>
    tpu.vector_store_idx %arg8[%add3A_3494], %gather3A_3491 : memref<49152xf32, #tpu.memory_space<vmem>>[vector<16xi32>], vector<16xf32>,
    %add3A_3495 = arith.constant 960 : i32
    %add3A_3496 = arith.addi %mul3A_2, %add3A_3495 : i32
    %mul3A_3497 = arith.constant 768 : i32
    %mul3A_3498 = arith.muli %add3A_3496, %mul3A_3497 : i32
    %dma_start3A_3499 = tpu.memref_slice %arg4[%mul3A_3498] : memref<25165824xf32, #tpu.memory_space<hbm>> -> memref<49152xf32, #tpu.memory_space<hbm>>
    %dma_start3A_3500 = tpu.memref_slice %arg4[%mul3A_3498] : memref<25165824xf32, #tpu.memory_space<hbm>> -> memref<49152xf32, #tpu.memory_space<hbm>>
    tpu.enqueue_dma source(%arg8 : memref<49152xf32, #tpu.memory_space<vmem>>) target(%dma_start3A_3500 : memref<49152xf32, #tpu.memory_space<hbm>>) target_semaphore(%arg10 : memref<!tpu.dma_semaphore, #tpu.memory_space<semaphore_mem>>)
    %dma_wait3A_3501 = tpu.memref_slice %arg4[%mul3A_3278] : memref<25165824xf32, #tpu.memory_space<hbm>> -> memref<49152xf32, #tpu.memory_space<hbm>>
    %dma_wait3A_3502 = tpu.memref_slice %arg4[%mul3A_3278] : memref<25165824xf32, #tpu.memory_space<hbm>> -> memref<49152xf32, #tpu.memory_space<hbm>>
    tpu.wait_dma2 semaphore(%arg9 : memref<!tpu.dma_semaphore, #tpu.memory_space<semaphore_mem>>) src(%arg7 : memref<49152xf32, #tpu.memory_space<vmem>>) dst(%dma_wait3A_3502 : memref<49152xf32, #tpu.memory_space<hbm>>)
    %dma_wait3A_3503 = tpu.memref_slice %arg4[%mul3A_3498] : memref<25165824xf32, #tpu.memory_space<hbm>> -> memref<49152xf32, #tpu.memory_space<hbm>>
    %dma_wait3A_3504 = tpu.memref_slice %arg4[%mul3A_3498] : memref<25165824xf32, #tpu.memory_space<hbm>> -> memref<49152xf32, #tpu.memory_space<hbm>>
    tpu.wait_dma2 semaphore(%arg10 : memref<!tpu.dma_semaphore, #tpu.memory_space<semaphore_mem>>) src(%arg8 : memref<49152xf32, #tpu.memory_space<vmem>>) dst(%dma_wait3A_3504 : memref<49152xf32, #tpu.memory_space<hbm>>)
    return
  }
}

</mosaic_0001>

<sc_bundles>
// kernel: kernel.3.cloned.1.call-start
scs
__scs_entry_jumppad:
0x0: {  	(pc) =	sbr.rel $0x88, $3  }
0x1: {  	(tag) =	ssettag $0x0;
	lr =	simm.s32 $0x1  }
0x2: {  	[smem:$0x3F9F] =	sst lr;
	_ =	strace $0xD0000000  }
0x3: {  	_ = 	snop  }
0x4: {  	_ = 	snop  }
0x5: {  	_ = 	snop  }
0x6: {  	_ = 	snop  }
0x7: {  	_ = 	snop  }
__scs_overlays_trampoline_lowered:
0x8: {  	[smem:$0x3FAE] =	sst s0  }
0x9: {  	[smem:$0x3FAF] =	sst s1  }
0xa: {  	[smem:$0x3FB0] =	sst s2  }
0xb: {  	[smem:$0x3FB1] =	sst s3  }
0xc: {  	[smem:$0x3FB2] =	sst s4  }
0xd: {  	[smem:$0x3FB3] =	sst s5  }
0xe: {  	[smem:$0x3FB4] =	sst s6  }
0xf: {  	[smem:$0x3FB5] =	sst s7  }
0x10: {  	[smem:$0x3FB6] =	sst s8  }
0x11: {  	[smem:$0x3FB7] =	sst s9;
	s0 =	simm.s32 @!p0 $0x0  }
0x12: {  	s1 =	sld [smem:$0x3F9D];
	s0 =	simm.s32 @p0 $0x1  }
0x13: {  	[smem:$0x3FB8] =	sst s0;
	s0 =	simm.s32 @!p1 $0x0  }
0x14: {  	s2 =	sld [smem:$0x3F9C];
	s0 =	simm.s32 @p1 $0x1  }
0x15: {  	[smem:$0x3FB9] =	sst s0;
	s0 =	simm.s32 @!p2 $0x0  }
0x16: {  	s3 =	sld [smem:$0x3FDB];
	s0 =	simm.s32 @p2 $0x1  }
0x17: {  	s4 =	simm.s32 $0x1BF5;
	[smem:$0x3FBB] =	sst s0  }
0x18: {  	s0 =	sld [smem:$0x3F9E];
	_ =	swait.ge [sflag:s4], $0x0  }
0x19: {  	s7 =	sld [smem:$0x3F9F]  }
0x1a: {  	s8 =	sadd.s32 $0xFFFFE003, lr  }
0x1b: {  	s9 =	sadd.s32 $0xFFFFFEF7, lr;
	s5 =	simm.s32 $0xFFFFFFFF;
	p2 =	slt.u32 s8, $0xFFFFF086  }
0x1c: {  	p1 =	slt.u32 s9, $0xF7A;
	s5 =	simm.s32 @!p2 $0x0  }
0x1d: {  	s5 =	simm.s32 @p1 $0x1;
	p0 =	seq.s32 s7, s2  }
0x1e: {  	s7 =	smul.u32 @!p0 $0xF7A, s2;
	p2 =	seq.s32 @!p0 s5, $0x0  }
0x1f: {  	s9 =	smul.u32 $0xF7A, s1;
	s8 =	simm.s32 @!p0 $0x1BF5;
	p2 =	por !p2, p0  }
0x20: {  	[sflag:s8] =	ssyncset.s32 @!p0 $0xFFFFF086;
	s6 =	sadd.s32 @!p0 s3, s7;
	s7 =	simm.s32 @!p0 $0x108  }
0x21: {  	s3 =	sadd.s32 s3, s9;
	s6 =	sadd.s32 @!p0 $0x88, s6;
	s7 =	simm.s32 @p2 $0x1082  }
0x22: {  	[simem:s7], [sflag:s8] =	dma.local @!p0 [hbm:s6], $0xF7A  }
0x23: {  	s9 =	sor.u32 $0xD0000000, s2;
	s6 =	simm.s32 $0x108;
	_ =	swait.ge @!p0 [sflag:s8], $0x0  }
0x24: {  	s3 =	sadd.s32 $0x88, s3;
	s6 =	simm.s32 @!p1 $0x1082;
	[sflag:s4] =	ssyncset.s32 $0xFFFFF086  }
0x25: {  	[simem:s6], [sflag:s4] =	dma.local [hbm:s3], $0xF7A  }
0x26: {  	[smem:$0x3F9F] =	sst s1;
	(tag) =	ssettag s2;
	_ =	strace s9  }
0x27: {  	s1 =	sld [smem:$0x3FAF]  }
0x28: {  	s2 =	sld [smem:$0x3FB0]  }
0x29: {  	s4 =	sld [smem:$0x3FB2]  }
0x2a: {  	p0 =	seq.s32 s5, $0x0;
	s5 =	sld [smem:$0x3FB3]  }
0x2b: {  	s6 =	sld [smem:$0x3FB4]  }
0x2c: {  	s7 =	sld [smem:$0x3FB5]  }
0x2d: {  	s3 =	simm.s32 $0x108;
	s8 =	sld [smem:$0x3FB6]  }
0x2e: {  	s3 =	simm.s32 @!p0 $0x1082;
	s9 =	sld [smem:$0x3FB7]  }
0x2f: {  	lr =	sadd.s32 s0, s3;
	s0 =	sld [smem:$0x3FAE]  }
0x30: {  	s3 =	sld [smem:$0x3FB1]  }
0x31: {  	[smem:$0x3FBA] =	sst s10  }
0x32: {  	s10 =	sld [smem:$0x3FB8];
	_ =	sdelay $0x3  }
0x33: {  	p0 =	seq.s32 s10, $0x1;
	s10 =	sld [smem:$0x3FBA];
	_ =	sdelay $0x3  }
0x34: {  	[smem:$0x3FBA] =	sst s10  }
0x35: {  	s10 =	sld [smem:$0x3FB9];
	_ =	sdelay $0x3  }
0x36: {  	p1 =	seq.s32 s10, $0x1;
	s10 =	sld [smem:$0x3FBA];
	_ =	sdelay $0x3  }
0x37: {  	[smem:$0x3FBA] =	sst s10  }
0x38: {  	s10 =	sld [smem:$0x3FBB]  }
0x39: {  	_ = 	snop;
	(pc) =	sbr.ind lr, $3  }
0x3a: {  	_ = 	snop  }
0x3b: {  	_ = 	snop  }
0x3c: {  	p2 =	seq.s32 s10, $0x1;
	s10 =	sld [smem:$0x3FBA]  }
0x3d: {  	_ =	shalt  }
0x3e: {  	_ =	shalt  }
0x3f: {  	_ =	shalt  }
0x40: {  	_ =	shalt  }
0x41: {  	_ =	shalt  }
0x42: {  	_ =	shalt  }
0x43: {  	_ =	shalt  }
0x44: {  	_ =	shalt  }
0x45: {  	_ =	shalt  }
0x46: {  	_ =	shalt  }
0x47: {  	_ =	shalt  }
0x48: {  	_ =	shalt  }
0x49: {  	_ =	shalt  }
0x4a: {  	_ =	shalt  }
0x4b: {  	_ =	shalt  }
0x4c: {  	_ =	shalt  }
0x4d: {  	_ =	shalt  }
0x4e: {  	_ =	shalt  }
0x4f: {  	_ =	shalt  }
0x50: {  	_ =	shalt  }
0x51: {  	_ =	shalt  }
0x52: {  	_ =	shalt  }
0x53: {  	_ =	shalt  }
0x54: {  	_ =	shalt  }
0x55: {  	_ =	shalt  }
0x56: {  	_ =	shalt  }
0x57: {  	_ =	shalt  }
0x58: {  	_ =	shalt  }
0x59: {  	_ =	shalt  }
0x5a: {  	_ =	shalt  }
0x5b: {  	_ =	shalt  }
0x5c: {  	_ =	shalt  }
0x5d: {  	_ =	shalt  }
0x5e: {  	_ =	shalt  }
0x5f: {  	_ =	shalt  }
0x60: {  	_ =	shalt  }
0x61: {  	_ =	shalt  }
0x62: {  	_ =	shalt  }
0x63: {  	_ =	shalt  }
0x64: {  	_ =	shalt  }
0x65: {  	_ =	shalt  }
0x66: {  	_ =	shalt  }
0x67: {  	_ =	shalt  }
0x68: {  	_ =	shalt  }
0x69: {  	_ =	shalt  }
0x6a: {  	_ =	shalt  }
0x6b: {  	_ =	shalt  }
0x6c: {  	_ =	shalt  }
0x6d: {  	_ =	shalt  }
0x6e: {  	_ =	shalt  }
0x6f: {  	_ =	shalt  }
0x70: {  	_ =	shalt  }
0x71: {  	_ =	shalt  }
0x72: {  	_ =	shalt  }
0x73: {  	_ =	shalt  }
0x74: {  	_ =	shalt  }
0x75: {  	_ =	shalt  }
0x76: {  	_ =	shalt  }
0x77: {  	_ =	shalt  }
0x78: {  	_ =	shalt  }
0x79: {  	_ =	shalt  }
0x7a: {  	_ =	shalt  }
0x7b: {  	_ =	shalt  }
0x7c: {  	_ =	shalt  }
0x7d: {  	_ =	shalt  }
0x7e: {  	_ =	shalt  }
0x7f: {  	_ =	shalt  }
0x80: {  	_ =	shalt  }
0x81: {  	_ =	shalt  }
0x82: {  	_ =	shalt  }
0x83: {  	_ =	shalt  }
0x84: {  	_ =	shalt  }
0x85: {  	_ =	shalt  }
0x86: {  	_ =	shalt  }
0x87: {  	_ =	shalt  }
.Lfunc_end0:
.L_simem_size_0:
called_computation_lowered:
.L_overlay_start_0:
0x88: {  	s2 =	sld [smem:$0x3FD9]  }
0x89: {  	s3 =	sld [smem:$0x3FFE];
	_ =	sdelay $0x1  }
0x8a: {  	s1 =	srdreg.scid  }
0x8b: {  	s0 =	sand.u32 $0x1, s1  }
0x8c: {  	s17 =	sshll.u32 s0, $0xA;
	s2 =	sadd.s32 s3, s2  }
0x8d: {  	s2 =	sadd.s32 s2, s17  }
0x8e: {  	[smem:$0x3FC6] =	sst s2  }
0x8f: {  	_ = 	snop  }
0x90: {  	s2 =	sld [smem:$0x3FD0];
	(tm) =	ssettm $0x1  }
0x91: {  	s18 =	sld [smem:$0x3FFB];
	_ =	sdelay $0x3  }
0x92: {  	_ =	strace s18  }
0x93: {  	s3 =	sld [smem:$0x3FFC];
	_ =	sdelay $0x3  }
0x94: {  	_ =	strace s3  }
0x95: {  	s3 =	sld [smem:$0x3FFD];
	_ =	sdelay $0x3  }
0x96: {  	_ =	strace s3  }
0x97: {  	_ =	strace $0x8FFFFFFF  }
0x98: {  	s19 =	sld [smem:$0x3FDB];
	_ =	sdelay $0x1  }
0x99: {  	s4 =	simm.s32 $_scs_section_size  }
0x9a: {  	s5 =	simm.s32 $_size__tile_overlayer_lowered;
	s6 =	simm.s32 $_tile_overlayer_lowered  }
0x9b: {  	s22 =	simm.s32 $0x1BFF;
	s21 =	sshll.u32 s6, $0x1;
	s3 =	sadd.s32 s4, s19  }
0x9c: {  	s7 =	simm.s32 $0x0;
	s20 =	sshll.u32 s5, $0x1;
	s5 =	sadd.s32 s21, s3  }
0x9d: {  	[timem:s7], [sflag:s22] =	dma.local [hbm:s5], s20  }
0x9e: {  	_ =	swait.ge [sflag:s22], s20  }
0x9f: {  	s4 =	ssub.s32 $0x0, s20;
	[sflag:s22] =	ssyncset.done $0x0  }
0xa0: {  	[sflag:s22] =	ssyncadd.s32 s4;
	_ =	sdelay $0x1  }
0xa1: {  	s23 =	simm.s32 $0x1B8B  }
0xa2: {  	_ =	swait.ge [sflag:s23], $0x1  }
0xa3: {  	[sflag:s23] =	ssyncset.done $0x0  }
0xa4: {  	s25 =	simm.s32 $0x1B8E;
	s24 =	sld [smem:$0x3FFE];
	[sflag:s23] =	ssyncadd.s32 $0xFFFFFFFF  }
0xa5: {  	s26 =	simm.s32 $execute0_lowered;
	[smem:$0x3FD2] =	sst s25  }
0xa6: {  	s5 =	sshll.u32 s26, $0x1;
	_ =	strace $0x80000046;
	[dreg:$0x1] =	wrdreg $0xFFFFFFFF  }
0xa7: {  	s28 =	simm.s32 $_size_execute0_lowered;
	s3 =	sadd.s32 s3, s5;
	[dreg:$0x0] =	wrdreg $0x0  }
0xa8: {  	s5 =	sshll.u32 s28, $0x1;
	[dreg:$0x2] =	wrdreg s3  }
0xa9: {  	[dreg:$0x3] =	wrdreg s5  }
0xaa: {  	[dreg:$0x4] =	wrdreg $0xC0  }
0xab: {  	_ =	task [dreg:s7], $0x5FFFF  }
0xac: {  	[dreg:$0x1] =	wrdreg $0xFFFFFFFF  }
0xad: {  	[dreg:$0x0] =	wrdreg $0x60  }
0xae: {  	[dreg:$0x2] =	wrdreg s24  }
0xaf: {  	[dreg:$0x3] =	wrdreg s2  }
0xb0: {  	[dreg:$0x4] =	wrdreg $0x9  }
0xb1: {  	_ =	task.clear_ibuf [dreg:s7], $0x5FFFF;
	_ =	strace $0x90000046  }
0xb2: {  	s29 =	simm.s32 $0x9;
	_ =	strace $0x80000048  }
0xb3: {  	_ =	swait.ge [sflag:s29], $0x1  }
0xb4: {  	[sflag:s29] =	ssyncadd.s32 $0xFFFFFFFF  }
0xb5: {  	_ =	strace $0x90000048  }
0xb6: {  	_ =	sfence  }
0xb7: {  	s30 =	sld [smem:$0x0];
	_ =	sdelay $0x2  }
0xb8: {  	s31 =	sshll.u32 s1, $0xD;
	s1 =	sshrl.u32 s1, $0x2  }
0xb9: {  	s3 =	sand.u32 $0x4000, s31;
	s1 =	sadd.s32 s1, s30  }
0xba: {  	s0 =	sor.u32 s3, s0;
	s1 =	sshll.u32 s1, $0x11  }
0xbb: {  	s0 =	sor.u32 s1, s0  }
0xbc: {  	s0 =	sadd.s32 $0x8F2B, s0  }
0xbd: {  	[sflag:s0] =	ssyncadd.remote.s32 $0x1  }
0xbe: {  	_ =	sfence.sel $0xFFFF  }
0xbf: {  	[dreg:$0x0] =	wrdreg $0xFFFFFFFF;
	(pc) =	sbr.abs _section_cstart, $3  }
0xc0: {  	[dreg:$0x1] =	wrdreg $0xFFFFFFFF  }
0xc1: {  	_ =	task.clear_ibuf [dreg:s7], $0x2FFFF;
	_ =	strace $0x9FFFFFFF  }
0xc2: {  	(tm) =	ssettm $0x7FFFFFFF  }
0xc3: {  	_ =	shalt  }
tec
execute0_lowered:
.L_overlay_start_1:
0x0: {  	(tag) =	ssettag $0x1  }
0x1: {  	v1 =	vlaneseq.u32  }
0x2: {  	v0 =	vmul.u32 $0x300, v1;
	v1 =	vmul.u32 $0x5, v1  }
0x3: {  	v2 =	vimm.f32 $0.0e+00  }
0x4: {  	v3 =	vimm.f32 $1.000000000e+00;
	v4 =	vor.u32 $0x7, v0;
	v5 =	vadd.s32 $0x1, v1  }
0x5: {  	v6 =	vor.u32 $0x8, v0;
	v8 =	vor.u32 $0x9, v0;
	v9 =	vadd.s32 $0x3, v1  }
0x6: {  	v10 =	vor.u32 $0xA, v0;
	v11 =	vadd.s32 $0x4, v1;
	v12 =	vor.u32 $0xB, v0  }
0x7: {  	s3 =	rddreg [dreg:$0x0];
	v13 =	vadd.s32 $0x3000, v0;
	v14 =	vadd.s32 $0x50, v1;
	v15 =	vadd.s32 $0x3007, v0  }
0x8: {  	s5 =	rddreg [dreg:$0x1];
	v16 =	vadd.s32 $0x51, v1;
	v17 =	vadd.s32 $0x3008, v0;
	v18 =	vadd.s32 $0x52, v1  }
0x9: {  	s4 =	srdreg.scid;
	s1 =	stileid.u32;
	s2 =	simm.s32 $0x0;
	v19 =	vadd.s32 $0x3009, v0;
	v20 =	vadd.s32 $0x53, v1;
	v21 =	vadd.s32 $0x300A, v0  }
0xa: {  	s22 =	simm.s32 $0x3;
	s23 =	simm.s32 $0x400;
	s24 =	simm.s32 $0x1800;
	v22 =	vadd.s32 $0x54, v1;
	v23 =	vadd.s32 $0x300B, v0;
	v24 =	vadd.s32 $0x6000, v0  }
0xb: {  	s25 =	simm.s32 $0xD800;
	s4 =	sand.u32 $0x1, s4;
	s6 =	sshll.u32 s1, $0x1;
	v25 =	vadd.s32 $0xA0, v1;
	v26 =	vadd.s32 $0x6007, v0;
	v27 =	vadd.s32 $0xA1, v1  }
0xc: {  	s26 =	simm.s32 $0x1;
	s28 =	simm.s32 $0x2;
	s6 =	sor.u32 s4, s6;
	v28 =	vadd.s32 $0x6008, v0;
	v29 =	vadd.s32 $0xA2, v1;
	v30 =	vadd.s32 $0x6009, v0  }
0xd: {  	s29 =	simm.s32 $0x0;
	[smem:$0x7FF] =	sst s2;
	s8 =	smul.u32 $0x18000, s6;
	v31 =	vadd.s32 $0xA3, v1;
	v32 =	vadd.s32 $0x600A, v0;
	v33 =	vadd.s32 $0xA4, v1  }
0xe: {  	s11 =	sadd.s32 $0x1400, s3;
	s4 =	ssub.s32 $0x2, s4;
	s9 =	smul.u32 $0x280, s6;
	v34 =	vadd.s32 $0x600B, v0;
	v35 =	vadd.s32 $0x9000, v0;
	v36 =	vadd.s32 $0xF0, v1  }
0xf: {  	s7 =	sshll.u32 s6, $0x7;
	s31 =	sshrl.u32 s4, $0x1;
	s10 =	smul.u32 $0xC0000, s6;
	v37 =	vadd.s32 $0x9007, v0;
	v38 =	vadd.s32 $0xF1, v1;
	v39 =	vadd.s32 $0x9008, v0  }
0x10: {  	v40 =	vadd.s32 $0xF2, v1;
	v41 =	vadd.s32 $0x9009, v0;
	[tilespmem:$0x1FFE0] =	vst v5;
	v5 =	vadd.s32 $0x2, v1;
	s7 =	sadd.s32 s7, s3;
	s21 =	ssub.s32 s4, s31;
	s3 =	sadd.s32 s11, s8  }
0x11: {  	v42 =	vadd.s32 $0xF3, v1;
	v43 =	vadd.s32 $0x900A, v0;
	v44 =	vadd.s32 $0xF4, v1;
	[tilespmem:$0x1FFF0] =	vst v5;
	s4 =	sadd.s32 $0x400, s7;
	s5 =	sadd.s32 s5, s9;
	s12 =	sshrl.u32 s10, $0x3  }
0x12: {  	v45 =	vadd.s32 $0x900B, v0;
	v46 =	vadd.s32 $0x140, v1;
	v47 =	vadd.s32 $0x141, v1;
	s21 =	smax.u32 s21, $0x1;
	_ =	strace $0x80000047;
	s6 =	sadd.s32 $0x1800, s3  }
0x13: {  	v48 =	vadd.s32 $0x142, v1;
	v49 =	vadd.s32 $0x143, v1;
	v50 =	vadd.s32 $0x144, v1;
	s7 =	sadd.s32 $0x3000, s3;
	s8 =	sadd.s32 $0x4800, s3;
	s20 =	sadd.s32 s11, s12  }
0x14: {  	v51 =	vadd.s32 $0x190, v1;
	v52 =	vadd.s32 $0x191, v1;
	v53 =	vadd.s32 $0x192, v1;
	s9 =	sadd.s32 $0x6000, s3;
	s10 =	sadd.s32 $0x7800, s3;
	s11 =	sadd.s32 $0x9000, s20  }
0x15: {  	v54 =	vadd.s32 $0x193, v1;
	v55 =	vadd.s32 $0x194, v1;
	v56 =	vadd.s32 $0x1E0, v1;
	s12 =	sadd.s32 $0xA800, s20;
	s13 =	sadd.s32 $0xC000, s20;
	s14 =	sadd.s32 $0xD800, s20  }
0x16: {  	v57 =	vadd.s32 $0x1E1, v1;
	v58 =	vadd.s32 $0x1E2, v1;
	v59 =	vadd.s32 $0x1E3, v1;
	s15 =	sadd.s32 $0xF000, s20;
	s16 =	sadd.s32 $0x10800, s20;
	s17 =	sadd.s32 $0x12000, s20  }
0x17: {  	v60 =	vadd.s32 $0x1E4, v1;
	v61 =	vadd.s32 $0x230, v1;
	v62 =	vadd.s32 $0x231, v1;
	s18 =	sadd.s32 $0x13800, s20;
	s19 =	sadd.s32 $0x15000, s20;
	s20 =	sadd.s32 $0x16800, s20  }
.LBB2_1:
0x18: {  	[tilespmem:s2], [sflag:$0x3] =	stream.linear.gather [hbm4b:s4+s2], $0x400, $0x38;
	[tilespmem:$0x19800] =	vst v63  }
0x19: {  	_ =	swait.ge [sflag:s22], $0x400  }
0x1a: {  	[sflag:s22] =	ssyncset.done $0x0  }
0x1b: {  	[sflag:s22] =	ssyncadd.s32 $0xFFFFFC00  }
0x1c: {  	[tilespmem:s23], [sflag:$0x3] =	stream.linear.gather [hbm4b:s5+s2], $0x1400, $0x38;
	[tilespmem:$0x19800] =	vst v63  }
0x1d: {  	_ =	swait.ge [sflag:s22], $0x1400  }
0x1e: {  	[sflag:s22] =	ssyncset.done $0x0  }
0x1f: {  	s30 =	simm.s32 $0x40;
	s31 =	simm.s32 $0x0;
	[sflag:s22] =	ssyncadd.s32 $0xFFFFEC00  }
.LBB2_2:
0x20: {  	p0 =	sne.s32 s30, $0x2FFC0;
	[tilespmem:s31+$0x1800] =	vst v2;
	s0 =	smov.u32 s30;
	s30 =	sadd.s32 $0x40, s30  }
.Ltmp0:
0x21: {  	[tilespmem:s31+$0xD800] =	vst v2;
	(pc) =	sbr.rel @p0 .LBB2_2-.Ltmp0, $2  }
0x22: {  	_ =	sdelay $0x2  }
0x23: {  	s31 =	sshra.s32 s0, $0x2  }
0x24: {  	[tilespmem:s31+$0x1800] =	vst v2  }
0x25: {  	[tilespmem:s31+$0xD800] =	vst v2  }
0x26: {  	v63 =	vld [tilespmem:$0x0];
	_ =	sdelay $0x4  }
0x27: {  	v63 =	vadd.s32 v0, v63;
	_ =	sdelay $0x3  }
0x28: {  	v5 =	vld [tilespmem:$0x1FFE0]  }
0x29: {  	[tilespmem:v63+s24+$0x0] =	vst.idx.msk $0xffff, v3  }
0x2a: {  	v63 =	vld.idx.msk [tilespmem:v1+s23+$0x0], $0xffff;
	_ =	sdelay $0x4  }
0x2b: {  	[tilespmem:v4+s24+$0x0] =	vst.idx.msk $0xffff, v63  }
0x2c: {  	v63 =	vld.idx.msk [tilespmem:v5+s23+$0x0], $0xffff  }
0x2d: {  	v5 =	vld [tilespmem:$0x1FFF0];
	_ =	sdelay $0x6  }
0x2e: {  	[tilespmem:v6+s24+$0x0] =	vst.idx.msk $0xffff, v63  }
0x2f: {  	v63 =	vld.idx.msk [tilespmem:v5+s23+$0x0], $0xffff;
	_ =	sdelay $0x4  }
0x30: {  	[tilespmem:v8+s24+$0x0] =	vst.idx.msk $0xffff, v63  }
0x31: {  	v63 =	vld.idx.msk [tilespmem:v9+s23+$0x0], $0xffff;
	_ =	sdelay $0x4  }
0x32: {  	[tilespmem:v10+s24+$0x0] =	vst.idx.msk $0xffff, v63  }
0x33: {  	v63 =	vld.idx.msk [tilespmem:v11+s23+$0x0], $0xffff;
	_ =	sdelay $0x4  }
0x34: {  	[tilespmem:v12+s24+$0x0] =	vst.idx.msk $0xffff, v63  }
0x35: {  	v63 =	vld [tilespmem:$0x10];
	_ =	sdelay $0x4  }
0x36: {  	v63 =	vadd.s32 v13, v63;
	_ =	sdelay $0x4  }
0x37: {  	[tilespmem:v63+s24+$0x0] =	vst.idx.msk $0xffff, v3  }
0x38: {  	v63 =	vld.idx.msk [tilespmem:v14+s23+$0x0], $0xffff;
	_ =	sdelay $0x4  }
0x39: {  	[tilespmem:v15+s24+$0x0] =	vst.idx.msk $0xffff, v63  }
0x3a: {  	v63 =	vld.idx.msk [tilespmem:v16+s23+$0x0], $0xffff;
	_ =	sdelay $0x4  }
0x3b: {  	[tilespmem:v17+s24+$0x0] =	vst.idx.msk $0xffff, v63  }
0x3c: {  	v63 =	vld.idx.msk [tilespmem:v18+s23+$0x0], $0xffff;
	_ =	sdelay $0x4  }
0x3d: {  	[tilespmem:v19+s24+$0x0] =	vst.idx.msk $0xffff, v63  }
0x3e: {  	v63 =	vld.idx.msk [tilespmem:v20+s23+$0x0], $0xffff;
	_ =	sdelay $0x4  }
0x3f: {  	[tilespmem:v21+s24+$0x0] =	vst.idx.msk $0xffff, v63  }
0x40: {  	v63 =	vld.idx.msk [tilespmem:v22+s23+$0x0], $0xffff;
	_ =	sdelay $0x4  }
0x41: {  	[tilespmem:v23+s24+$0x0] =	vst.idx.msk $0xffff, v63  }
0x42: {  	v63 =	vld [tilespmem:$0x20];
	_ =	sdelay $0x4  }
0x43: {  	v63 =	vadd.s32 v24, v63;
	_ =	sdelay $0x4  }
0x44: {  	[tilespmem:v63+s24+$0x0] =	vst.idx.msk $0xffff, v3  }
0x45: {  	v63 =	vld.idx.msk [tilespmem:v25+s23+$0x0], $0xffff;
	_ =	sdelay $0x4  }
0x46: {  	[tilespmem:v26+s24+$0x0] =	vst.idx.msk $0xffff, v63  }
0x47: {  	v63 =	vld.idx.msk [tilespmem:v27+s23+$0x0], $0xffff;
	_ =	sdelay $0x4  }
0x48: {  	[tilespmem:v28+s24+$0x0] =	vst.idx.msk $0xffff, v63  }
0x49: {  	v63 =	vld.idx.msk [tilespmem:v29+s23+$0x0], $0xffff;
	_ =	sdelay $0x4  }
0x4a: {  	[tilespmem:v30+s24+$0x0] =	vst.idx.msk $0xffff, v63  }
0x4b: {  	v63 =	vld.idx.msk [tilespmem:v31+s23+$0x0], $0xffff;
	_ =	sdelay $0x4  }
0x4c: {  	[tilespmem:v32+s24+$0x0] =	vst.idx.msk $0xffff, v63  }
0x4d: {  	v63 =	vld.idx.msk [tilespmem:v33+s23+$0x0], $0xffff;
	_ =	sdelay $0x4  }
0x4e: {  	[tilespmem:v34+s24+$0x0] =	vst.idx.msk $0xffff, v63  }
0x4f: {  	v63 =	vld [tilespmem:$0x30];
	_ =	sdelay $0x4  }
0x50: {  	v63 =	vadd.s32 v35, v63;
	_ =	sdelay $0x4  }
0x51: {  	[tilespmem:v63+s24+$0x0] =	vst.idx.msk $0xffff, v3  }
0x52: {  	v63 =	vld.idx.msk [tilespmem:v36+s23+$0x0], $0xffff;
	_ =	sdelay $0x4  }
0x53: {  	[tilespmem:v37+s24+$0x0] =	vst.idx.msk $0xffff, v63  }
0x54: {  	v63 =	vld.idx.msk [tilespmem:v38+s23+$0x0], $0xffff;
	_ =	sdelay $0x4  }
0x55: {  	[tilespmem:v39+s24+$0x0] =	vst.idx.msk $0xffff, v63  }
0x56: {  	v63 =	vld.idx.msk [tilespmem:v40+s23+$0x0], $0xffff;
	_ =	sdelay $0x4  }
0x57: {  	[tilespmem:v41+s24+$0x0] =	vst.idx.msk $0xffff, v63  }
0x58: {  	v63 =	vld.idx.msk [tilespmem:v42+s23+$0x0], $0xffff;
	_ =	sdelay $0x4  }
0x59: {  	[tilespmem:v43+s24+$0x0] =	vst.idx.msk $0xffff, v63  }
0x5a: {  	v63 =	vld.idx.msk [tilespmem:v44+s23+$0x0], $0xffff;
	_ =	sdelay $0x4  }
0x5b: {  	[tilespmem:v45+s24+$0x0] =	vst.idx.msk $0xffff, v63  }
0x5c: {  	[hbm4b:s3+s2] =	stream.linear.scatter [tilespmem:s24], [sflag:$0x1], $0xC000, $0x38;
	[tilespmem:$0x19800] =	vst v63  }
0x5d: {  	v63 =	vld [tilespmem:$0x40];
	_ =	sdelay $0x4  }
0x5e: {  	v63 =	vadd.s32 v0, v63;
	_ =	sdelay $0x4  }
0x5f: {  	[tilespmem:v63+s25+$0x0] =	vst.idx.msk $0xffff, v3  }
0x60: {  	v63 =	vld.idx.msk [tilespmem:v46+s23+$0x0], $0xffff;
	_ =	sdelay $0x4  }
0x61: {  	[tilespmem:v4+s25+$0x0] =	vst.idx.msk $0xffff, v63  }
0x62: {  	v63 =	vld.idx.msk [tilespmem:v47+s23+$0x0], $0xffff;
	_ =	sdelay $0x4  }
0x63: {  	[tilespmem:v6+s25+$0x0] =	vst.idx.msk $0xffff, v63  }
0x64: {  	v63 =	vld.idx.msk [tilespmem:v48+s23+$0x0], $0xffff;
	_ =	sdelay $0x4  }
0x65: {  	[tilespmem:v8+s25+$0x0] =	vst.idx.msk $0xffff, v63  }
0x66: {  	v63 =	vld.idx.msk [tilespmem:v49+s23+$0x0], $0xffff;
	_ =	sdelay $0x4  }
0x67: {  	[tilespmem:v10+s25+$0x0] =	vst.idx.msk $0xffff, v63  }
0x68: {  	v63 =	vld.idx.msk [tilespmem:v50+s23+$0x0], $0xffff;
	_ =	sdelay $0x4  }
0x69: {  	[tilespmem:v12+s25+$0x0] =	vst.idx.msk $0xffff, v63  }
0x6a: {  	v63 =	vld [tilespmem:$0x50];
	_ =	sdelay $0x4  }
0x6b: {  	v63 =	vadd.s32 v13, v63;
	_ =	sdelay $0x4  }
0x6c: {  	[tilespmem:v63+s25+$0x0] =	vst.idx.msk $0xffff, v3  }
0x6d: {  	v63 =	vld.idx.msk [tilespmem:v51+s23+$0x0], $0xffff;
	_ =	sdelay $0x4  }
0x6e: {  	[tilespmem:v15+s25+$0x0] =	vst.idx.msk $0xffff, v63  }
0x6f: {  	v63 =	vld.idx.msk [tilespmem:v52+s23+$0x0], $0xffff;
	_ =	sdelay $0x4  }
0x70: {  	[tilespmem:v17+s25+$0x0] =	vst.idx.msk $0xffff, v63  }
0x71: {  	v63 =	vld.idx.msk [tilespmem:v53+s23+$0x0], $0xffff;
	_ =	sdelay $0x4  }
0x72: {  	[tilespmem:v19+s25+$0x0] =	vst.idx.msk $0xffff, v63  }
0x73: {  	v63 =	vld.idx.msk [tilespmem:v54+s23+$0x0], $0xffff;
	_ =	sdelay $0x4  }
0x74: {  	[tilespmem:v21+s25+$0x0] =	vst.idx.msk $0xffff, v63  }
0x75: {  	v63 =	vld.idx.msk [tilespmem:v55+s23+$0x0], $0xffff;
	_ =	sdelay $0x4  }
0x76: {  	[tilespmem:v23+s25+$0x0] =	vst.idx.msk $0xffff, v63  }
0x77: {  	v63 =	vld [tilespmem:$0x60];
	_ =	sdelay $0x4  }
0x78: {  	v63 =	vadd.s32 v24, v63;
	_ =	sdelay $0x4  }
0x79: {  	[tilespmem:v63+s25+$0x0] =	vst.idx.msk $0xffff, v3  }
0x7a: {  	v63 =	vld.idx.msk [tilespmem:v56+s23+$0x0], $0xffff;
	_ =	sdelay $0x4  }
0x7b: {  	[tilespmem:v26+s25+$0x0] =	vst.idx.msk $0xffff, v63  }
0x7c: {  	v63 =	vld.idx.msk [tilespmem:v57+s23+$0x0], $0xffff;
	_ =	sdelay $0x4  }
0x7d: {  	[tilespmem:v28+s25+$0x0] =	vst.idx.msk $0xffff, v63  }
0x7e: {  	v63 =	vld.idx.msk [tilespmem:v58+s23+$0x0], $0xffff;
	_ =	sdelay $0x4  }
0x7f: {  	[tilespmem:v30+s25+$0x0] =	vst.idx.msk $0xffff, v63  }
0x80: {  	v63 =	vld.idx.msk [tilespmem:v59+s23+$0x0], $0xffff;
	_ =	sdelay $0x4  }
0x81: {  	[tilespmem:v32+s25+$0x0] =	vst.idx.msk $0xffff, v63  }
0x82: {  	v63 =	vld.idx.msk [tilespmem:v60+s23+$0x0], $0xffff;
	_ =	sdelay $0x4  }
0x83: {  	[tilespmem:v34+s25+$0x0] =	vst.idx.msk $0xffff, v63  }
0x84: {  	v63 =	vld [tilespmem:$0x70];
	_ =	sdelay $0x4  }
0x85: {  	v63 =	vadd.s32 v35, v63;
	_ =	sdelay $0x4  }
0x86: {  	[tilespmem:v63+s25+$0x0] =	vst.idx.msk $0xffff, v3  }
0x87: {  	v63 =	vld.idx.msk [tilespmem:v61+s23+$0x0], $0xffff;
	_ =	sdelay $0x4  }
0x88: {  	[tilespmem:v37+s25+$0x0] =	vst.idx.msk $0xffff, v63  }
0x89: {  	v63 =	vld.idx.msk [tilespmem:v62+s23+$0x0], $0xffff  }
0x8a: {  	v5 =	vadd.s32 $0x232, v1;
	_ =	sdelay $0x3  }
0x8b: {  	[tilespmem:v39+s25+$0x0] =	vst.idx.msk $0xffff, v63  }
0x8c: {  	v5 =	vld.idx.msk [tilespmem:v5+s23+$0x0], $0xffff  }
0x8d: {  	v63 =	vadd.s32 $0x233, v1;
	_ =	sdelay $0x3  }
0x8e: {  	[tilespmem:v41+s25+$0x0] =	vst.idx.msk $0xffff, v5  }
0x8f: {  	v5 =	vld.idx.msk [tilespmem:v63+s23+$0x0], $0xffff  }
0x90: {  	v63 =	vadd.s32 $0x234, v1;
	_ =	sdelay $0x3  }
0x91: {  	[tilespmem:v43+s25+$0x0] =	vst.idx.msk $0xffff, v5  }
0x92: {  	v5 =	vld.idx.msk [tilespmem:v63+s23+$0x0], $0xffff;
	_ =	sdelay $0x4  }
0x93: {  	[tilespmem:v45+s25+$0x0] =	vst.idx.msk $0xffff, v5  }
0x94: {  	[hbm4b:s6+s2] =	stream.linear.scatter [tilespmem:s25], [sflag:$0x2], $0xC000, $0x38;
	[tilespmem:$0x19800] =	vst v63  }
0x95: {  	_ =	swait.ge [sflag:s26], $0xC000  }
0x96: {  	[sflag:s26] =	ssyncset.done $0x0  }
0x97: {  	[sflag:s26] =	ssyncadd.s32 $0xFFFF4000  }
0x98: {  	v5 =	vld [tilespmem:$0x0]  }
0x99: {  	v63 =	vld [tilespmem:$0x80];
	_ =	sdelay $0x3  }
0x9a: {  	v5 =	vadd.s32 v0, v5  }
0x9b: {  	v63 =	vadd.s32 v0, v63  }
0x9c: {  	v7 =	vor.u32 $0x280, v1;
	_ =	sdelay $0x2  }
0x9d: {  	[tilespmem:v5+s24+$0x0] =	vst.idx.msk $0xffff, v2  }
0x9e: {  	[tilespmem:v63+s24+$0x0] =	vst.idx.msk $0xffff, v3  }
0x9f: {  	v5 =	vld.idx.msk [tilespmem:v7+s23+$0x0], $0xffff  }
0xa0: {  	v7 =	vadd.s32 $0x281, v1;
	_ =	sdelay $0x3  }
0xa1: {  	[tilespmem:v4+s24+$0x0] =	vst.idx.msk $0xffff, v5  }
0xa2: {  	v5 =	vld.idx.msk [tilespmem:v7+s23+$0x0], $0xffff  }
0xa3: {  	v7 =	vadd.s32 $0x282, v1;
	_ =	sdelay $0x3  }
0xa4: {  	[tilespmem:v6+s24+$0x0] =	vst.idx.msk $0xffff, v5  }
0xa5: {  	v5 =	vld.idx.msk [tilespmem:v7+s23+$0x0], $0xffff  }
0xa6: {  	v7 =	vadd.s32 $0x283, v1;
	_ =	sdelay $0x3  }
0xa7: {  	[tilespmem:v8+s24+$0x0] =	vst.idx.msk $0xffff, v5  }
0xa8: {  	v5 =	vld.idx.msk [tilespmem:v7+s23+$0x0], $0xffff  }
0xa9: {  	v7 =	vadd.s32 $0x284, v1;
	_ =	sdelay $0x3  }
0xaa: {  	[tilespmem:v10+s24+$0x0] =	vst.idx.msk $0xffff, v5  }
0xab: {  	v5 =	vld.idx.msk [tilespmem:v7+s23+$0x0], $0xffff;
	_ =	sdelay $0x4  }
0xac: {  	[tilespmem:v12+s24+$0x0] =	vst.idx.msk $0xffff, v5  }
0xad: {  	v5 =	vld [tilespmem:$0x10]  }
0xae: {  	v7 =	vld [tilespmem:$0x90];
	_ =	sdelay $0x3  }
0xaf: {  	v5 =	vadd.s32 v13, v5  }
0xb0: {  	v7 =	vadd.s32 v13, v7  }
0xb1: {  	v63 =	vadd.s32 $0x2D0, v1;
	_ =	sdelay $0x2  }
0xb2: {  	[tilespmem:v5+s24+$0x0] =	vst.idx.msk $0xffff, v2  }
0xb3: {  	[tilespmem:v7+s24+$0x0] =	vst.idx.msk $0xffff, v3  }
0xb4: {  	v5 =	vld.idx.msk [tilespmem:v63+s23+$0x0], $0xffff  }
0xb5: {  	v7 =	vadd.s32 $0x2D1, v1;
	_ =	sdelay $0x3  }
0xb6: {  	[tilespmem:v15+s24+$0x0] =	vst.idx.msk $0xffff, v5  }
0xb7: {  	v5 =	vld.idx.msk [tilespmem:v7+s23+$0x0], $0xffff  }
0xb8: {  	v7 =	vadd.s32 $0x2D2, v1;
	_ =	sdelay $0x3  }
0xb9: {  	[tilespmem:v17+s24+$0x0] =	vst.idx.msk $0xffff, v5  }
0xba: {  	v5 =	vld.idx.msk [tilespmem:v7+s23+$0x0], $0xffff  }
0xbb: {  	v7 =	vadd.s32 $0x2D3, v1;
	_ =	sdelay $0x3  }
0xbc: {  	[tilespmem:v19+s24+$0x0] =	vst.idx.msk $0xffff, v5  }
0xbd: {  	v5 =	vld.idx.msk [tilespmem:v7+s23+$0x0], $0xffff  }
0xbe: {  	v7 =	vadd.s32 $0x2D4, v1;
	_ =	sdelay $0x3  }
0xbf: {  	[tilespmem:v21+s24+$0x0] =	vst.idx.msk $0xffff, v5  }
0xc0: {  	v5 =	vld.idx.msk [tilespmem:v7+s23+$0x0], $0xffff;
	_ =	sdelay $0x4  }
0xc1: {  	[tilespmem:v23+s24+$0x0] =	vst.idx.msk $0xffff, v5  }
0xc2: {  	v5 =	vld [tilespmem:$0x20]  }
0xc3: {  	v7 =	vld [tilespmem:$0xA0];
	_ =	sdelay $0x3  }
0xc4: {  	v5 =	vadd.s32 v24, v5  }
0xc5: {  	v7 =	vadd.s32 v24, v7  }
0xc6: {  	v63 =	vadd.s32 $0x320, v1;
	_ =	sdelay $0x2  }
0xc7: {  	[tilespmem:v5+s24+$0x0] =	vst.idx.msk $0xffff, v2  }
0xc8: {  	[tilespmem:v7+s24+$0x0] =	vst.idx.msk $0xffff, v3  }
0xc9: {  	v5 =	vld.idx.msk [tilespmem:v63+s23+$0x0], $0xffff  }
0xca: {  	v7 =	vadd.s32 $0x321, v1;
	_ =	sdelay $0x3  }
0xcb: {  	[tilespmem:v26+s24+$0x0] =	vst.idx.msk $0xffff, v5  }
0xcc: {  	v5 =	vld.idx.msk [tilespmem:v7+s23+$0x0], $0xffff  }
0xcd: {  	v7 =	vadd.s32 $0x322, v1;
	_ =	sdelay $0x3  }
0xce: {  	[tilespmem:v28+s24+$0x0] =	vst.idx.msk $0xffff, v5  }
0xcf: {  	v5 =	vld.idx.msk [tilespmem:v7+s23+$0x0], $0xffff  }
0xd0: {  	v7 =	vadd.s32 $0x323, v1;
	_ =	sdelay $0x3  }
0xd1: {  	[tilespmem:v30+s24+$0x0] =	vst.idx.msk $0xffff, v5  }
0xd2: {  	v5 =	vld.idx.msk [tilespmem:v7+s23+$0x0], $0xffff  }
0xd3: {  	v7 =	vadd.s32 $0x324, v1;
	_ =	sdelay $0x3  }
0xd4: {  	[tilespmem:v32+s24+$0x0] =	vst.idx.msk $0xffff, v5  }
0xd5: {  	v5 =	vld.idx.msk [tilespmem:v7+s23+$0x0], $0xffff;
	_ =	sdelay $0x4  }
0xd6: {  	[tilespmem:v34+s24+$0x0] =	vst.idx.msk $0xffff, v5  }
0xd7: {  	v5 =	vld [tilespmem:$0x30]  }
0xd8: {  	v7 =	vld [tilespmem:$0xB0];
	_ =	sdelay $0x3  }
0xd9: {  	v5 =	vadd.s32 v35, v5  }
0xda: {  	v7 =	vadd.s32 v35, v7  }
0xdb: {  	v63 =	vadd.s32 $0x370, v1;
	_ =	sdelay $0x2  }
0xdc: {  	[tilespmem:v5+s24+$0x0] =	vst.idx.msk $0xffff, v2  }
0xdd: {  	[tilespmem:v7+s24+$0x0] =	vst.idx.msk $0xffff, v3  }
0xde: {  	v5 =	vld.idx.msk [tilespmem:v63+s23+$0x0], $0xffff  }
0xdf: {  	v7 =	vadd.s32 $0x371, v1;
	_ =	sdelay $0x3  }
0xe0: {  	[tilespmem:v37+s24+$0x0] =	vst.idx.msk $0xffff, v5  }
0xe1: {  	v5 =	vld.idx.msk [tilespmem:v7+s23+$0x0], $0xffff  }
0xe2: {  	v7 =	vadd.s32 $0x372, v1;
	_ =	sdelay $0x3  }
0xe3: {  	[tilespmem:v39+s24+$0x0] =	vst.idx.msk $0xffff, v5  }
0xe4: {  	v5 =	vld.idx.msk [tilespmem:v7+s23+$0x0], $0xffff  }
0xe5: {  	v7 =	vadd.s32 $0x373, v1;
	_ =	sdelay $0x3  }
0xe6: {  	[tilespmem:v41+s24+$0x0] =	vst.idx.msk $0xffff, v5  }
0xe7: {  	v5 =	vld.idx.msk [tilespmem:v7+s23+$0x0], $0xffff  }
0xe8: {  	v7 =	vadd.s32 $0x374, v1;
	_ =	sdelay $0x3  }
0xe9: {  	[tilespmem:v43+s24+$0x0] =	vst.idx.msk $0xffff, v5  }
0xea: {  	v5 =	vld.idx.msk [tilespmem:v7+s23+$0x0], $0xffff;
	_ =	sdelay $0x4  }
0xeb: {  	[tilespmem:v45+s24+$0x0] =	vst.idx.msk $0xffff, v5  }
0xec: {  	[hbm4b:s7+s2] =	stream.linear.scatter [tilespmem:s24], [sflag:$0x1], $0xC000, $0x38;
	[tilespmem:$0x19800] =	vst v63  }
0xed: {  	_ =	swait.ge [sflag:s28], $0xC000  }
0xee: {  	[sflag:s28] =	ssyncset.done $0x0  }
0xef: {  	[sflag:s28] =	ssyncadd.s32 $0xFFFF4000  }
0xf0: {  	v5 =	vld [tilespmem:$0x40]  }
0xf1: {  	v7 =	vld [tilespmem:$0xC0];
	_ =	sdelay $0x3  }
0xf2: {  	v5 =	vadd.s32 v0, v5  }
0xf3: {  	v7 =	vadd.s32 v0, v7  }
0xf4: {  	v63 =	vadd.s32 $0x3C0, v1;
	_ =	sdelay $0x2  }
0xf5: {  	[tilespmem:v5+s25+$0x0] =	vst.idx.msk $0xffff, v2  }
0xf6: {  	[tilespmem:v7+s25+$0x0] =	vst.idx.msk $0xffff, v3  }
0xf7: {  	v5 =	vld.idx.msk [tilespmem:v63+s23+$0x0], $0xffff  }
0xf8: {  	v7 =	vadd.s32 $0x3C1, v1;
	_ =	sdelay $0x3  }
0xf9: {  	[tilespmem:v4+s25+$0x0] =	vst.idx.msk $0xffff, v5  }
0xfa: {  	v5 =	vld.idx.msk [tilespmem:v7+s23+$0x0], $0xffff  }
0xfb: {  	v7 =	vadd.s32 $0x3C2, v1;
	_ =	sdelay $0x3  }
0xfc: {  	[tilespmem:v6+s25+$0x0] =	vst.idx.msk $0xffff, v5  }
0xfd: {  	v5 =	vld.idx.msk [tilespmem:v7+s23+$0x0], $0xffff  }
0xfe: {  	v7 =	vadd.s32 $0x3C3, v1;
	_ =	sdelay $0x3  }
0xff: {  	[tilespmem:v8+s25+$0x0] =	vst.idx.msk $0xffff, v5  }
0x100: {  	v5 =	vld.idx.msk [tilespmem:v7+s23+$0x0], $0xffff  }
0x101: {  	v7 =	vadd.s32 $0x3C4, v1;
	_ =	sdelay $0x3  }
0x102: {  	[tilespmem:v10+s25+$0x0] =	vst.idx.msk $0xffff, v5  }
0x103: {  	v5 =	vld.idx.msk [tilespmem:v7+s23+$0x0], $0xffff;
	_ =	sdelay $0x4  }
0x104: {  	[tilespmem:v12+s25+$0x0] =	vst.idx.msk $0xffff, v5  }
0x105: {  	v5 =	vld [tilespmem:$0x50]  }
0x106: {  	v7 =	vld [tilespmem:$0xD0];
	_ =	sdelay $0x3  }
0x107: {  	v5 =	vadd.s32 v13, v5  }
0x108: {  	v7 =	vadd.s32 v13, v7  }
0x109: {  	v63 =	vadd.s32 $0x410, v1;
	_ =	sdelay $0x2  }
0x10a: {  	[tilespmem:v5+s25+$0x0] =	vst.idx.msk $0xffff, v2  }
0x10b: {  	[tilespmem:v7+s25+$0x0] =	vst.idx.msk $0xffff, v3  }
0x10c: {  	v5 =	vld.idx.msk [tilespmem:v63+s23+$0x0], $0xffff  }
0x10d: {  	v7 =	vadd.s32 $0x411, v1;
	_ =	sdelay $0x3  }
0x10e: {  	[tilespmem:v15+s25+$0x0] =	vst.idx.msk $0xffff, v5  }
0x10f: {  	v5 =	vld.idx.msk [tilespmem:v7+s23+$0x0], $0xffff  }
0x110: {  	v7 =	vadd.s32 $0x412, v1;
	_ =	sdelay $0x3  }
0x111: {  	[tilespmem:v17+s25+$0x0] =	vst.idx.msk $0xffff, v5  }
0x112: {  	v5 =	vld.idx.msk [tilespmem:v7+s23+$0x0], $0xffff  }
0x113: {  	v7 =	vadd.s32 $0x413, v1;
	_ =	sdelay $0x3  }
0x114: {  	[tilespmem:v19+s25+$0x0] =	vst.idx.msk $0xffff, v5  }
0x115: {  	v5 =	vld.idx.msk [tilespmem:v7+s23+$0x0], $0xffff  }
0x116: {  	v7 =	vadd.s32 $0x414, v1;
	_ =	sdelay $0x3  }
0x117: {  	[tilespmem:v21+s25+$0x0] =	vst.idx.msk $0xffff, v5  }
0x118: {  	v5 =	vld.idx.msk [tilespmem:v7+s23+$0x0], $0xffff;
	_ =	sdelay $0x4  }
0x119: {  	[tilespmem:v23+s25+$0x0] =	vst.idx.msk $0xffff, v5  }
0x11a: {  	v5 =	vld [tilespmem:$0x60]  }
0x11b: {  	v7 =	vld [tilespmem:$0xE0];
	_ =	sdelay $0x3  }
0x11c: {  	v5 =	vadd.s32 v24, v5  }
0x11d: {  	v7 =	vadd.s32 v24, v7  }
0x11e: {  	v63 =	vadd.s32 $0x460, v1;
	_ =	sdelay $0x2  }
0x11f: {  	[tilespmem:v5+s25+$0x0] =	vst.idx.msk $0xffff, v2  }
0x120: {  	[tilespmem:v7+s25+$0x0] =	vst.idx.msk $0xffff, v3  }
0x121: {  	v5 =	vld.idx.msk [tilespmem:v63+s23+$0x0], $0xffff  }
0x122: {  	v7 =	vadd.s32 $0x461, v1;
	_ =	sdelay $0x3  }
0x123: {  	[tilespmem:v26+s25+$0x0] =	vst.idx.msk $0xffff, v5  }
0x124: {  	v5 =	vld.idx.msk [tilespmem:v7+s23+$0x0], $0xffff  }
0x125: {  	v7 =	vadd.s32 $0x462, v1;
	_ =	sdelay $0x3  }
0x126: {  	[tilespmem:v28+s25+$0x0] =	vst.idx.msk $0xffff, v5  }
0x127: {  	v5 =	vld.idx.msk [tilespmem:v7+s23+$0x0], $0xffff  }
0x128: {  	v7 =	vadd.s32 $0x463, v1;
	_ =	sdelay $0x3  }
0x129: {  	[tilespmem:v30+s25+$0x0] =	vst.idx.msk $0xffff, v5  }
0x12a: {  	v5 =	vld.idx.msk [tilespmem:v7+s23+$0x0], $0xffff  }
0x12b: {  	v7 =	vadd.s32 $0x464, v1;
	_ =	sdelay $0x3  }
0x12c: {  	[tilespmem:v32+s25+$0x0] =	vst.idx.msk $0xffff, v5  }
0x12d: {  	v5 =	vld.idx.msk [tilespmem:v7+s23+$0x0], $0xffff;
	_ =	sdelay $0x4  }
0x12e: {  	[tilespmem:v34+s25+$0x0] =	vst.idx.msk $0xffff, v5  }
0x12f: {  	v5 =	vld [tilespmem:$0x70]  }
0x130: {  	v7 =	vld [tilespmem:$0xF0];
	_ =	sdelay $0x3  }
0x131: {  	v5 =	vadd.s32 v35, v5  }
0x132: {  	v7 =	vadd.s32 v35, v7  }
0x133: {  	v63 =	vadd.s32 $0x4B0, v1;
	_ =	sdelay $0x2  }
0x134: {  	[tilespmem:v5+s25+$0x0] =	vst.idx.msk $0xffff, v2  }
0x135: {  	[tilespmem:v7+s25+$0x0] =	vst.idx.msk $0xffff, v3  }
0x136: {  	v5 =	vld.idx.msk [tilespmem:v63+s23+$0x0], $0xffff  }
0x137: {  	v7 =	vadd.s32 $0x4B1, v1;
	_ =	sdelay $0x3  }
0x138: {  	[tilespmem:v37+s25+$0x0] =	vst.idx.msk $0xffff, v5  }
0x139: {  	v5 =	vld.idx.msk [tilespmem:v7+s23+$0x0], $0xffff  }
0x13a: {  	v7 =	vadd.s32 $0x4B2, v1;
	_ =	sdelay $0x3  }
0x13b: {  	[tilespmem:v39+s25+$0x0] =	vst.idx.msk $0xffff, v5  }
0x13c: {  	v5 =	vld.idx.msk [tilespmem:v7+s23+$0x0], $0xffff  }
0x13d: {  	v7 =	vadd.s32 $0x4B3, v1;
	_ =	sdelay $0x3  }
0x13e: {  	[tilespmem:v41+s25+$0x0] =	vst.idx.msk $0xffff, v5  }
0x13f: {  	v5 =	vld.idx.msk [tilespmem:v7+s23+$0x0], $0xffff  }
0x140: {  	v7 =	vadd.s32 $0x4B4, v1;
	_ =	sdelay $0x3  }
0x141: {  	[tilespmem:v43+s25+$0x0] =	vst.idx.msk $0xffff, v5  }
0x142: {  	v5 =	vld.idx.msk [tilespmem:v7+s23+$0x0], $0xffff;
	_ =	sdelay $0x4  }
0x143: {  	[tilespmem:v45+s25+$0x0] =	vst.idx.msk $0xffff, v5  }
0x144: {  	[hbm4b:s8+s2] =	stream.linear.scatter [tilespmem:s25], [sflag:$0x2], $0xC000, $0x38;
	[tilespmem:$0x19800] =	vst v63  }
0x145: {  	_ =	swait.ge [sflag:s26], $0xC000  }
0x146: {  	[sflag:s26] =	ssyncset.done $0x0  }
0x147: {  	[sflag:s26] =	ssyncadd.s32 $0xFFFF4000  }
0x148: {  	v5 =	vld [tilespmem:$0x80]  }
0x149: {  	v7 =	vld [tilespmem:$0x100];
	_ =	sdelay $0x3  }
0x14a: {  	v5 =	vadd.s32 v0, v5  }
0x14b: {  	v7 =	vadd.s32 v0, v7  }
0x14c: {  	v63 =	vor.u32 $0x500, v1;
	_ =	sdelay $0x2  }
0x14d: {  	[tilespmem:v5+s24+$0x0] =	vst.idx.msk $0xffff, v2  }
0x14e: {  	[tilespmem:v7+s24+$0x0] =	vst.idx.msk $0xffff, v3  }
0x14f: {  	v5 =	vld.idx.msk [tilespmem:v63+s23+$0x0], $0xffff  }
0x150: {  	v7 =	vadd.s32 $0x501, v1;
	_ =	sdelay $0x3  }
0x151: {  	[tilespmem:v4+s24+$0x0] =	vst.idx.msk $0xffff, v5  }
0x152: {  	v5 =	vld.idx.msk [tilespmem:v7+s23+$0x0], $0xffff  }
0x153: {  	v7 =	vadd.s32 $0x502, v1;
	_ =	sdelay $0x3  }
0x154: {  	[tilespmem:v6+s24+$0x0] =	vst.idx.msk $0xffff, v5  }
0x155: {  	v5 =	vld.idx.msk [tilespmem:v7+s23+$0x0], $0xffff  }
0x156: {  	v7 =	vadd.s32 $0x503, v1;
	_ =	sdelay $0x3  }
0x157: {  	[tilespmem:v8+s24+$0x0] =	vst.idx.msk $0xffff, v5  }
0x158: {  	v5 =	vld.idx.msk [tilespmem:v7+s23+$0x0], $0xffff  }
0x159: {  	v7 =	vadd.s32 $0x504, v1;
	_ =	sdelay $0x3  }
0x15a: {  	[tilespmem:v10+s24+$0x0] =	vst.idx.msk $0xffff, v5  }
0x15b: {  	v5 =	vld.idx.msk [tilespmem:v7+s23+$0x0], $0xffff;
	_ =	sdelay $0x4  }
0x15c: {  	[tilespmem:v12+s24+$0x0] =	vst.idx.msk $0xffff, v5  }
0x15d: {  	v5 =	vld [tilespmem:$0x90]  }
0x15e: {  	v7 =	vld [tilespmem:$0x110];
	_ =	sdelay $0x3  }
0x15f: {  	v5 =	vadd.s32 v13, v5  }
0x160: {  	v7 =	vadd.s32 v13, v7  }
0x161: {  	v63 =	vadd.s32 $0x550, v1;
	_ =	sdelay $0x2  }
0x162: {  	[tilespmem:v5+s24+$0x0] =	vst.idx.msk $0xffff, v2  }
0x163: {  	[tilespmem:v7+s24+$0x0] =	vst.idx.msk $0xffff, v3  }
0x164: {  	v5 =	vld.idx.msk [tilespmem:v63+s23+$0x0], $0xffff  }
0x165: {  	v7 =	vadd.s32 $0x551, v1;
	_ =	sdelay $0x3  }
0x166: {  	[tilespmem:v15+s24+$0x0] =	vst.idx.msk $0xffff, v5  }
0x167: {  	v5 =	vld.idx.msk [tilespmem:v7+s23+$0x0], $0xffff  }
0x168: {  	v7 =	vadd.s32 $0x552, v1;
	_ =	sdelay $0x3  }
0x169: {  	[tilespmem:v17+s24+$0x0] =	vst.idx.msk $0xffff, v5  }
0x16a: {  	v5 =	vld.idx.msk [tilespmem:v7+s23+$0x0], $0xffff  }
0x16b: {  	v7 =	vadd.s32 $0x553, v1;
	_ =	sdelay $0x3  }
0x16c: {  	[tilespmem:v19+s24+$0x0] =	vst.idx.msk $0xffff, v5  }
0x16d: {  	v5 =	vld.idx.msk [tilespmem:v7+s23+$0x0], $0xffff  }
0x16e: {  	v7 =	vadd.s32 $0x554, v1;
	_ =	sdelay $0x3  }
0x16f: {  	[tilespmem:v21+s24+$0x0] =	vst.idx.msk $0xffff, v5  }
0x170: {  	v5 =	vld.idx.msk [tilespmem:v7+s23+$0x0], $0xffff;
	_ =	sdelay $0x4  }
0x171: {  	[tilespmem:v23+s24+$0x0] =	vst.idx.msk $0xffff, v5  }
0x172: {  	v5 =	vld [tilespmem:$0xA0]  }
0x173: {  	v7 =	vld [tilespmem:$0x120];
	_ =	sdelay $0x3  }
0x174: {  	v5 =	vadd.s32 v24, v5  }
0x175: {  	v7 =	vadd.s32 v24, v7  }
0x176: {  	v63 =	vadd.s32 $0x5A0, v1;
	_ =	sdelay $0x2  }
0x177: {  	[tilespmem:v5+s24+$0x0] =	vst.idx.msk $0xffff, v2  }
0x178: {  	[tilespmem:v7+s24+$0x0] =	vst.idx.msk $0xffff, v3  }
0x179: {  	v5 =	vld.idx.msk [tilespmem:v63+s23+$0x0], $0xffff  }
0x17a: {  	v7 =	vadd.s32 $0x5A1, v1;
	_ =	sdelay $0x3  }
0x17b: {  	[tilespmem:v26+s24+$0x0] =	vst.idx.msk $0xffff, v5  }
0x17c: {  	v5 =	vld.idx.msk [tilespmem:v7+s23+$0x0], $0xffff  }
0x17d: {  	v7 =	vadd.s32 $0x5A2, v1;
	_ =	sdelay $0x3  }
0x17e: {  	[tilespmem:v28+s24+$0x0] =	vst.idx.msk $0xffff, v5  }
0x17f: {  	v5 =	vld.idx.msk [tilespmem:v7+s23+$0x0], $0xffff  }
0x180: {  	v7 =	vadd.s32 $0x5A3, v1;
	_ =	sdelay $0x3  }
0x181: {  	[tilespmem:v30+s24+$0x0] =	vst.idx.msk $0xffff, v5  }
0x182: {  	v5 =	vld.idx.msk [tilespmem:v7+s23+$0x0], $0xffff  }
0x183: {  	v7 =	vadd.s32 $0x5A4, v1;
	_ =	sdelay $0x3  }
0x184: {  	[tilespmem:v32+s24+$0x0] =	vst.idx.msk $0xffff, v5  }
0x185: {  	v5 =	vld.idx.msk [tilespmem:v7+s23+$0x0], $0xffff;
	_ =	sdelay $0x4  }
0x186: {  	[tilespmem:v34+s24+$0x0] =	vst.idx.msk $0xffff, v5  }
0x187: {  	v5 =	vld [tilespmem:$0xB0]  }
0x188: {  	v7 =	vld [tilespmem:$0x130];
	_ =	sdelay $0x3  }
0x189: {  	v5 =	vadd.s32 v35, v5  }
0x18a: {  	v7 =	vadd.s32 v35, v7  }
0x18b: {  	v63 =	vadd.s32 $0x5F0, v1;
	_ =	sdelay $0x2  }
0x18c: {  	[tilespmem:v5+s24+$0x0] =	vst.idx.msk $0xffff, v2  }
0x18d: {  	[tilespmem:v7+s24+$0x0] =	vst.idx.msk $0xffff, v3  }
0x18e: {  	v5 =	vld.idx.msk [tilespmem:v63+s23+$0x0], $0xffff  }
0x18f: {  	v7 =	vadd.s32 $0x5F1, v1;
	_ =	sdelay $0x3  }
0x190: {  	[tilespmem:v37+s24+$0x0] =	vst.idx.msk $0xffff, v5  }
0x191: {  	v5 =	vld.idx.msk [tilespmem:v7+s23+$0x0], $0xffff  }
0x192: {  	v7 =	vadd.s32 $0x5F2, v1;
	_ =	sdelay $0x3  }
0x193: {  	[tilespmem:v39+s24+$0x0] =	vst.idx.msk $0xffff, v5  }
0x194: {  	v5 =	vld.idx.msk [tilespmem:v7+s23+$0x0], $0xffff  }
0x195: {  	v7 =	vadd.s32 $0x5F3, v1;
	_ =	sdelay $0x3  }
0x196: {  	[tilespmem:v41+s24+$0x0] =	vst.idx.msk $0xffff, v5  }
0x197: {  	v5 =	vld.idx.msk [tilespmem:v7+s23+$0x0], $0xffff  }
0x198: {  	v7 =	vadd.s32 $0x5F4, v1;
	_ =	sdelay $0x3  }
0x199: {  	[tilespmem:v43+s24+$0x0] =	vst.idx.msk $0xffff, v5  }
0x19a: {  	v5 =	vld.idx.msk [tilespmem:v7+s23+$0x0], $0xffff;
	_ =	sdelay $0x4  }
0x19b: {  	[tilespmem:v45+s24+$0x0] =	vst.idx.msk $0xffff, v5  }
0x19c: {  	[hbm4b:s9+s2] =	stream.linear.scatter [tilespmem:s24], [sflag:$0x1], $0xC000, $0x38;
	[tilespmem:$0x19800] =	vst v63  }
0x19d: {  	_ =	swait.ge [sflag:s28], $0xC000  }
0x19e: {  	[sflag:s28] =	ssyncset.done $0x0  }
0x19f: {  	[sflag:s28] =	ssyncadd.s32 $0xFFFF4000  }
0x1a0: {  	v5 =	vld [tilespmem:$0xC0]  }
0x1a1: {  	v7 =	vld [tilespmem:$0x140];
	_ =	sdelay $0x3  }
0x1a2: {  	v5 =	vadd.s32 v0, v5  }
0x1a3: {  	v7 =	vadd.s32 v0, v7  }
0x1a4: {  	v63 =	vadd.s32 $0x640, v1;
	_ =	sdelay $0x2  }
0x1a5: {  	[tilespmem:v5+s25+$0x0] =	vst.idx.msk $0xffff, v2  }
0x1a6: {  	[tilespmem:v7+s25+$0x0] =	vst.idx.msk $0xffff, v3  }
0x1a7: {  	v5 =	vld.idx.msk [tilespmem:v63+s23+$0x0], $0xffff  }
0x1a8: {  	v7 =	vadd.s32 $0x641, v1;
	_ =	sdelay $0x3  }
0x1a9: {  	[tilespmem:v4+s25+$0x0] =	vst.idx.msk $0xffff, v5  }
0x1aa: {  	v5 =	vld.idx.msk [tilespmem:v7+s23+$0x0], $0xffff  }
0x1ab: {  	v7 =	vadd.s32 $0x642, v1;
	_ =	sdelay $0x3  }
0x1ac: {  	[tilespmem:v6+s25+$0x0] =	vst.idx.msk $0xffff, v5  }
0x1ad: {  	v5 =	vld.idx.msk [tilespmem:v7+s23+$0x0], $0xffff  }
0x1ae: {  	v7 =	vadd.s32 $0x643, v1;
	_ =	sdelay $0x3  }
0x1af: {  	[tilespmem:v8+s25+$0x0] =	vst.idx.msk $0xffff, v5  }
0x1b0: {  	v5 =	vld.idx.msk [tilespmem:v7+s23+$0x0], $0xffff  }
0x1b1: {  	v7 =	vadd.s32 $0x644, v1;
	_ =	sdelay $0x3  }
0x1b2: {  	[tilespmem:v10+s25+$0x0] =	vst.idx.msk $0xffff, v5  }
0x1b3: {  	v5 =	vld.idx.msk [tilespmem:v7+s23+$0x0], $0xffff;
	_ =	sdelay $0x4  }
0x1b4: {  	[tilespmem:v12+s25+$0x0] =	vst.idx.msk $0xffff, v5  }
0x1b5: {  	v5 =	vld [tilespmem:$0xD0]  }
0x1b6: {  	v7 =	vld [tilespmem:$0x150];
	_ =	sdelay $0x3  }
0x1b7: {  	v5 =	vadd.s32 v13, v5  }
0x1b8: {  	v7 =	vadd.s32 v13, v7  }
0x1b9: {  	v63 =	vadd.s32 $0x690, v1;
	_ =	sdelay $0x2  }
0x1ba: {  	[tilespmem:v5+s25+$0x0] =	vst.idx.msk $0xffff, v2  }
0x1bb: {  	[tilespmem:v7+s25+$0x0] =	vst.idx.msk $0xffff, v3  }
0x1bc: {  	v5 =	vld.idx.msk [tilespmem:v63+s23+$0x0], $0xffff  }
0x1bd: {  	v7 =	vadd.s32 $0x691, v1;
	_ =	sdelay $0x3  }
0x1be: {  	[tilespmem:v15+s25+$0x0] =	vst.idx.msk $0xffff, v5  }
0x1bf: {  	v5 =	vld.idx.msk [tilespmem:v7+s23+$0x0], $0xffff  }
0x1c0: {  	v7 =	vadd.s32 $0x692, v1;
	_ =	sdelay $0x3  }
0x1c1: {  	[tilespmem:v17+s25+$0x0] =	vst.idx.msk $0xffff, v5  }
0x1c2: {  	v5 =	vld.idx.msk [tilespmem:v7+s23+$0x0], $0xffff  }
0x1c3: {  	v7 =	vadd.s32 $0x693, v1;
	_ =	sdelay $0x3  }
0x1c4: {  	[tilespmem:v19+s25+$0x0] =	vst.idx.msk $0xffff, v5  }
0x1c5: {  	v5 =	vld.idx.msk [tilespmem:v7+s23+$0x0], $0xffff  }
0x1c6: {  	v7 =	vadd.s32 $0x694, v1;
	_ =	sdelay $0x3  }
0x1c7: {  	[tilespmem:v21+s25+$0x0] =	vst.idx.msk $0xffff, v5  }
0x1c8: {  	v5 =	vld.idx.msk [tilespmem:v7+s23+$0x0], $0xffff;
	_ =	sdelay $0x4  }
0x1c9: {  	[tilespmem:v23+s25+$0x0] =	vst.idx.msk $0xffff, v5  }
0x1ca: {  	v5 =	vld [tilespmem:$0xE0]  }
0x1cb: {  	v7 =	vld [tilespmem:$0x160];
	_ =	sdelay $0x3  }
0x1cc: {  	v5 =	vadd.s32 v24, v5  }
0x1cd: {  	v7 =	vadd.s32 v24, v7  }
0x1ce: {  	v63 =	vadd.s32 $0x6E0, v1;
	_ =	sdelay $0x2  }
0x1cf: {  	[tilespmem:v5+s25+$0x0] =	vst.idx.msk $0xffff, v2  }
0x1d0: {  	[tilespmem:v7+s25+$0x0] =	vst.idx.msk $0xffff, v3  }
0x1d1: {  	v5 =	vld.idx.msk [tilespmem:v63+s23+$0x0], $0xffff  }
0x1d2: {  	v7 =	vadd.s32 $0x6E1, v1;
	_ =	sdelay $0x3  }
0x1d3: {  	[tilespmem:v26+s25+$0x0] =	vst.idx.msk $0xffff, v5  }
0x1d4: {  	v5 =	vld.idx.msk [tilespmem:v7+s23+$0x0], $0xffff  }
0x1d5: {  	v7 =	vadd.s32 $0x6E2, v1;
	_ =	sdelay $0x3  }
0x1d6: {  	[tilespmem:v28+s25+$0x0] =	vst.idx.msk $0xffff, v5  }
0x1d7: {  	v5 =	vld.idx.msk [tilespmem:v7+s23+$0x0], $0xffff  }
0x1d8: {  	v7 =	vadd.s32 $0x6E3, v1;
	_ =	sdelay $0x3  }
0x1d9: {  	[tilespmem:v30+s25+$0x0] =	vst.idx.msk $0xffff, v5  }
0x1da: {  	v5 =	vld.idx.msk [tilespmem:v7+s23+$0x0], $0xffff  }
0x1db: {  	v7 =	vadd.s32 $0x6E4, v1;
	_ =	sdelay $0x3  }
0x1dc: {  	[tilespmem:v32+s25+$0x0] =	vst.idx.msk $0xffff, v5  }
0x1dd: {  	v5 =	vld.idx.msk [tilespmem:v7+s23+$0x0], $0xffff;
	_ =	sdelay $0x4  }
0x1de: {  	[tilespmem:v34+s25+$0x0] =	vst.idx.msk $0xffff, v5  }
0x1df: {  	v5 =	vld [tilespmem:$0xF0]  }
0x1e0: {  	v7 =	vld [tilespmem:$0x170];
	_ =	sdelay $0x3  }
0x1e1: {  	v5 =	vadd.s32 v35, v5  }
0x1e2: {  	v7 =	vadd.s32 v35, v7  }
0x1e3: {  	v63 =	vadd.s32 $0x730, v1;
	_ =	sdelay $0x2  }
0x1e4: {  	[tilespmem:v5+s25+$0x0] =	vst.idx.msk $0xffff, v2  }
0x1e5: {  	[tilespmem:v7+s25+$0x0] =	vst.idx.msk $0xffff, v3  }
0x1e6: {  	v5 =	vld.idx.msk [tilespmem:v63+s23+$0x0], $0xffff  }
0x1e7: {  	v7 =	vadd.s32 $0x731, v1;
	_ =	sdelay $0x3  }
0x1e8: {  	[tilespmem:v37+s25+$0x0] =	vst.idx.msk $0xffff, v5  }
0x1e9: {  	v5 =	vld.idx.msk [tilespmem:v7+s23+$0x0], $0xffff  }
0x1ea: {  	v7 =	vadd.s32 $0x732, v1;
	_ =	sdelay $0x3  }
0x1eb: {  	[tilespmem:v39+s25+$0x0] =	vst.idx.msk $0xffff, v5  }
0x1ec: {  	v5 =	vld.idx.msk [tilespmem:v7+s23+$0x0], $0xffff  }
0x1ed: {  	v7 =	vadd.s32 $0x733, v1;
	_ =	sdelay $0x3  }
0x1ee: {  	[tilespmem:v41+s25+$0x0] =	vst.idx.msk $0xffff, v5  }
0x1ef: {  	v5 =	vld.idx.msk [tilespmem:v7+s23+$0x0], $0xffff  }
0x1f0: {  	v7 =	vadd.s32 $0x734, v1;
	_ =	sdelay $0x3  }
0x1f1: {  	[tilespmem:v43+s25+$0x0] =	vst.idx.msk $0xffff, v5  }
0x1f2: {  	v5 =	vld.idx.msk [tilespmem:v7+s23+$0x0], $0xffff;
	_ =	sdelay $0x4  }
0x1f3: {  	[tilespmem:v45+s25+$0x0] =	vst.idx.msk $0xffff, v5  }
0x1f4: {  	[hbm4b:s10+s2] =	stream.linear.scatter [tilespmem:s25], [sflag:$0x2], $0xC000, $0x38;
	[tilespmem:$0x19800] =	vst v63  }
0x1f5: {  	_ =	swait.ge [sflag:s26], $0xC000  }
0x1f6: {  	[sflag:s26] =	ssyncset.done $0x0  }
0x1f7: {  	[sflag:s26] =	ssyncadd.s32 $0xFFFF4000  }
0x1f8: {  	v5 =	vld [tilespmem:$0x100]  }
0x1f9: {  	v7 =	vld [tilespmem:$0x180];
	_ =	sdelay $0x3  }
0x1fa: {  	v5 =	vadd.s32 v0, v5  }
0x1fb: {  	v7 =	vadd.s32 v0, v7  }
0x1fc: {  	v63 =	vor.u32 $0x780, v1;
	_ =	sdelay $0x2  }
0x1fd: {  	[tilespmem:v5+s24+$0x0] =	vst.idx.msk $0xffff, v2  }
0x1fe: {  	[tilespmem:v7+s24+$0x0] =	vst.idx.msk $0xffff, v3  }
0x1ff: {  	v5 =	vld.idx.msk [tilespmem:v63+s23+$0x0], $0xffff  }
0x200: {  	v7 =	vadd.s32 $0x781, v1;
	_ =	sdelay $0x3  }
0x201: {  	[tilespmem:v4+s24+$0x0] =	vst.idx.msk $0xffff, v5  }
0x202: {  	v5 =	vld.idx.msk [tilespmem:v7+s23+$0x0], $0xffff  }
0x203: {  	v7 =	vadd.s32 $0x782, v1;
	_ =	sdelay $0x3  }
0x204: {  	[tilespmem:v6+s24+$0x0] =	vst.idx.msk $0xffff, v5  }
0x205: {  	v5 =	vld.idx.msk [tilespmem:v7+s23+$0x0], $0xffff  }
0x206: {  	v7 =	vadd.s32 $0x783, v1;
	_ =	sdelay $0x3  }
0x207: {  	[tilespmem:v8+s24+$0x0] =	vst.idx.msk $0xffff, v5  }
0x208: {  	v5 =	vld.idx.msk [tilespmem:v7+s23+$0x0], $0xffff  }
0x209: {  	v7 =	vadd.s32 $0x784, v1;
	_ =	sdelay $0x3  }
0x20a: {  	[tilespmem:v10+s24+$0x0] =	vst.idx.msk $0xffff, v5  }
0x20b: {  	v5 =	vld.idx.msk [tilespmem:v7+s23+$0x0], $0xffff;
	_ =	sdelay $0x4  }
0x20c: {  	[tilespmem:v12+s24+$0x0] =	vst.idx.msk $0xffff, v5  }
0x20d: {  	v5 =	vld [tilespmem:$0x110]  }
0x20e: {  	v7 =	vld [tilespmem:$0x190];
	_ =	sdelay $0x3  }
0x20f: {  	v5 =	vadd.s32 v13, v5  }
0x210: {  	v7 =	vadd.s32 v13, v7  }
0x211: {  	v63 =	vadd.s32 $0x7D0, v1;
	_ =	sdelay $0x2  }
0x212: {  	[tilespmem:v5+s24+$0x0] =	vst.idx.msk $0xffff, v2  }
0x213: {  	[tilespmem:v7+s24+$0x0] =	vst.idx.msk $0xffff, v3  }
0x214: {  	v5 =	vld.idx.msk [tilespmem:v63+s23+$0x0], $0xffff  }
0x215: {  	v7 =	vadd.s32 $0x7D1, v1;
	_ =	sdelay $0x3  }
0x216: {  	[tilespmem:v15+s24+$0x0] =	vst.idx.msk $0xffff, v5  }
0x217: {  	v5 =	vld.idx.msk [tilespmem:v7+s23+$0x0], $0xffff  }
0x218: {  	v7 =	vadd.s32 $0x7D2, v1;
	_ =	sdelay $0x3  }
0x219: {  	[tilespmem:v17+s24+$0x0] =	vst.idx.msk $0xffff, v5  }
0x21a: {  	v5 =	vld.idx.msk [tilespmem:v7+s23+$0x0], $0xffff  }
0x21b: {  	v7 =	vadd.s32 $0x7D3, v1;
	_ =	sdelay $0x3  }
0x21c: {  	[tilespmem:v19+s24+$0x0] =	vst.idx.msk $0xffff, v5  }
0x21d: {  	v5 =	vld.idx.msk [tilespmem:v7+s23+$0x0], $0xffff  }
0x21e: {  	v7 =	vadd.s32 $0x7D4, v1;
	_ =	sdelay $0x3  }
0x21f: {  	[tilespmem:v21+s24+$0x0] =	vst.idx.msk $0xffff, v5  }
0x220: {  	v5 =	vld.idx.msk [tilespmem:v7+s23+$0x0], $0xffff;
	_ =	sdelay $0x4  }
0x221: {  	[tilespmem:v23+s24+$0x0] =	vst.idx.msk $0xffff, v5  }
0x222: {  	v5 =	vld [tilespmem:$0x120]  }
0x223: {  	v7 =	vld [tilespmem:$0x1A0];
	_ =	sdelay $0x3  }
0x224: {  	v5 =	vadd.s32 v24, v5  }
0x225: {  	v7 =	vadd.s32 v24, v7  }
0x226: {  	v63 =	vadd.s32 $0x820, v1;
	_ =	sdelay $0x2  }
0x227: {  	[tilespmem:v5+s24+$0x0] =	vst.idx.msk $0xffff, v2  }
0x228: {  	[tilespmem:v7+s24+$0x0] =	vst.idx.msk $0xffff, v3  }
0x229: {  	v5 =	vld.idx.msk [tilespmem:v63+s23+$0x0], $0xffff  }
0x22a: {  	v7 =	vadd.s32 $0x821, v1;
	_ =	sdelay $0x3  }
0x22b: {  	[tilespmem:v26+s24+$0x0] =	vst.idx.msk $0xffff, v5  }
0x22c: {  	v5 =	vld.idx.msk [tilespmem:v7+s23+$0x0], $0xffff  }
0x22d: {  	v7 =	vadd.s32 $0x822, v1;
	_ =	sdelay $0x3  }
0x22e: {  	[tilespmem:v28+s24+$0x0] =	vst.idx.msk $0xffff, v5  }
0x22f: {  	v5 =	vld.idx.msk [tilespmem:v7+s23+$0x0], $0xffff  }
0x230: {  	v7 =	vadd.s32 $0x823, v1;
	_ =	sdelay $0x3  }
0x231: {  	[tilespmem:v30+s24+$0x0] =	vst.idx.msk $0xffff, v5  }
0x232: {  	v5 =	vld.idx.msk [tilespmem:v7+s23+$0x0], $0xffff  }
0x233: {  	v7 =	vadd.s32 $0x824, v1;
	_ =	sdelay $0x3  }
0x234: {  	[tilespmem:v32+s24+$0x0] =	vst.idx.msk $0xffff, v5  }
0x235: {  	v5 =	vld.idx.msk [tilespmem:v7+s23+$0x0], $0xffff;
	_ =	sdelay $0x4  }
0x236: {  	[tilespmem:v34+s24+$0x0] =	vst.idx.msk $0xffff, v5  }
0x237: {  	v5 =	vld [tilespmem:$0x130]  }
0x238: {  	v7 =	vld [tilespmem:$0x1B0];
	_ =	sdelay $0x3  }
0x239: {  	v5 =	vadd.s32 v35, v5  }
0x23a: {  	v7 =	vadd.s32 v35, v7  }
0x23b: {  	v63 =	vadd.s32 $0x870, v1;
	_ =	sdelay $0x2  }
0x23c: {  	[tilespmem:v5+s24+$0x0] =	vst.idx.msk $0xffff, v2  }
0x23d: {  	[tilespmem:v7+s24+$0x0] =	vst.idx.msk $0xffff, v3  }
0x23e: {  	v5 =	vld.idx.msk [tilespmem:v63+s23+$0x0], $0xffff  }
0x23f: {  	v7 =	vadd.s32 $0x871, v1;
	_ =	sdelay $0x3  }
0x240: {  	[tilespmem:v37+s24+$0x0] =	vst.idx.msk $0xffff, v5  }
0x241: {  	v5 =	vld.idx.msk [tilespmem:v7+s23+$0x0], $0xffff  }
0x242: {  	v7 =	vadd.s32 $0x872, v1;
	_ =	sdelay $0x3  }
0x243: {  	[tilespmem:v39+s24+$0x0] =	vst.idx.msk $0xffff, v5  }
0x244: {  	v5 =	vld.idx.msk [tilespmem:v7+s23+$0x0], $0xffff  }
0x245: {  	v7 =	vadd.s32 $0x873, v1;
	_ =	sdelay $0x3  }
0x246: {  	[tilespmem:v41+s24+$0x0] =	vst.idx.msk $0xffff, v5  }
0x247: {  	v5 =	vld.idx.msk [tilespmem:v7+s23+$0x0], $0xffff  }
0x248: {  	v7 =	vadd.s32 $0x874, v1;
	_ =	sdelay $0x3  }
0x249: {  	[tilespmem:v43+s24+$0x0] =	vst.idx.msk $0xffff, v5  }
0x24a: {  	v5 =	vld.idx.msk [tilespmem:v7+s23+$0x0], $0xffff;
	_ =	sdelay $0x4  }
0x24b: {  	[tilespmem:v45+s24+$0x0] =	vst.idx.msk $0xffff, v5  }
0x24c: {  	[hbm4b:s11+s2] =	stream.linear.scatter [tilespmem:s24], [sflag:$0x1], $0xC000, $0x38;
	[tilespmem:$0x19800] =	vst v63  }
0x24d: {  	_ =	swait.ge [sflag:s28], $0xC000  }
0x24e: {  	[sflag:s28] =	ssyncset.done $0x0  }
0x24f: {  	[sflag:s28] =	ssyncadd.s32 $0xFFFF4000  }
0x250: {  	v5 =	vld [tilespmem:$0x140]  }
0x251: {  	v7 =	vld [tilespmem:$0x1C0];
	_ =	sdelay $0x3  }
0x252: {  	v5 =	vadd.s32 v0, v5  }
0x253: {  	v7 =	vadd.s32 v0, v7  }
0x254: {  	v63 =	vadd.s32 $0x8C0, v1;
	_ =	sdelay $0x2  }
0x255: {  	[tilespmem:v5+s25+$0x0] =	vst.idx.msk $0xffff, v2  }
0x256: {  	[tilespmem:v7+s25+$0x0] =	vst.idx.msk $0xffff, v3  }
0x257: {  	v5 =	vld.idx.msk [tilespmem:v63+s23+$0x0], $0xffff  }
0x258: {  	v7 =	vadd.s32 $0x8C1, v1;
	_ =	sdelay $0x3  }
0x259: {  	[tilespmem:v4+s25+$0x0] =	vst.idx.msk $0xffff, v5  }
0x25a: {  	v5 =	vld.idx.msk [tilespmem:v7+s23+$0x0], $0xffff  }
0x25b: {  	v7 =	vadd.s32 $0x8C2, v1;
	_ =	sdelay $0x3  }
0x25c: {  	[tilespmem:v6+s25+$0x0] =	vst.idx.msk $0xffff, v5  }
0x25d: {  	v5 =	vld.idx.msk [tilespmem:v7+s23+$0x0], $0xffff  }
0x25e: {  	v7 =	vadd.s32 $0x8C3, v1;
	_ =	sdelay $0x3  }
0x25f: {  	[tilespmem:v8+s25+$0x0] =	vst.idx.msk $0xffff, v5  }
0x260: {  	v5 =	vld.idx.msk [tilespmem:v7+s23+$0x0], $0xffff  }
0x261: {  	v7 =	vadd.s32 $0x8C4, v1;
	_ =	sdelay $0x3  }
0x262: {  	[tilespmem:v10+s25+$0x0] =	vst.idx.msk $0xffff, v5  }
0x263: {  	v5 =	vld.idx.msk [tilespmem:v7+s23+$0x0], $0xffff;
	_ =	sdelay $0x4  }
0x264: {  	[tilespmem:v12+s25+$0x0] =	vst.idx.msk $0xffff, v5  }
0x265: {  	v5 =	vld [tilespmem:$0x150]  }
0x266: {  	v7 =	vld [tilespmem:$0x1D0];
	_ =	sdelay $0x3  }
0x267: {  	v5 =	vadd.s32 v13, v5  }
0x268: {  	v7 =	vadd.s32 v13, v7  }
0x269: {  	v63 =	vadd.s32 $0x910, v1;
	_ =	sdelay $0x2  }
0x26a: {  	[tilespmem:v5+s25+$0x0] =	vst.idx.msk $0xffff, v2  }
0x26b: {  	[tilespmem:v7+s25+$0x0] =	vst.idx.msk $0xffff, v3  }
0x26c: {  	v5 =	vld.idx.msk [tilespmem:v63+s23+$0x0], $0xffff  }
0x26d: {  	v7 =	vadd.s32 $0x911, v1;
	_ =	sdelay $0x3  }
0x26e: {  	[tilespmem:v15+s25+$0x0] =	vst.idx.msk $0xffff, v5  }
0x26f: {  	v5 =	vld.idx.msk [tilespmem:v7+s23+$0x0], $0xffff  }
0x270: {  	v7 =	vadd.s32 $0x912, v1;
	_ =	sdelay $0x3  }
0x271: {  	[tilespmem:v17+s25+$0x0] =	vst.idx.msk $0xffff, v5  }
0x272: {  	v5 =	vld.idx.msk [tilespmem:v7+s23+$0x0], $0xffff  }
0x273: {  	v7 =	vadd.s32 $0x913, v1;
	_ =	sdelay $0x3  }
0x274: {  	[tilespmem:v19+s25+$0x0] =	vst.idx.msk $0xffff, v5  }
0x275: {  	v5 =	vld.idx.msk [tilespmem:v7+s23+$0x0], $0xffff  }
0x276: {  	v7 =	vadd.s32 $0x914, v1;
	_ =	sdelay $0x3  }
0x277: {  	[tilespmem:v21+s25+$0x0] =	vst.idx.msk $0xffff, v5  }
0x278: {  	v5 =	vld.idx.msk [tilespmem:v7+s23+$0x0], $0xffff;
	_ =	sdelay $0x4  }
0x279: {  	[tilespmem:v23+s25+$0x0] =	vst.idx.msk $0xffff, v5  }
0x27a: {  	v5 =	vld [tilespmem:$0x160]  }
0x27b: {  	v7 =	vld [tilespmem:$0x1E0];
	_ =	sdelay $0x3  }
0x27c: {  	v5 =	vadd.s32 v24, v5  }
0x27d: {  	v7 =	vadd.s32 v24, v7  }
0x27e: {  	v63 =	vadd.s32 $0x960, v1;
	_ =	sdelay $0x2  }
0x27f: {  	[tilespmem:v5+s25+$0x0] =	vst.idx.msk $0xffff, v2  }
0x280: {  	[tilespmem:v7+s25+$0x0] =	vst.idx.msk $0xffff, v3  }
0x281: {  	v5 =	vld.idx.msk [tilespmem:v63+s23+$0x0], $0xffff  }
0x282: {  	v7 =	vadd.s32 $0x961, v1;
	_ =	sdelay $0x3  }
0x283: {  	[tilespmem:v26+s25+$0x0] =	vst.idx.msk $0xffff, v5  }
0x284: {  	v5 =	vld.idx.msk [tilespmem:v7+s23+$0x0], $0xffff  }
0x285: {  	v7 =	vadd.s32 $0x962, v1;
	_ =	sdelay $0x3  }
0x286: {  	[tilespmem:v28+s25+$0x0] =	vst.idx.msk $0xffff, v5  }
0x287: {  	v5 =	vld.idx.msk [tilespmem:v7+s23+$0x0], $0xffff  }
0x288: {  	v7 =	vadd.s32 $0x963, v1;
	_ =	sdelay $0x3  }
0x289: {  	[tilespmem:v30+s25+$0x0] =	vst.idx.msk $0xffff, v5  }
0x28a: {  	v5 =	vld.idx.msk [tilespmem:v7+s23+$0x0], $0xffff  }
0x28b: {  	v7 =	vadd.s32 $0x964, v1;
	_ =	sdelay $0x3  }
0x28c: {  	[tilespmem:v32+s25+$0x0] =	vst.idx.msk $0xffff, v5  }
0x28d: {  	v5 =	vld.idx.msk [tilespmem:v7+s23+$0x0], $0xffff;
	_ =	sdelay $0x4  }
0x28e: {  	[tilespmem:v34+s25+$0x0] =	vst.idx.msk $0xffff, v5  }
0x28f: {  	v5 =	vld [tilespmem:$0x170]  }
0x290: {  	v7 =	vld [tilespmem:$0x1F0];
	_ =	sdelay $0x3  }
0x291: {  	v5 =	vadd.s32 v35, v5  }
0x292: {  	v7 =	vadd.s32 v35, v7  }
0x293: {  	v63 =	vadd.s32 $0x9B0, v1;
	_ =	sdelay $0x2  }
0x294: {  	[tilespmem:v5+s25+$0x0] =	vst.idx.msk $0xffff, v2  }
0x295: {  	[tilespmem:v7+s25+$0x0] =	vst.idx.msk $0xffff, v3  }
0x296: {  	v5 =	vld.idx.msk [tilespmem:v63+s23+$0x0], $0xffff  }
0x297: {  	v7 =	vadd.s32 $0x9B1, v1;
	_ =	sdelay $0x3  }
0x298: {  	[tilespmem:v37+s25+$0x0] =	vst.idx.msk $0xffff, v5  }
0x299: {  	v5 =	vld.idx.msk [tilespmem:v7+s23+$0x0], $0xffff  }
0x29a: {  	v7 =	vadd.s32 $0x9B2, v1;
	_ =	sdelay $0x3  }
0x29b: {  	[tilespmem:v39+s25+$0x0] =	vst.idx.msk $0xffff, v5  }
0x29c: {  	v5 =	vld.idx.msk [tilespmem:v7+s23+$0x0], $0xffff  }
0x29d: {  	v7 =	vadd.s32 $0x9B3, v1;
	_ =	sdelay $0x3  }
0x29e: {  	[tilespmem:v41+s25+$0x0] =	vst.idx.msk $0xffff, v5  }
0x29f: {  	v5 =	vld.idx.msk [tilespmem:v7+s23+$0x0], $0xffff  }
0x2a0: {  	v7 =	vadd.s32 $0x9B4, v1;
	_ =	sdelay $0x3  }
0x2a1: {  	[tilespmem:v43+s25+$0x0] =	vst.idx.msk $0xffff, v5  }
0x2a2: {  	v5 =	vld.idx.msk [tilespmem:v7+s23+$0x0], $0xffff;
	_ =	sdelay $0x4  }
0x2a3: {  	[tilespmem:v45+s25+$0x0] =	vst.idx.msk $0xffff, v5  }
0x2a4: {  	[hbm4b:s12+s2] =	stream.linear.scatter [tilespmem:s25], [sflag:$0x2], $0xC000, $0x38;
	[tilespmem:$0x19800] =	vst v63  }
0x2a5: {  	_ =	swait.ge [sflag:s26], $0xC000  }
0x2a6: {  	[sflag:s26] =	ssyncset.done $0x0  }
0x2a7: {  	[sflag:s26] =	ssyncadd.s32 $0xFFFF4000  }
0x2a8: {  	v5 =	vld [tilespmem:$0x180]  }
0x2a9: {  	v7 =	vld [tilespmem:$0x200];
	_ =	sdelay $0x3  }
0x2aa: {  	v5 =	vadd.s32 v0, v5  }
0x2ab: {  	v7 =	vadd.s32 v0, v7  }
0x2ac: {  	v63 =	vor.u32 $0xA00, v1;
	_ =	sdelay $0x2  }
0x2ad: {  	[tilespmem:v5+s24+$0x0] =	vst.idx.msk $0xffff, v2  }
0x2ae: {  	[tilespmem:v7+s24+$0x0] =	vst.idx.msk $0xffff, v3  }
0x2af: {  	v5 =	vld.idx.msk [tilespmem:v63+s23+$0x0], $0xffff  }
0x2b0: {  	v7 =	vadd.s32 $0xA01, v1;
	_ =	sdelay $0x3  }
0x2b1: {  	[tilespmem:v4+s24+$0x0] =	vst.idx.msk $0xffff, v5  }
0x2b2: {  	v5 =	vld.idx.msk [tilespmem:v7+s23+$0x0], $0xffff  }
0x2b3: {  	v7 =	vadd.s32 $0xA02, v1;
	_ =	sdelay $0x3  }
0x2b4: {  	[tilespmem:v6+s24+$0x0] =	vst.idx.msk $0xffff, v5  }
0x2b5: {  	v5 =	vld.idx.msk [tilespmem:v7+s23+$0x0], $0xffff  }
0x2b6: {  	v7 =	vadd.s32 $0xA03, v1;
	_ =	sdelay $0x3  }
0x2b7: {  	[tilespmem:v8+s24+$0x0] =	vst.idx.msk $0xffff, v5  }
0x2b8: {  	v5 =	vld.idx.msk [tilespmem:v7+s23+$0x0], $0xffff  }
0x2b9: {  	v7 =	vadd.s32 $0xA04, v1;
	_ =	sdelay $0x3  }
0x2ba: {  	[tilespmem:v10+s24+$0x0] =	vst.idx.msk $0xffff, v5  }
0x2bb: {  	v5 =	vld.idx.msk [tilespmem:v7+s23+$0x0], $0xffff;
	_ =	sdelay $0x4  }
0x2bc: {  	[tilespmem:v12+s24+$0x0] =	vst.idx.msk $0xffff, v5  }
0x2bd: {  	v5 =	vld [tilespmem:$0x190]  }
0x2be: {  	v7 =	vld [tilespmem:$0x210];
	_ =	sdelay $0x3  }
0x2bf: {  	v5 =	vadd.s32 v13, v5  }
0x2c0: {  	v7 =	vadd.s32 v13, v7  }
0x2c1: {  	v63 =	vadd.s32 $0xA50, v1;
	_ =	sdelay $0x2  }
0x2c2: {  	[tilespmem:v5+s24+$0x0] =	vst.idx.msk $0xffff, v2  }
0x2c3: {  	[tilespmem:v7+s24+$0x0] =	vst.idx.msk $0xffff, v3  }
0x2c4: {  	v5 =	vld.idx.msk [tilespmem:v63+s23+$0x0], $0xffff  }
0x2c5: {  	v7 =	vadd.s32 $0xA51, v1;
	_ =	sdelay $0x3  }
0x2c6: {  	[tilespmem:v15+s24+$0x0] =	vst.idx.msk $0xffff, v5  }
0x2c7: {  	v5 =	vld.idx.msk [tilespmem:v7+s23+$0x0], $0xffff  }
0x2c8: {  	v7 =	vadd.s32 $0xA52, v1;
	_ =	sdelay $0x3  }
0x2c9: {  	[tilespmem:v17+s24+$0x0] =	vst.idx.msk $0xffff, v5  }
0x2ca: {  	v5 =	vld.idx.msk [tilespmem:v7+s23+$0x0], $0xffff  }
0x2cb: {  	v7 =	vadd.s32 $0xA53, v1;
	_ =	sdelay $0x3  }
0x2cc: {  	[tilespmem:v19+s24+$0x0] =	vst.idx.msk $0xffff, v5  }
0x2cd: {  	v5 =	vld.idx.msk [tilespmem:v7+s23+$0x0], $0xffff  }
0x2ce: {  	v7 =	vadd.s32 $0xA54, v1;
	_ =	sdelay $0x3  }
0x2cf: {  	[tilespmem:v21+s24+$0x0] =	vst.idx.msk $0xffff, v5  }
0x2d0: {  	v5 =	vld.idx.msk [tilespmem:v7+s23+$0x0], $0xffff;
	_ =	sdelay $0x4  }
0x2d1: {  	[tilespmem:v23+s24+$0x0] =	vst.idx.msk $0xffff, v5  }
0x2d2: {  	v5 =	vld [tilespmem:$0x1A0]  }
0x2d3: {  	v7 =	vld [tilespmem:$0x220];
	_ =	sdelay $0x3  }
0x2d4: {  	v5 =	vadd.s32 v24, v5  }
0x2d5: {  	v7 =	vadd.s32 v24, v7  }
0x2d6: {  	v63 =	vadd.s32 $0xAA0, v1;
	_ =	sdelay $0x2  }
0x2d7: {  	[tilespmem:v5+s24+$0x0] =	vst.idx.msk $0xffff, v2  }
0x2d8: {  	[tilespmem:v7+s24+$0x0] =	vst.idx.msk $0xffff, v3  }
0x2d9: {  	v5 =	vld.idx.msk [tilespmem:v63+s23+$0x0], $0xffff  }
0x2da: {  	v7 =	vadd.s32 $0xAA1, v1;
	_ =	sdelay $0x3  }
0x2db: {  	[tilespmem:v26+s24+$0x0] =	vst.idx.msk $0xffff, v5  }
0x2dc: {  	v5 =	vld.idx.msk [tilespmem:v7+s23+$0x0], $0xffff  }
0x2dd: {  	v7 =	vadd.s32 $0xAA2, v1;
	_ =	sdelay $0x3  }
0x2de: {  	[tilespmem:v28+s24+$0x0] =	vst.idx.msk $0xffff, v5  }
0x2df: {  	v5 =	vld.idx.msk [tilespmem:v7+s23+$0x0], $0xffff  }
0x2e0: {  	v7 =	vadd.s32 $0xAA3, v1;
	_ =	sdelay $0x3  }
0x2e1: {  	[tilespmem:v30+s24+$0x0] =	vst.idx.msk $0xffff, v5  }
0x2e2: {  	v5 =	vld.idx.msk [tilespmem:v7+s23+$0x0], $0xffff  }
0x2e3: {  	v7 =	vadd.s32 $0xAA4, v1;
	_ =	sdelay $0x3  }
0x2e4: {  	[tilespmem:v32+s24+$0x0] =	vst.idx.msk $0xffff, v5  }
0x2e5: {  	v5 =	vld.idx.msk [tilespmem:v7+s23+$0x0], $0xffff;
	_ =	sdelay $0x4  }
0x2e6: {  	[tilespmem:v34+s24+$0x0] =	vst.idx.msk $0xffff, v5  }
0x2e7: {  	v5 =	vld [tilespmem:$0x1B0]  }
0x2e8: {  	v7 =	vld [tilespmem:$0x230];
	_ =	sdelay $0x3  }
0x2e9: {  	v5 =	vadd.s32 v35, v5  }
0x2ea: {  	v7 =	vadd.s32 v35, v7  }
0x2eb: {  	v63 =	vadd.s32 $0xAF0, v1;
	_ =	sdelay $0x2  }
0x2ec: {  	[tilespmem:v5+s24+$0x0] =	vst.idx.msk $0xffff, v2  }
0x2ed: {  	[tilespmem:v7+s24+$0x0] =	vst.idx.msk $0xffff, v3  }
0x2ee: {  	v5 =	vld.idx.msk [tilespmem:v63+s23+$0x0], $0xffff  }
0x2ef: {  	v7 =	vadd.s32 $0xAF1, v1;
	_ =	sdelay $0x3  }
0x2f0: {  	[tilespmem:v37+s24+$0x0] =	vst.idx.msk $0xffff, v5  }
0x2f1: {  	v5 =	vld.idx.msk [tilespmem:v7+s23+$0x0], $0xffff  }
0x2f2: {  	v7 =	vadd.s32 $0xAF2, v1;
	_ =	sdelay $0x3  }
0x2f3: {  	[tilespmem:v39+s24+$0x0] =	vst.idx.msk $0xffff, v5  }
0x2f4: {  	v5 =	vld.idx.msk [tilespmem:v7+s23+$0x0], $0xffff  }
0x2f5: {  	v7 =	vadd.s32 $0xAF3, v1;
	_ =	sdelay $0x3  }
0x2f6: {  	[tilespmem:v41+s24+$0x0] =	vst.idx.msk $0xffff, v5  }
0x2f7: {  	v5 =	vld.idx.msk [tilespmem:v7+s23+$0x0], $0xffff  }
0x2f8: {  	v7 =	vadd.s32 $0xAF4, v1;
	_ =	sdelay $0x3  }
0x2f9: {  	[tilespmem:v43+s24+$0x0] =	vst.idx.msk $0xffff, v5  }
0x2fa: {  	v5 =	vld.idx.msk [tilespmem:v7+s23+$0x0], $0xffff;
	_ =	sdelay $0x4  }
0x2fb: {  	[tilespmem:v45+s24+$0x0] =	vst.idx.msk $0xffff, v5  }
0x2fc: {  	[hbm4b:s13+s2] =	stream.linear.scatter [tilespmem:s24], [sflag:$0x1], $0xC000, $0x38;
	[tilespmem:$0x19800] =	vst v63  }
0x2fd: {  	_ =	swait.ge [sflag:s28], $0xC000  }
0x2fe: {  	[sflag:s28] =	ssyncset.done $0x0  }
0x2ff: {  	[sflag:s28] =	ssyncadd.s32 $0xFFFF4000  }
0x300: {  	v5 =	vld [tilespmem:$0x1C0]  }
0x301: {  	v7 =	vld [tilespmem:$0x240];
	_ =	sdelay $0x3  }
0x302: {  	v5 =	vadd.s32 v0, v5  }
0x303: {  	v7 =	vadd.s32 v0, v7  }
0x304: {  	v63 =	vadd.s32 $0xB40, v1;
	_ =	sdelay $0x2  }
0x305: {  	[tilespmem:v5+s25+$0x0] =	vst.idx.msk $0xffff, v2  }
0x306: {  	[tilespmem:v7+s25+$0x0] =	vst.idx.msk $0xffff, v3  }
0x307: {  	v5 =	vld.idx.msk [tilespmem:v63+s23+$0x0], $0xffff  }
0x308: {  	v7 =	vadd.s32 $0xB41, v1;
	_ =	sdelay $0x3  }
0x309: {  	[tilespmem:v4+s25+$0x0] =	vst.idx.msk $0xffff, v5  }
0x30a: {  	v5 =	vld.idx.msk [tilespmem:v7+s23+$0x0], $0xffff  }
0x30b: {  	v7 =	vadd.s32 $0xB42, v1;
	_ =	sdelay $0x3  }
0x30c: {  	[tilespmem:v6+s25+$0x0] =	vst.idx.msk $0xffff, v5  }
0x30d: {  	v5 =	vld.idx.msk [tilespmem:v7+s23+$0x0], $0xffff  }
0x30e: {  	v7 =	vadd.s32 $0xB43, v1;
	_ =	sdelay $0x3  }
0x30f: {  	[tilespmem:v8+s25+$0x0] =	vst.idx.msk $0xffff, v5  }
0x310: {  	v5 =	vld.idx.msk [tilespmem:v7+s23+$0x0], $0xffff  }
0x311: {  	v7 =	vadd.s32 $0xB44, v1;
	_ =	sdelay $0x3  }
0x312: {  	[tilespmem:v10+s25+$0x0] =	vst.idx.msk $0xffff, v5  }
0x313: {  	v5 =	vld.idx.msk [tilespmem:v7+s23+$0x0], $0xffff;
	_ =	sdelay $0x4  }
0x314: {  	[tilespmem:v12+s25+$0x0] =	vst.idx.msk $0xffff, v5  }
0x315: {  	v5 =	vld [tilespmem:$0x1D0]  }
0x316: {  	v7 =	vld [tilespmem:$0x250];
	_ =	sdelay $0x3  }
0x317: {  	v5 =	vadd.s32 v13, v5  }
0x318: {  	v7 =	vadd.s32 v13, v7  }
0x319: {  	v63 =	vadd.s32 $0xB90, v1;
	_ =	sdelay $0x2  }
0x31a: {  	[tilespmem:v5+s25+$0x0] =	vst.idx.msk $0xffff, v2  }
0x31b: {  	[tilespmem:v7+s25+$0x0] =	vst.idx.msk $0xffff, v3  }
0x31c: {  	v5 =	vld.idx.msk [tilespmem:v63+s23+$0x0], $0xffff  }
0x31d: {  	v7 =	vadd.s32 $0xB91, v1;
	_ =	sdelay $0x3  }
0x31e: {  	[tilespmem:v15+s25+$0x0] =	vst.idx.msk $0xffff, v5  }
0x31f: {  	v5 =	vld.idx.msk [tilespmem:v7+s23+$0x0], $0xffff  }
0x320: {  	v7 =	vadd.s32 $0xB92, v1;
	_ =	sdelay $0x3  }
0x321: {  	[tilespmem:v17+s25+$0x0] =	vst.idx.msk $0xffff, v5  }
0x322: {  	v5 =	vld.idx.msk [tilespmem:v7+s23+$0x0], $0xffff  }
0x323: {  	v7 =	vadd.s32 $0xB93, v1;
	_ =	sdelay $0x3  }
0x324: {  	[tilespmem:v19+s25+$0x0] =	vst.idx.msk $0xffff, v5  }
0x325: {  	v5 =	vld.idx.msk [tilespmem:v7+s23+$0x0], $0xffff  }
0x326: {  	v7 =	vadd.s32 $0xB94, v1;
	_ =	sdelay $0x3  }
0x327: {  	[tilespmem:v21+s25+$0x0] =	vst.idx.msk $0xffff, v5  }
0x328: {  	v5 =	vld.idx.msk [tilespmem:v7+s23+$0x0], $0xffff;
	_ =	sdelay $0x4  }
0x329: {  	[tilespmem:v23+s25+$0x0] =	vst.idx.msk $0xffff, v5  }
0x32a: {  	v5 =	vld [tilespmem:$0x1E0]  }
0x32b: {  	v7 =	vld [tilespmem:$0x260];
	_ =	sdelay $0x3  }
0x32c: {  	v5 =	vadd.s32 v24, v5  }
0x32d: {  	v7 =	vadd.s32 v24, v7  }
0x32e: {  	v63 =	vadd.s32 $0xBE0, v1;
	_ =	sdelay $0x2  }
0x32f: {  	[tilespmem:v5+s25+$0x0] =	vst.idx.msk $0xffff, v2  }
0x330: {  	[tilespmem:v7+s25+$0x0] =	vst.idx.msk $0xffff, v3  }
0x331: {  	v5 =	vld.idx.msk [tilespmem:v63+s23+$0x0], $0xffff  }
0x332: {  	v7 =	vadd.s32 $0xBE1, v1;
	_ =	sdelay $0x3  }
0x333: {  	[tilespmem:v26+s25+$0x0] =	vst.idx.msk $0xffff, v5  }
0x334: {  	v5 =	vld.idx.msk [tilespmem:v7+s23+$0x0], $0xffff  }
0x335: {  	v7 =	vadd.s32 $0xBE2, v1;
	_ =	sdelay $0x3  }
0x336: {  	[tilespmem:v28+s25+$0x0] =	vst.idx.msk $0xffff, v5  }
0x337: {  	v5 =	vld.idx.msk [tilespmem:v7+s23+$0x0], $0xffff  }
0x338: {  	v7 =	vadd.s32 $0xBE3, v1;
	_ =	sdelay $0x3  }
0x339: {  	[tilespmem:v30+s25+$0x0] =	vst.idx.msk $0xffff, v5  }
0x33a: {  	v5 =	vld.idx.msk [tilespmem:v7+s23+$0x0], $0xffff  }
0x33b: {  	v7 =	vadd.s32 $0xBE4, v1;
	_ =	sdelay $0x3  }
0x33c: {  	[tilespmem:v32+s25+$0x0] =	vst.idx.msk $0xffff, v5  }
0x33d: {  	v5 =	vld.idx.msk [tilespmem:v7+s23+$0x0], $0xffff;
	_ =	sdelay $0x4  }
0x33e: {  	[tilespmem:v34+s25+$0x0] =	vst.idx.msk $0xffff, v5  }
0x33f: {  	v5 =	vld [tilespmem:$0x1F0]  }
0x340: {  	v7 =	vld [tilespmem:$0x270];
	_ =	sdelay $0x3  }
0x341: {  	v5 =	vadd.s32 v35, v5  }
0x342: {  	v7 =	vadd.s32 v35, v7  }
0x343: {  	v63 =	vadd.s32 $0xC30, v1;
	_ =	sdelay $0x2  }
0x344: {  	[tilespmem:v5+s25+$0x0] =	vst.idx.msk $0xffff, v2  }
0x345: {  	[tilespmem:v7+s25+$0x0] =	vst.idx.msk $0xffff, v3  }
0x346: {  	v5 =	vld.idx.msk [tilespmem:v63+s23+$0x0], $0xffff  }
0x347: {  	v7 =	vadd.s32 $0xC31, v1;
	_ =	sdelay $0x3  }
0x348: {  	[tilespmem:v37+s25+$0x0] =	vst.idx.msk $0xffff, v5  }
0x349: {  	v5 =	vld.idx.msk [tilespmem:v7+s23+$0x0], $0xffff  }
0x34a: {  	v7 =	vadd.s32 $0xC32, v1;
	_ =	sdelay $0x3  }
0x34b: {  	[tilespmem:v39+s25+$0x0] =	vst.idx.msk $0xffff, v5  }
0x34c: {  	v5 =	vld.idx.msk [tilespmem:v7+s23+$0x0], $0xffff  }
0x34d: {  	v7 =	vadd.s32 $0xC33, v1;
	_ =	sdelay $0x3  }
0x34e: {  	[tilespmem:v41+s25+$0x0] =	vst.idx.msk $0xffff, v5  }
0x34f: {  	v5 =	vld.idx.msk [tilespmem:v7+s23+$0x0], $0xffff  }
0x350: {  	v7 =	vadd.s32 $0xC34, v1;
	_ =	sdelay $0x3  }
0x351: {  	[tilespmem:v43+s25+$0x0] =	vst.idx.msk $0xffff, v5  }
0x352: {  	v5 =	vld.idx.msk [tilespmem:v7+s23+$0x0], $0xffff;
	_ =	sdelay $0x4  }
0x353: {  	[tilespmem:v45+s25+$0x0] =	vst.idx.msk $0xffff, v5  }
0x354: {  	[hbm4b:s14+s2] =	stream.linear.scatter [tilespmem:s25], [sflag:$0x2], $0xC000, $0x38;
	[tilespmem:$0x19800] =	vst v63  }
0x355: {  	_ =	swait.ge [sflag:s26], $0xC000  }
0x356: {  	[sflag:s26] =	ssyncset.done $0x0  }
0x357: {  	[sflag:s26] =	ssyncadd.s32 $0xFFFF4000  }
0x358: {  	v5 =	vld [tilespmem:$0x200]  }
0x359: {  	v7 =	vld [tilespmem:$0x280];
	_ =	sdelay $0x3  }
0x35a: {  	v5 =	vadd.s32 v0, v5  }
0x35b: {  	v7 =	vadd.s32 v0, v7  }
0x35c: {  	v63 =	vor.u32 $0xC80, v1;
	_ =	sdelay $0x2  }
0x35d: {  	[tilespmem:v5+s24+$0x0] =	vst.idx.msk $0xffff, v2  }
0x35e: {  	[tilespmem:v7+s24+$0x0] =	vst.idx.msk $0xffff, v3  }
0x35f: {  	v5 =	vld.idx.msk [tilespmem:v63+s23+$0x0], $0xffff  }
0x360: {  	v7 =	vadd.s32 $0xC81, v1;
	_ =	sdelay $0x3  }
0x361: {  	[tilespmem:v4+s24+$0x0] =	vst.idx.msk $0xffff, v5  }
0x362: {  	v5 =	vld.idx.msk [tilespmem:v7+s23+$0x0], $0xffff  }
0x363: {  	v7 =	vadd.s32 $0xC82, v1;
	_ =	sdelay $0x3  }
0x364: {  	[tilespmem:v6+s24+$0x0] =	vst.idx.msk $0xffff, v5  }
0x365: {  	v5 =	vld.idx.msk [tilespmem:v7+s23+$0x0], $0xffff  }
0x366: {  	v7 =	vadd.s32 $0xC83, v1;
	_ =	sdelay $0x3  }
0x367: {  	[tilespmem:v8+s24+$0x0] =	vst.idx.msk $0xffff, v5  }
0x368: {  	v5 =	vld.idx.msk [tilespmem:v7+s23+$0x0], $0xffff  }
0x369: {  	v7 =	vadd.s32 $0xC84, v1;
	_ =	sdelay $0x3  }
0x36a: {  	[tilespmem:v10+s24+$0x0] =	vst.idx.msk $0xffff, v5  }
0x36b: {  	v5 =	vld.idx.msk [tilespmem:v7+s23+$0x0], $0xffff;
	_ =	sdelay $0x4  }
0x36c: {  	[tilespmem:v12+s24+$0x0] =	vst.idx.msk $0xffff, v5  }
0x36d: {  	v5 =	vld [tilespmem:$0x210]  }
0x36e: {  	v7 =	vld [tilespmem:$0x290];
	_ =	sdelay $0x3  }
0x36f: {  	v5 =	vadd.s32 v13, v5  }
0x370: {  	v7 =	vadd.s32 v13, v7  }
0x371: {  	v63 =	vadd.s32 $0xCD0, v1;
	_ =	sdelay $0x2  }
0x372: {  	[tilespmem:v5+s24+$0x0] =	vst.idx.msk $0xffff, v2  }
0x373: {  	[tilespmem:v7+s24+$0x0] =	vst.idx.msk $0xffff, v3  }
0x374: {  	v5 =	vld.idx.msk [tilespmem:v63+s23+$0x0], $0xffff  }
0x375: {  	v7 =	vadd.s32 $0xCD1, v1;
	_ =	sdelay $0x3  }
0x376: {  	[tilespmem:v15+s24+$0x0] =	vst.idx.msk $0xffff, v5  }
0x377: {  	v5 =	vld.idx.msk [tilespmem:v7+s23+$0x0], $0xffff  }
0x378: {  	v7 =	vadd.s32 $0xCD2, v1;
	_ =	sdelay $0x3  }
0x379: {  	[tilespmem:v17+s24+$0x0] =	vst.idx.msk $0xffff, v5  }
0x37a: {  	v5 =	vld.idx.msk [tilespmem:v7+s23+$0x0], $0xffff  }
0x37b: {  	v7 =	vadd.s32 $0xCD3, v1;
	_ =	sdelay $0x3  }
0x37c: {  	[tilespmem:v19+s24+$0x0] =	vst.idx.msk $0xffff, v5  }
0x37d: {  	v5 =	vld.idx.msk [tilespmem:v7+s23+$0x0], $0xffff  }
0x37e: {  	v7 =	vadd.s32 $0xCD4, v1;
	_ =	sdelay $0x3  }
0x37f: {  	[tilespmem:v21+s24+$0x0] =	vst.idx.msk $0xffff, v5  }
0x380: {  	v5 =	vld.idx.msk [tilespmem:v7+s23+$0x0], $0xffff;
	_ =	sdelay $0x4  }
0x381: {  	[tilespmem:v23+s24+$0x0] =	vst.idx.msk $0xffff, v5  }
0x382: {  	v5 =	vld [tilespmem:$0x220]  }
0x383: {  	v7 =	vld [tilespmem:$0x2A0];
	_ =	sdelay $0x3  }
0x384: {  	v5 =	vadd.s32 v24, v5  }
0x385: {  	v7 =	vadd.s32 v24, v7  }
0x386: {  	v63 =	vadd.s32 $0xD20, v1;
	_ =	sdelay $0x2  }
0x387: {  	[tilespmem:v5+s24+$0x0] =	vst.idx.msk $0xffff, v2  }
0x388: {  	[tilespmem:v7+s24+$0x0] =	vst.idx.msk $0xffff, v3  }
0x389: {  	v5 =	vld.idx.msk [tilespmem:v63+s23+$0x0], $0xffff  }
0x38a: {  	v7 =	vadd.s32 $0xD21, v1;
	_ =	sdelay $0x3  }
0x38b: {  	[tilespmem:v26+s24+$0x0] =	vst.idx.msk $0xffff, v5  }
0x38c: {  	v5 =	vld.idx.msk [tilespmem:v7+s23+$0x0], $0xffff  }
0x38d: {  	v7 =	vadd.s32 $0xD22, v1;
	_ =	sdelay $0x3  }
0x38e: {  	[tilespmem:v28+s24+$0x0] =	vst.idx.msk $0xffff, v5  }
0x38f: {  	v5 =	vld.idx.msk [tilespmem:v7+s23+$0x0], $0xffff  }
0x390: {  	v7 =	vadd.s32 $0xD23, v1;
	_ =	sdelay $0x3  }
0x391: {  	[tilespmem:v30+s24+$0x0] =	vst.idx.msk $0xffff, v5  }
0x392: {  	v5 =	vld.idx.msk [tilespmem:v7+s23+$0x0], $0xffff  }
0x393: {  	v7 =	vadd.s32 $0xD24, v1;
	_ =	sdelay $0x3  }
0x394: {  	[tilespmem:v32+s24+$0x0] =	vst.idx.msk $0xffff, v5  }
0x395: {  	v5 =	vld.idx.msk [tilespmem:v7+s23+$0x0], $0xffff;
	_ =	sdelay $0x4  }
0x396: {  	[tilespmem:v34+s24+$0x0] =	vst.idx.msk $0xffff, v5  }
0x397: {  	v5 =	vld [tilespmem:$0x230]  }
0x398: {  	v7 =	vld [tilespmem:$0x2B0];
	_ =	sdelay $0x3  }
0x399: {  	v5 =	vadd.s32 v35, v5  }
0x39a: {  	v7 =	vadd.s32 v35, v7  }
0x39b: {  	v63 =	vadd.s32 $0xD70, v1;
	_ =	sdelay $0x2  }
0x39c: {  	[tilespmem:v5+s24+$0x0] =	vst.idx.msk $0xffff, v2  }
0x39d: {  	[tilespmem:v7+s24+$0x0] =	vst.idx.msk $0xffff, v3  }
0x39e: {  	v5 =	vld.idx.msk [tilespmem:v63+s23+$0x0], $0xffff  }
0x39f: {  	v7 =	vadd.s32 $0xD71, v1;
	_ =	sdelay $0x3  }
0x3a0: {  	[tilespmem:v37+s24+$0x0] =	vst.idx.msk $0xffff, v5  }
0x3a1: {  	v5 =	vld.idx.msk [tilespmem:v7+s23+$0x0], $0xffff  }
0x3a2: {  	v7 =	vadd.s32 $0xD72, v1;
	_ =	sdelay $0x3  }
0x3a3: {  	[tilespmem:v39+s24+$0x0] =	vst.idx.msk $0xffff, v5  }
0x3a4: {  	v5 =	vld.idx.msk [tilespmem:v7+s23+$0x0], $0xffff  }
0x3a5: {  	v7 =	vadd.s32 $0xD73, v1;
	_ =	sdelay $0x3  }
0x3a6: {  	[tilespmem:v41+s24+$0x0] =	vst.idx.msk $0xffff, v5  }
0x3a7: {  	v5 =	vld.idx.msk [tilespmem:v7+s23+$0x0], $0xffff  }
0x3a8: {  	v7 =	vadd.s32 $0xD74, v1;
	_ =	sdelay $0x3  }
0x3a9: {  	[tilespmem:v43+s24+$0x0] =	vst.idx.msk $0xffff, v5  }
0x3aa: {  	v5 =	vld.idx.msk [tilespmem:v7+s23+$0x0], $0xffff;
	_ =	sdelay $0x4  }
0x3ab: {  	[tilespmem:v45+s24+$0x0] =	vst.idx.msk $0xffff, v5  }
0x3ac: {  	[hbm4b:s15+s2] =	stream.linear.scatter [tilespmem:s24], [sflag:$0x1], $0xC000, $0x38;
	[tilespmem:$0x19800] =	vst v63  }
0x3ad: {  	_ =	swait.ge [sflag:s28], $0xC000  }
0x3ae: {  	[sflag:s28] =	ssyncset.done $0x0  }
0x3af: {  	[sflag:s28] =	ssyncadd.s32 $0xFFFF4000  }
0x3b0: {  	v5 =	vld [tilespmem:$0x240]  }
0x3b1: {  	v7 =	vld [tilespmem:$0x2C0];
	_ =	sdelay $0x3  }
0x3b2: {  	v5 =	vadd.s32 v0, v5  }
0x3b3: {  	v7 =	vadd.s32 v0, v7  }
0x3b4: {  	v63 =	vadd.s32 $0xDC0, v1;
	_ =	sdelay $0x2  }
0x3b5: {  	[tilespmem:v5+s25+$0x0] =	vst.idx.msk $0xffff, v2  }
0x3b6: {  	[tilespmem:v7+s25+$0x0] =	vst.idx.msk $0xffff, v3  }
0x3b7: {  	v5 =	vld.idx.msk [tilespmem:v63+s23+$0x0], $0xffff  }
0x3b8: {  	v7 =	vadd.s32 $0xDC1, v1;
	_ =	sdelay $0x3  }
0x3b9: {  	[tilespmem:v4+s25+$0x0] =	vst.idx.msk $0xffff, v5  }
0x3ba: {  	v5 =	vld.idx.msk [tilespmem:v7+s23+$0x0], $0xffff  }
0x3bb: {  	v7 =	vadd.s32 $0xDC2, v1;
	_ =	sdelay $0x3  }
0x3bc: {  	[tilespmem:v6+s25+$0x0] =	vst.idx.msk $0xffff, v5  }
0x3bd: {  	v5 =	vld.idx.msk [tilespmem:v7+s23+$0x0], $0xffff  }
0x3be: {  	v7 =	vadd.s32 $0xDC3, v1;
	_ =	sdelay $0x3  }
0x3bf: {  	[tilespmem:v8+s25+$0x0] =	vst.idx.msk $0xffff, v5  }
0x3c0: {  	v5 =	vld.idx.msk [tilespmem:v7+s23+$0x0], $0xffff  }
0x3c1: {  	v7 =	vadd.s32 $0xDC4, v1;
	_ =	sdelay $0x3  }
0x3c2: {  	[tilespmem:v10+s25+$0x0] =	vst.idx.msk $0xffff, v5  }
0x3c3: {  	v5 =	vld.idx.msk [tilespmem:v7+s23+$0x0], $0xffff;
	_ =	sdelay $0x4  }
0x3c4: {  	[tilespmem:v12+s25+$0x0] =	vst.idx.msk $0xffff, v5  }
0x3c5: {  	v5 =	vld [tilespmem:$0x250]  }
0x3c6: {  	v7 =	vld [tilespmem:$0x2D0];
	_ =	sdelay $0x3  }
0x3c7: {  	v5 =	vadd.s32 v13, v5  }
0x3c8: {  	v7 =	vadd.s32 v13, v7  }
0x3c9: {  	v63 =	vadd.s32 $0xE10, v1;
	_ =	sdelay $0x2  }
0x3ca: {  	[tilespmem:v5+s25+$0x0] =	vst.idx.msk $0xffff, v2  }
0x3cb: {  	[tilespmem:v7+s25+$0x0] =	vst.idx.msk $0xffff, v3  }
0x3cc: {  	v5 =	vld.idx.msk [tilespmem:v63+s23+$0x0], $0xffff  }
0x3cd: {  	v7 =	vadd.s32 $0xE11, v1;
	_ =	sdelay $0x3  }
0x3ce: {  	[tilespmem:v15+s25+$0x0] =	vst.idx.msk $0xffff, v5  }
0x3cf: {  	v5 =	vld.idx.msk [tilespmem:v7+s23+$0x0], $0xffff  }
0x3d0: {  	v7 =	vadd.s32 $0xE12, v1;
	_ =	sdelay $0x3  }
0x3d1: {  	[tilespmem:v17+s25+$0x0] =	vst.idx.msk $0xffff, v5  }
0x3d2: {  	v5 =	vld.idx.msk [tilespmem:v7+s23+$0x0], $0xffff  }
0x3d3: {  	v7 =	vadd.s32 $0xE13, v1;
	_ =	sdelay $0x3  }
0x3d4: {  	[tilespmem:v19+s25+$0x0] =	vst.idx.msk $0xffff, v5  }
0x3d5: {  	v5 =	vld.idx.msk [tilespmem:v7+s23+$0x0], $0xffff  }
0x3d6: {  	v7 =	vadd.s32 $0xE14, v1;
	_ =	sdelay $0x3  }
0x3d7: {  	[tilespmem:v21+s25+$0x0] =	vst.idx.msk $0xffff, v5  }
0x3d8: {  	v5 =	vld.idx.msk [tilespmem:v7+s23+$0x0], $0xffff;
	_ =	sdelay $0x4  }
0x3d9: {  	[tilespmem:v23+s25+$0x0] =	vst.idx.msk $0xffff, v5  }
0x3da: {  	v5 =	vld [tilespmem:$0x260]  }
0x3db: {  	v7 =	vld [tilespmem:$0x2E0];
	_ =	sdelay $0x3  }
0x3dc: {  	v5 =	vadd.s32 v24, v5  }
0x3dd: {  	v7 =	vadd.s32 v24, v7  }
0x3de: {  	v63 =	vadd.s32 $0xE60, v1;
	_ =	sdelay $0x2  }
0x3df: {  	[tilespmem:v5+s25+$0x0] =	vst.idx.msk $0xffff, v2  }
0x3e0: {  	[tilespmem:v7+s25+$0x0] =	vst.idx.msk $0xffff, v3  }
0x3e1: {  	v5 =	vld.idx.msk [tilespmem:v63+s23+$0x0], $0xffff  }
0x3e2: {  	v7 =	vadd.s32 $0xE61, v1;
	_ =	sdelay $0x3  }
0x3e3: {  	[tilespmem:v26+s25+$0x0] =	vst.idx.msk $0xffff, v5  }
0x3e4: {  	v5 =	vld.idx.msk [tilespmem:v7+s23+$0x0], $0xffff  }
0x3e5: {  	v7 =	vadd.s32 $0xE62, v1;
	_ =	sdelay $0x3  }
0x3e6: {  	[tilespmem:v28+s25+$0x0] =	vst.idx.msk $0xffff, v5  }
0x3e7: {  	v5 =	vld.idx.msk [tilespmem:v7+s23+$0x0], $0xffff  }
0x3e8: {  	v7 =	vadd.s32 $0xE63, v1;
	_ =	sdelay $0x3  }
0x3e9: {  	[tilespmem:v30+s25+$0x0] =	vst.idx.msk $0xffff, v5  }
0x3ea: {  	v5 =	vld.idx.msk [tilespmem:v7+s23+$0x0], $0xffff  }
0x3eb: {  	v7 =	vadd.s32 $0xE64, v1;
	_ =	sdelay $0x3  }
0x3ec: {  	[tilespmem:v32+s25+$0x0] =	vst.idx.msk $0xffff, v5  }
0x3ed: {  	v5 =	vld.idx.msk [tilespmem:v7+s23+$0x0], $0xffff;
	_ =	sdelay $0x4  }
0x3ee: {  	[tilespmem:v34+s25+$0x0] =	vst.idx.msk $0xffff, v5  }
0x3ef: {  	v5 =	vld [tilespmem:$0x270]  }
0x3f0: {  	v7 =	vld [tilespmem:$0x2F0];
	_ =	sdelay $0x3  }
0x3f1: {  	v5 =	vadd.s32 v35, v5  }
0x3f2: {  	v7 =	vadd.s32 v35, v7  }
0x3f3: {  	v63 =	vadd.s32 $0xEB0, v1;
	_ =	sdelay $0x2  }
0x3f4: {  	[tilespmem:v5+s25+$0x0] =	vst.idx.msk $0xffff, v2  }
0x3f5: {  	[tilespmem:v7+s25+$0x0] =	vst.idx.msk $0xffff, v3  }
0x3f6: {  	v5 =	vld.idx.msk [tilespmem:v63+s23+$0x0], $0xffff  }
0x3f7: {  	v7 =	vadd.s32 $0xEB1, v1;
	_ =	sdelay $0x3  }
0x3f8: {  	[tilespmem:v37+s25+$0x0] =	vst.idx.msk $0xffff, v5  }
0x3f9: {  	v5 =	vld.idx.msk [tilespmem:v7+s23+$0x0], $0xffff  }
0x3fa: {  	v7 =	vadd.s32 $0xEB2, v1;
	_ =	sdelay $0x3  }
0x3fb: {  	[tilespmem:v39+s25+$0x0] =	vst.idx.msk $0xffff, v5  }
0x3fc: {  	v5 =	vld.idx.msk [tilespmem:v7+s23+$0x0], $0xffff  }
0x3fd: {  	v7 =	vadd.s32 $0xEB3, v1;
	_ =	sdelay $0x3  }
0x3fe: {  	[tilespmem:v41+s25+$0x0] =	vst.idx.msk $0xffff, v5  }
0x3ff: {  	v5 =	vld.idx.msk [tilespmem:v7+s23+$0x0], $0xffff  }
0x400: {  	v7 =	vadd.s32 $0xEB4, v1;
	_ =	sdelay $0x3  }
0x401: {  	[tilespmem:v43+s25+$0x0] =	vst.idx.msk $0xffff, v5  }
0x402: {  	v5 =	vld.idx.msk [tilespmem:v7+s23+$0x0], $0xffff;
	_ =	sdelay $0x4  }
0x403: {  	[tilespmem:v45+s25+$0x0] =	vst.idx.msk $0xffff, v5  }
0x404: {  	[hbm4b:s16+s2] =	stream.linear.scatter [tilespmem:s25], [sflag:$0x2], $0xC000, $0x38;
	[tilespmem:$0x19800] =	vst v63  }
0x405: {  	_ =	swait.ge [sflag:s26], $0xC000  }
0x406: {  	[sflag:s26] =	ssyncset.done $0x0  }
0x407: {  	[sflag:s26] =	ssyncadd.s32 $0xFFFF4000  }
0x408: {  	v5 =	vld [tilespmem:$0x280]  }
0x409: {  	v7 =	vld [tilespmem:$0x300];
	_ =	sdelay $0x3  }
0x40a: {  	v5 =	vadd.s32 v0, v5  }
0x40b: {  	v7 =	vadd.s32 v0, v7  }
0x40c: {  	v63 =	vor.u32 $0xF00, v1;
	_ =	sdelay $0x2  }
0x40d: {  	[tilespmem:v5+s24+$0x0] =	vst.idx.msk $0xffff, v2  }
0x40e: {  	[tilespmem:v7+s24+$0x0] =	vst.idx.msk $0xffff, v3  }
0x40f: {  	v5 =	vld.idx.msk [tilespmem:v63+s23+$0x0], $0xffff  }
0x410: {  	v7 =	vadd.s32 $0xF01, v1;
	_ =	sdelay $0x3  }
0x411: {  	[tilespmem:v4+s24+$0x0] =	vst.idx.msk $0xffff, v5  }
0x412: {  	v5 =	vld.idx.msk [tilespmem:v7+s23+$0x0], $0xffff  }
0x413: {  	v7 =	vadd.s32 $0xF02, v1;
	_ =	sdelay $0x3  }
0x414: {  	[tilespmem:v6+s24+$0x0] =	vst.idx.msk $0xffff, v5  }
0x415: {  	v5 =	vld.idx.msk [tilespmem:v7+s23+$0x0], $0xffff  }
0x416: {  	v7 =	vadd.s32 $0xF03, v1;
	_ =	sdelay $0x3  }
0x417: {  	[tilespmem:v8+s24+$0x0] =	vst.idx.msk $0xffff, v5  }
0x418: {  	v5 =	vld.idx.msk [tilespmem:v7+s23+$0x0], $0xffff  }
0x419: {  	v7 =	vadd.s32 $0xF04, v1;
	_ =	sdelay $0x3  }
0x41a: {  	[tilespmem:v10+s24+$0x0] =	vst.idx.msk $0xffff, v5  }
0x41b: {  	v5 =	vld.idx.msk [tilespmem:v7+s23+$0x0], $0xffff;
	_ =	sdelay $0x4  }
0x41c: {  	[tilespmem:v12+s24+$0x0] =	vst.idx.msk $0xffff, v5  }
0x41d: {  	v5 =	vld [tilespmem:$0x290]  }
0x41e: {  	v7 =	vld [tilespmem:$0x310];
	_ =	sdelay $0x3  }
0x41f: {  	v5 =	vadd.s32 v13, v5  }
0x420: {  	v7 =	vadd.s32 v13, v7  }
0x421: {  	v63 =	vadd.s32 $0xF50, v1;
	_ =	sdelay $0x2  }
0x422: {  	[tilespmem:v5+s24+$0x0] =	vst.idx.msk $0xffff, v2  }
0x423: {  	[tilespmem:v7+s24+$0x0] =	vst.idx.msk $0xffff, v3  }
0x424: {  	v5 =	vld.idx.msk [tilespmem:v63+s23+$0x0], $0xffff  }
0x425: {  	v7 =	vadd.s32 $0xF51, v1;
	_ =	sdelay $0x3  }
0x426: {  	[tilespmem:v15+s24+$0x0] =	vst.idx.msk $0xffff, v5  }
0x427: {  	v5 =	vld.idx.msk [tilespmem:v7+s23+$0x0], $0xffff  }
0x428: {  	v7 =	vadd.s32 $0xF52, v1;
	_ =	sdelay $0x3  }
0x429: {  	[tilespmem:v17+s24+$0x0] =	vst.idx.msk $0xffff, v5  }
0x42a: {  	v5 =	vld.idx.msk [tilespmem:v7+s23+$0x0], $0xffff  }
0x42b: {  	v7 =	vadd.s32 $0xF53, v1;
	_ =	sdelay $0x3  }
0x42c: {  	[tilespmem:v19+s24+$0x0] =	vst.idx.msk $0xffff, v5  }
0x42d: {  	v5 =	vld.idx.msk [tilespmem:v7+s23+$0x0], $0xffff  }
0x42e: {  	v7 =	vadd.s32 $0xF54, v1;
	_ =	sdelay $0x3  }
0x42f: {  	[tilespmem:v21+s24+$0x0] =	vst.idx.msk $0xffff, v5  }
0x430: {  	v5 =	vld.idx.msk [tilespmem:v7+s23+$0x0], $0xffff;
	_ =	sdelay $0x4  }
0x431: {  	[tilespmem:v23+s24+$0x0] =	vst.idx.msk $0xffff, v5  }
0x432: {  	v5 =	vld [tilespmem:$0x2A0]  }
0x433: {  	v7 =	vld [tilespmem:$0x320];
	_ =	sdelay $0x3  }
0x434: {  	v5 =	vadd.s32 v24, v5  }
0x435: {  	v7 =	vadd.s32 v24, v7  }
0x436: {  	v63 =	vadd.s32 $0xFA0, v1;
	_ =	sdelay $0x2  }
0x437: {  	[tilespmem:v5+s24+$0x0] =	vst.idx.msk $0xffff, v2  }
0x438: {  	[tilespmem:v7+s24+$0x0] =	vst.idx.msk $0xffff, v3  }
0x439: {  	v5 =	vld.idx.msk [tilespmem:v63+s23+$0x0], $0xffff  }
0x43a: {  	v7 =	vadd.s32 $0xFA1, v1;
	_ =	sdelay $0x3  }
0x43b: {  	[tilespmem:v26+s24+$0x0] =	vst.idx.msk $0xffff, v5  }
0x43c: {  	v5 =	vld.idx.msk [tilespmem:v7+s23+$0x0], $0xffff  }
0x43d: {  	v7 =	vadd.s32 $0xFA2, v1;
	_ =	sdelay $0x3  }
0x43e: {  	[tilespmem:v28+s24+$0x0] =	vst.idx.msk $0xffff, v5  }
0x43f: {  	v5 =	vld.idx.msk [tilespmem:v7+s23+$0x0], $0xffff  }
0x440: {  	v7 =	vadd.s32 $0xFA3, v1;
	_ =	sdelay $0x3  }
0x441: {  	[tilespmem:v30+s24+$0x0] =	vst.idx.msk $0xffff, v5  }
0x442: {  	v5 =	vld.idx.msk [tilespmem:v7+s23+$0x0], $0xffff  }
0x443: {  	v7 =	vadd.s32 $0xFA4, v1;
	_ =	sdelay $0x3  }
0x444: {  	[tilespmem:v32+s24+$0x0] =	vst.idx.msk $0xffff, v5  }
0x445: {  	v5 =	vld.idx.msk [tilespmem:v7+s23+$0x0], $0xffff;
	_ =	sdelay $0x4  }
0x446: {  	[tilespmem:v34+s24+$0x0] =	vst.idx.msk $0xffff, v5  }
0x447: {  	v5 =	vld [tilespmem:$0x2B0]  }
0x448: {  	v7 =	vld [tilespmem:$0x330];
	_ =	sdelay $0x3  }
0x449: {  	v5 =	vadd.s32 v35, v5  }
0x44a: {  	v7 =	vadd.s32 v35, v7  }
0x44b: {  	v63 =	vadd.s32 $0xFF0, v1;
	_ =	sdelay $0x2  }
0x44c: {  	[tilespmem:v5+s24+$0x0] =	vst.idx.msk $0xffff, v2  }
0x44d: {  	[tilespmem:v7+s24+$0x0] =	vst.idx.msk $0xffff, v3  }
0x44e: {  	v5 =	vld.idx.msk [tilespmem:v63+s23+$0x0], $0xffff  }
0x44f: {  	v7 =	vadd.s32 $0xFF1, v1;
	_ =	sdelay $0x3  }
0x450: {  	[tilespmem:v37+s24+$0x0] =	vst.idx.msk $0xffff, v5  }
0x451: {  	v5 =	vld.idx.msk [tilespmem:v7+s23+$0x0], $0xffff  }
0x452: {  	v7 =	vadd.s32 $0xFF2, v1;
	_ =	sdelay $0x3  }
0x453: {  	[tilespmem:v39+s24+$0x0] =	vst.idx.msk $0xffff, v5  }
0x454: {  	v5 =	vld.idx.msk [tilespmem:v7+s23+$0x0], $0xffff  }
0x455: {  	v7 =	vadd.s32 $0xFF3, v1;
	_ =	sdelay $0x3  }
0x456: {  	[tilespmem:v41+s24+$0x0] =	vst.idx.msk $0xffff, v5  }
0x457: {  	v5 =	vld.idx.msk [tilespmem:v7+s23+$0x0], $0xffff  }
0x458: {  	v7 =	vadd.s32 $0xFF4, v1;
	_ =	sdelay $0x3  }
0x459: {  	[tilespmem:v43+s24+$0x0] =	vst.idx.msk $0xffff, v5  }
0x45a: {  	v5 =	vld.idx.msk [tilespmem:v7+s23+$0x0], $0xffff;
	_ =	sdelay $0x4  }
0x45b: {  	[tilespmem:v45+s24+$0x0] =	vst.idx.msk $0xffff, v5  }
0x45c: {  	[hbm4b:s17+s2] =	stream.linear.scatter [tilespmem:s24], [sflag:$0x1], $0xC000, $0x38;
	[tilespmem:$0x19800] =	vst v63  }
0x45d: {  	_ =	swait.ge [sflag:s28], $0xC000  }
0x45e: {  	[sflag:s28] =	ssyncset.done $0x0  }
0x45f: {  	[sflag:s28] =	ssyncadd.s32 $0xFFFF4000  }
0x460: {  	v5 =	vld [tilespmem:$0x2C0]  }
0x461: {  	v7 =	vld [tilespmem:$0x340];
	_ =	sdelay $0x3  }
0x462: {  	v5 =	vadd.s32 v0, v5  }
0x463: {  	v7 =	vadd.s32 v0, v7  }
0x464: {  	v63 =	vadd.s32 $0x1040, v1;
	_ =	sdelay $0x2  }
0x465: {  	[tilespmem:v5+s25+$0x0] =	vst.idx.msk $0xffff, v2  }
0x466: {  	[tilespmem:v7+s25+$0x0] =	vst.idx.msk $0xffff, v3  }
0x467: {  	v5 =	vld.idx.msk [tilespmem:v63+s23+$0x0], $0xffff  }
0x468: {  	v7 =	vadd.s32 $0x1041, v1;
	_ =	sdelay $0x3  }
0x469: {  	[tilespmem:v4+s25+$0x0] =	vst.idx.msk $0xffff, v5  }
0x46a: {  	v5 =	vld.idx.msk [tilespmem:v7+s23+$0x0], $0xffff  }
0x46b: {  	v7 =	vadd.s32 $0x1042, v1;
	_ =	sdelay $0x3  }
0x46c: {  	[tilespmem:v6+s25+$0x0] =	vst.idx.msk $0xffff, v5  }
0x46d: {  	v5 =	vld.idx.msk [tilespmem:v7+s23+$0x0], $0xffff  }
0x46e: {  	v7 =	vadd.s32 $0x1043, v1;
	_ =	sdelay $0x3  }
0x46f: {  	[tilespmem:v8+s25+$0x0] =	vst.idx.msk $0xffff, v5  }
0x470: {  	v5 =	vld.idx.msk [tilespmem:v7+s23+$0x0], $0xffff  }
0x471: {  	v7 =	vadd.s32 $0x1044, v1;
	_ =	sdelay $0x3  }
0x472: {  	[tilespmem:v10+s25+$0x0] =	vst.idx.msk $0xffff, v5  }
0x473: {  	v5 =	vld.idx.msk [tilespmem:v7+s23+$0x0], $0xffff;
	_ =	sdelay $0x4  }
0x474: {  	[tilespmem:v12+s25+$0x0] =	vst.idx.msk $0xffff, v5  }
0x475: {  	v5 =	vld [tilespmem:$0x2D0]  }
0x476: {  	v7 =	vld [tilespmem:$0x350];
	_ =	sdelay $0x3  }
0x477: {  	v5 =	vadd.s32 v13, v5  }
0x478: {  	v7 =	vadd.s32 v13, v7  }
0x479: {  	v63 =	vadd.s32 $0x1090, v1;
	_ =	sdelay $0x2  }
0x47a: {  	[tilespmem:v5+s25+$0x0] =	vst.idx.msk $0xffff, v2  }
0x47b: {  	[tilespmem:v7+s25+$0x0] =	vst.idx.msk $0xffff, v3  }
0x47c: {  	v5 =	vld.idx.msk [tilespmem:v63+s23+$0x0], $0xffff  }
0x47d: {  	v7 =	vadd.s32 $0x1091, v1;
	_ =	sdelay $0x3  }
0x47e: {  	[tilespmem:v15+s25+$0x0] =	vst.idx.msk $0xffff, v5  }
0x47f: {  	v5 =	vld.idx.msk [tilespmem:v7+s23+$0x0], $0xffff  }
0x480: {  	v7 =	vadd.s32 $0x1092, v1;
	_ =	sdelay $0x3  }
0x481: {  	[tilespmem:v17+s25+$0x0] =	vst.idx.msk $0xffff, v5  }
0x482: {  	v5 =	vld.idx.msk [tilespmem:v7+s23+$0x0], $0xffff  }
0x483: {  	v7 =	vadd.s32 $0x1093, v1;
	_ =	sdelay $0x3  }
0x484: {  	[tilespmem:v19+s25+$0x0] =	vst.idx.msk $0xffff, v5  }
0x485: {  	v5 =	vld.idx.msk [tilespmem:v7+s23+$0x0], $0xffff  }
0x486: {  	v7 =	vadd.s32 $0x1094, v1;
	_ =	sdelay $0x3  }
0x487: {  	[tilespmem:v21+s25+$0x0] =	vst.idx.msk $0xffff, v5  }
0x488: {  	v5 =	vld.idx.msk [tilespmem:v7+s23+$0x0], $0xffff;
	_ =	sdelay $0x4  }
0x489: {  	[tilespmem:v23+s25+$0x0] =	vst.idx.msk $0xffff, v5  }
0x48a: {  	v5 =	vld [tilespmem:$0x2E0]  }
0x48b: {  	v7 =	vld [tilespmem:$0x360];
	_ =	sdelay $0x3  }
0x48c: {  	v5 =	vadd.s32 v24, v5  }
0x48d: {  	v7 =	vadd.s32 v24, v7  }
0x48e: {  	v63 =	vadd.s32 $0x10E0, v1;
	_ =	sdelay $0x2  }
0x48f: {  	[tilespmem:v5+s25+$0x0] =	vst.idx.msk $0xffff, v2  }
0x490: {  	[tilespmem:v7+s25+$0x0] =	vst.idx.msk $0xffff, v3  }
0x491: {  	v5 =	vld.idx.msk [tilespmem:v63+s23+$0x0], $0xffff  }
0x492: {  	v7 =	vadd.s32 $0x10E1, v1;
	_ =	sdelay $0x3  }
0x493: {  	[tilespmem:v26+s25+$0x0] =	vst.idx.msk $0xffff, v5  }
0x494: {  	v5 =	vld.idx.msk [tilespmem:v7+s23+$0x0], $0xffff  }
0x495: {  	v7 =	vadd.s32 $0x10E2, v1;
	_ =	sdelay $0x3  }
0x496: {  	[tilespmem:v28+s25+$0x0] =	vst.idx.msk $0xffff, v5  }
0x497: {  	v5 =	vld.idx.msk [tilespmem:v7+s23+$0x0], $0xffff  }
0x498: {  	v7 =	vadd.s32 $0x10E3, v1;
	_ =	sdelay $0x3  }
0x499: {  	[tilespmem:v30+s25+$0x0] =	vst.idx.msk $0xffff, v5  }
0x49a: {  	v5 =	vld.idx.msk [tilespmem:v7+s23+$0x0], $0xffff  }
0x49b: {  	v7 =	vadd.s32 $0x10E4, v1;
	_ =	sdelay $0x3  }
0x49c: {  	[tilespmem:v32+s25+$0x0] =	vst.idx.msk $0xffff, v5  }
0x49d: {  	v5 =	vld.idx.msk [tilespmem:v7+s23+$0x0], $0xffff;
	_ =	sdelay $0x4  }
0x49e: {  	[tilespmem:v34+s25+$0x0] =	vst.idx.msk $0xffff, v5  }
0x49f: {  	v5 =	vld [tilespmem:$0x2F0]  }
0x4a0: {  	v7 =	vld [tilespmem:$0x370];
	_ =	sdelay $0x3  }
0x4a1: {  	v5 =	vadd.s32 v35, v5  }
0x4a2: {  	v7 =	vadd.s32 v35, v7  }
0x4a3: {  	v63 =	vadd.s32 $0x1130, v1;
	_ =	sdelay $0x2  }
0x4a4: {  	[tilespmem:v5+s25+$0x0] =	vst.idx.msk $0xffff, v2  }
0x4a5: {  	[tilespmem:v7+s25+$0x0] =	vst.idx.msk $0xffff, v3  }
0x4a6: {  	v5 =	vld.idx.msk [tilespmem:v63+s23+$0x0], $0xffff  }
0x4a7: {  	v7 =	vadd.s32 $0x1131, v1;
	_ =	sdelay $0x3  }
0x4a8: {  	[tilespmem:v37+s25+$0x0] =	vst.idx.msk $0xffff, v5  }
0x4a9: {  	v5 =	vld.idx.msk [tilespmem:v7+s23+$0x0], $0xffff  }
0x4aa: {  	v7 =	vadd.s32 $0x1132, v1;
	_ =	sdelay $0x3  }
0x4ab: {  	[tilespmem:v39+s25+$0x0] =	vst.idx.msk $0xffff, v5  }
0x4ac: {  	v5 =	vld.idx.msk [tilespmem:v7+s23+$0x0], $0xffff  }
0x4ad: {  	v7 =	vadd.s32 $0x1133, v1;
	_ =	sdelay $0x3  }
0x4ae: {  	[tilespmem:v41+s25+$0x0] =	vst.idx.msk $0xffff, v5  }
0x4af: {  	v5 =	vld.idx.msk [tilespmem:v7+s23+$0x0], $0xffff  }
0x4b0: {  	v7 =	vadd.s32 $0x1134, v1;
	_ =	sdelay $0x3  }
0x4b1: {  	[tilespmem:v43+s25+$0x0] =	vst.idx.msk $0xffff, v5  }
0x4b2: {  	v5 =	vld.idx.msk [tilespmem:v7+s23+$0x0], $0xffff;
	_ =	sdelay $0x4  }
0x4b3: {  	[tilespmem:v45+s25+$0x0] =	vst.idx.msk $0xffff, v5  }
0x4b4: {  	[hbm4b:s18+s2] =	stream.linear.scatter [tilespmem:s25], [sflag:$0x2], $0xC000, $0x38;
	[tilespmem:$0x19800] =	vst v63  }
0x4b5: {  	_ =	swait.ge [sflag:s26], $0xC000  }
0x4b6: {  	[sflag:s26] =	ssyncset.done $0x0  }
0x4b7: {  	[sflag:s26] =	ssyncadd.s32 $0xFFFF4000  }
0x4b8: {  	v5 =	vld [tilespmem:$0x300]  }
0x4b9: {  	v7 =	vld [tilespmem:$0x380];
	_ =	sdelay $0x3  }
0x4ba: {  	v5 =	vadd.s32 v0, v5  }
0x4bb: {  	v7 =	vadd.s32 v0, v7  }
0x4bc: {  	v63 =	vor.u32 $0x1180, v1;
	_ =	sdelay $0x2  }
0x4bd: {  	[tilespmem:v5+s24+$0x0] =	vst.idx.msk $0xffff, v2  }
0x4be: {  	[tilespmem:v7+s24+$0x0] =	vst.idx.msk $0xffff, v3  }
0x4bf: {  	v5 =	vld.idx.msk [tilespmem:v63+s23+$0x0], $0xffff  }
0x4c0: {  	v7 =	vadd.s32 $0x1181, v1;
	_ =	sdelay $0x3  }
0x4c1: {  	[tilespmem:v4+s24+$0x0] =	vst.idx.msk $0xffff, v5  }
0x4c2: {  	v5 =	vld.idx.msk [tilespmem:v7+s23+$0x0], $0xffff  }
0x4c3: {  	v7 =	vadd.s32 $0x1182, v1;
	_ =	sdelay $0x3  }
0x4c4: {  	[tilespmem:v6+s24+$0x0] =	vst.idx.msk $0xffff, v5  }
0x4c5: {  	v5 =	vld.idx.msk [tilespmem:v7+s23+$0x0], $0xffff  }
0x4c6: {  	v7 =	vadd.s32 $0x1183, v1;
	_ =	sdelay $0x3  }
0x4c7: {  	[tilespmem:v8+s24+$0x0] =	vst.idx.msk $0xffff, v5  }
0x4c8: {  	v5 =	vld.idx.msk [tilespmem:v7+s23+$0x0], $0xffff  }
0x4c9: {  	v7 =	vadd.s32 $0x1184, v1;
	_ =	sdelay $0x3  }
0x4ca: {  	[tilespmem:v10+s24+$0x0] =	vst.idx.msk $0xffff, v5  }
0x4cb: {  	v5 =	vld.idx.msk [tilespmem:v7+s23+$0x0], $0xffff;
	_ =	sdelay $0x4  }
0x4cc: {  	[tilespmem:v12+s24+$0x0] =	vst.idx.msk $0xffff, v5  }
0x4cd: {  	v5 =	vld [tilespmem:$0x310]  }
0x4ce: {  	v7 =	vld [tilespmem:$0x390];
	_ =	sdelay $0x3  }
0x4cf: {  	v5 =	vadd.s32 v13, v5  }
0x4d0: {  	v7 =	vadd.s32 v13, v7  }
0x4d1: {  	v63 =	vadd.s32 $0x11D0, v1;
	_ =	sdelay $0x2  }
0x4d2: {  	[tilespmem:v5+s24+$0x0] =	vst.idx.msk $0xffff, v2  }
0x4d3: {  	[tilespmem:v7+s24+$0x0] =	vst.idx.msk $0xffff, v3  }
0x4d4: {  	v5 =	vld.idx.msk [tilespmem:v63+s23+$0x0], $0xffff  }
0x4d5: {  	v7 =	vadd.s32 $0x11D1, v1;
	_ =	sdelay $0x3  }
0x4d6: {  	[tilespmem:v15+s24+$0x0] =	vst.idx.msk $0xffff, v5  }
0x4d7: {  	v5 =	vld.idx.msk [tilespmem:v7+s23+$0x0], $0xffff  }
0x4d8: {  	v7 =	vadd.s32 $0x11D2, v1;
	_ =	sdelay $0x3  }
0x4d9: {  	[tilespmem:v17+s24+$0x0] =	vst.idx.msk $0xffff, v5  }
0x4da: {  	v5 =	vld.idx.msk [tilespmem:v7+s23+$0x0], $0xffff  }
0x4db: {  	v7 =	vadd.s32 $0x11D3, v1;
	_ =	sdelay $0x3  }
0x4dc: {  	[tilespmem:v19+s24+$0x0] =	vst.idx.msk $0xffff, v5  }
0x4dd: {  	v5 =	vld.idx.msk [tilespmem:v7+s23+$0x0], $0xffff  }
0x4de: {  	v7 =	vadd.s32 $0x11D4, v1;
	_ =	sdelay $0x3  }
0x4df: {  	[tilespmem:v21+s24+$0x0] =	vst.idx.msk $0xffff, v5  }
0x4e0: {  	v5 =	vld.idx.msk [tilespmem:v7+s23+$0x0], $0xffff;
	_ =	sdelay $0x4  }
0x4e1: {  	[tilespmem:v23+s24+$0x0] =	vst.idx.msk $0xffff, v5  }
0x4e2: {  	v5 =	vld [tilespmem:$0x320]  }
0x4e3: {  	v7 =	vld [tilespmem:$0x3A0];
	_ =	sdelay $0x3  }
0x4e4: {  	v5 =	vadd.s32 v24, v5  }
0x4e5: {  	v7 =	vadd.s32 v24, v7  }
0x4e6: {  	v63 =	vadd.s32 $0x1220, v1;
	_ =	sdelay $0x2  }
0x4e7: {  	[tilespmem:v5+s24+$0x0] =	vst.idx.msk $0xffff, v2  }
0x4e8: {  	[tilespmem:v7+s24+$0x0] =	vst.idx.msk $0xffff, v3  }
0x4e9: {  	v5 =	vld.idx.msk [tilespmem:v63+s23+$0x0], $0xffff  }
0x4ea: {  	v7 =	vadd.s32 $0x1221, v1;
	_ =	sdelay $0x3  }
0x4eb: {  	[tilespmem:v26+s24+$0x0] =	vst.idx.msk $0xffff, v5  }
0x4ec: {  	v5 =	vld.idx.msk [tilespmem:v7+s23+$0x0], $0xffff  }
0x4ed: {  	v7 =	vadd.s32 $0x1222, v1;
	_ =	sdelay $0x3  }
0x4ee: {  	[tilespmem:v28+s24+$0x0] =	vst.idx.msk $0xffff, v5  }
0x4ef: {  	v5 =	vld.idx.msk [tilespmem:v7+s23+$0x0], $0xffff  }
0x4f0: {  	v7 =	vadd.s32 $0x1223, v1;
	_ =	sdelay $0x3  }
0x4f1: {  	[tilespmem:v30+s24+$0x0] =	vst.idx.msk $0xffff, v5  }
0x4f2: {  	v5 =	vld.idx.msk [tilespmem:v7+s23+$0x0], $0xffff  }
0x4f3: {  	v7 =	vadd.s32 $0x1224, v1;
	_ =	sdelay $0x3  }
0x4f4: {  	[tilespmem:v32+s24+$0x0] =	vst.idx.msk $0xffff, v5  }
0x4f5: {  	v5 =	vld.idx.msk [tilespmem:v7+s23+$0x0], $0xffff;
	_ =	sdelay $0x4  }
0x4f6: {  	[tilespmem:v34+s24+$0x0] =	vst.idx.msk $0xffff, v5  }
0x4f7: {  	v5 =	vld [tilespmem:$0x330]  }
0x4f8: {  	v7 =	vld [tilespmem:$0x3B0];
	_ =	sdelay $0x3  }
0x4f9: {  	v5 =	vadd.s32 v35, v5  }
0x4fa: {  	v7 =	vadd.s32 v35, v7  }
0x4fb: {  	v63 =	vadd.s32 $0x1270, v1;
	_ =	sdelay $0x2  }
0x4fc: {  	[tilespmem:v5+s24+$0x0] =	vst.idx.msk $0xffff, v2  }
0x4fd: {  	[tilespmem:v7+s24+$0x0] =	vst.idx.msk $0xffff, v3  }
0x4fe: {  	v5 =	vld.idx.msk [tilespmem:v63+s23+$0x0], $0xffff  }
0x4ff: {  	v7 =	vadd.s32 $0x1271, v1;
	_ =	sdelay $0x3  }
0x500: {  	[tilespmem:v37+s24+$0x0] =	vst.idx.msk $0xffff, v5  }
0x501: {  	v5 =	vld.idx.msk [tilespmem:v7+s23+$0x0], $0xffff  }
0x502: {  	v7 =	vadd.s32 $0x1272, v1;
	_ =	sdelay $0x3  }
0x503: {  	[tilespmem:v39+s24+$0x0] =	vst.idx.msk $0xffff, v5  }
0x504: {  	v5 =	vld.idx.msk [tilespmem:v7+s23+$0x0], $0xffff  }
0x505: {  	v7 =	vadd.s32 $0x1273, v1;
	_ =	sdelay $0x3  }
0x506: {  	[tilespmem:v41+s24+$0x0] =	vst.idx.msk $0xffff, v5  }
0x507: {  	v5 =	vld.idx.msk [tilespmem:v7+s23+$0x0], $0xffff  }
0x508: {  	v7 =	vadd.s32 $0x1274, v1;
	_ =	sdelay $0x3  }
0x509: {  	[tilespmem:v43+s24+$0x0] =	vst.idx.msk $0xffff, v5  }
0x50a: {  	v5 =	vld.idx.msk [tilespmem:v7+s23+$0x0], $0xffff;
	_ =	sdelay $0x4  }
0x50b: {  	[tilespmem:v45+s24+$0x0] =	vst.idx.msk $0xffff, v5  }
0x50c: {  	[hbm4b:s19+s2] =	stream.linear.scatter [tilespmem:s24], [sflag:$0x1], $0xC000, $0x38;
	[tilespmem:$0x19800] =	vst v63  }
0x50d: {  	_ =	swait.ge [sflag:s28], $0xC000  }
0x50e: {  	[sflag:s28] =	ssyncset.done $0x0  }
0x50f: {  	[sflag:s28] =	ssyncadd.s32 $0xFFFF4000  }
0x510: {  	v5 =	vld [tilespmem:$0x340]  }
0x511: {  	v7 =	vld [tilespmem:$0x3C0];
	_ =	sdelay $0x3  }
0x512: {  	v5 =	vadd.s32 v0, v5  }
0x513: {  	v7 =	vadd.s32 v0, v7  }
0x514: {  	v63 =	vadd.s32 $0x12C0, v1;
	_ =	sdelay $0x2  }
0x515: {  	[tilespmem:v5+s25+$0x0] =	vst.idx.msk $0xffff, v2  }
0x516: {  	[tilespmem:v7+s25+$0x0] =	vst.idx.msk $0xffff, v3  }
0x517: {  	v5 =	vld.idx.msk [tilespmem:v63+s23+$0x0], $0xffff  }
0x518: {  	v7 =	vadd.s32 $0x12C1, v1;
	_ =	sdelay $0x3  }
0x519: {  	[tilespmem:v4+s25+$0x0] =	vst.idx.msk $0xffff, v5  }
0x51a: {  	v5 =	vld.idx.msk [tilespmem:v7+s23+$0x0], $0xffff  }
0x51b: {  	v7 =	vadd.s32 $0x12C2, v1;
	_ =	sdelay $0x3  }
0x51c: {  	[tilespmem:v6+s25+$0x0] =	vst.idx.msk $0xffff, v5  }
0x51d: {  	v5 =	vld.idx.msk [tilespmem:v7+s23+$0x0], $0xffff  }
0x51e: {  	v7 =	vadd.s32 $0x12C3, v1;
	_ =	sdelay $0x3  }
0x51f: {  	[tilespmem:v8+s25+$0x0] =	vst.idx.msk $0xffff, v5  }
0x520: {  	v5 =	vld.idx.msk [tilespmem:v7+s23+$0x0], $0xffff  }
0x521: {  	v7 =	vadd.s32 $0x12C4, v1;
	_ =	sdelay $0x3  }
0x522: {  	[tilespmem:v10+s25+$0x0] =	vst.idx.msk $0xffff, v5  }
0x523: {  	v5 =	vld.idx.msk [tilespmem:v7+s23+$0x0], $0xffff;
	_ =	sdelay $0x4  }
0x524: {  	[tilespmem:v12+s25+$0x0] =	vst.idx.msk $0xffff, v5  }
0x525: {  	v5 =	vld [tilespmem:$0x350]  }
0x526: {  	v7 =	vld [tilespmem:$0x3D0];
	_ =	sdelay $0x3  }
0x527: {  	v5 =	vadd.s32 v13, v5  }
0x528: {  	v7 =	vadd.s32 v13, v7  }
0x529: {  	v63 =	vadd.s32 $0x1310, v1;
	_ =	sdelay $0x2  }
0x52a: {  	[tilespmem:v5+s25+$0x0] =	vst.idx.msk $0xffff, v2  }
0x52b: {  	[tilespmem:v7+s25+$0x0] =	vst.idx.msk $0xffff, v3  }
0x52c: {  	v5 =	vld.idx.msk [tilespmem:v63+s23+$0x0], $0xffff  }
0x52d: {  	v7 =	vadd.s32 $0x1311, v1;
	_ =	sdelay $0x3  }
0x52e: {  	[tilespmem:v15+s25+$0x0] =	vst.idx.msk $0xffff, v5  }
0x52f: {  	v5 =	vld.idx.msk [tilespmem:v7+s23+$0x0], $0xffff  }
0x530: {  	v7 =	vadd.s32 $0x1312, v1;
	_ =	sdelay $0x3  }
0x531: {  	[tilespmem:v17+s25+$0x0] =	vst.idx.msk $0xffff, v5  }
0x532: {  	v5 =	vld.idx.msk [tilespmem:v7+s23+$0x0], $0xffff  }
0x533: {  	v7 =	vadd.s32 $0x1313, v1;
	_ =	sdelay $0x3  }
0x534: {  	[tilespmem:v19+s25+$0x0] =	vst.idx.msk $0xffff, v5  }
0x535: {  	v5 =	vld.idx.msk [tilespmem:v7+s23+$0x0], $0xffff  }
0x536: {  	v7 =	vadd.s32 $0x1314, v1;
	_ =	sdelay $0x3  }
0x537: {  	[tilespmem:v21+s25+$0x0] =	vst.idx.msk $0xffff, v5  }
0x538: {  	v5 =	vld.idx.msk [tilespmem:v7+s23+$0x0], $0xffff;
	_ =	sdelay $0x4  }
0x539: {  	[tilespmem:v23+s25+$0x0] =	vst.idx.msk $0xffff, v5  }
0x53a: {  	v5 =	vld [tilespmem:$0x360]  }
0x53b: {  	v7 =	vld [tilespmem:$0x3E0];
	_ =	sdelay $0x3  }
0x53c: {  	v5 =	vadd.s32 v24, v5  }
0x53d: {  	v7 =	vadd.s32 v24, v7  }
0x53e: {  	v63 =	vadd.s32 $0x1360, v1;
	_ =	sdelay $0x2  }
0x53f: {  	[tilespmem:v5+s25+$0x0] =	vst.idx.msk $0xffff, v2  }
0x540: {  	[tilespmem:v7+s25+$0x0] =	vst.idx.msk $0xffff, v3  }
0x541: {  	v5 =	vld.idx.msk [tilespmem:v63+s23+$0x0], $0xffff  }
0x542: {  	v7 =	vadd.s32 $0x1361, v1;
	_ =	sdelay $0x3  }
0x543: {  	[tilespmem:v26+s25+$0x0] =	vst.idx.msk $0xffff, v5  }
0x544: {  	v5 =	vld.idx.msk [tilespmem:v7+s23+$0x0], $0xffff  }
0x545: {  	v7 =	vadd.s32 $0x1362, v1;
	_ =	sdelay $0x3  }
0x546: {  	[tilespmem:v28+s25+$0x0] =	vst.idx.msk $0xffff, v5  }
0x547: {  	v5 =	vld.idx.msk [tilespmem:v7+s23+$0x0], $0xffff  }
0x548: {  	v7 =	vadd.s32 $0x1363, v1;
	_ =	sdelay $0x3  }
0x549: {  	[tilespmem:v30+s25+$0x0] =	vst.idx.msk $0xffff, v5  }
0x54a: {  	v5 =	vld.idx.msk [tilespmem:v7+s23+$0x0], $0xffff  }
0x54b: {  	v7 =	vadd.s32 $0x1364, v1;
	_ =	sdelay $0x3  }
0x54c: {  	[tilespmem:v32+s25+$0x0] =	vst.idx.msk $0xffff, v5  }
0x54d: {  	v5 =	vld.idx.msk [tilespmem:v7+s23+$0x0], $0xffff;
	_ =	sdelay $0x4  }
0x54e: {  	[tilespmem:v34+s25+$0x0] =	vst.idx.msk $0xffff, v5  }
0x54f: {  	v5 =	vld [tilespmem:$0x370]  }
0x550: {  	v7 =	vld [tilespmem:$0x3F0];
	_ =	sdelay $0x3  }
0x551: {  	v5 =	vadd.s32 v35, v5  }
0x552: {  	v7 =	vadd.s32 v35, v7  }
0x553: {  	v63 =	vadd.s32 $0x13B0, v1;
	_ =	sdelay $0x2  }
0x554: {  	[tilespmem:v5+s25+$0x0] =	vst.idx.msk $0xffff, v2  }
0x555: {  	[tilespmem:v7+s25+$0x0] =	vst.idx.msk $0xffff, v3  }
0x556: {  	v5 =	vld.idx.msk [tilespmem:v63+s23+$0x0], $0xffff  }
0x557: {  	v7 =	vadd.s32 $0x13B1, v1;
	_ =	sdelay $0x3  }
0x558: {  	[tilespmem:v37+s25+$0x0] =	vst.idx.msk $0xffff, v5  }
0x559: {  	v5 =	vld.idx.msk [tilespmem:v7+s23+$0x0], $0xffff  }
0x55a: {  	v7 =	vadd.s32 $0x13B2, v1;
	_ =	sdelay $0x3  }
0x55b: {  	[tilespmem:v39+s25+$0x0] =	vst.idx.msk $0xffff, v5  }
0x55c: {  	v5 =	vld.idx.msk [tilespmem:v7+s23+$0x0], $0xffff  }
0x55d: {  	v7 =	vadd.s32 $0x13B3, v1;
	_ =	sdelay $0x3  }
0x55e: {  	[tilespmem:v41+s25+$0x0] =	vst.idx.msk $0xffff, v5  }
0x55f: {  	v5 =	vld.idx.msk [tilespmem:v7+s23+$0x0], $0xffff  }
0x560: {  	v7 =	vadd.s32 $0x13B4, v1;
	_ =	sdelay $0x3  }
0x561: {  	[tilespmem:v43+s25+$0x0] =	vst.idx.msk $0xffff, v5  }
0x562: {  	v5 =	vld.idx.msk [tilespmem:v7+s23+$0x0], $0xffff;
	_ =	sdelay $0x4  }
0x563: {  	s29 =	sadd.s32 $0x1, s29;
	[tilespmem:v45+s25+$0x0] =	vst.idx.msk $0xffff, v5  }
0x564: {  	[hbm4b:s20+s2] =	stream.linear.scatter [tilespmem:s25], [sflag:$0x2], $0xC000, $0x38;
	[tilespmem:$0x19800] =	vst v63  }
0x565: {  	p0 =	sne.s32 s29, s21;
	_ =	swait.ge [sflag:s26], $0xC000  }
.Ltmp1:
0x566: {  	[sflag:s26] =	ssyncset.done $0x0;
	(pc) =	sbr.rel @p0 .LBB2_1-.Ltmp1, $4  }
0x567: {  	[sflag:s26] =	ssyncadd.s32 $0xFFFF4000  }
0x568: {  	_ =	swait.ge [sflag:s28], $0xC000  }
0x569: {  	[sflag:s28] =	ssyncset.done $0x0  }
0x56a: {  	[sflag:s28] =	ssyncadd.s32 $0xFFFF4000  }
0x56b: {  	_ =	sfence.sel $0x180000  }
0x56c: {  	[bflag:$0x0] =	sbarrier.arrive $0xFFFF  }
0x56d: {  	_ =	strace $0x90000047  }
0x56e: {  	[bflag:$0x2] =	sbarrier.arrive $0xFFFF  }
0x56f: {  	p0 =	sne.s32 s1, $0x0;
	s0 =	rddreg [dreg:$0x2]  }
0x570: {  	s0 =	sadd.s32 @!p0 $0x100000, s0  }
0x571: {  	[sflag:s0] =	ssyncadd.tile.s32 @!p0 $0x1;
	_ =	shalt  }
.Lfunc_end2:
_tile_overlayer_lowered:
.L_overlay_start_2:
0x572: {  	(tag) =	ssettag $0x2  }
0x573: {  	s0 =	rddreg [dreg:$0x0];
	s2 =	stileid.u32  }
0x574: {  	s1 =	rddreg [dreg:$0x1];
	p0 =	sne.s32 s2, $0x0  }
0x575: {  	s3 =	rddreg [dreg:$0x2];
	[bflag:$0x3] =	sbarrier.arrive $0xFFFF;
	s2 =	simm.s32 @!p0 $0x1C03  }
0x576: {  	[timem:s3], [sflag:s2] =	dma.local @!p0 [hbm:s0], s1  }
0x577: {  	s0 =	simm.s32 @!p0 $0x3  }
0x578: {  	_ =	swait.ge @!p0 [sflag:s0], s1  }
0x579: {  	s1 =	ssub.s32 @!p0 $0x0, s1;
	[sflag:s0] =	ssyncset.done @!p0 $0x0  }
0x57a: {  	[sflag:s0] =	ssyncadd.s32 @!p0 s1  }
0x57b: {  	[bflag:$0x3] =	sbarrier.arrive $0xFFFF  }
0x57c: {  	_ =	shalt  }

</sc_bundles>
